<compile_context>
chip_gen: v7x
topology: tpu7x:2x2x1
jax: 0.10.2.dev20260603
libtpu: 0.0.44.dev20260713+nightly
codegen_flags: <defaults>
</compile_context>

<pallas_src>
import functools

import jax
import jax.numpy as jnp
import numpy as np
from jax import lax
from jax.experimental import pallas as pl
from jax.experimental.pallas import tpu as pltpu
from jax.experimental.pallas import tpu_sc as plsc

_N = 5000
_NPAD = 5120
_NGROUP = 20
_NEGF = np.float32(-np.inf)
_SCORE_THRESH = np.float32(0.2)
_NMS_THRESH = np.float32(0.5)
_MAXK = 15

_mesh = plsc.VectorSubcoreMesh(core_axis_name="c", subcore_axis_name="s",
                               num_cores=1)

_f32 = np.float32
_i32 = np.int32


def _iota16():
    return lax.broadcasted_iota(_i32, (16,), 0)


@functools.partial(
    pl.kernel,
    out_type=[jax.ShapeDtypeStruct((32,), _f32)] * 5
    + [jax.ShapeDtypeStruct((32,), _i32)],
    mesh=_mesh,
    compiler_params=pltpu.CompilerParams(needs_layout_passes=False),
    scratch_types=[
        pltpu.VMEM((_NPAD,), _f32),
        pltpu.VMEM((_NPAD,), _f32),
        pltpu.VMEM((_NPAD,), _f32),
        pltpu.VMEM((_NPAD,), _f32),
        pltpu.VMEM((_NPAD,), _f32),
        pltpu.VMEM((_NPAD,), _i32),
        pltpu.VMEM((_NPAD,), _f32),
        pltpu.VMEM((_NGROUP * 16,), _f32),
        pltpu.VMEM((32,), _f32),
        pltpu.VMEM((_NPAD,), _f32),
        pltpu.VMEM((16,), _f32),
        pltpu.VMEM((32,), _f32),
        pltpu.VMEM((16,), _f32),
        pltpu.VMEM((16,), _i32),
        pltpu.VMEM((16,), _f32),
        pltpu.VMEM((16,), _i32),
        pltpu.VMEM((32,), _f32),
        pltpu.VMEM((32,), _f32),
        pltpu.VMEM((32,), _f32),
        pltpu.VMEM((32,), _f32),
        pltpu.VMEM((32,), _f32),
        pltpu.VMEM((32,), _i32),
        pltpu.VMEM_SHARED((32,), _f32),
        pltpu.VMEM_SHARED((16,), _f32),
        pltpu.VMEM_SHARED((16,), _i32),
        pltpu.SemaphoreType.DMA,
        pltpu.SemaphoreType.DMA,
    ],
)
def _nms_sc(x1_h, y1_h, x2_h, y2_h, sc_h, lb_h,
            ox1_h, oy1_h, ox2_h, oy2_h, osc_h, olb_h,
            x1_v, y1_v, x2_v, y2_v, sc_v, lb_v,
            eff, cm, cm2, wq_v, wm_v, pm_v,
            sS_v, sI_v, hS_v, hI_v,
            ob1_v, ob2_v, ob3_v, ob4_v, obs_v, obl_v,
            shMax, shS, shI, sem, sem_c):
    sid = lax.axis_index("s")
    iota = _iota16()

    @pl.when(jnp.logical_or(sid == 2, sid == 3))
    def _coord_max():
        @pl.when(sid == 2)
        def _():
            pltpu.sync_copy(x2_h, wq_v)

        @pl.when(sid == 3)
        def _():
            pltpu.sync_copy(y2_h, wq_v)

        def maxg(g, mv):
            base = g * 256
            for t in range(16):
                mv = jnp.maximum(mv, wq_v[pl.ds(base + t * 16, 16)])
            return mv

        mv = lax.fori_loop(0, _NGROUP, maxg, jnp.full((16,), _NEGF, _f32))
        wm_v[pl.ds(0, 16)] = mv
        pltpu.sync_copy(wm_v, shMax.at[pl.ds((sid - 2) * 16, 16)])

    def stage_prep(want_human):
        sl_copies = [
            pltpu.async_copy(sc_h, sc_v, sem),
            pltpu.async_copy(lb_h, lb_v, sem),
        ]
        co_copies = [
            pltpu.async_copy(x1_h, x1_v, sem_c),
            pltpu.async_copy(y1_h, y1_v, sem_c),
            pltpu.async_copy(x2_h, x2_v, sem_c),
            pltpu.async_copy(y2_h, y2_v, sem_c),
        ]
        for c in sl_copies:
            c.wait()

        def prep_group(g, carry):
            base0 = g * 256
            acc = jnp.full((16,), _NEGF, _f32)
            for t in range(16):
                base = base0 + t * 16
                scc = sc_v[pl.ds(base, 16)]
                lbc = lb_v[pl.ds(base, 16)]
                valid = scc >= _SCORE_THRESH
                ish = lbc == 1
                want = ish if want_human else jnp.logical_not(ish)
                e = jnp.where(jnp.logical_and(valid, want), scc, _NEGF)
                eff[pl.ds(base, 16)] = e
                acc = jnp.where(iota == t, jnp.max(e), acc)
            cm[pl.ds(g * 16, 16)] = acc
            return carry

        lax.fori_loop(0, _NGROUP, prep_group, _i32(0))

        acc2 = jnp.full((16,), _NEGF, _f32)
        for g in range(16):
            acc2 = jnp.where(iota == g, jnp.max(cm[pl.ds(g * 16, 16)]), acc2)
        cm2[pl.ds(0, 16)] = acc2
        acc2 = jnp.full((16,), _NEGF, _f32)
        for g in range(16, _NGROUP):
            acc2 = jnp.where(iota == g - 16,
                             jnp.max(cm[pl.ds(g * 16, 16)]), acc2)
        cm2[pl.ds(16, 16)] = acc2
        for c in co_copies:
            c.wait()

    def run_stream():
        pltpu.sync_copy(shMax, pm_v)
        mv = jnp.maximum(pm_v[pl.ds(0, 16)], pm_v[pl.ds(16, 16)])
        maxc = jnp.max(mv) + _f32(1.0)

        def cond(st):
            return jnp.logical_and(st[0] < _MAXK, jnp.logical_not(st[1]))

        def body(st):
            count, done, kx1, ky1, kx2, ky2, kar, selS, selI = st

            mvv = jnp.full((16,), _NEGF, _f32)
            ivv = jnp.zeros((16,), _i32)
            for j in range(2):
                v = cm2[pl.ds(j * 16, 16)]
                gt = v > mvv
                mvv = jnp.where(gt, v, mvv)
                ivv = jnp.where(gt, j * 16 + iota, ivv)
            m = jnp.max(mvv)
            valid_m = m > _f32(-1e38)
            g = jnp.min(jnp.where(mvv == m, ivv, _i32(1 << 30)))
            gb = g * 16
            cmv = cm[pl.ds(gb, 16)]
            chunk = gb + jnp.min(jnp.where(cmv == m, iota, _i32(15)))
            cbase = chunk * 16
            ev = eff[pl.ds(cbase, 16)]
            lane = jnp.min(jnp.where(ev == m, iota, _i32(15)))
            i = cbase + lane
            lm = iota == lane

            def extf(ref):
                return jnp.sum(jnp.where(lm, ref[pl.ds(cbase, 16)],
                                         _f32(0.0)))

            lbl = jnp.sum(jnp.where(lm, lb_v[pl.ds(cbase, 16)], _i32(0)))
            lblf = lbl.astype(_f32)
            off = lblf * maxc
            cx1 = extf(x1_v) + off
            cy1 = extf(y1_v) + off
            cx2 = extf(x2_v) + off
            cy2 = extf(y2_v) + off
            carea = (cx2 - cx1) * (cy2 - cy1)

            ltx = jnp.maximum(kx1, cx1)
            lty = jnp.maximum(ky1, cy1)
            rbx = jnp.minimum(kx2, cx2)
            rby = jnp.minimum(ky2, cy2)
            w = jnp.maximum(rbx - ltx, _f32(0.0))
            h = jnp.maximum(rby - lty, _f32(0.0))
            inter = w * h
            union = kar + carea - inter
            iou = inter / jnp.maximum(union, _f32(1e-9))
            supp = jnp.any(jnp.logical_and(iou > _NMS_THRESH, iota < count))
            keep = jnp.logical_and(jnp.logical_not(supp), valid_m)

            sel = jnp.logical_and(iota == count, keep)
            kx1 = jnp.where(sel, cx1, kx1)
            ky1 = jnp.where(sel, cy1, ky1)
            kx2 = jnp.where(sel, cx2, kx2)
            ky2 = jnp.where(sel, cy2, ky2)
            kar = jnp.where(sel, carea, kar)
            selS = jnp.where(sel, m, selS)
            selI = jnp.where(sel, i, selI)
            count = count + keep.astype(_i32)

            ev2 = jnp.where(lm, _NEGF, ev)
            eff[pl.ds(cbase, 16)] = ev2
            newmax = jnp.max(ev2)
            cmv2 = jnp.where(iota == chunk - gb, newmax, cmv)
            cm[pl.ds(gb, 16)] = cmv2
            newgmax = jnp.max(cmv2)
            g2b = (g // 16) * 16
            c2v = cm2[pl.ds(g2b, 16)]
            cm2[pl.ds(g2b, 16)] = jnp.where(iota == g - g2b, newgmax, c2v)
            done = jnp.logical_not(valid_m)
            return (count, done, kx1, ky1, kx2, ky2, kar, selS, selI)

        z16 = jnp.zeros((16,), _f32)
        st = lax.while_loop(
            cond, body,
            (_i32(0), False, z16, z16, z16, z16, z16,
             jnp.full((16,), _NEGF, _f32), jnp.zeros((16,), _i32)))
        sS_v[pl.ds(0, 16)] = st[7]
        sI_v[pl.ds(0, 16)] = st[8]

    @pl.when(sid == 0)
    def _object_prep():
        stage_prep(want_human=False)

    @pl.when(sid == 1)
    def _human_prep():
        stage_prep(want_human=True)

    plsc.subcore_barrier()

    @pl.when(sid == 0)
    def _object_stream():
        run_stream()

    @pl.when(sid == 1)
    def _human_stream():
        run_stream()
        pltpu.sync_copy(sS_v, shS)
        pltpu.sync_copy(sI_v, shI)

    plsc.subcore_barrier()

    @pl.when(sid == 0)
    def _merge():
        pltpu.sync_copy(shS, hS_v)
        pltpu.sync_copy(shI, hI_v)
        hS = hS_v[pl.ds(0, 16)]
        hI = hI_v[pl.ds(0, 16)]
        oS = sS_v[pl.ds(0, 16)]
        oI = sI_v[pl.ds(0, 16)]

        z16 = jnp.zeros((16,), _f32)
        for j in range(2):
            ob1_v[pl.ds(j * 16, 16)] = z16
            ob2_v[pl.ds(j * 16, 16)] = z16
            ob3_v[pl.ds(j * 16, 16)] = z16
            ob4_v[pl.ds(j * 16, 16)] = z16
            obs_v[pl.ds(j * 16, 16)] = z16
            obl_v[pl.ds(j * 16, 16)] = jnp.full((16,), -1, _i32)

        def fext(vec, p):
            return jnp.sum(jnp.where(iota == p, vec, _f32(0.0)))

        def iext(vec, p):
            return jnp.sum(jnp.where(iota == p, vec, _i32(0)))

        def mbody(k, c):
            a, b = c
            ha = fext(hS, a)
            hi_ = iext(hI, a)
            oa = fext(oS, b)
            oi_ = iext(oI, b)
            take_h = jnp.logical_or(
                ha > oa, jnp.logical_and(ha == oa, hi_ < oi_))
            any_ = jnp.maximum(ha, oa) > _f32(-1e38)
            i = jnp.where(take_h, hi_, oi_)
            s = jnp.where(take_h, ha, oa)
            ibase = (i // 16) * 16
            ilm = iota == i - ibase

            def gext(ref):
                return jnp.sum(jnp.where(ilm, ref[pl.ds(ibase, 16)],
                                         _f32(0.0)))

            bx1 = jnp.where(any_, gext(x1_v), _f32(0.0))
            by1 = jnp.where(any_, gext(y1_v), _f32(0.0))
            bx2 = jnp.where(any_, gext(x2_v), _f32(0.0))
            by2 = jnp.where(any_, gext(y2_v), _f32(0.0))
            ssc = jnp.where(any_, s, _f32(0.0))
            ilbl = jnp.sum(jnp.where(ilm, lb_v[pl.ds(ibase, 16)], _i32(0)))
            slb = jnp.where(any_, ilbl, _i32(-1))
            kb = (k // 16) * 16
            kl = k - kb
            km = iota == kl
            ob1_v[pl.ds(kb, 16)] = jnp.where(km, bx1, ob1_v[pl.ds(kb, 16)])
            ob2_v[pl.ds(kb, 16)] = jnp.where(km, by1, ob2_v[pl.ds(kb, 16)])
            ob3_v[pl.ds(kb, 16)] = jnp.where(km, bx2, ob3_v[pl.ds(kb, 16)])
            ob4_v[pl.ds(kb, 16)] = jnp.where(km, by2, ob4_v[pl.ds(kb, 16)])
            obs_v[pl.ds(kb, 16)] = jnp.where(km, ssc, obs_v[pl.ds(kb, 16)])
            obl_v[pl.ds(kb, 16)] = jnp.where(km, slb, obl_v[pl.ds(kb, 16)])
            taken = any_.astype(_i32)
            a = a + jnp.where(take_h, taken, 0)
            b = b + jnp.where(take_h, 0, taken)
            return (a, b)

        lax.fori_loop(0, 30, mbody, (_i32(0), _i32(0)))

        outs = [
            pltpu.async_copy(src, dst, sem)
            for src, dst in ((ob1_v, ox1_h), (ob2_v, oy1_h), (ob3_v, ox2_h),
                             (ob4_v, oy2_h), (obs_v, osc_h), (obl_v, olb_h))
        ]
        for c in outs:
            c.wait()


def kernel(boxes, scores, labels):
    pad = _NPAD - _N
    x1 = jnp.pad(boxes[:, 0], (0, pad))
    y1 = jnp.pad(boxes[:, 1], (0, pad))
    x2 = jnp.pad(boxes[:, 2], (0, pad))
    y2 = jnp.pad(boxes[:, 3], (0, pad))
    sc = jnp.pad(scores, (0, pad), constant_values=-1.0)
    lb = jnp.pad(labels, (0, pad))
    bx1, by1, bx2, by2, osc, olb = _nms_sc(x1, y1, x2, y2, sc, lb)
    out_boxes = jnp.stack([bx1, by1, bx2, by2], axis=1)[:30]
    return out_boxes, osc[:30], olb[:30]

# --- scband reference (transcript-rebuilt; emitter-appended) ---
"""Pipeline reference for scband-interaction-head-17806934409941 (READ-ONLY COPY).

The authoritative reference and input builder live on the scoring server;
editing this copy changes nothing except your own understanding.
"""

import jax, jax.numpy as jnp
import numpy as np

N = 5000
HUMAN_IDX = 1
NUM_CLASSES = 80
NMS_THRESH = 0.5
SCORE_THRESH = 0.2
MAX_HUMAN = 15
MAX_OBJECT = 15
MAX_KEEP = MAX_HUMAN + MAX_OBJECT
NEG = -1e9


def setup_inputs(seed: int = 0):
    key = jax.random.key(seed)
    k1, k2, k3, k4 = jax.random.split(key, 4)
    xy = jax.random.uniform(k1, (N, 2), dtype=jnp.float32) * 800.0
    wh = jax.random.uniform(k2, (N, 2), dtype=jnp.float32) * 200.0 + 1.0
    boxes = jnp.concatenate([xy, xy + wh], axis=1)
    scores = jax.random.uniform(k3, (N,), dtype=jnp.float32)
    labels = jax.random.randint(k4, (N,), 0, NUM_CLASSES).astype(jnp.int32)
    return {"boxes": boxes, "scores": scores, "labels": labels}


def _pairwise_iou(b):
    area = (b[:, 2] - b[:, 0]) * (b[:, 3] - b[:, 1])
    lt = jnp.maximum(b[:, None, :2], b[None, :, :2])
    rb = jnp.minimum(b[:, None, 2:], b[None, :, 2:])
    wh = jnp.clip(rb - lt, 0.0)
    inter = wh[..., 0] * wh[..., 1]
    union = area[:, None] + area[None, :] - inter
    return inter / jnp.maximum(union, 1e-9)


def _select(boxes, scores, labels):
    # score-threshold filter (as a mask, fixed shapes)
    valid = scores >= SCORE_THRESH
    eff = jnp.where(valid, scores, -jnp.inf)
    order = jnp.argsort(-eff)
    b = boxes[order]
    s = scores[order]
    l = labels[order]
    v = valid[order]
    # class-aware (batched) NMS via per-class coordinate offsets
    max_c = jnp.max(boxes) + 1.0
    ob = b + (l.astype(b.dtype) * max_c)[:, None]
    iou = _pairwise_iou(ob)
    ar = jnp.arange(N)
    def body(i, keep):
        suppress = (iou[i] > NMS_THRESH) & (ar > i) & keep[i]
        return keep & (~suppress)
    keep = jax.lax.fori_loop(0, N, body, v)
    # split humans / objects, cap each at max count (boxes are score-sorted)
    h_mask = keep & (l == HUMAN_IDX)
    o_mask = keep & (l != HUMAN_IDX)
    h_sel = h_mask & (jnp.cumsum(h_mask.astype(jnp.int32)) <= MAX_HUMAN)
    o_sel = o_mask & (jnp.cumsum(o_mask.astype(jnp.int32)) <= MAX_OBJECT)
    final = h_sel | o_sel
    sel_key = jnp.where(final, s, NEG)
    vals, idx = jax.lax.top_k(sel_key, MAX_KEEP)
    pad = vals > NEG / 2
    return order, idx, pad


def reference(boxes, scores, labels):
    order, idx, pad = _select(boxes, scores, labels)
    out_boxes = boxes[order][idx] * pad[:, None].astype(boxes.dtype)
    out_scores = scores[order][idx] * pad.astype(scores.dtype)
    out_labels = jnp.where(pad, labels[order][idx], -1)
    return (out_boxes, out_scores, out_labels)

if __name__ == "__main__":
    import jax
    _d = setup_inputs()
    print(jax.jit(kernel)(*tuple(_d.values())))

</pallas_src>

<mosaic_0001>
#map = affine_map<(d0, d1) -> (0)>
module attributes {stable_mosaic.version = 14 : i64} {
  func.func @_nms_sc(%arg0: i32, %arg1: i32, %arg2: memref<5120xf32, #tpu.memory_space<hbm>>, %arg3: memref<5120xf32, #tpu.memory_space<hbm>>, %arg4: memref<5120xf32, #tpu.memory_space<hbm>>, %arg5: memref<5120xf32, #tpu.memory_space<hbm>>, %arg6: memref<5120xf32, #tpu.memory_space<hbm>>, %arg7: memref<5120xi32, #tpu.memory_space<hbm>>, %arg8: memref<32xf32, #tpu.memory_space<hbm>>, %arg9: memref<32xf32, #tpu.memory_space<hbm>>, %arg10: memref<32xf32, #tpu.memory_space<hbm>>, %arg11: memref<32xf32, #tpu.memory_space<hbm>>, %arg12: memref<32xf32, #tpu.memory_space<hbm>>, %arg13: memref<32xi32, #tpu.memory_space<hbm>>, %arg14: memref<5120xf32, #tpu.memory_space<vmem>>, %arg15: memref<5120xf32, #tpu.memory_space<vmem>>, %arg16: memref<5120xf32, #tpu.memory_space<vmem>>, %arg17: memref<5120xf32, #tpu.memory_space<vmem>>, %arg18: memref<5120xf32, #tpu.memory_space<vmem>>, %arg19: memref<5120xi32, #tpu.memory_space<vmem>>, %arg20: memref<5120xf32, #tpu.memory_space<vmem>>, %arg21: memref<320xf32, #tpu.memory_space<vmem>>, %arg22: memref<32xf32, #tpu.memory_space<vmem>>, %arg23: memref<5120xf32, #tpu.memory_space<vmem>>, %arg24: memref<16xf32, #tpu.memory_space<vmem>>, %arg25: memref<32xf32, #tpu.memory_space<vmem>>, %arg26: memref<16xf32, #tpu.memory_space<vmem>>, %arg27: memref<16xi32, #tpu.memory_space<vmem>>, %arg28: memref<16xf32, #tpu.memory_space<vmem>>, %arg29: memref<16xi32, #tpu.memory_space<vmem>>, %arg30: memref<32xf32, #tpu.memory_space<vmem>>, %arg31: memref<32xf32, #tpu.memory_space<vmem>>, %arg32: memref<32xf32, #tpu.memory_space<vmem>>, %arg33: memref<32xf32, #tpu.memory_space<vmem>>, %arg34: memref<32xf32, #tpu.memory_space<vmem>>, %arg35: memref<32xi32, #tpu.memory_space<vmem>>, %arg36: memref<32xf32, #tpu.memory_space<vmem_shared>>, %arg37: memref<16xf32, #tpu.memory_space<vmem_shared>>, %arg38: memref<16xi32, #tpu.memory_space<vmem_shared>>, %arg39: memref<!tpu.dma_semaphore, #tpu.memory_space<semaphore_mem>>, %arg40: memref<!tpu.dma_semaphore, #tpu.memory_space<semaphore_mem>>) attributes {dimension_semantics = [#tpu.dimension_semantics<core_parallel>, #tpu.dimension_semantics<subcore_parallel>], iteration_bounds = array<i64: 1, 16>, scalar_prefetch = 0 : i64, scratch_operands = 27 : i64, tpu.core_type = #tpu.core_type<sc_vector_subcore>, window_params = [{transform_indices = #map}, {transform_indices = #map}, {transform_indices = #map}, {transform_indices = #map}, {transform_indices = #map}, {transform_indices = #map}, {transform_indices = #map}, {transform_indices = #map}, {transform_indices = #map}, {transform_indices = #map}, {transform_indices = #map}, {transform_indices = #map}]} {
    %iota3A = tpu.iota {dimensions = array<i32: 0>} : vector<16xi32>
    %eq3A = arith.constant 2 : i32
    %eq3A_0 = arith.cmpi eq, %arg1, %eq3A : i32
    %eq3A_1 = arith.constant 3 : i32
    %eq3A_2 = arith.cmpi eq, %arg1, %eq3A_1 : i32
    %or3A = arith.ori %eq3A_0, %eq3A_2 : i1
    %convert_element_type3A = arith.extui %or3A : i1 to i32
    %cond3A = arith.constant 0 : i32
    %cond3A_3 = arith.cmpi ne, %convert_element_type3A, %cond3A : i32
    scf.if %cond3A_3 {
      %eq3A_30 = arith.constant 2 : i32
      %eq3A_31 = arith.cmpi eq, %arg1, %eq3A_30 : i32
      %convert_element_type3A_32 = arith.extui %eq3A_31 : i1 to i32
      %cond3A_33 = arith.constant 0 : i32
      %cond3A_34 = arith.cmpi ne, %convert_element_type3A_32, %cond3A_33 : i32
      scf.if %cond3A_34 {
        "tpu.region"() ({
          %run_scoped3A = tpu.sem_alloc : memref<!tpu.dma_semaphore, #tpu.memory_space<semaphore_mem>>
          tpu.enqueue_dma source(%arg4 : memref<5120xf32, #tpu.memory_space<hbm>>) target(%arg23 : memref<5120xf32, #tpu.memory_space<vmem>>) target_semaphore(%run_scoped3A : memref<!tpu.dma_semaphore, #tpu.memory_space<semaphore_mem>>)
          tpu.wait_dma2 semaphore(%run_scoped3A : memref<!tpu.dma_semaphore, #tpu.memory_space<semaphore_mem>>) src(%arg4 : memref<5120xf32, #tpu.memory_space<hbm>>) dst(%arg23 : memref<5120xf32, #tpu.memory_space<vmem>>)
          tpu.yield
        }) : () -> ()
      } else {
      }
      %eq3A_35 = arith.constant 3 : i32
      %eq3A_36 = arith.cmpi eq, %arg1, %eq3A_35 : i32
      %convert_element_type3A_37 = arith.extui %eq3A_36 : i1 to i32
      %cond3A_38 = arith.constant 0 : i32
      %cond3A_39 = arith.cmpi ne, %convert_element_type3A_37, %cond3A_38 : i32
      scf.if %cond3A_39 {
        "tpu.region"() ({
          %run_scoped3A = tpu.sem_alloc : memref<!tpu.dma_semaphore, #tpu.memory_space<semaphore_mem>>
          tpu.enqueue_dma source(%arg5 : memref<5120xf32, #tpu.memory_space<hbm>>) target(%arg23 : memref<5120xf32, #tpu.memory_space<vmem>>) target_semaphore(%run_scoped3A : memref<!tpu.dma_semaphore, #tpu.memory_space<semaphore_mem>>)
          tpu.wait_dma2 semaphore(%run_scoped3A : memref<!tpu.dma_semaphore, #tpu.memory_space<semaphore_mem>>) src(%arg5 : memref<5120xf32, #tpu.memory_space<hbm>>) dst(%arg23 : memref<5120xf32, #tpu.memory_space<vmem>>)
          tpu.yield
        }) : () -> ()
      } else {
      }
      %broadcast_in_dim3A = arith.constant 0xFF800000 : f32
      %broadcast_in_dim3A_40 = vector.broadcast %broadcast_in_dim3A : f32 to vector<16xf32>
      %scan3A = arith.constant 0 : i32
      %scan3A_41 = arith.constant 20 : i32
      %scan3A_42 = arith.addi %scan3A, %scan3A_41 : i32
      %scan3A_43 = arith.constant 1 : i32
      %scan3A_44 = scf.for %scan3A_49 = %scan3A to %scan3A_42 step %scan3A_43 iter_args(%scan3A_50 = %broadcast_in_dim3A_40) -> (vector<16xf32>)  : i32 {
        %mul3A_51 = arith.constant 256 : i32
        %mul3A_52 = arith.muli %scan3A_49, %mul3A_51 : i32
        %add3A = arith.constant 0 : i32
        %add3A_53 = arith.addi %mul3A_52, %add3A : i32
        %get3A = arith.index_cast %add3A_53 : i32 to index
        %get3A_54 = tpu.vector_load %arg23[%get3A] {strides = array<i32>} : memref<5120xf32, #tpu.memory_space<vmem>>, vector<16xf32>,
        %max3A = arith.maximumf %scan3A_50, %get3A_54 : vector<16xf32>
        %add3A_55 = arith.constant 16 : i32
        %add3A_56 = arith.addi %mul3A_52, %add3A_55 : i32
        %get3A_57 = arith.index_cast %add3A_56 : i32 to index
        %get3A_58 = tpu.vector_load %arg23[%get3A_57] {strides = array<i32>} : memref<5120xf32, #tpu.memory_space<vmem>>, vector<16xf32>,
        %max3A_59 = arith.maximumf %max3A, %get3A_58 : vector<16xf32>
        %add3A_60 = arith.constant 32 : i32
        %add3A_61 = arith.addi %mul3A_52, %add3A_60 : i32
        %get3A_62 = arith.index_cast %add3A_61 : i32 to index
        %get3A_63 = tpu.vector_load %arg23[%get3A_62] {strides = array<i32>} : memref<5120xf32, #tpu.memory_space<vmem>>, vector<16xf32>,
        %max3A_64 = arith.maximumf %max3A_59, %get3A_63 : vector<16xf32>
        %add3A_65 = arith.constant 48 : i32
        %add3A_66 = arith.addi %mul3A_52, %add3A_65 : i32
        %get3A_67 = arith.index_cast %add3A_66 : i32 to index
        %get3A_68 = tpu.vector_load %arg23[%get3A_67] {strides = array<i32>} : memref<5120xf32, #tpu.memory_space<vmem>>, vector<16xf32>,
        %max3A_69 = arith.maximumf %max3A_64, %get3A_68 : vector<16xf32>
        %add3A_70 = arith.constant 64 : i32
        %add3A_71 = arith.addi %mul3A_52, %add3A_70 : i32
        %get3A_72 = arith.index_cast %add3A_71 : i32 to index
        %get3A_73 = tpu.vector_load %arg23[%get3A_72] {strides = array<i32>} : memref<5120xf32, #tpu.memory_space<vmem>>, vector<16xf32>,
        %max3A_74 = arith.maximumf %max3A_69, %get3A_73 : vector<16xf32>
        %add3A_75 = arith.constant 80 : i32
        %add3A_76 = arith.addi %mul3A_52, %add3A_75 : i32
        %get3A_77 = arith.index_cast %add3A_76 : i32 to index
        %get3A_78 = tpu.vector_load %arg23[%get3A_77] {strides = array<i32>} : memref<5120xf32, #tpu.memory_space<vmem>>, vector<16xf32>,
        %max3A_79 = arith.maximumf %max3A_74, %get3A_78 : vector<16xf32>
        %add3A_80 = arith.constant 96 : i32
        %add3A_81 = arith.addi %mul3A_52, %add3A_80 : i32
        %get3A_82 = arith.index_cast %add3A_81 : i32 to index
        %get3A_83 = tpu.vector_load %arg23[%get3A_82] {strides = array<i32>} : memref<5120xf32, #tpu.memory_space<vmem>>, vector<16xf32>,
        %max3A_84 = arith.maximumf %max3A_79, %get3A_83 : vector<16xf32>
        %add3A_85 = arith.constant 112 : i32
        %add3A_86 = arith.addi %mul3A_52, %add3A_85 : i32
        %get3A_87 = arith.index_cast %add3A_86 : i32 to index
        %get3A_88 = tpu.vector_load %arg23[%get3A_87] {strides = array<i32>} : memref<5120xf32, #tpu.memory_space<vmem>>, vector<16xf32>,
        %max3A_89 = arith.maximumf %max3A_84, %get3A_88 : vector<16xf32>
        %add3A_90 = arith.constant 128 : i32
        %add3A_91 = arith.addi %mul3A_52, %add3A_90 : i32
        %get3A_92 = arith.index_cast %add3A_91 : i32 to index
        %get3A_93 = tpu.vector_load %arg23[%get3A_92] {strides = array<i32>} : memref<5120xf32, #tpu.memory_space<vmem>>, vector<16xf32>,
        %max3A_94 = arith.maximumf %max3A_89, %get3A_93 : vector<16xf32>
        %add3A_95 = arith.constant 144 : i32
        %add3A_96 = arith.addi %mul3A_52, %add3A_95 : i32
        %get3A_97 = arith.index_cast %add3A_96 : i32 to index
        %get3A_98 = tpu.vector_load %arg23[%get3A_97] {strides = array<i32>} : memref<5120xf32, #tpu.memory_space<vmem>>, vector<16xf32>,
        %max3A_99 = arith.maximumf %max3A_94, %get3A_98 : vector<16xf32>
        %add3A_100 = arith.constant 160 : i32
        %add3A_101 = arith.addi %mul3A_52, %add3A_100 : i32
        %get3A_102 = arith.index_cast %add3A_101 : i32 to index
        %get3A_103 = tpu.vector_load %arg23[%get3A_102] {strides = array<i32>} : memref<5120xf32, #tpu.memory_space<vmem>>, vector<16xf32>,
        %max3A_104 = arith.maximumf %max3A_99, %get3A_103 : vector<16xf32>
        %add3A_105 = arith.constant 176 : i32
        %add3A_106 = arith.addi %mul3A_52, %add3A_105 : i32
        %get3A_107 = arith.index_cast %add3A_106 : i32 to index
        %get3A_108 = tpu.vector_load %arg23[%get3A_107] {strides = array<i32>} : memref<5120xf32, #tpu.memory_space<vmem>>, vector<16xf32>,
        %max3A_109 = arith.maximumf %max3A_104, %get3A_108 : vector<16xf32>
        %add3A_110 = arith.constant 192 : i32
        %add3A_111 = arith.addi %mul3A_52, %add3A_110 : i32
        %get3A_112 = arith.index_cast %add3A_111 : i32 to index
        %get3A_113 = tpu.vector_load %arg23[%get3A_112] {strides = array<i32>} : memref<5120xf32, #tpu.memory_space<vmem>>, vector<16xf32>,
        %max3A_114 = arith.maximumf %max3A_109, %get3A_113 : vector<16xf32>
        %add3A_115 = arith.constant 208 : i32
        %add3A_116 = arith.addi %mul3A_52, %add3A_115 : i32
        %get3A_117 = arith.index_cast %add3A_116 : i32 to index
        %get3A_118 = tpu.vector_load %arg23[%get3A_117] {strides = array<i32>} : memref<5120xf32, #tpu.memory_space<vmem>>, vector<16xf32>,
        %max3A_119 = arith.maximumf %max3A_114, %get3A_118 : vector<16xf32>
        %add3A_120 = arith.constant 224 : i32
        %add3A_121 = arith.addi %mul3A_52, %add3A_120 : i32
        %get3A_122 = arith.index_cast %add3A_121 : i32 to index
        %get3A_123 = tpu.vector_load %arg23[%get3A_122] {strides = array<i32>} : memref<5120xf32, #tpu.memory_space<vmem>>, vector<16xf32>,
        %max3A_124 = arith.maximumf %max3A_119, %get3A_123 : vector<16xf32>
        %add3A_125 = arith.constant 240 : i32
        %add3A_126 = arith.addi %mul3A_52, %add3A_125 : i32
        %get3A_127 = arith.index_cast %add3A_126 : i32 to index
        %get3A_128 = tpu.vector_load %arg23[%get3A_127] {strides = array<i32>} : memref<5120xf32, #tpu.memory_space<vmem>>, vector<16xf32>,
        %max3A_129 = arith.maximumf %max3A_124, %get3A_128 : vector<16xf32>
        scf.yield %max3A_129 : vector<16xf32>
      }
      %scan3A_45 = arith.constant 20 : i32
      %swap3A = arith.constant 0 : index
      %swap3A_46 = tpu.vector_load %arg24[%swap3A] {strides = array<i32>} : memref<16xf32, #tpu.memory_space<vmem>>, vector<16xf32>,
      tpu.vector_store %arg24[%swap3A], %scan3A_44 {strides = array<i32>} : memref<16xf32, #tpu.memory_space<vmem>>, vector<16xf32>,
      %sub3A = arith.constant 2 : i32
      %sub3A_47 = arith.subi %arg1, %sub3A : i32
      %mul3A = arith.constant 16 : i32
      %mul3A_48 = arith.muli %sub3A_47, %mul3A : i32
      "tpu.region"() ({
        %run_scoped3A = tpu.sem_alloc : memref<!tpu.dma_semaphore, #tpu.memory_space<semaphore_mem>>
        %dma_start3A = tpu.memref_slice %arg36[%mul3A_48] : memref<32xf32, #tpu.memory_space<vmem_shared>> -> memref<16xf32, #tpu.memory_space<vmem_shared>>
        %dma_start3A_49 = tpu.memref_slice %arg36[%mul3A_48] : memref<32xf32, #tpu.memory_space<vmem_shared>> -> memref<16xf32, #tpu.memory_space<vmem_shared>>
        tpu.enqueue_dma source(%arg24 : memref<16xf32, #tpu.memory_space<vmem>>) target(%dma_start3A_49 : memref<16xf32, #tpu.memory_space<vmem_shared>>) target_semaphore(%run_scoped3A : memref<!tpu.dma_semaphore, #tpu.memory_space<semaphore_mem>>)
        %dma_wait3A = tpu.memref_slice %arg36[%mul3A_48] : memref<32xf32, #tpu.memory_space<vmem_shared>> -> memref<16xf32, #tpu.memory_space<vmem_shared>>
        %dma_wait3A_50 = tpu.memref_slice %arg36[%mul3A_48] : memref<32xf32, #tpu.memory_space<vmem_shared>> -> memref<16xf32, #tpu.memory_space<vmem_shared>>
        tpu.wait_dma2 semaphore(%run_scoped3A : memref<!tpu.dma_semaphore, #tpu.memory_space<semaphore_mem>>) src(%arg24 : memref<16xf32, #tpu.memory_space<vmem>>) dst(%dma_wait3A_50 : memref<16xf32, #tpu.memory_space<vmem_shared>>)
        tpu.yield
      }) : () -> ()
    } else {
    }
    %eq3A_4 = arith.constant 0 : i32
    %eq3A_5 = arith.cmpi eq, %arg1, %eq3A_4 : i32
    %convert_element_type3A_6 = arith.extui %eq3A_5 : i1 to i32
    %cond3A_7 = arith.constant 0 : i32
    %cond3A_8 = arith.cmpi ne, %convert_element_type3A_6, %cond3A_7 : i32
    scf.if %cond3A_8 {
      tpu.enqueue_dma source(%arg6 : memref<5120xf32, #tpu.memory_space<hbm>>) target(%arg18 : memref<5120xf32, #tpu.memory_space<vmem>>) target_semaphore(%arg39 : memref<!tpu.dma_semaphore, #tpu.memory_space<semaphore_mem>>)
      tpu.enqueue_dma source(%arg7 : memref<5120xi32, #tpu.memory_space<hbm>>) target(%arg19 : memref<5120xi32, #tpu.memory_space<vmem>>) target_semaphore(%arg39 : memref<!tpu.dma_semaphore, #tpu.memory_space<semaphore_mem>>)
      tpu.enqueue_dma source(%arg2 : memref<5120xf32, #tpu.memory_space<hbm>>) target(%arg14 : memref<5120xf32, #tpu.memory_space<vmem>>) target_semaphore(%arg40 : memref<!tpu.dma_semaphore, #tpu.memory_space<semaphore_mem>>)
      tpu.enqueue_dma source(%arg3 : memref<5120xf32, #tpu.memory_space<hbm>>) target(%arg15 : memref<5120xf32, #tpu.memory_space<vmem>>) target_semaphore(%arg40 : memref<!tpu.dma_semaphore, #tpu.memory_space<semaphore_mem>>)
      tpu.enqueue_dma source(%arg4 : memref<5120xf32, #tpu.memory_space<hbm>>) target(%arg16 : memref<5120xf32, #tpu.memory_space<vmem>>) target_semaphore(%arg40 : memref<!tpu.dma_semaphore, #tpu.memory_space<semaphore_mem>>)
      tpu.enqueue_dma source(%arg5 : memref<5120xf32, #tpu.memory_space<hbm>>) target(%arg17 : memref<5120xf32, #tpu.memory_space<vmem>>) target_semaphore(%arg40 : memref<!tpu.dma_semaphore, #tpu.memory_space<semaphore_mem>>)
      tpu.wait_dma2 semaphore(%arg39 : memref<!tpu.dma_semaphore, #tpu.memory_space<semaphore_mem>>) src(%arg6 : memref<5120xf32, #tpu.memory_space<hbm>>) dst(%arg18 : memref<5120xf32, #tpu.memory_space<vmem>>)
      tpu.wait_dma2 semaphore(%arg39 : memref<!tpu.dma_semaphore, #tpu.memory_space<semaphore_mem>>) src(%arg7 : memref<5120xi32, #tpu.memory_space<hbm>>) dst(%arg19 : memref<5120xi32, #tpu.memory_space<vmem>>)
      %scan3A = arith.constant 0 : i32
      %scan3A_30 = arith.constant 0 : i32
      %scan3A_31 = arith.constant 20 : i32
      %scan3A_32 = arith.addi %scan3A_30, %scan3A_31 : i32
      %scan3A_33 = arith.constant 1 : i32
      scf.for %scan3A_258 = %scan3A_30 to %scan3A_32 step %scan3A_33  : i32 {
        %mul3A = arith.constant 256 : i32
        %mul3A_259 = arith.muli %scan3A_258, %mul3A : i32
        %broadcast_in_dim3A_260 = arith.constant 0xFF800000 : f32
        %broadcast_in_dim3A_261 = vector.broadcast %broadcast_in_dim3A_260 : f32 to vector<16xf32>
        %add3A = arith.constant 0 : i32
        %add3A_262 = arith.addi %mul3A_259, %add3A : i32
        %get3A_263 = arith.index_cast %add3A_262 : i32 to index
        %get3A_264 = tpu.vector_load %arg18[%get3A_263] {strides = array<i32>} : memref<5120xf32, #tpu.memory_space<vmem>>, vector<16xf32>,
        %get3A_265 = arith.index_cast %add3A_262 : i32 to index
        %get3A_266 = tpu.vector_load %arg19[%get3A_265] {strides = array<i32>} : memref<5120xi32, #tpu.memory_space<vmem>>, vector<16xi32>,
        %ge3A = arith.constant 2.000000e-01 : f32
        %ge3A_267 = vector.broadcast %ge3A : f32 to vector<16xf32>
        %ge3A_268 = arith.cmpf oge, %get3A_264, %ge3A_267 : vector<16xf32>
        %eq3A_269 = arith.constant 1 : i32
        %eq3A_270 = vector.broadcast %eq3A_269 : i32 to vector<16xi32>
        %eq3A_271 = arith.cmpi eq, %get3A_266, %eq3A_270 : vector<16xi32>
        %not3A = arith.constant dense<true> : vector<16xi1>
        %not3A_272 = arith.xori %eq3A_271, %not3A : vector<16xi1>
        %and3A = arith.andi %ge3A_268, %not3A_272 : vector<16xi1>
        %jit3A = arith.constant 0xFF800000 : f32
        %broadcast_in_dim3A_273 = vector.broadcast %jit3A : f32 to vector<16xf32>
        %select_n3A_274 = arith.select %and3A, %get3A_264, %broadcast_in_dim3A_273 : vector<16xi1>, vector<16xf32>
        %swap3A_275 = arith.index_cast %add3A_262 : i32 to index
        %swap3A_276 = tpu.vector_load %arg20[%swap3A_275] {strides = array<i32>} : memref<5120xf32, #tpu.memory_space<vmem>>, vector<16xf32>,
        tpu.vector_store %arg20[%swap3A_275], %select_n3A_274 {strides = array<i32>} : memref<5120xf32, #tpu.memory_space<vmem>>, vector<16xf32>,
        %eq3A_277 = arith.constant 0 : i32
        %eq3A_278 = vector.broadcast %eq3A_277 : i32 to vector<16xi32>
        %eq3A_279 = arith.cmpi eq, %iota3A, %eq3A_278 : vector<16xi32>
        %reduce_max3A_280 = arith.constant true
        %reduce_max3A_281 = vector.broadcast %reduce_max3A_280 : i1 to vector<16xi1>
        %reduce_max3A_282 = tpu.scan <max>, %select_n3A_274 masked %reduce_max3A_281 : vector<16xf32>, vector<16xi1> -> vector<16xf32>
        %reduce_max3A_283 = vector.extract %reduce_max3A_282[15] : f32 from vector<16xf32>
        %broadcast_in_dim3A_284 = vector.broadcast %reduce_max3A_283 : f32 to vector<16xf32>
        %select_n3A_285 = arith.select %eq3A_279, %broadcast_in_dim3A_284, %broadcast_in_dim3A_261 : vector<16xi1>, vector<16xf32>
        %add3A_286 = arith.constant 16 : i32
        %add3A_287 = arith.addi %mul3A_259, %add3A_286 : i32
        %get3A_288 = arith.index_cast %add3A_287 : i32 to index
        %get3A_289 = tpu.vector_load %arg18[%get3A_288] {strides = array<i32>} : memref<5120xf32, #tpu.memory_space<vmem>>, vector<16xf32>,
        %get3A_290 = arith.index_cast %add3A_287 : i32 to index
        %get3A_291 = tpu.vector_load %arg19[%get3A_290] {strides = array<i32>} : memref<5120xi32, #tpu.memory_space<vmem>>, vector<16xi32>,
        %ge3A_292 = arith.constant 2.000000e-01 : f32
        %ge3A_293 = vector.broadcast %ge3A_292 : f32 to vector<16xf32>
        %ge3A_294 = arith.cmpf oge, %get3A_289, %ge3A_293 : vector<16xf32>
        %eq3A_295 = arith.constant 1 : i32
        %eq3A_296 = vector.broadcast %eq3A_295 : i32 to vector<16xi32>
        %eq3A_297 = arith.cmpi eq, %get3A_291, %eq3A_296 : vector<16xi32>
        %not3A_298 = arith.constant dense<true> : vector<16xi1>
        %not3A_299 = arith.xori %eq3A_297, %not3A_298 : vector<16xi1>
        %and3A_300 = arith.andi %ge3A_294, %not3A_299 : vector<16xi1>
        %jit3A_301 = arith.constant 0xFF800000 : f32
        %broadcast_in_dim3A_302 = vector.broadcast %jit3A_301 : f32 to vector<16xf32>
        %select_n3A_303 = arith.select %and3A_300, %get3A_289, %broadcast_in_dim3A_302 : vector<16xi1>, vector<16xf32>
        %swap3A_304 = arith.index_cast %add3A_287 : i32 to index
        %swap3A_305 = tpu.vector_load %arg20[%swap3A_304] {strides = array<i32>} : memref<5120xf32, #tpu.memory_space<vmem>>, vector<16xf32>,
        tpu.vector_store %arg20[%swap3A_304], %select_n3A_303 {strides = array<i32>} : memref<5120xf32, #tpu.memory_space<vmem>>, vector<16xf32>,
        %eq3A_306 = arith.constant 1 : i32
        %eq3A_307 = vector.broadcast %eq3A_306 : i32 to vector<16xi32>
        %eq3A_308 = arith.cmpi eq, %iota3A, %eq3A_307 : vector<16xi32>
        %reduce_max3A_309 = arith.constant true
        %reduce_max3A_310 = vector.broadcast %reduce_max3A_309 : i1 to vector<16xi1>
        %reduce_max3A_311 = tpu.scan <max>, %select_n3A_303 masked %reduce_max3A_310 : vector<16xf32>, vector<16xi1> -> vector<16xf32>
        %reduce_max3A_312 = vector.extract %reduce_max3A_311[15] : f32 from vector<16xf32>
        %broadcast_in_dim3A_313 = vector.broadcast %reduce_max3A_312 : f32 to vector<16xf32>
        %select_n3A_314 = arith.select %eq3A_308, %broadcast_in_dim3A_313, %select_n3A_285 : vector<16xi1>, vector<16xf32>
        %add3A_315 = arith.constant 32 : i32
        %add3A_316 = arith.addi %mul3A_259, %add3A_315 : i32
        %get3A_317 = arith.index_cast %add3A_316 : i32 to index
        %get3A_318 = tpu.vector_load %arg18[%get3A_317] {strides = array<i32>} : memref<5120xf32, #tpu.memory_space<vmem>>, vector<16xf32>,
        %get3A_319 = arith.index_cast %add3A_316 : i32 to index
        %get3A_320 = tpu.vector_load %arg19[%get3A_319] {strides = array<i32>} : memref<5120xi32, #tpu.memory_space<vmem>>, vector<16xi32>,
        %ge3A_321 = arith.constant 2.000000e-01 : f32
        %ge3A_322 = vector.broadcast %ge3A_321 : f32 to vector<16xf32>
        %ge3A_323 = arith.cmpf oge, %get3A_318, %ge3A_322 : vector<16xf32>
        %eq3A_324 = arith.constant 1 : i32
        %eq3A_325 = vector.broadcast %eq3A_324 : i32 to vector<16xi32>
        %eq3A_326 = arith.cmpi eq, %get3A_320, %eq3A_325 : vector<16xi32>
        %not3A_327 = arith.constant dense<true> : vector<16xi1>
        %not3A_328 = arith.xori %eq3A_326, %not3A_327 : vector<16xi1>
        %and3A_329 = arith.andi %ge3A_323, %not3A_328 : vector<16xi1>
        %jit3A_330 = arith.constant 0xFF800000 : f32
        %broadcast_in_dim3A_331 = vector.broadcast %jit3A_330 : f32 to vector<16xf32>
        %select_n3A_332 = arith.select %and3A_329, %get3A_318, %broadcast_in_dim3A_331 : vector<16xi1>, vector<16xf32>
        %swap3A_333 = arith.index_cast %add3A_316 : i32 to index
        %swap3A_334 = tpu.vector_load %arg20[%swap3A_333] {strides = array<i32>} : memref<5120xf32, #tpu.memory_space<vmem>>, vector<16xf32>,
        tpu.vector_store %arg20[%swap3A_333], %select_n3A_332 {strides = array<i32>} : memref<5120xf32, #tpu.memory_space<vmem>>, vector<16xf32>,
        %eq3A_335 = arith.constant 2 : i32
        %eq3A_336 = vector.broadcast %eq3A_335 : i32 to vector<16xi32>
        %eq3A_337 = arith.cmpi eq, %iota3A, %eq3A_336 : vector<16xi32>
        %reduce_max3A_338 = arith.constant true
        %reduce_max3A_339 = vector.broadcast %reduce_max3A_338 : i1 to vector<16xi1>
        %reduce_max3A_340 = tpu.scan <max>, %select_n3A_332 masked %reduce_max3A_339 : vector<16xf32>, vector<16xi1> -> vector<16xf32>
        %reduce_max3A_341 = vector.extract %reduce_max3A_340[15] : f32 from vector<16xf32>
        %broadcast_in_dim3A_342 = vector.broadcast %reduce_max3A_341 : f32 to vector<16xf32>
        %select_n3A_343 = arith.select %eq3A_337, %broadcast_in_dim3A_342, %select_n3A_314 : vector<16xi1>, vector<16xf32>
        %add3A_344 = arith.constant 48 : i32
        %add3A_345 = arith.addi %mul3A_259, %add3A_344 : i32
        %get3A_346 = arith.index_cast %add3A_345 : i32 to index
        %get3A_347 = tpu.vector_load %arg18[%get3A_346] {strides = array<i32>} : memref<5120xf32, #tpu.memory_space<vmem>>, vector<16xf32>,
        %get3A_348 = arith.index_cast %add3A_345 : i32 to index
        %get3A_349 = tpu.vector_load %arg19[%get3A_348] {strides = array<i32>} : memref<5120xi32, #tpu.memory_space<vmem>>, vector<16xi32>,
        %ge3A_350 = arith.constant 2.000000e-01 : f32
        %ge3A_351 = vector.broadcast %ge3A_350 : f32 to vector<16xf32>
        %ge3A_352 = arith.cmpf oge, %get3A_347, %ge3A_351 : vector<16xf32>
        %eq3A_353 = arith.constant 1 : i32
        %eq3A_354 = vector.broadcast %eq3A_353 : i32 to vector<16xi32>
        %eq3A_355 = arith.cmpi eq, %get3A_349, %eq3A_354 : vector<16xi32>
        %not3A_356 = arith.constant dense<true> : vector<16xi1>
        %not3A_357 = arith.xori %eq3A_355, %not3A_356 : vector<16xi1>
        %and3A_358 = arith.andi %ge3A_352, %not3A_357 : vector<16xi1>
        %jit3A_359 = arith.constant 0xFF800000 : f32
        %broadcast_in_dim3A_360 = vector.broadcast %jit3A_359 : f32 to vector<16xf32>
        %select_n3A_361 = arith.select %and3A_358, %get3A_347, %broadcast_in_dim3A_360 : vector<16xi1>, vector<16xf32>
        %swap3A_362 = arith.index_cast %add3A_345 : i32 to index
        %swap3A_363 = tpu.vector_load %arg20[%swap3A_362] {strides = array<i32>} : memref<5120xf32, #tpu.memory_space<vmem>>, vector<16xf32>,
        tpu.vector_store %arg20[%swap3A_362], %select_n3A_361 {strides = array<i32>} : memref<5120xf32, #tpu.memory_space<vmem>>, vector<16xf32>,
        %eq3A_364 = arith.constant 3 : i32
        %eq3A_365 = vector.broadcast %eq3A_364 : i32 to vector<16xi32>
        %eq3A_366 = arith.cmpi eq, %iota3A, %eq3A_365 : vector<16xi32>
        %reduce_max3A_367 = arith.constant true
        %reduce_max3A_368 = vector.broadcast %reduce_max3A_367 : i1 to vector<16xi1>
        %reduce_max3A_369 = tpu.scan <max>, %select_n3A_361 masked %reduce_max3A_368 : vector<16xf32>, vector<16xi1> -> vector<16xf32>
        %reduce_max3A_370 = vector.extract %reduce_max3A_369[15] : f32 from vector<16xf32>
        %broadcast_in_dim3A_371 = vector.broadcast %reduce_max3A_370 : f32 to vector<16xf32>
        %select_n3A_372 = arith.select %eq3A_366, %broadcast_in_dim3A_371, %select_n3A_343 : vector<16xi1>, vector<16xf32>
        %add3A_373 = arith.constant 64 : i32
        %add3A_374 = arith.addi %mul3A_259, %add3A_373 : i32
        %get3A_375 = arith.index_cast %add3A_374 : i32 to index
        %get3A_376 = tpu.vector_load %arg18[%get3A_375] {strides = array<i32>} : memref<5120xf32, #tpu.memory_space<vmem>>, vector<16xf32>,
        %get3A_377 = arith.index_cast %add3A_374 : i32 to index
        %get3A_378 = tpu.vector_load %arg19[%get3A_377] {strides = array<i32>} : memref<5120xi32, #tpu.memory_space<vmem>>, vector<16xi32>,
        %ge3A_379 = arith.constant 2.000000e-01 : f32
        %ge3A_380 = vector.broadcast %ge3A_379 : f32 to vector<16xf32>
        %ge3A_381 = arith.cmpf oge, %get3A_376, %ge3A_380 : vector<16xf32>
        %eq3A_382 = arith.constant 1 : i32
        %eq3A_383 = vector.broadcast %eq3A_382 : i32 to vector<16xi32>
        %eq3A_384 = arith.cmpi eq, %get3A_378, %eq3A_383 : vector<16xi32>
        %not3A_385 = arith.constant dense<true> : vector<16xi1>
        %not3A_386 = arith.xori %eq3A_384, %not3A_385 : vector<16xi1>
        %and3A_387 = arith.andi %ge3A_381, %not3A_386 : vector<16xi1>
        %jit3A_388 = arith.constant 0xFF800000 : f32
        %broadcast_in_dim3A_389 = vector.broadcast %jit3A_388 : f32 to vector<16xf32>
        %select_n3A_390 = arith.select %and3A_387, %get3A_376, %broadcast_in_dim3A_389 : vector<16xi1>, vector<16xf32>
        %swap3A_391 = arith.index_cast %add3A_374 : i32 to index
        %swap3A_392 = tpu.vector_load %arg20[%swap3A_391] {strides = array<i32>} : memref<5120xf32, #tpu.memory_space<vmem>>, vector<16xf32>,
        tpu.vector_store %arg20[%swap3A_391], %select_n3A_390 {strides = array<i32>} : memref<5120xf32, #tpu.memory_space<vmem>>, vector<16xf32>,
        %eq3A_393 = arith.constant 4 : i32
        %eq3A_394 = vector.broadcast %eq3A_393 : i32 to vector<16xi32>
        %eq3A_395 = arith.cmpi eq, %iota3A, %eq3A_394 : vector<16xi32>
        %reduce_max3A_396 = arith.constant true
        %reduce_max3A_397 = vector.broadcast %reduce_max3A_396 : i1 to vector<16xi1>
        %reduce_max3A_398 = tpu.scan <max>, %select_n3A_390 masked %reduce_max3A_397 : vector<16xf32>, vector<16xi1> -> vector<16xf32>
        %reduce_max3A_399 = vector.extract %reduce_max3A_398[15] : f32 from vector<16xf32>
        %broadcast_in_dim3A_400 = vector.broadcast %reduce_max3A_399 : f32 to vector<16xf32>
        %select_n3A_401 = arith.select %eq3A_395, %broadcast_in_dim3A_400, %select_n3A_372 : vector<16xi1>, vector<16xf32>
        %add3A_402 = arith.constant 80 : i32
        %add3A_403 = arith.addi %mul3A_259, %add3A_402 : i32
        %get3A_404 = arith.index_cast %add3A_403 : i32 to index
        %get3A_405 = tpu.vector_load %arg18[%get3A_404] {strides = array<i32>} : memref<5120xf32, #tpu.memory_space<vmem>>, vector<16xf32>,
        %get3A_406 = arith.index_cast %add3A_403 : i32 to index
        %get3A_407 = tpu.vector_load %arg19[%get3A_406] {strides = array<i32>} : memref<5120xi32, #tpu.memory_space<vmem>>, vector<16xi32>,
        %ge3A_408 = arith.constant 2.000000e-01 : f32
        %ge3A_409 = vector.broadcast %ge3A_408 : f32 to vector<16xf32>
        %ge3A_410 = arith.cmpf oge, %get3A_405, %ge3A_409 : vector<16xf32>
        %eq3A_411 = arith.constant 1 : i32
        %eq3A_412 = vector.broadcast %eq3A_411 : i32 to vector<16xi32>
        %eq3A_413 = arith.cmpi eq, %get3A_407, %eq3A_412 : vector<16xi32>
        %not3A_414 = arith.constant dense<true> : vector<16xi1>
        %not3A_415 = arith.xori %eq3A_413, %not3A_414 : vector<16xi1>
        %and3A_416 = arith.andi %ge3A_410, %not3A_415 : vector<16xi1>
        %jit3A_417 = arith.constant 0xFF800000 : f32
        %broadcast_in_dim3A_418 = vector.broadcast %jit3A_417 : f32 to vector<16xf32>
        %select_n3A_419 = arith.select %and3A_416, %get3A_405, %broadcast_in_dim3A_418 : vector<16xi1>, vector<16xf32>
        %swap3A_420 = arith.index_cast %add3A_403 : i32 to index
        %swap3A_421 = tpu.vector_load %arg20[%swap3A_420] {strides = array<i32>} : memref<5120xf32, #tpu.memory_space<vmem>>, vector<16xf32>,
        tpu.vector_store %arg20[%swap3A_420], %select_n3A_419 {strides = array<i32>} : memref<5120xf32, #tpu.memory_space<vmem>>, vector<16xf32>,
        %eq3A_422 = arith.constant 5 : i32
        %eq3A_423 = vector.broadcast %eq3A_422 : i32 to vector<16xi32>
        %eq3A_424 = arith.cmpi eq, %iota3A, %eq3A_423 : vector<16xi32>
        %reduce_max3A_425 = arith.constant true
        %reduce_max3A_426 = vector.broadcast %reduce_max3A_425 : i1 to vector<16xi1>
        %reduce_max3A_427 = tpu.scan <max>, %select_n3A_419 masked %reduce_max3A_426 : vector<16xf32>, vector<16xi1> -> vector<16xf32>
        %reduce_max3A_428 = vector.extract %reduce_max3A_427[15] : f32 from vector<16xf32>
        %broadcast_in_dim3A_429 = vector.broadcast %reduce_max3A_428 : f32 to vector<16xf32>
        %select_n3A_430 = arith.select %eq3A_424, %broadcast_in_dim3A_429, %select_n3A_401 : vector<16xi1>, vector<16xf32>
        %add3A_431 = arith.constant 96 : i32
        %add3A_432 = arith.addi %mul3A_259, %add3A_431 : i32
        %get3A_433 = arith.index_cast %add3A_432 : i32 to index
        %get3A_434 = tpu.vector_load %arg18[%get3A_433] {strides = array<i32>} : memref<5120xf32, #tpu.memory_space<vmem>>, vector<16xf32>,
        %get3A_435 = arith.index_cast %add3A_432 : i32 to index
        %get3A_436 = tpu.vector_load %arg19[%get3A_435] {strides = array<i32>} : memref<5120xi32, #tpu.memory_space<vmem>>, vector<16xi32>,
        %ge3A_437 = arith.constant 2.000000e-01 : f32
        %ge3A_438 = vector.broadcast %ge3A_437 : f32 to vector<16xf32>
        %ge3A_439 = arith.cmpf oge, %get3A_434, %ge3A_438 : vector<16xf32>
        %eq3A_440 = arith.constant 1 : i32
        %eq3A_441 = vector.broadcast %eq3A_440 : i32 to vector<16xi32>
        %eq3A_442 = arith.cmpi eq, %get3A_436, %eq3A_441 : vector<16xi32>
        %not3A_443 = arith.constant dense<true> : vector<16xi1>
        %not3A_444 = arith.xori %eq3A_442, %not3A_443 : vector<16xi1>
        %and3A_445 = arith.andi %ge3A_439, %not3A_444 : vector<16xi1>
        %jit3A_446 = arith.constant 0xFF800000 : f32
        %broadcast_in_dim3A_447 = vector.broadcast %jit3A_446 : f32 to vector<16xf32>
        %select_n3A_448 = arith.select %and3A_445, %get3A_434, %broadcast_in_dim3A_447 : vector<16xi1>, vector<16xf32>
        %swap3A_449 = arith.index_cast %add3A_432 : i32 to index
        %swap3A_450 = tpu.vector_load %arg20[%swap3A_449] {strides = array<i32>} : memref<5120xf32, #tpu.memory_space<vmem>>, vector<16xf32>,
        tpu.vector_store %arg20[%swap3A_449], %select_n3A_448 {strides = array<i32>} : memref<5120xf32, #tpu.memory_space<vmem>>, vector<16xf32>,
        %eq3A_451 = arith.constant 6 : i32
        %eq3A_452 = vector.broadcast %eq3A_451 : i32 to vector<16xi32>
        %eq3A_453 = arith.cmpi eq, %iota3A, %eq3A_452 : vector<16xi32>
        %reduce_max3A_454 = arith.constant true
        %reduce_max3A_455 = vector.broadcast %reduce_max3A_454 : i1 to vector<16xi1>
        %reduce_max3A_456 = tpu.scan <max>, %select_n3A_448 masked %reduce_max3A_455 : vector<16xf32>, vector<16xi1> -> vector<16xf32>
        %reduce_max3A_457 = vector.extract %reduce_max3A_456[15] : f32 from vector<16xf32>
        %broadcast_in_dim3A_458 = vector.broadcast %reduce_max3A_457 : f32 to vector<16xf32>
        %select_n3A_459 = arith.select %eq3A_453, %broadcast_in_dim3A_458, %select_n3A_430 : vector<16xi1>, vector<16xf32>
        %add3A_460 = arith.constant 112 : i32
        %add3A_461 = arith.addi %mul3A_259, %add3A_460 : i32
        %get3A_462 = arith.index_cast %add3A_461 : i32 to index
        %get3A_463 = tpu.vector_load %arg18[%get3A_462] {strides = array<i32>} : memref<5120xf32, #tpu.memory_space<vmem>>, vector<16xf32>,
        %get3A_464 = arith.index_cast %add3A_461 : i32 to index
        %get3A_465 = tpu.vector_load %arg19[%get3A_464] {strides = array<i32>} : memref<5120xi32, #tpu.memory_space<vmem>>, vector<16xi32>,
        %ge3A_466 = arith.constant 2.000000e-01 : f32
        %ge3A_467 = vector.broadcast %ge3A_466 : f32 to vector<16xf32>
        %ge3A_468 = arith.cmpf oge, %get3A_463, %ge3A_467 : vector<16xf32>
        %eq3A_469 = arith.constant 1 : i32
        %eq3A_470 = vector.broadcast %eq3A_469 : i32 to vector<16xi32>
        %eq3A_471 = arith.cmpi eq, %get3A_465, %eq3A_470 : vector<16xi32>
        %not3A_472 = arith.constant dense<true> : vector<16xi1>
        %not3A_473 = arith.xori %eq3A_471, %not3A_472 : vector<16xi1>
        %and3A_474 = arith.andi %ge3A_468, %not3A_473 : vector<16xi1>
        %jit3A_475 = arith.constant 0xFF800000 : f32
        %broadcast_in_dim3A_476 = vector.broadcast %jit3A_475 : f32 to vector<16xf32>
        %select_n3A_477 = arith.select %and3A_474, %get3A_463, %broadcast_in_dim3A_476 : vector<16xi1>, vector<16xf32>
        %swap3A_478 = arith.index_cast %add3A_461 : i32 to index
        %swap3A_479 = tpu.vector_load %arg20[%swap3A_478] {strides = array<i32>} : memref<5120xf32, #tpu.memory_space<vmem>>, vector<16xf32>,
        tpu.vector_store %arg20[%swap3A_478], %select_n3A_477 {strides = array<i32>} : memref<5120xf32, #tpu.memory_space<vmem>>, vector<16xf32>,
        %eq3A_480 = arith.constant 7 : i32
        %eq3A_481 = vector.broadcast %eq3A_480 : i32 to vector<16xi32>
        %eq3A_482 = arith.cmpi eq, %iota3A, %eq3A_481 : vector<16xi32>
        %reduce_max3A_483 = arith.constant true
        %reduce_max3A_484 = vector.broadcast %reduce_max3A_483 : i1 to vector<16xi1>
        %reduce_max3A_485 = tpu.scan <max>, %select_n3A_477 masked %reduce_max3A_484 : vector<16xf32>, vector<16xi1> -> vector<16xf32>
        %reduce_max3A_486 = vector.extract %reduce_max3A_485[15] : f32 from vector<16xf32>
        %broadcast_in_dim3A_487 = vector.broadcast %reduce_max3A_486 : f32 to vector<16xf32>
        %select_n3A_488 = arith.select %eq3A_482, %broadcast_in_dim3A_487, %select_n3A_459 : vector<16xi1>, vector<16xf32>
        %add3A_489 = arith.constant 128 : i32
        %add3A_490 = arith.addi %mul3A_259, %add3A_489 : i32
        %get3A_491 = arith.index_cast %add3A_490 : i32 to index
        %get3A_492 = tpu.vector_load %arg18[%get3A_491] {strides = array<i32>} : memref<5120xf32, #tpu.memory_space<vmem>>, vector<16xf32>,
        %get3A_493 = arith.index_cast %add3A_490 : i32 to index
        %get3A_494 = tpu.vector_load %arg19[%get3A_493] {strides = array<i32>} : memref<5120xi32, #tpu.memory_space<vmem>>, vector<16xi32>,
        %ge3A_495 = arith.constant 2.000000e-01 : f32
        %ge3A_496 = vector.broadcast %ge3A_495 : f32 to vector<16xf32>
        %ge3A_497 = arith.cmpf oge, %get3A_492, %ge3A_496 : vector<16xf32>
        %eq3A_498 = arith.constant 1 : i32
        %eq3A_499 = vector.broadcast %eq3A_498 : i32 to vector<16xi32>
        %eq3A_500 = arith.cmpi eq, %get3A_494, %eq3A_499 : vector<16xi32>
        %not3A_501 = arith.constant dense<true> : vector<16xi1>
        %not3A_502 = arith.xori %eq3A_500, %not3A_501 : vector<16xi1>
        %and3A_503 = arith.andi %ge3A_497, %not3A_502 : vector<16xi1>
        %jit3A_504 = arith.constant 0xFF800000 : f32
        %broadcast_in_dim3A_505 = vector.broadcast %jit3A_504 : f32 to vector<16xf32>
        %select_n3A_506 = arith.select %and3A_503, %get3A_492, %broadcast_in_dim3A_505 : vector<16xi1>, vector<16xf32>
        %swap3A_507 = arith.index_cast %add3A_490 : i32 to index
        %swap3A_508 = tpu.vector_load %arg20[%swap3A_507] {strides = array<i32>} : memref<5120xf32, #tpu.memory_space<vmem>>, vector<16xf32>,
        tpu.vector_store %arg20[%swap3A_507], %select_n3A_506 {strides = array<i32>} : memref<5120xf32, #tpu.memory_space<vmem>>, vector<16xf32>,
        %eq3A_509 = arith.constant 8 : i32
        %eq3A_510 = vector.broadcast %eq3A_509 : i32 to vector<16xi32>
        %eq3A_511 = arith.cmpi eq, %iota3A, %eq3A_510 : vector<16xi32>
        %reduce_max3A_512 = arith.constant true
        %reduce_max3A_513 = vector.broadcast %reduce_max3A_512 : i1 to vector<16xi1>
        %reduce_max3A_514 = tpu.scan <max>, %select_n3A_506 masked %reduce_max3A_513 : vector<16xf32>, vector<16xi1> -> vector<16xf32>
        %reduce_max3A_515 = vector.extract %reduce_max3A_514[15] : f32 from vector<16xf32>
        %broadcast_in_dim3A_516 = vector.broadcast %reduce_max3A_515 : f32 to vector<16xf32>
        %select_n3A_517 = arith.select %eq3A_511, %broadcast_in_dim3A_516, %select_n3A_488 : vector<16xi1>, vector<16xf32>
        %add3A_518 = arith.constant 144 : i32
        %add3A_519 = arith.addi %mul3A_259, %add3A_518 : i32
        %get3A_520 = arith.index_cast %add3A_519 : i32 to index
        %get3A_521 = tpu.vector_load %arg18[%get3A_520] {strides = array<i32>} : memref<5120xf32, #tpu.memory_space<vmem>>, vector<16xf32>,
        %get3A_522 = arith.index_cast %add3A_519 : i32 to index
        %get3A_523 = tpu.vector_load %arg19[%get3A_522] {strides = array<i32>} : memref<5120xi32, #tpu.memory_space<vmem>>, vector<16xi32>,
        %ge3A_524 = arith.constant 2.000000e-01 : f32
        %ge3A_525 = vector.broadcast %ge3A_524 : f32 to vector<16xf32>
        %ge3A_526 = arith.cmpf oge, %get3A_521, %ge3A_525 : vector<16xf32>
        %eq3A_527 = arith.constant 1 : i32
        %eq3A_528 = vector.broadcast %eq3A_527 : i32 to vector<16xi32>
        %eq3A_529 = arith.cmpi eq, %get3A_523, %eq3A_528 : vector<16xi32>
        %not3A_530 = arith.constant dense<true> : vector<16xi1>
        %not3A_531 = arith.xori %eq3A_529, %not3A_530 : vector<16xi1>
        %and3A_532 = arith.andi %ge3A_526, %not3A_531 : vector<16xi1>
        %jit3A_533 = arith.constant 0xFF800000 : f32
        %broadcast_in_dim3A_534 = vector.broadcast %jit3A_533 : f32 to vector<16xf32>
        %select_n3A_535 = arith.select %and3A_532, %get3A_521, %broadcast_in_dim3A_534 : vector<16xi1>, vector<16xf32>
        %swap3A_536 = arith.index_cast %add3A_519 : i32 to index
        %swap3A_537 = tpu.vector_load %arg20[%swap3A_536] {strides = array<i32>} : memref<5120xf32, #tpu.memory_space<vmem>>, vector<16xf32>,
        tpu.vector_store %arg20[%swap3A_536], %select_n3A_535 {strides = array<i32>} : memref<5120xf32, #tpu.memory_space<vmem>>, vector<16xf32>,
        %eq3A_538 = arith.constant 9 : i32
        %eq3A_539 = vector.broadcast %eq3A_538 : i32 to vector<16xi32>
        %eq3A_540 = arith.cmpi eq, %iota3A, %eq3A_539 : vector<16xi32>
        %reduce_max3A_541 = arith.constant true
        %reduce_max3A_542 = vector.broadcast %reduce_max3A_541 : i1 to vector<16xi1>
        %reduce_max3A_543 = tpu.scan <max>, %select_n3A_535 masked %reduce_max3A_542 : vector<16xf32>, vector<16xi1> -> vector<16xf32>
        %reduce_max3A_544 = vector.extract %reduce_max3A_543[15] : f32 from vector<16xf32>
        %broadcast_in_dim3A_545 = vector.broadcast %reduce_max3A_544 : f32 to vector<16xf32>
        %select_n3A_546 = arith.select %eq3A_540, %broadcast_in_dim3A_545, %select_n3A_517 : vector<16xi1>, vector<16xf32>
        %add3A_547 = arith.constant 160 : i32
        %add3A_548 = arith.addi %mul3A_259, %add3A_547 : i32
        %get3A_549 = arith.index_cast %add3A_548 : i32 to index
        %get3A_550 = tpu.vector_load %arg18[%get3A_549] {strides = array<i32>} : memref<5120xf32, #tpu.memory_space<vmem>>, vector<16xf32>,
        %get3A_551 = arith.index_cast %add3A_548 : i32 to index
        %get3A_552 = tpu.vector_load %arg19[%get3A_551] {strides = array<i32>} : memref<5120xi32, #tpu.memory_space<vmem>>, vector<16xi32>,
        %ge3A_553 = arith.constant 2.000000e-01 : f32
        %ge3A_554 = vector.broadcast %ge3A_553 : f32 to vector<16xf32>
        %ge3A_555 = arith.cmpf oge, %get3A_550, %ge3A_554 : vector<16xf32>
        %eq3A_556 = arith.constant 1 : i32
        %eq3A_557 = vector.broadcast %eq3A_556 : i32 to vector<16xi32>
        %eq3A_558 = arith.cmpi eq, %get3A_552, %eq3A_557 : vector<16xi32>
        %not3A_559 = arith.constant dense<true> : vector<16xi1>
        %not3A_560 = arith.xori %eq3A_558, %not3A_559 : vector<16xi1>
        %and3A_561 = arith.andi %ge3A_555, %not3A_560 : vector<16xi1>
        %jit3A_562 = arith.constant 0xFF800000 : f32
        %broadcast_in_dim3A_563 = vector.broadcast %jit3A_562 : f32 to vector<16xf32>
        %select_n3A_564 = arith.select %and3A_561, %get3A_550, %broadcast_in_dim3A_563 : vector<16xi1>, vector<16xf32>
        %swap3A_565 = arith.index_cast %add3A_548 : i32 to index
        %swap3A_566 = tpu.vector_load %arg20[%swap3A_565] {strides = array<i32>} : memref<5120xf32, #tpu.memory_space<vmem>>, vector<16xf32>,
        tpu.vector_store %arg20[%swap3A_565], %select_n3A_564 {strides = array<i32>} : memref<5120xf32, #tpu.memory_space<vmem>>, vector<16xf32>,
        %eq3A_567 = arith.constant 10 : i32
        %eq3A_568 = vector.broadcast %eq3A_567 : i32 to vector<16xi32>
        %eq3A_569 = arith.cmpi eq, %iota3A, %eq3A_568 : vector<16xi32>
        %reduce_max3A_570 = arith.constant true
        %reduce_max3A_571 = vector.broadcast %reduce_max3A_570 : i1 to vector<16xi1>
        %reduce_max3A_572 = tpu.scan <max>, %select_n3A_564 masked %reduce_max3A_571 : vector<16xf32>, vector<16xi1> -> vector<16xf32>
        %reduce_max3A_573 = vector.extract %reduce_max3A_572[15] : f32 from vector<16xf32>
        %broadcast_in_dim3A_574 = vector.broadcast %reduce_max3A_573 : f32 to vector<16xf32>
        %select_n3A_575 = arith.select %eq3A_569, %broadcast_in_dim3A_574, %select_n3A_546 : vector<16xi1>, vector<16xf32>
        %add3A_576 = arith.constant 176 : i32
        %add3A_577 = arith.addi %mul3A_259, %add3A_576 : i32
        %get3A_578 = arith.index_cast %add3A_577 : i32 to index
        %get3A_579 = tpu.vector_load %arg18[%get3A_578] {strides = array<i32>} : memref<5120xf32, #tpu.memory_space<vmem>>, vector<16xf32>,
        %get3A_580 = arith.index_cast %add3A_577 : i32 to index
        %get3A_581 = tpu.vector_load %arg19[%get3A_580] {strides = array<i32>} : memref<5120xi32, #tpu.memory_space<vmem>>, vector<16xi32>,
        %ge3A_582 = arith.constant 2.000000e-01 : f32
        %ge3A_583 = vector.broadcast %ge3A_582 : f32 to vector<16xf32>
        %ge3A_584 = arith.cmpf oge, %get3A_579, %ge3A_583 : vector<16xf32>
        %eq3A_585 = arith.constant 1 : i32
        %eq3A_586 = vector.broadcast %eq3A_585 : i32 to vector<16xi32>
        %eq3A_587 = arith.cmpi eq, %get3A_581, %eq3A_586 : vector<16xi32>
        %not3A_588 = arith.constant dense<true> : vector<16xi1>
        %not3A_589 = arith.xori %eq3A_587, %not3A_588 : vector<16xi1>
        %and3A_590 = arith.andi %ge3A_584, %not3A_589 : vector<16xi1>
        %jit3A_591 = arith.constant 0xFF800000 : f32
        %broadcast_in_dim3A_592 = vector.broadcast %jit3A_591 : f32 to vector<16xf32>
        %select_n3A_593 = arith.select %and3A_590, %get3A_579, %broadcast_in_dim3A_592 : vector<16xi1>, vector<16xf32>
        %swap3A_594 = arith.index_cast %add3A_577 : i32 to index
        %swap3A_595 = tpu.vector_load %arg20[%swap3A_594] {strides = array<i32>} : memref<5120xf32, #tpu.memory_space<vmem>>, vector<16xf32>,
        tpu.vector_store %arg20[%swap3A_594], %select_n3A_593 {strides = array<i32>} : memref<5120xf32, #tpu.memory_space<vmem>>, vector<16xf32>,
        %eq3A_596 = arith.constant 11 : i32
        %eq3A_597 = vector.broadcast %eq3A_596 : i32 to vector<16xi32>
        %eq3A_598 = arith.cmpi eq, %iota3A, %eq3A_597 : vector<16xi32>
        %reduce_max3A_599 = arith.constant true
        %reduce_max3A_600 = vector.broadcast %reduce_max3A_599 : i1 to vector<16xi1>
        %reduce_max3A_601 = tpu.scan <max>, %select_n3A_593 masked %reduce_max3A_600 : vector<16xf32>, vector<16xi1> -> vector<16xf32>
        %reduce_max3A_602 = vector.extract %reduce_max3A_601[15] : f32 from vector<16xf32>
        %broadcast_in_dim3A_603 = vector.broadcast %reduce_max3A_602 : f32 to vector<16xf32>
        %select_n3A_604 = arith.select %eq3A_598, %broadcast_in_dim3A_603, %select_n3A_575 : vector<16xi1>, vector<16xf32>
        %add3A_605 = arith.constant 192 : i32
        %add3A_606 = arith.addi %mul3A_259, %add3A_605 : i32
        %get3A_607 = arith.index_cast %add3A_606 : i32 to index
        %get3A_608 = tpu.vector_load %arg18[%get3A_607] {strides = array<i32>} : memref<5120xf32, #tpu.memory_space<vmem>>, vector<16xf32>,
        %get3A_609 = arith.index_cast %add3A_606 : i32 to index
        %get3A_610 = tpu.vector_load %arg19[%get3A_609] {strides = array<i32>} : memref<5120xi32, #tpu.memory_space<vmem>>, vector<16xi32>,
        %ge3A_611 = arith.constant 2.000000e-01 : f32
        %ge3A_612 = vector.broadcast %ge3A_611 : f32 to vector<16xf32>
        %ge3A_613 = arith.cmpf oge, %get3A_608, %ge3A_612 : vector<16xf32>
        %eq3A_614 = arith.constant 1 : i32
        %eq3A_615 = vector.broadcast %eq3A_614 : i32 to vector<16xi32>
        %eq3A_616 = arith.cmpi eq, %get3A_610, %eq3A_615 : vector<16xi32>
        %not3A_617 = arith.constant dense<true> : vector<16xi1>
        %not3A_618 = arith.xori %eq3A_616, %not3A_617 : vector<16xi1>
        %and3A_619 = arith.andi %ge3A_613, %not3A_618 : vector<16xi1>
        %jit3A_620 = arith.constant 0xFF800000 : f32
        %broadcast_in_dim3A_621 = vector.broadcast %jit3A_620 : f32 to vector<16xf32>
        %select_n3A_622 = arith.select %and3A_619, %get3A_608, %broadcast_in_dim3A_621 : vector<16xi1>, vector<16xf32>
        %swap3A_623 = arith.index_cast %add3A_606 : i32 to index
        %swap3A_624 = tpu.vector_load %arg20[%swap3A_623] {strides = array<i32>} : memref<5120xf32, #tpu.memory_space<vmem>>, vector<16xf32>,
        tpu.vector_store %arg20[%swap3A_623], %select_n3A_622 {strides = array<i32>} : memref<5120xf32, #tpu.memory_space<vmem>>, vector<16xf32>,
        %eq3A_625 = arith.constant 12 : i32
        %eq3A_626 = vector.broadcast %eq3A_625 : i32 to vector<16xi32>
        %eq3A_627 = arith.cmpi eq, %iota3A, %eq3A_626 : vector<16xi32>
        %reduce_max3A_628 = arith.constant true
        %reduce_max3A_629 = vector.broadcast %reduce_max3A_628 : i1 to vector<16xi1>
        %reduce_max3A_630 = tpu.scan <max>, %select_n3A_622 masked %reduce_max3A_629 : vector<16xf32>, vector<16xi1> -> vector<16xf32>
        %reduce_max3A_631 = vector.extract %reduce_max3A_630[15] : f32 from vector<16xf32>
        %broadcast_in_dim3A_632 = vector.broadcast %reduce_max3A_631 : f32 to vector<16xf32>
        %select_n3A_633 = arith.select %eq3A_627, %broadcast_in_dim3A_632, %select_n3A_604 : vector<16xi1>, vector<16xf32>
        %add3A_634 = arith.constant 208 : i32
        %add3A_635 = arith.addi %mul3A_259, %add3A_634 : i32
        %get3A_636 = arith.index_cast %add3A_635 : i32 to index
        %get3A_637 = tpu.vector_load %arg18[%get3A_636] {strides = array<i32>} : memref<5120xf32, #tpu.memory_space<vmem>>, vector<16xf32>,
        %get3A_638 = arith.index_cast %add3A_635 : i32 to index
        %get3A_639 = tpu.vector_load %arg19[%get3A_638] {strides = array<i32>} : memref<5120xi32, #tpu.memory_space<vmem>>, vector<16xi32>,
        %ge3A_640 = arith.constant 2.000000e-01 : f32
        %ge3A_641 = vector.broadcast %ge3A_640 : f32 to vector<16xf32>
        %ge3A_642 = arith.cmpf oge, %get3A_637, %ge3A_641 : vector<16xf32>
        %eq3A_643 = arith.constant 1 : i32
        %eq3A_644 = vector.broadcast %eq3A_643 : i32 to vector<16xi32>
        %eq3A_645 = arith.cmpi eq, %get3A_639, %eq3A_644 : vector<16xi32>
        %not3A_646 = arith.constant dense<true> : vector<16xi1>
        %not3A_647 = arith.xori %eq3A_645, %not3A_646 : vector<16xi1>
        %and3A_648 = arith.andi %ge3A_642, %not3A_647 : vector<16xi1>
        %jit3A_649 = arith.constant 0xFF800000 : f32
        %broadcast_in_dim3A_650 = vector.broadcast %jit3A_649 : f32 to vector<16xf32>
        %select_n3A_651 = arith.select %and3A_648, %get3A_637, %broadcast_in_dim3A_650 : vector<16xi1>, vector<16xf32>
        %swap3A_652 = arith.index_cast %add3A_635 : i32 to index
        %swap3A_653 = tpu.vector_load %arg20[%swap3A_652] {strides = array<i32>} : memref<5120xf32, #tpu.memory_space<vmem>>, vector<16xf32>,
        tpu.vector_store %arg20[%swap3A_652], %select_n3A_651 {strides = array<i32>} : memref<5120xf32, #tpu.memory_space<vmem>>, vector<16xf32>,
        %eq3A_654 = arith.constant 13 : i32
        %eq3A_655 = vector.broadcast %eq3A_654 : i32 to vector<16xi32>
        %eq3A_656 = arith.cmpi eq, %iota3A, %eq3A_655 : vector<16xi32>
        %reduce_max3A_657 = arith.constant true
        %reduce_max3A_658 = vector.broadcast %reduce_max3A_657 : i1 to vector<16xi1>
        %reduce_max3A_659 = tpu.scan <max>, %select_n3A_651 masked %reduce_max3A_658 : vector<16xf32>, vector<16xi1> -> vector<16xf32>
        %reduce_max3A_660 = vector.extract %reduce_max3A_659[15] : f32 from vector<16xf32>
        %broadcast_in_dim3A_661 = vector.broadcast %reduce_max3A_660 : f32 to vector<16xf32>
        %select_n3A_662 = arith.select %eq3A_656, %broadcast_in_dim3A_661, %select_n3A_633 : vector<16xi1>, vector<16xf32>
        %add3A_663 = arith.constant 224 : i32
        %add3A_664 = arith.addi %mul3A_259, %add3A_663 : i32
        %get3A_665 = arith.index_cast %add3A_664 : i32 to index
        %get3A_666 = tpu.vector_load %arg18[%get3A_665] {strides = array<i32>} : memref<5120xf32, #tpu.memory_space<vmem>>, vector<16xf32>,
        %get3A_667 = arith.index_cast %add3A_664 : i32 to index
        %get3A_668 = tpu.vector_load %arg19[%get3A_667] {strides = array<i32>} : memref<5120xi32, #tpu.memory_space<vmem>>, vector<16xi32>,
        %ge3A_669 = arith.constant 2.000000e-01 : f32
        %ge3A_670 = vector.broadcast %ge3A_669 : f32 to vector<16xf32>
        %ge3A_671 = arith.cmpf oge, %get3A_666, %ge3A_670 : vector<16xf32>
        %eq3A_672 = arith.constant 1 : i32
        %eq3A_673 = vector.broadcast %eq3A_672 : i32 to vector<16xi32>
        %eq3A_674 = arith.cmpi eq, %get3A_668, %eq3A_673 : vector<16xi32>
        %not3A_675 = arith.constant dense<true> : vector<16xi1>
        %not3A_676 = arith.xori %eq3A_674, %not3A_675 : vector<16xi1>
        %and3A_677 = arith.andi %ge3A_671, %not3A_676 : vector<16xi1>
        %jit3A_678 = arith.constant 0xFF800000 : f32
        %broadcast_in_dim3A_679 = vector.broadcast %jit3A_678 : f32 to vector<16xf32>
        %select_n3A_680 = arith.select %and3A_677, %get3A_666, %broadcast_in_dim3A_679 : vector<16xi1>, vector<16xf32>
        %swap3A_681 = arith.index_cast %add3A_664 : i32 to index
        %swap3A_682 = tpu.vector_load %arg20[%swap3A_681] {strides = array<i32>} : memref<5120xf32, #tpu.memory_space<vmem>>, vector<16xf32>,
        tpu.vector_store %arg20[%swap3A_681], %select_n3A_680 {strides = array<i32>} : memref<5120xf32, #tpu.memory_space<vmem>>, vector<16xf32>,
        %eq3A_683 = arith.constant 14 : i32
        %eq3A_684 = vector.broadcast %eq3A_683 : i32 to vector<16xi32>
        %eq3A_685 = arith.cmpi eq, %iota3A, %eq3A_684 : vector<16xi32>
        %reduce_max3A_686 = arith.constant true
        %reduce_max3A_687 = vector.broadcast %reduce_max3A_686 : i1 to vector<16xi1>
        %reduce_max3A_688 = tpu.scan <max>, %select_n3A_680 masked %reduce_max3A_687 : vector<16xf32>, vector<16xi1> -> vector<16xf32>
        %reduce_max3A_689 = vector.extract %reduce_max3A_688[15] : f32 from vector<16xf32>
        %broadcast_in_dim3A_690 = vector.broadcast %reduce_max3A_689 : f32 to vector<16xf32>
        %select_n3A_691 = arith.select %eq3A_685, %broadcast_in_dim3A_690, %select_n3A_662 : vector<16xi1>, vector<16xf32>
        %add3A_692 = arith.constant 240 : i32
        %add3A_693 = arith.addi %mul3A_259, %add3A_692 : i32
        %get3A_694 = arith.index_cast %add3A_693 : i32 to index
        %get3A_695 = tpu.vector_load %arg18[%get3A_694] {strides = array<i32>} : memref<5120xf32, #tpu.memory_space<vmem>>, vector<16xf32>,
        %get3A_696 = arith.index_cast %add3A_693 : i32 to index
        %get3A_697 = tpu.vector_load %arg19[%get3A_696] {strides = array<i32>} : memref<5120xi32, #tpu.memory_space<vmem>>, vector<16xi32>,
        %ge3A_698 = arith.constant 2.000000e-01 : f32
        %ge3A_699 = vector.broadcast %ge3A_698 : f32 to vector<16xf32>
        %ge3A_700 = arith.cmpf oge, %get3A_695, %ge3A_699 : vector<16xf32>
        %eq3A_701 = arith.constant 1 : i32
        %eq3A_702 = vector.broadcast %eq3A_701 : i32 to vector<16xi32>
        %eq3A_703 = arith.cmpi eq, %get3A_697, %eq3A_702 : vector<16xi32>
        %not3A_704 = arith.constant dense<true> : vector<16xi1>
        %not3A_705 = arith.xori %eq3A_703, %not3A_704 : vector<16xi1>
        %and3A_706 = arith.andi %ge3A_700, %not3A_705 : vector<16xi1>
        %jit3A_707 = arith.constant 0xFF800000 : f32
        %broadcast_in_dim3A_708 = vector.broadcast %jit3A_707 : f32 to vector<16xf32>
        %select_n3A_709 = arith.select %and3A_706, %get3A_695, %broadcast_in_dim3A_708 : vector<16xi1>, vector<16xf32>
        %swap3A_710 = arith.index_cast %add3A_693 : i32 to index
        %swap3A_711 = tpu.vector_load %arg20[%swap3A_710] {strides = array<i32>} : memref<5120xf32, #tpu.memory_space<vmem>>, vector<16xf32>,
        tpu.vector_store %arg20[%swap3A_710], %select_n3A_709 {strides = array<i32>} : memref<5120xf32, #tpu.memory_space<vmem>>, vector<16xf32>,
        %eq3A_712 = arith.constant 15 : i32
        %eq3A_713 = vector.broadcast %eq3A_712 : i32 to vector<16xi32>
        %eq3A_714 = arith.cmpi eq, %iota3A, %eq3A_713 : vector<16xi32>
        %reduce_max3A_715 = arith.constant true
        %reduce_max3A_716 = vector.broadcast %reduce_max3A_715 : i1 to vector<16xi1>
        %reduce_max3A_717 = tpu.scan <max>, %select_n3A_709 masked %reduce_max3A_716 : vector<16xf32>, vector<16xi1> -> vector<16xf32>
        %reduce_max3A_718 = vector.extract %reduce_max3A_717[15] : f32 from vector<16xf32>
        %broadcast_in_dim3A_719 = vector.broadcast %reduce_max3A_718 : f32 to vector<16xf32>
        %select_n3A_720 = arith.select %eq3A_714, %broadcast_in_dim3A_719, %select_n3A_691 : vector<16xi1>, vector<16xf32>
        %mul3A_721 = arith.constant 16 : i32
        %mul3A_722 = arith.muli %scan3A_258, %mul3A_721 : i32
        %swap3A_723 = arith.index_cast %mul3A_722 : i32 to index
        %swap3A_724 = tpu.vector_load %arg21[%swap3A_723] {strides = array<i32>} : memref<320xf32, #tpu.memory_space<vmem>>, vector<16xf32>,
        tpu.vector_store %arg21[%swap3A_723], %select_n3A_720 {strides = array<i32>} : memref<320xf32, #tpu.memory_space<vmem>>, vector<16xf32>,
      }
      %scan3A_34 = arith.constant 20 : i32
      %broadcast_in_dim3A = arith.constant 0xFF800000 : f32
      %broadcast_in_dim3A_35 = vector.broadcast %broadcast_in_dim3A : f32 to vector<16xf32>
      %eq3A_36 = arith.constant 0 : i32
      %eq3A_37 = vector.broadcast %eq3A_36 : i32 to vector<16xi32>
      %eq3A_38 = arith.cmpi eq, %iota3A, %eq3A_37 : vector<16xi32>
      %get3A = arith.constant 0 : index
      %get3A_39 = tpu.vector_load %arg21[%get3A] {strides = array<i32>} : memref<320xf32, #tpu.memory_space<vmem>>, vector<16xf32>,
      %reduce_max3A = arith.constant true
      %reduce_max3A_40 = vector.broadcast %reduce_max3A : i1 to vector<16xi1>
      %reduce_max3A_41 = tpu.scan <max>, %get3A_39 masked %reduce_max3A_40 : vector<16xf32>, vector<16xi1> -> vector<16xf32>
      %reduce_max3A_42 = vector.extract %reduce_max3A_41[15] : f32 from vector<16xf32>
      %broadcast_in_dim3A_43 = vector.broadcast %reduce_max3A_42 : f32 to vector<16xf32>
      %select_n3A = arith.select %eq3A_38, %broadcast_in_dim3A_43, %broadcast_in_dim3A_35 : vector<16xi1>, vector<16xf32>
      %eq3A_44 = arith.constant 1 : i32
      %eq3A_45 = vector.broadcast %eq3A_44 : i32 to vector<16xi32>
      %eq3A_46 = arith.cmpi eq, %iota3A, %eq3A_45 : vector<16xi32>
      %get3A_47 = arith.constant 16 : index
      %get3A_48 = tpu.vector_load %arg21[%get3A_47] {strides = array<i32>} : memref<320xf32, #tpu.memory_space<vmem>>, vector<16xf32>,
      %reduce_max3A_49 = arith.constant true
      %reduce_max3A_50 = vector.broadcast %reduce_max3A_49 : i1 to vector<16xi1>
      %reduce_max3A_51 = tpu.scan <max>, %get3A_48 masked %reduce_max3A_50 : vector<16xf32>, vector<16xi1> -> vector<16xf32>
      %reduce_max3A_52 = vector.extract %reduce_max3A_51[15] : f32 from vector<16xf32>
      %broadcast_in_dim3A_53 = vector.broadcast %reduce_max3A_52 : f32 to vector<16xf32>
      %select_n3A_54 = arith.select %eq3A_46, %broadcast_in_dim3A_53, %select_n3A : vector<16xi1>, vector<16xf32>
      %eq3A_55 = arith.constant 2 : i32
      %eq3A_56 = vector.broadcast %eq3A_55 : i32 to vector<16xi32>
      %eq3A_57 = arith.cmpi eq, %iota3A, %eq3A_56 : vector<16xi32>
      %get3A_58 = arith.constant 32 : index
      %get3A_59 = tpu.vector_load %arg21[%get3A_58] {strides = array<i32>} : memref<320xf32, #tpu.memory_space<vmem>>, vector<16xf32>,
      %reduce_max3A_60 = arith.constant true
      %reduce_max3A_61 = vector.broadcast %reduce_max3A_60 : i1 to vector<16xi1>
      %reduce_max3A_62 = tpu.scan <max>, %get3A_59 masked %reduce_max3A_61 : vector<16xf32>, vector<16xi1> -> vector<16xf32>
      %reduce_max3A_63 = vector.extract %reduce_max3A_62[15] : f32 from vector<16xf32>
      %broadcast_in_dim3A_64 = vector.broadcast %reduce_max3A_63 : f32 to vector<16xf32>
      %select_n3A_65 = arith.select %eq3A_57, %broadcast_in_dim3A_64, %select_n3A_54 : vector<16xi1>, vector<16xf32>
      %eq3A_66 = arith.constant 3 : i32
      %eq3A_67 = vector.broadcast %eq3A_66 : i32 to vector<16xi32>
      %eq3A_68 = arith.cmpi eq, %iota3A, %eq3A_67 : vector<16xi32>
      %get3A_69 = arith.constant 48 : index
      %get3A_70 = tpu.vector_load %arg21[%get3A_69] {strides = array<i32>} : memref<320xf32, #tpu.memory_space<vmem>>, vector<16xf32>,
      %reduce_max3A_71 = arith.constant true
      %reduce_max3A_72 = vector.broadcast %reduce_max3A_71 : i1 to vector<16xi1>
      %reduce_max3A_73 = tpu.scan <max>, %get3A_70 masked %reduce_max3A_72 : vector<16xf32>, vector<16xi1> -> vector<16xf32>
      %reduce_max3A_74 = vector.extract %reduce_max3A_73[15] : f32 from vector<16xf32>
      %broadcast_in_dim3A_75 = vector.broadcast %reduce_max3A_74 : f32 to vector<16xf32>
      %select_n3A_76 = arith.select %eq3A_68, %broadcast_in_dim3A_75, %select_n3A_65 : vector<16xi1>, vector<16xf32>
      %eq3A_77 = arith.constant 4 : i32
      %eq3A_78 = vector.broadcast %eq3A_77 : i32 to vector<16xi32>
      %eq3A_79 = arith.cmpi eq, %iota3A, %eq3A_78 : vector<16xi32>
      %get3A_80 = arith.constant 64 : index
      %get3A_81 = tpu.vector_load %arg21[%get3A_80] {strides = array<i32>} : memref<320xf32, #tpu.memory_space<vmem>>, vector<16xf32>,
      %reduce_max3A_82 = arith.constant true
      %reduce_max3A_83 = vector.broadcast %reduce_max3A_82 : i1 to vector<16xi1>
      %reduce_max3A_84 = tpu.scan <max>, %get3A_81 masked %reduce_max3A_83 : vector<16xf32>, vector<16xi1> -> vector<16xf32>
      %reduce_max3A_85 = vector.extract %reduce_max3A_84[15] : f32 from vector<16xf32>
      %broadcast_in_dim3A_86 = vector.broadcast %reduce_max3A_85 : f32 to vector<16xf32>
      %select_n3A_87 = arith.select %eq3A_79, %broadcast_in_dim3A_86, %select_n3A_76 : vector<16xi1>, vector<16xf32>
      %eq3A_88 = arith.constant 5 : i32
      %eq3A_89 = vector.broadcast %eq3A_88 : i32 to vector<16xi32>
      %eq3A_90 = arith.cmpi eq, %iota3A, %eq3A_89 : vector<16xi32>
      %get3A_91 = arith.constant 80 : index
      %get3A_92 = tpu.vector_load %arg21[%get3A_91] {strides = array<i32>} : memref<320xf32, #tpu.memory_space<vmem>>, vector<16xf32>,
      %reduce_max3A_93 = arith.constant true
      %reduce_max3A_94 = vector.broadcast %reduce_max3A_93 : i1 to vector<16xi1>
      %reduce_max3A_95 = tpu.scan <max>, %get3A_92 masked %reduce_max3A_94 : vector<16xf32>, vector<16xi1> -> vector<16xf32>
      %reduce_max3A_96 = vector.extract %reduce_max3A_95[15] : f32 from vector<16xf32>
      %broadcast_in_dim3A_97 = vector.broadcast %reduce_max3A_96 : f32 to vector<16xf32>
      %select_n3A_98 = arith.select %eq3A_90, %broadcast_in_dim3A_97, %select_n3A_87 : vector<16xi1>, vector<16xf32>
      %eq3A_99 = arith.constant 6 : i32
      %eq3A_100 = vector.broadcast %eq3A_99 : i32 to vector<16xi32>
      %eq3A_101 = arith.cmpi eq, %iota3A, %eq3A_100 : vector<16xi32>
      %get3A_102 = arith.constant 96 : index
      %get3A_103 = tpu.vector_load %arg21[%get3A_102] {strides = array<i32>} : memref<320xf32, #tpu.memory_space<vmem>>, vector<16xf32>,
      %reduce_max3A_104 = arith.constant true
      %reduce_max3A_105 = vector.broadcast %reduce_max3A_104 : i1 to vector<16xi1>
      %reduce_max3A_106 = tpu.scan <max>, %get3A_103 masked %reduce_max3A_105 : vector<16xf32>, vector<16xi1> -> vector<16xf32>
      %reduce_max3A_107 = vector.extract %reduce_max3A_106[15] : f32 from vector<16xf32>
      %broadcast_in_dim3A_108 = vector.broadcast %reduce_max3A_107 : f32 to vector<16xf32>
      %select_n3A_109 = arith.select %eq3A_101, %broadcast_in_dim3A_108, %select_n3A_98 : vector<16xi1>, vector<16xf32>
      %eq3A_110 = arith.constant 7 : i32
      %eq3A_111 = vector.broadcast %eq3A_110 : i32 to vector<16xi32>
      %eq3A_112 = arith.cmpi eq, %iota3A, %eq3A_111 : vector<16xi32>
      %get3A_113 = arith.constant 112 : index
      %get3A_114 = tpu.vector_load %arg21[%get3A_113] {strides = array<i32>} : memref<320xf32, #tpu.memory_space<vmem>>, vector<16xf32>,
      %reduce_max3A_115 = arith.constant true
      %reduce_max3A_116 = vector.broadcast %reduce_max3A_115 : i1 to vector<16xi1>
      %reduce_max3A_117 = tpu.scan <max>, %get3A_114 masked %reduce_max3A_116 : vector<16xf32>, vector<16xi1> -> vector<16xf32>
      %reduce_max3A_118 = vector.extract %reduce_max3A_117[15] : f32 from vector<16xf32>
      %broadcast_in_dim3A_119 = vector.broadcast %reduce_max3A_118 : f32 to vector<16xf32>
      %select_n3A_120 = arith.select %eq3A_112, %broadcast_in_dim3A_119, %select_n3A_109 : vector<16xi1>, vector<16xf32>
      %eq3A_121 = arith.constant 8 : i32
      %eq3A_122 = vector.broadcast %eq3A_121 : i32 to vector<16xi32>
      %eq3A_123 = arith.cmpi eq, %iota3A, %eq3A_122 : vector<16xi32>
      %get3A_124 = arith.constant 128 : index
      %get3A_125 = tpu.vector_load %arg21[%get3A_124] {strides = array<i32>} : memref<320xf32, #tpu.memory_space<vmem>>, vector<16xf32>,
      %reduce_max3A_126 = arith.constant true
      %reduce_max3A_127 = vector.broadcast %reduce_max3A_126 : i1 to vector<16xi1>
      %reduce_max3A_128 = tpu.scan <max>, %get3A_125 masked %reduce_max3A_127 : vector<16xf32>, vector<16xi1> -> vector<16xf32>
      %reduce_max3A_129 = vector.extract %reduce_max3A_128[15] : f32 from vector<16xf32>
      %broadcast_in_dim3A_130 = vector.broadcast %reduce_max3A_129 : f32 to vector<16xf32>
      %select_n3A_131 = arith.select %eq3A_123, %broadcast_in_dim3A_130, %select_n3A_120 : vector<16xi1>, vector<16xf32>
      %eq3A_132 = arith.constant 9 : i32
      %eq3A_133 = vector.broadcast %eq3A_132 : i32 to vector<16xi32>
      %eq3A_134 = arith.cmpi eq, %iota3A, %eq3A_133 : vector<16xi32>
      %get3A_135 = arith.constant 144 : index
      %get3A_136 = tpu.vector_load %arg21[%get3A_135] {strides = array<i32>} : memref<320xf32, #tpu.memory_space<vmem>>, vector<16xf32>,
      %reduce_max3A_137 = arith.constant true
      %reduce_max3A_138 = vector.broadcast %reduce_max3A_137 : i1 to vector<16xi1>
      %reduce_max3A_139 = tpu.scan <max>, %get3A_136 masked %reduce_max3A_138 : vector<16xf32>, vector<16xi1> -> vector<16xf32>
      %reduce_max3A_140 = vector.extract %reduce_max3A_139[15] : f32 from vector<16xf32>
      %broadcast_in_dim3A_141 = vector.broadcast %reduce_max3A_140 : f32 to vector<16xf32>
      %select_n3A_142 = arith.select %eq3A_134, %broadcast_in_dim3A_141, %select_n3A_131 : vector<16xi1>, vector<16xf32>
      %eq3A_143 = arith.constant 10 : i32
      %eq3A_144 = vector.broadcast %eq3A_143 : i32 to vector<16xi32>
      %eq3A_145 = arith.cmpi eq, %iota3A, %eq3A_144 : vector<16xi32>
      %get3A_146 = arith.constant 160 : index
      %get3A_147 = tpu.vector_load %arg21[%get3A_146] {strides = array<i32>} : memref<320xf32, #tpu.memory_space<vmem>>, vector<16xf32>,
      %reduce_max3A_148 = arith.constant true
      %reduce_max3A_149 = vector.broadcast %reduce_max3A_148 : i1 to vector<16xi1>
      %reduce_max3A_150 = tpu.scan <max>, %get3A_147 masked %reduce_max3A_149 : vector<16xf32>, vector<16xi1> -> vector<16xf32>
      %reduce_max3A_151 = vector.extract %reduce_max3A_150[15] : f32 from vector<16xf32>
      %broadcast_in_dim3A_152 = vector.broadcast %reduce_max3A_151 : f32 to vector<16xf32>
      %select_n3A_153 = arith.select %eq3A_145, %broadcast_in_dim3A_152, %select_n3A_142 : vector<16xi1>, vector<16xf32>
      %eq3A_154 = arith.constant 11 : i32
      %eq3A_155 = vector.broadcast %eq3A_154 : i32 to vector<16xi32>
      %eq3A_156 = arith.cmpi eq, %iota3A, %eq3A_155 : vector<16xi32>
      %get3A_157 = arith.constant 176 : index
      %get3A_158 = tpu.vector_load %arg21[%get3A_157] {strides = array<i32>} : memref<320xf32, #tpu.memory_space<vmem>>, vector<16xf32>,
      %reduce_max3A_159 = arith.constant true
      %reduce_max3A_160 = vector.broadcast %reduce_max3A_159 : i1 to vector<16xi1>
      %reduce_max3A_161 = tpu.scan <max>, %get3A_158 masked %reduce_max3A_160 : vector<16xf32>, vector<16xi1> -> vector<16xf32>
      %reduce_max3A_162 = vector.extract %reduce_max3A_161[15] : f32 from vector<16xf32>
      %broadcast_in_dim3A_163 = vector.broadcast %reduce_max3A_162 : f32 to vector<16xf32>
      %select_n3A_164 = arith.select %eq3A_156, %broadcast_in_dim3A_163, %select_n3A_153 : vector<16xi1>, vector<16xf32>
      %eq3A_165 = arith.constant 12 : i32
      %eq3A_166 = vector.broadcast %eq3A_165 : i32 to vector<16xi32>
      %eq3A_167 = arith.cmpi eq, %iota3A, %eq3A_166 : vector<16xi32>
      %get3A_168 = arith.constant 192 : index
      %get3A_169 = tpu.vector_load %arg21[%get3A_168] {strides = array<i32>} : memref<320xf32, #tpu.memory_space<vmem>>, vector<16xf32>,
      %reduce_max3A_170 = arith.constant true
      %reduce_max3A_171 = vector.broadcast %reduce_max3A_170 : i1 to vector<16xi1>
      %reduce_max3A_172 = tpu.scan <max>, %get3A_169 masked %reduce_max3A_171 : vector<16xf32>, vector<16xi1> -> vector<16xf32>
      %reduce_max3A_173 = vector.extract %reduce_max3A_172[15] : f32 from vector<16xf32>
      %broadcast_in_dim3A_174 = vector.broadcast %reduce_max3A_173 : f32 to vector<16xf32>
      %select_n3A_175 = arith.select %eq3A_167, %broadcast_in_dim3A_174, %select_n3A_164 : vector<16xi1>, vector<16xf32>
      %eq3A_176 = arith.constant 13 : i32
      %eq3A_177 = vector.broadcast %eq3A_176 : i32 to vector<16xi32>
      %eq3A_178 = arith.cmpi eq, %iota3A, %eq3A_177 : vector<16xi32>
      %get3A_179 = arith.constant 208 : index
      %get3A_180 = tpu.vector_load %arg21[%get3A_179] {strides = array<i32>} : memref<320xf32, #tpu.memory_space<vmem>>, vector<16xf32>,
      %reduce_max3A_181 = arith.constant true
      %reduce_max3A_182 = vector.broadcast %reduce_max3A_181 : i1 to vector<16xi1>
      %reduce_max3A_183 = tpu.scan <max>, %get3A_180 masked %reduce_max3A_182 : vector<16xf32>, vector<16xi1> -> vector<16xf32>
      %reduce_max3A_184 = vector.extract %reduce_max3A_183[15] : f32 from vector<16xf32>
      %broadcast_in_dim3A_185 = vector.broadcast %reduce_max3A_184 : f32 to vector<16xf32>
      %select_n3A_186 = arith.select %eq3A_178, %broadcast_in_dim3A_185, %select_n3A_175 : vector<16xi1>, vector<16xf32>
      %eq3A_187 = arith.constant 14 : i32
      %eq3A_188 = vector.broadcast %eq3A_187 : i32 to vector<16xi32>
      %eq3A_189 = arith.cmpi eq, %iota3A, %eq3A_188 : vector<16xi32>
      %get3A_190 = arith.constant 224 : index
      %get3A_191 = tpu.vector_load %arg21[%get3A_190] {strides = array<i32>} : memref<320xf32, #tpu.memory_space<vmem>>, vector<16xf32>,
      %reduce_max3A_192 = arith.constant true
      %reduce_max3A_193 = vector.broadcast %reduce_max3A_192 : i1 to vector<16xi1>
      %reduce_max3A_194 = tpu.scan <max>, %get3A_191 masked %reduce_max3A_193 : vector<16xf32>, vector<16xi1> -> vector<16xf32>
      %reduce_max3A_195 = vector.extract %reduce_max3A_194[15] : f32 from vector<16xf32>
      %broadcast_in_dim3A_196 = vector.broadcast %reduce_max3A_195 : f32 to vector<16xf32>
      %select_n3A_197 = arith.select %eq3A_189, %broadcast_in_dim3A_196, %select_n3A_186 : vector<16xi1>, vector<16xf32>
      %eq3A_198 = arith.constant 15 : i32
      %eq3A_199 = vector.broadcast %eq3A_198 : i32 to vector<16xi32>
      %eq3A_200 = arith.cmpi eq, %iota3A, %eq3A_199 : vector<16xi32>
      %get3A_201 = arith.constant 240 : index
      %get3A_202 = tpu.vector_load %arg21[%get3A_201] {strides = array<i32>} : memref<320xf32, #tpu.memory_space<vmem>>, vector<16xf32>,
      %reduce_max3A_203 = arith.constant true
      %reduce_max3A_204 = vector.broadcast %reduce_max3A_203 : i1 to vector<16xi1>
      %reduce_max3A_205 = tpu.scan <max>, %get3A_202 masked %reduce_max3A_204 : vector<16xf32>, vector<16xi1> -> vector<16xf32>
      %reduce_max3A_206 = vector.extract %reduce_max3A_205[15] : f32 from vector<16xf32>
      %broadcast_in_dim3A_207 = vector.broadcast %reduce_max3A_206 : f32 to vector<16xf32>
      %select_n3A_208 = arith.select %eq3A_200, %broadcast_in_dim3A_207, %select_n3A_197 : vector<16xi1>, vector<16xf32>
      %swap3A = arith.constant 0 : index
      %swap3A_209 = tpu.vector_load %arg22[%swap3A] {strides = array<i32>} : memref<32xf32, #tpu.memory_space<vmem>>, vector<16xf32>,
      tpu.vector_store %arg22[%swap3A], %select_n3A_208 {strides = array<i32>} : memref<32xf32, #tpu.memory_space<vmem>>, vector<16xf32>,
      %broadcast_in_dim3A_210 = arith.constant 0xFF800000 : f32
      %broadcast_in_dim3A_211 = vector.broadcast %broadcast_in_dim3A_210 : f32 to vector<16xf32>
      %eq3A_212 = arith.constant 0 : i32
      %eq3A_213 = vector.broadcast %eq3A_212 : i32 to vector<16xi32>
      %eq3A_214 = arith.cmpi eq, %iota3A, %eq3A_213 : vector<16xi32>
      %get3A_215 = arith.constant 256 : index
      %get3A_216 = tpu.vector_load %arg21[%get3A_215] {strides = array<i32>} : memref<320xf32, #tpu.memory_space<vmem>>, vector<16xf32>,
      %reduce_max3A_217 = arith.constant true
      %reduce_max3A_218 = vector.broadcast %reduce_max3A_217 : i1 to vector<16xi1>
      %reduce_max3A_219 = tpu.scan <max>, %get3A_216 masked %reduce_max3A_218 : vector<16xf32>, vector<16xi1> -> vector<16xf32>
      %reduce_max3A_220 = vector.extract %reduce_max3A_219[15] : f32 from vector<16xf32>
      %broadcast_in_dim3A_221 = vector.broadcast %reduce_max3A_220 : f32 to vector<16xf32>
      %select_n3A_222 = arith.select %eq3A_214, %broadcast_in_dim3A_221, %broadcast_in_dim3A_211 : vector<16xi1>, vector<16xf32>
      %eq3A_223 = arith.constant 1 : i32
      %eq3A_224 = vector.broadcast %eq3A_223 : i32 to vector<16xi32>
      %eq3A_225 = arith.cmpi eq, %iota3A, %eq3A_224 : vector<16xi32>
      %get3A_226 = arith.constant 272 : index
      %get3A_227 = tpu.vector_load %arg21[%get3A_226] {strides = array<i32>} : memref<320xf32, #tpu.memory_space<vmem>>, vector<16xf32>,
      %reduce_max3A_228 = arith.constant true
      %reduce_max3A_229 = vector.broadcast %reduce_max3A_228 : i1 to vector<16xi1>
      %reduce_max3A_230 = tpu.scan <max>, %get3A_227 masked %reduce_max3A_229 : vector<16xf32>, vector<16xi1> -> vector<16xf32>
      %reduce_max3A_231 = vector.extract %reduce_max3A_230[15] : f32 from vector<16xf32>
      %broadcast_in_dim3A_232 = vector.broadcast %reduce_max3A_231 : f32 to vector<16xf32>
      %select_n3A_233 = arith.select %eq3A_225, %broadcast_in_dim3A_232, %select_n3A_222 : vector<16xi1>, vector<16xf32>
      %eq3A_234 = arith.constant 2 : i32
      %eq3A_235 = vector.broadcast %eq3A_234 : i32 to vector<16xi32>
      %eq3A_236 = arith.cmpi eq, %iota3A, %eq3A_235 : vector<16xi32>
      %get3A_237 = arith.constant 288 : index
      %get3A_238 = tpu.vector_load %arg21[%get3A_237] {strides = array<i32>} : memref<320xf32, #tpu.memory_space<vmem>>, vector<16xf32>,
      %reduce_max3A_239 = arith.constant true
      %reduce_max3A_240 = vector.broadcast %reduce_max3A_239 : i1 to vector<16xi1>
      %reduce_max3A_241 = tpu.scan <max>, %get3A_238 masked %reduce_max3A_240 : vector<16xf32>, vector<16xi1> -> vector<16xf32>
      %reduce_max3A_242 = vector.extract %reduce_max3A_241[15] : f32 from vector<16xf32>
      %broadcast_in_dim3A_243 = vector.broadcast %reduce_max3A_242 : f32 to vector<16xf32>
      %select_n3A_244 = arith.select %eq3A_236, %broadcast_in_dim3A_243, %select_n3A_233 : vector<16xi1>, vector<16xf32>
      %eq3A_245 = arith.constant 3 : i32
      %eq3A_246 = vector.broadcast %eq3A_245 : i32 to vector<16xi32>
      %eq3A_247 = arith.cmpi eq, %iota3A, %eq3A_246 : vector<16xi32>
      %get3A_248 = arith.constant 304 : index
      %get3A_249 = tpu.vector_load %arg21[%get3A_248] {strides = array<i32>} : memref<320xf32, #tpu.memory_space<vmem>>, vector<16xf32>,
      %reduce_max3A_250 = arith.constant true
      %reduce_max3A_251 = vector.broadcast %reduce_max3A_250 : i1 to vector<16xi1>
      %reduce_max3A_252 = tpu.scan <max>, %get3A_249 masked %reduce_max3A_251 : vector<16xf32>, vector<16xi1> -> vector<16xf32>
      %reduce_max3A_253 = vector.extract %reduce_max3A_252[15] : f32 from vector<16xf32>
      %broadcast_in_dim3A_254 = vector.broadcast %reduce_max3A_253 : f32 to vector<16xf32>
      %select_n3A_255 = arith.select %eq3A_247, %broadcast_in_dim3A_254, %select_n3A_244 : vector<16xi1>, vector<16xf32>
      %swap3A_256 = arith.constant 16 : index
      %swap3A_257 = tpu.vector_load %arg22[%swap3A_256] {strides = array<i32>} : memref<32xf32, #tpu.memory_space<vmem>>, vector<16xf32>,
      tpu.vector_store %arg22[%swap3A_256], %select_n3A_255 {strides = array<i32>} : memref<32xf32, #tpu.memory_space<vmem>>, vector<16xf32>,
      tpu.wait_dma2 semaphore(%arg40 : memref<!tpu.dma_semaphore, #tpu.memory_space<semaphore_mem>>) src(%arg2 : memref<5120xf32, #tpu.memory_space<hbm>>) dst(%arg14 : memref<5120xf32, #tpu.memory_space<vmem>>)
      tpu.wait_dma2 semaphore(%arg40 : memref<!tpu.dma_semaphore, #tpu.memory_space<semaphore_mem>>) src(%arg3 : memref<5120xf32, #tpu.memory_space<hbm>>) dst(%arg15 : memref<5120xf32, #tpu.memory_space<vmem>>)
      tpu.wait_dma2 semaphore(%arg40 : memref<!tpu.dma_semaphore, #tpu.memory_space<semaphore_mem>>) src(%arg4 : memref<5120xf32, #tpu.memory_space<hbm>>) dst(%arg16 : memref<5120xf32, #tpu.memory_space<vmem>>)
      tpu.wait_dma2 semaphore(%arg40 : memref<!tpu.dma_semaphore, #tpu.memory_space<semaphore_mem>>) src(%arg5 : memref<5120xf32, #tpu.memory_space<hbm>>) dst(%arg17 : memref<5120xf32, #tpu.memory_space<vmem>>)
    } else {
    }
    %eq3A_9 = arith.constant 1 : i32
    %eq3A_10 = arith.cmpi eq, %arg1, %eq3A_9 : i32
    %convert_element_type3A_11 = arith.extui %eq3A_10 : i1 to i32
    %cond3A_12 = arith.constant 0 : i32
    %cond3A_13 = arith.cmpi ne, %convert_element_type3A_11, %cond3A_12 : i32
    scf.if %cond3A_13 {
      tpu.enqueue_dma source(%arg6 : memref<5120xf32, #tpu.memory_space<hbm>>) target(%arg18 : memref<5120xf32, #tpu.memory_space<vmem>>) target_semaphore(%arg39 : memref<!tpu.dma_semaphore, #tpu.memory_space<semaphore_mem>>)
      tpu.enqueue_dma source(%arg7 : memref<5120xi32, #tpu.memory_space<hbm>>) target(%arg19 : memref<5120xi32, #tpu.memory_space<vmem>>) target_semaphore(%arg39 : memref<!tpu.dma_semaphore, #tpu.memory_space<semaphore_mem>>)
      tpu.enqueue_dma source(%arg2 : memref<5120xf32, #tpu.memory_space<hbm>>) target(%arg14 : memref<5120xf32, #tpu.memory_space<vmem>>) target_semaphore(%arg40 : memref<!tpu.dma_semaphore, #tpu.memory_space<semaphore_mem>>)
      tpu.enqueue_dma source(%arg3 : memref<5120xf32, #tpu.memory_space<hbm>>) target(%arg15 : memref<5120xf32, #tpu.memory_space<vmem>>) target_semaphore(%arg40 : memref<!tpu.dma_semaphore, #tpu.memory_space<semaphore_mem>>)
      tpu.enqueue_dma source(%arg4 : memref<5120xf32, #tpu.memory_space<hbm>>) target(%arg16 : memref<5120xf32, #tpu.memory_space<vmem>>) target_semaphore(%arg40 : memref<!tpu.dma_semaphore, #tpu.memory_space<semaphore_mem>>)
      tpu.enqueue_dma source(%arg5 : memref<5120xf32, #tpu.memory_space<hbm>>) target(%arg17 : memref<5120xf32, #tpu.memory_space<vmem>>) target_semaphore(%arg40 : memref<!tpu.dma_semaphore, #tpu.memory_space<semaphore_mem>>)
      tpu.wait_dma2 semaphore(%arg39 : memref<!tpu.dma_semaphore, #tpu.memory_space<semaphore_mem>>) src(%arg6 : memref<5120xf32, #tpu.memory_space<hbm>>) dst(%arg18 : memref<5120xf32, #tpu.memory_space<vmem>>)
      tpu.wait_dma2 semaphore(%arg39 : memref<!tpu.dma_semaphore, #tpu.memory_space<semaphore_mem>>) src(%arg7 : memref<5120xi32, #tpu.memory_space<hbm>>) dst(%arg19 : memref<5120xi32, #tpu.memory_space<vmem>>)
      %scan3A = arith.constant 0 : i32
      %scan3A_30 = arith.constant 0 : i32
      %scan3A_31 = arith.constant 20 : i32
      %scan3A_32 = arith.addi %scan3A_30, %scan3A_31 : i32
      %scan3A_33 = arith.constant 1 : i32
      scf.for %scan3A_258 = %scan3A_30 to %scan3A_32 step %scan3A_33  : i32 {
        %mul3A = arith.constant 256 : i32
        %mul3A_259 = arith.muli %scan3A_258, %mul3A : i32
        %broadcast_in_dim3A_260 = arith.constant 0xFF800000 : f32
        %broadcast_in_dim3A_261 = vector.broadcast %broadcast_in_dim3A_260 : f32 to vector<16xf32>
        %add3A = arith.constant 0 : i32
        %add3A_262 = arith.addi %mul3A_259, %add3A : i32
        %get3A_263 = arith.index_cast %add3A_262 : i32 to index
        %get3A_264 = tpu.vector_load %arg18[%get3A_263] {strides = array<i32>} : memref<5120xf32, #tpu.memory_space<vmem>>, vector<16xf32>,
        %get3A_265 = arith.index_cast %add3A_262 : i32 to index
        %get3A_266 = tpu.vector_load %arg19[%get3A_265] {strides = array<i32>} : memref<5120xi32, #tpu.memory_space<vmem>>, vector<16xi32>,
        %ge3A = arith.constant 2.000000e-01 : f32
        %ge3A_267 = vector.broadcast %ge3A : f32 to vector<16xf32>
        %ge3A_268 = arith.cmpf oge, %get3A_264, %ge3A_267 : vector<16xf32>
        %eq3A_269 = arith.constant 1 : i32
        %eq3A_270 = vector.broadcast %eq3A_269 : i32 to vector<16xi32>
        %eq3A_271 = arith.cmpi eq, %get3A_266, %eq3A_270 : vector<16xi32>
        %and3A = arith.andi %ge3A_268, %eq3A_271 : vector<16xi1>
        %jit3A = arith.constant 0xFF800000 : f32
        %broadcast_in_dim3A_272 = vector.broadcast %jit3A : f32 to vector<16xf32>
        %select_n3A_273 = arith.select %and3A, %get3A_264, %broadcast_in_dim3A_272 : vector<16xi1>, vector<16xf32>
        %swap3A_274 = arith.index_cast %add3A_262 : i32 to index
        %swap3A_275 = tpu.vector_load %arg20[%swap3A_274] {strides = array<i32>} : memref<5120xf32, #tpu.memory_space<vmem>>, vector<16xf32>,
        tpu.vector_store %arg20[%swap3A_274], %select_n3A_273 {strides = array<i32>} : memref<5120xf32, #tpu.memory_space<vmem>>, vector<16xf32>,
        %eq3A_276 = arith.constant 0 : i32
        %eq3A_277 = vector.broadcast %eq3A_276 : i32 to vector<16xi32>
        %eq3A_278 = arith.cmpi eq, %iota3A, %eq3A_277 : vector<16xi32>
        %reduce_max3A_279 = arith.constant true
        %reduce_max3A_280 = vector.broadcast %reduce_max3A_279 : i1 to vector<16xi1>
        %reduce_max3A_281 = tpu.scan <max>, %select_n3A_273 masked %reduce_max3A_280 : vector<16xf32>, vector<16xi1> -> vector<16xf32>
        %reduce_max3A_282 = vector.extract %reduce_max3A_281[15] : f32 from vector<16xf32>
        %broadcast_in_dim3A_283 = vector.broadcast %reduce_max3A_282 : f32 to vector<16xf32>
        %select_n3A_284 = arith.select %eq3A_278, %broadcast_in_dim3A_283, %broadcast_in_dim3A_261 : vector<16xi1>, vector<16xf32>
        %add3A_285 = arith.constant 16 : i32
        %add3A_286 = arith.addi %mul3A_259, %add3A_285 : i32
        %get3A_287 = arith.index_cast %add3A_286 : i32 to index
        %get3A_288 = tpu.vector_load %arg18[%get3A_287] {strides = array<i32>} : memref<5120xf32, #tpu.memory_space<vmem>>, vector<16xf32>,
        %get3A_289 = arith.index_cast %add3A_286 : i32 to index
        %get3A_290 = tpu.vector_load %arg19[%get3A_289] {strides = array<i32>} : memref<5120xi32, #tpu.memory_space<vmem>>, vector<16xi32>,
        %ge3A_291 = arith.constant 2.000000e-01 : f32
        %ge3A_292 = vector.broadcast %ge3A_291 : f32 to vector<16xf32>
        %ge3A_293 = arith.cmpf oge, %get3A_288, %ge3A_292 : vector<16xf32>
        %eq3A_294 = arith.constant 1 : i32
        %eq3A_295 = vector.broadcast %eq3A_294 : i32 to vector<16xi32>
        %eq3A_296 = arith.cmpi eq, %get3A_290, %eq3A_295 : vector<16xi32>
        %and3A_297 = arith.andi %ge3A_293, %eq3A_296 : vector<16xi1>
        %jit3A_298 = arith.constant 0xFF800000 : f32
        %broadcast_in_dim3A_299 = vector.broadcast %jit3A_298 : f32 to vector<16xf32>
        %select_n3A_300 = arith.select %and3A_297, %get3A_288, %broadcast_in_dim3A_299 : vector<16xi1>, vector<16xf32>
        %swap3A_301 = arith.index_cast %add3A_286 : i32 to index
        %swap3A_302 = tpu.vector_load %arg20[%swap3A_301] {strides = array<i32>} : memref<5120xf32, #tpu.memory_space<vmem>>, vector<16xf32>,
        tpu.vector_store %arg20[%swap3A_301], %select_n3A_300 {strides = array<i32>} : memref<5120xf32, #tpu.memory_space<vmem>>, vector<16xf32>,
        %eq3A_303 = arith.constant 1 : i32
        %eq3A_304 = vector.broadcast %eq3A_303 : i32 to vector<16xi32>
        %eq3A_305 = arith.cmpi eq, %iota3A, %eq3A_304 : vector<16xi32>
        %reduce_max3A_306 = arith.constant true
        %reduce_max3A_307 = vector.broadcast %reduce_max3A_306 : i1 to vector<16xi1>
        %reduce_max3A_308 = tpu.scan <max>, %select_n3A_300 masked %reduce_max3A_307 : vector<16xf32>, vector<16xi1> -> vector<16xf32>
        %reduce_max3A_309 = vector.extract %reduce_max3A_308[15] : f32 from vector<16xf32>
        %broadcast_in_dim3A_310 = vector.broadcast %reduce_max3A_309 : f32 to vector<16xf32>
        %select_n3A_311 = arith.select %eq3A_305, %broadcast_in_dim3A_310, %select_n3A_284 : vector<16xi1>, vector<16xf32>
        %add3A_312 = arith.constant 32 : i32
        %add3A_313 = arith.addi %mul3A_259, %add3A_312 : i32
        %get3A_314 = arith.index_cast %add3A_313 : i32 to index
        %get3A_315 = tpu.vector_load %arg18[%get3A_314] {strides = array<i32>} : memref<5120xf32, #tpu.memory_space<vmem>>, vector<16xf32>,
        %get3A_316 = arith.index_cast %add3A_313 : i32 to index
        %get3A_317 = tpu.vector_load %arg19[%get3A_316] {strides = array<i32>} : memref<5120xi32, #tpu.memory_space<vmem>>, vector<16xi32>,
        %ge3A_318 = arith.constant 2.000000e-01 : f32
        %ge3A_319 = vector.broadcast %ge3A_318 : f32 to vector<16xf32>
        %ge3A_320 = arith.cmpf oge, %get3A_315, %ge3A_319 : vector<16xf32>
        %eq3A_321 = arith.constant 1 : i32
        %eq3A_322 = vector.broadcast %eq3A_321 : i32 to vector<16xi32>
        %eq3A_323 = arith.cmpi eq, %get3A_317, %eq3A_322 : vector<16xi32>
        %and3A_324 = arith.andi %ge3A_320, %eq3A_323 : vector<16xi1>
        %jit3A_325 = arith.constant 0xFF800000 : f32
        %broadcast_in_dim3A_326 = vector.broadcast %jit3A_325 : f32 to vector<16xf32>
        %select_n3A_327 = arith.select %and3A_324, %get3A_315, %broadcast_in_dim3A_326 : vector<16xi1>, vector<16xf32>
        %swap3A_328 = arith.index_cast %add3A_313 : i32 to index
        %swap3A_329 = tpu.vector_load %arg20[%swap3A_328] {strides = array<i32>} : memref<5120xf32, #tpu.memory_space<vmem>>, vector<16xf32>,
        tpu.vector_store %arg20[%swap3A_328], %select_n3A_327 {strides = array<i32>} : memref<5120xf32, #tpu.memory_space<vmem>>, vector<16xf32>,
        %eq3A_330 = arith.constant 2 : i32
        %eq3A_331 = vector.broadcast %eq3A_330 : i32 to vector<16xi32>
        %eq3A_332 = arith.cmpi eq, %iota3A, %eq3A_331 : vector<16xi32>
        %reduce_max3A_333 = arith.constant true
        %reduce_max3A_334 = vector.broadcast %reduce_max3A_333 : i1 to vector<16xi1>
        %reduce_max3A_335 = tpu.scan <max>, %select_n3A_327 masked %reduce_max3A_334 : vector<16xf32>, vector<16xi1> -> vector<16xf32>
        %reduce_max3A_336 = vector.extract %reduce_max3A_335[15] : f32 from vector<16xf32>
        %broadcast_in_dim3A_337 = vector.broadcast %reduce_max3A_336 : f32 to vector<16xf32>
        %select_n3A_338 = arith.select %eq3A_332, %broadcast_in_dim3A_337, %select_n3A_311 : vector<16xi1>, vector<16xf32>
        %add3A_339 = arith.constant 48 : i32
        %add3A_340 = arith.addi %mul3A_259, %add3A_339 : i32
        %get3A_341 = arith.index_cast %add3A_340 : i32 to index
        %get3A_342 = tpu.vector_load %arg18[%get3A_341] {strides = array<i32>} : memref<5120xf32, #tpu.memory_space<vmem>>, vector<16xf32>,
        %get3A_343 = arith.index_cast %add3A_340 : i32 to index
        %get3A_344 = tpu.vector_load %arg19[%get3A_343] {strides = array<i32>} : memref<5120xi32, #tpu.memory_space<vmem>>, vector<16xi32>,
        %ge3A_345 = arith.constant 2.000000e-01 : f32
        %ge3A_346 = vector.broadcast %ge3A_345 : f32 to vector<16xf32>
        %ge3A_347 = arith.cmpf oge, %get3A_342, %ge3A_346 : vector<16xf32>
        %eq3A_348 = arith.constant 1 : i32
        %eq3A_349 = vector.broadcast %eq3A_348 : i32 to vector<16xi32>
        %eq3A_350 = arith.cmpi eq, %get3A_344, %eq3A_349 : vector<16xi32>
        %and3A_351 = arith.andi %ge3A_347, %eq3A_350 : vector<16xi1>
        %jit3A_352 = arith.constant 0xFF800000 : f32
        %broadcast_in_dim3A_353 = vector.broadcast %jit3A_352 : f32 to vector<16xf32>
        %select_n3A_354 = arith.select %and3A_351, %get3A_342, %broadcast_in_dim3A_353 : vector<16xi1>, vector<16xf32>
        %swap3A_355 = arith.index_cast %add3A_340 : i32 to index
        %swap3A_356 = tpu.vector_load %arg20[%swap3A_355] {strides = array<i32>} : memref<5120xf32, #tpu.memory_space<vmem>>, vector<16xf32>,
        tpu.vector_store %arg20[%swap3A_355], %select_n3A_354 {strides = array<i32>} : memref<5120xf32, #tpu.memory_space<vmem>>, vector<16xf32>,
        %eq3A_357 = arith.constant 3 : i32
        %eq3A_358 = vector.broadcast %eq3A_357 : i32 to vector<16xi32>
        %eq3A_359 = arith.cmpi eq, %iota3A, %eq3A_358 : vector<16xi32>
        %reduce_max3A_360 = arith.constant true
        %reduce_max3A_361 = vector.broadcast %reduce_max3A_360 : i1 to vector<16xi1>
        %reduce_max3A_362 = tpu.scan <max>, %select_n3A_354 masked %reduce_max3A_361 : vector<16xf32>, vector<16xi1> -> vector<16xf32>
        %reduce_max3A_363 = vector.extract %reduce_max3A_362[15] : f32 from vector<16xf32>
        %broadcast_in_dim3A_364 = vector.broadcast %reduce_max3A_363 : f32 to vector<16xf32>
        %select_n3A_365 = arith.select %eq3A_359, %broadcast_in_dim3A_364, %select_n3A_338 : vector<16xi1>, vector<16xf32>
        %add3A_366 = arith.constant 64 : i32
        %add3A_367 = arith.addi %mul3A_259, %add3A_366 : i32
        %get3A_368 = arith.index_cast %add3A_367 : i32 to index
        %get3A_369 = tpu.vector_load %arg18[%get3A_368] {strides = array<i32>} : memref<5120xf32, #tpu.memory_space<vmem>>, vector<16xf32>,
        %get3A_370 = arith.index_cast %add3A_367 : i32 to index
        %get3A_371 = tpu.vector_load %arg19[%get3A_370] {strides = array<i32>} : memref<5120xi32, #tpu.memory_space<vmem>>, vector<16xi32>,
        %ge3A_372 = arith.constant 2.000000e-01 : f32
        %ge3A_373 = vector.broadcast %ge3A_372 : f32 to vector<16xf32>
        %ge3A_374 = arith.cmpf oge, %get3A_369, %ge3A_373 : vector<16xf32>
        %eq3A_375 = arith.constant 1 : i32
        %eq3A_376 = vector.broadcast %eq3A_375 : i32 to vector<16xi32>
        %eq3A_377 = arith.cmpi eq, %get3A_371, %eq3A_376 : vector<16xi32>
        %and3A_378 = arith.andi %ge3A_374, %eq3A_377 : vector<16xi1>
        %jit3A_379 = arith.constant 0xFF800000 : f32
        %broadcast_in_dim3A_380 = vector.broadcast %jit3A_379 : f32 to vector<16xf32>
        %select_n3A_381 = arith.select %and3A_378, %get3A_369, %broadcast_in_dim3A_380 : vector<16xi1>, vector<16xf32>
        %swap3A_382 = arith.index_cast %add3A_367 : i32 to index
        %swap3A_383 = tpu.vector_load %arg20[%swap3A_382] {strides = array<i32>} : memref<5120xf32, #tpu.memory_space<vmem>>, vector<16xf32>,
        tpu.vector_store %arg20[%swap3A_382], %select_n3A_381 {strides = array<i32>} : memref<5120xf32, #tpu.memory_space<vmem>>, vector<16xf32>,
        %eq3A_384 = arith.constant 4 : i32
        %eq3A_385 = vector.broadcast %eq3A_384 : i32 to vector<16xi32>
        %eq3A_386 = arith.cmpi eq, %iota3A, %eq3A_385 : vector<16xi32>
        %reduce_max3A_387 = arith.constant true
        %reduce_max3A_388 = vector.broadcast %reduce_max3A_387 : i1 to vector<16xi1>
        %reduce_max3A_389 = tpu.scan <max>, %select_n3A_381 masked %reduce_max3A_388 : vector<16xf32>, vector<16xi1> -> vector<16xf32>
        %reduce_max3A_390 = vector.extract %reduce_max3A_389[15] : f32 from vector<16xf32>
        %broadcast_in_dim3A_391 = vector.broadcast %reduce_max3A_390 : f32 to vector<16xf32>
        %select_n3A_392 = arith.select %eq3A_386, %broadcast_in_dim3A_391, %select_n3A_365 : vector<16xi1>, vector<16xf32>
        %add3A_393 = arith.constant 80 : i32
        %add3A_394 = arith.addi %mul3A_259, %add3A_393 : i32
        %get3A_395 = arith.index_cast %add3A_394 : i32 to index
        %get3A_396 = tpu.vector_load %arg18[%get3A_395] {strides = array<i32>} : memref<5120xf32, #tpu.memory_space<vmem>>, vector<16xf32>,
        %get3A_397 = arith.index_cast %add3A_394 : i32 to index
        %get3A_398 = tpu.vector_load %arg19[%get3A_397] {strides = array<i32>} : memref<5120xi32, #tpu.memory_space<vmem>>, vector<16xi32>,
        %ge3A_399 = arith.constant 2.000000e-01 : f32
        %ge3A_400 = vector.broadcast %ge3A_399 : f32 to vector<16xf32>
        %ge3A_401 = arith.cmpf oge, %get3A_396, %ge3A_400 : vector<16xf32>
        %eq3A_402 = arith.constant 1 : i32
        %eq3A_403 = vector.broadcast %eq3A_402 : i32 to vector<16xi32>
        %eq3A_404 = arith.cmpi eq, %get3A_398, %eq3A_403 : vector<16xi32>
        %and3A_405 = arith.andi %ge3A_401, %eq3A_404 : vector<16xi1>
        %jit3A_406 = arith.constant 0xFF800000 : f32
        %broadcast_in_dim3A_407 = vector.broadcast %jit3A_406 : f32 to vector<16xf32>
        %select_n3A_408 = arith.select %and3A_405, %get3A_396, %broadcast_in_dim3A_407 : vector<16xi1>, vector<16xf32>
        %swap3A_409 = arith.index_cast %add3A_394 : i32 to index
        %swap3A_410 = tpu.vector_load %arg20[%swap3A_409] {strides = array<i32>} : memref<5120xf32, #tpu.memory_space<vmem>>, vector<16xf32>,
        tpu.vector_store %arg20[%swap3A_409], %select_n3A_408 {strides = array<i32>} : memref<5120xf32, #tpu.memory_space<vmem>>, vector<16xf32>,
        %eq3A_411 = arith.constant 5 : i32
        %eq3A_412 = vector.broadcast %eq3A_411 : i32 to vector<16xi32>
        %eq3A_413 = arith.cmpi eq, %iota3A, %eq3A_412 : vector<16xi32>
        %reduce_max3A_414 = arith.constant true
        %reduce_max3A_415 = vector.broadcast %reduce_max3A_414 : i1 to vector<16xi1>
        %reduce_max3A_416 = tpu.scan <max>, %select_n3A_408 masked %reduce_max3A_415 : vector<16xf32>, vector<16xi1> -> vector<16xf32>
        %reduce_max3A_417 = vector.extract %reduce_max3A_416[15] : f32 from vector<16xf32>
        %broadcast_in_dim3A_418 = vector.broadcast %reduce_max3A_417 : f32 to vector<16xf32>
        %select_n3A_419 = arith.select %eq3A_413, %broadcast_in_dim3A_418, %select_n3A_392 : vector<16xi1>, vector<16xf32>
        %add3A_420 = arith.constant 96 : i32
        %add3A_421 = arith.addi %mul3A_259, %add3A_420 : i32
        %get3A_422 = arith.index_cast %add3A_421 : i32 to index
        %get3A_423 = tpu.vector_load %arg18[%get3A_422] {strides = array<i32>} : memref<5120xf32, #tpu.memory_space<vmem>>, vector<16xf32>,
        %get3A_424 = arith.index_cast %add3A_421 : i32 to index
        %get3A_425 = tpu.vector_load %arg19[%get3A_424] {strides = array<i32>} : memref<5120xi32, #tpu.memory_space<vmem>>, vector<16xi32>,
        %ge3A_426 = arith.constant 2.000000e-01 : f32
        %ge3A_427 = vector.broadcast %ge3A_426 : f32 to vector<16xf32>
        %ge3A_428 = arith.cmpf oge, %get3A_423, %ge3A_427 : vector<16xf32>
        %eq3A_429 = arith.constant 1 : i32
        %eq3A_430 = vector.broadcast %eq3A_429 : i32 to vector<16xi32>
        %eq3A_431 = arith.cmpi eq, %get3A_425, %eq3A_430 : vector<16xi32>
        %and3A_432 = arith.andi %ge3A_428, %eq3A_431 : vector<16xi1>
        %jit3A_433 = arith.constant 0xFF800000 : f32
        %broadcast_in_dim3A_434 = vector.broadcast %jit3A_433 : f32 to vector<16xf32>
        %select_n3A_435 = arith.select %and3A_432, %get3A_423, %broadcast_in_dim3A_434 : vector<16xi1>, vector<16xf32>
        %swap3A_436 = arith.index_cast %add3A_421 : i32 to index
        %swap3A_437 = tpu.vector_load %arg20[%swap3A_436] {strides = array<i32>} : memref<5120xf32, #tpu.memory_space<vmem>>, vector<16xf32>,
        tpu.vector_store %arg20[%swap3A_436], %select_n3A_435 {strides = array<i32>} : memref<5120xf32, #tpu.memory_space<vmem>>, vector<16xf32>,
        %eq3A_438 = arith.constant 6 : i32
        %eq3A_439 = vector.broadcast %eq3A_438 : i32 to vector<16xi32>
        %eq3A_440 = arith.cmpi eq, %iota3A, %eq3A_439 : vector<16xi32>
        %reduce_max3A_441 = arith.constant true
        %reduce_max3A_442 = vector.broadcast %reduce_max3A_441 : i1 to vector<16xi1>
        %reduce_max3A_443 = tpu.scan <max>, %select_n3A_435 masked %reduce_max3A_442 : vector<16xf32>, vector<16xi1> -> vector<16xf32>
        %reduce_max3A_444 = vector.extract %reduce_max3A_443[15] : f32 from vector<16xf32>
        %broadcast_in_dim3A_445 = vector.broadcast %reduce_max3A_444 : f32 to vector<16xf32>
        %select_n3A_446 = arith.select %eq3A_440, %broadcast_in_dim3A_445, %select_n3A_419 : vector<16xi1>, vector<16xf32>
        %add3A_447 = arith.constant 112 : i32
        %add3A_448 = arith.addi %mul3A_259, %add3A_447 : i32
        %get3A_449 = arith.index_cast %add3A_448 : i32 to index
        %get3A_450 = tpu.vector_load %arg18[%get3A_449] {strides = array<i32>} : memref<5120xf32, #tpu.memory_space<vmem>>, vector<16xf32>,
        %get3A_451 = arith.index_cast %add3A_448 : i32 to index
        %get3A_452 = tpu.vector_load %arg19[%get3A_451] {strides = array<i32>} : memref<5120xi32, #tpu.memory_space<vmem>>, vector<16xi32>,
        %ge3A_453 = arith.constant 2.000000e-01 : f32
        %ge3A_454 = vector.broadcast %ge3A_453 : f32 to vector<16xf32>
        %ge3A_455 = arith.cmpf oge, %get3A_450, %ge3A_454 : vector<16xf32>
        %eq3A_456 = arith.constant 1 : i32
        %eq3A_457 = vector.broadcast %eq3A_456 : i32 to vector<16xi32>
        %eq3A_458 = arith.cmpi eq, %get3A_452, %eq3A_457 : vector<16xi32>
        %and3A_459 = arith.andi %ge3A_455, %eq3A_458 : vector<16xi1>
        %jit3A_460 = arith.constant 0xFF800000 : f32
        %broadcast_in_dim3A_461 = vector.broadcast %jit3A_460 : f32 to vector<16xf32>
        %select_n3A_462 = arith.select %and3A_459, %get3A_450, %broadcast_in_dim3A_461 : vector<16xi1>, vector<16xf32>
        %swap3A_463 = arith.index_cast %add3A_448 : i32 to index
        %swap3A_464 = tpu.vector_load %arg20[%swap3A_463] {strides = array<i32>} : memref<5120xf32, #tpu.memory_space<vmem>>, vector<16xf32>,
        tpu.vector_store %arg20[%swap3A_463], %select_n3A_462 {strides = array<i32>} : memref<5120xf32, #tpu.memory_space<vmem>>, vector<16xf32>,
        %eq3A_465 = arith.constant 7 : i32
        %eq3A_466 = vector.broadcast %eq3A_465 : i32 to vector<16xi32>
        %eq3A_467 = arith.cmpi eq, %iota3A, %eq3A_466 : vector<16xi32>
        %reduce_max3A_468 = arith.constant true
        %reduce_max3A_469 = vector.broadcast %reduce_max3A_468 : i1 to vector<16xi1>
        %reduce_max3A_470 = tpu.scan <max>, %select_n3A_462 masked %reduce_max3A_469 : vector<16xf32>, vector<16xi1> -> vector<16xf32>
        %reduce_max3A_471 = vector.extract %reduce_max3A_470[15] : f32 from vector<16xf32>
        %broadcast_in_dim3A_472 = vector.broadcast %reduce_max3A_471 : f32 to vector<16xf32>
        %select_n3A_473 = arith.select %eq3A_467, %broadcast_in_dim3A_472, %select_n3A_446 : vector<16xi1>, vector<16xf32>
        %add3A_474 = arith.constant 128 : i32
        %add3A_475 = arith.addi %mul3A_259, %add3A_474 : i32
        %get3A_476 = arith.index_cast %add3A_475 : i32 to index
        %get3A_477 = tpu.vector_load %arg18[%get3A_476] {strides = array<i32>} : memref<5120xf32, #tpu.memory_space<vmem>>, vector<16xf32>,
        %get3A_478 = arith.index_cast %add3A_475 : i32 to index
        %get3A_479 = tpu.vector_load %arg19[%get3A_478] {strides = array<i32>} : memref<5120xi32, #tpu.memory_space<vmem>>, vector<16xi32>,
        %ge3A_480 = arith.constant 2.000000e-01 : f32
        %ge3A_481 = vector.broadcast %ge3A_480 : f32 to vector<16xf32>
        %ge3A_482 = arith.cmpf oge, %get3A_477, %ge3A_481 : vector<16xf32>
        %eq3A_483 = arith.constant 1 : i32
        %eq3A_484 = vector.broadcast %eq3A_483 : i32 to vector<16xi32>
        %eq3A_485 = arith.cmpi eq, %get3A_479, %eq3A_484 : vector<16xi32>
        %and3A_486 = arith.andi %ge3A_482, %eq3A_485 : vector<16xi1>
        %jit3A_487 = arith.constant 0xFF800000 : f32
        %broadcast_in_dim3A_488 = vector.broadcast %jit3A_487 : f32 to vector<16xf32>
        %select_n3A_489 = arith.select %and3A_486, %get3A_477, %broadcast_in_dim3A_488 : vector<16xi1>, vector<16xf32>
        %swap3A_490 = arith.index_cast %add3A_475 : i32 to index
        %swap3A_491 = tpu.vector_load %arg20[%swap3A_490] {strides = array<i32>} : memref<5120xf32, #tpu.memory_space<vmem>>, vector<16xf32>,
        tpu.vector_store %arg20[%swap3A_490], %select_n3A_489 {strides = array<i32>} : memref<5120xf32, #tpu.memory_space<vmem>>, vector<16xf32>,
        %eq3A_492 = arith.constant 8 : i32
        %eq3A_493 = vector.broadcast %eq3A_492 : i32 to vector<16xi32>
        %eq3A_494 = arith.cmpi eq, %iota3A, %eq3A_493 : vector<16xi32>
        %reduce_max3A_495 = arith.constant true
        %reduce_max3A_496 = vector.broadcast %reduce_max3A_495 : i1 to vector<16xi1>
        %reduce_max3A_497 = tpu.scan <max>, %select_n3A_489 masked %reduce_max3A_496 : vector<16xf32>, vector<16xi1> -> vector<16xf32>
        %reduce_max3A_498 = vector.extract %reduce_max3A_497[15] : f32 from vector<16xf32>
        %broadcast_in_dim3A_499 = vector.broadcast %reduce_max3A_498 : f32 to vector<16xf32>
        %select_n3A_500 = arith.select %eq3A_494, %broadcast_in_dim3A_499, %select_n3A_473 : vector<16xi1>, vector<16xf32>
        %add3A_501 = arith.constant 144 : i32
        %add3A_502 = arith.addi %mul3A_259, %add3A_501 : i32
        %get3A_503 = arith.index_cast %add3A_502 : i32 to index
        %get3A_504 = tpu.vector_load %arg18[%get3A_503] {strides = array<i32>} : memref<5120xf32, #tpu.memory_space<vmem>>, vector<16xf32>,
        %get3A_505 = arith.index_cast %add3A_502 : i32 to index
        %get3A_506 = tpu.vector_load %arg19[%get3A_505] {strides = array<i32>} : memref<5120xi32, #tpu.memory_space<vmem>>, vector<16xi32>,
        %ge3A_507 = arith.constant 2.000000e-01 : f32
        %ge3A_508 = vector.broadcast %ge3A_507 : f32 to vector<16xf32>
        %ge3A_509 = arith.cmpf oge, %get3A_504, %ge3A_508 : vector<16xf32>
        %eq3A_510 = arith.constant 1 : i32
        %eq3A_511 = vector.broadcast %eq3A_510 : i32 to vector<16xi32>
        %eq3A_512 = arith.cmpi eq, %get3A_506, %eq3A_511 : vector<16xi32>
        %and3A_513 = arith.andi %ge3A_509, %eq3A_512 : vector<16xi1>
        %jit3A_514 = arith.constant 0xFF800000 : f32
        %broadcast_in_dim3A_515 = vector.broadcast %jit3A_514 : f32 to vector<16xf32>
        %select_n3A_516 = arith.select %and3A_513, %get3A_504, %broadcast_in_dim3A_515 : vector<16xi1>, vector<16xf32>
        %swap3A_517 = arith.index_cast %add3A_502 : i32 to index
        %swap3A_518 = tpu.vector_load %arg20[%swap3A_517] {strides = array<i32>} : memref<5120xf32, #tpu.memory_space<vmem>>, vector<16xf32>,
        tpu.vector_store %arg20[%swap3A_517], %select_n3A_516 {strides = array<i32>} : memref<5120xf32, #tpu.memory_space<vmem>>, vector<16xf32>,
        %eq3A_519 = arith.constant 9 : i32
        %eq3A_520 = vector.broadcast %eq3A_519 : i32 to vector<16xi32>
        %eq3A_521 = arith.cmpi eq, %iota3A, %eq3A_520 : vector<16xi32>
        %reduce_max3A_522 = arith.constant true
        %reduce_max3A_523 = vector.broadcast %reduce_max3A_522 : i1 to vector<16xi1>
        %reduce_max3A_524 = tpu.scan <max>, %select_n3A_516 masked %reduce_max3A_523 : vector<16xf32>, vector<16xi1> -> vector<16xf32>
        %reduce_max3A_525 = vector.extract %reduce_max3A_524[15] : f32 from vector<16xf32>
        %broadcast_in_dim3A_526 = vector.broadcast %reduce_max3A_525 : f32 to vector<16xf32>
        %select_n3A_527 = arith.select %eq3A_521, %broadcast_in_dim3A_526, %select_n3A_500 : vector<16xi1>, vector<16xf32>
        %add3A_528 = arith.constant 160 : i32
        %add3A_529 = arith.addi %mul3A_259, %add3A_528 : i32
        %get3A_530 = arith.index_cast %add3A_529 : i32 to index
        %get3A_531 = tpu.vector_load %arg18[%get3A_530] {strides = array<i32>} : memref<5120xf32, #tpu.memory_space<vmem>>, vector<16xf32>,
        %get3A_532 = arith.index_cast %add3A_529 : i32 to index
        %get3A_533 = tpu.vector_load %arg19[%get3A_532] {strides = array<i32>} : memref<5120xi32, #tpu.memory_space<vmem>>, vector<16xi32>,
        %ge3A_534 = arith.constant 2.000000e-01 : f32
        %ge3A_535 = vector.broadcast %ge3A_534 : f32 to vector<16xf32>
        %ge3A_536 = arith.cmpf oge, %get3A_531, %ge3A_535 : vector<16xf32>
        %eq3A_537 = arith.constant 1 : i32
        %eq3A_538 = vector.broadcast %eq3A_537 : i32 to vector<16xi32>
        %eq3A_539 = arith.cmpi eq, %get3A_533, %eq3A_538 : vector<16xi32>
        %and3A_540 = arith.andi %ge3A_536, %eq3A_539 : vector<16xi1>
        %jit3A_541 = arith.constant 0xFF800000 : f32
        %broadcast_in_dim3A_542 = vector.broadcast %jit3A_541 : f32 to vector<16xf32>
        %select_n3A_543 = arith.select %and3A_540, %get3A_531, %broadcast_in_dim3A_542 : vector<16xi1>, vector<16xf32>
        %swap3A_544 = arith.index_cast %add3A_529 : i32 to index
        %swap3A_545 = tpu.vector_load %arg20[%swap3A_544] {strides = array<i32>} : memref<5120xf32, #tpu.memory_space<vmem>>, vector<16xf32>,
        tpu.vector_store %arg20[%swap3A_544], %select_n3A_543 {strides = array<i32>} : memref<5120xf32, #tpu.memory_space<vmem>>, vector<16xf32>,
        %eq3A_546 = arith.constant 10 : i32
        %eq3A_547 = vector.broadcast %eq3A_546 : i32 to vector<16xi32>
        %eq3A_548 = arith.cmpi eq, %iota3A, %eq3A_547 : vector<16xi32>
        %reduce_max3A_549 = arith.constant true
        %reduce_max3A_550 = vector.broadcast %reduce_max3A_549 : i1 to vector<16xi1>
        %reduce_max3A_551 = tpu.scan <max>, %select_n3A_543 masked %reduce_max3A_550 : vector<16xf32>, vector<16xi1> -> vector<16xf32>
        %reduce_max3A_552 = vector.extract %reduce_max3A_551[15] : f32 from vector<16xf32>
        %broadcast_in_dim3A_553 = vector.broadcast %reduce_max3A_552 : f32 to vector<16xf32>
        %select_n3A_554 = arith.select %eq3A_548, %broadcast_in_dim3A_553, %select_n3A_527 : vector<16xi1>, vector<16xf32>
        %add3A_555 = arith.constant 176 : i32
        %add3A_556 = arith.addi %mul3A_259, %add3A_555 : i32
        %get3A_557 = arith.index_cast %add3A_556 : i32 to index
        %get3A_558 = tpu.vector_load %arg18[%get3A_557] {strides = array<i32>} : memref<5120xf32, #tpu.memory_space<vmem>>, vector<16xf32>,
        %get3A_559 = arith.index_cast %add3A_556 : i32 to index
        %get3A_560 = tpu.vector_load %arg19[%get3A_559] {strides = array<i32>} : memref<5120xi32, #tpu.memory_space<vmem>>, vector<16xi32>,
        %ge3A_561 = arith.constant 2.000000e-01 : f32
        %ge3A_562 = vector.broadcast %ge3A_561 : f32 to vector<16xf32>
        %ge3A_563 = arith.cmpf oge, %get3A_558, %ge3A_562 : vector<16xf32>
        %eq3A_564 = arith.constant 1 : i32
        %eq3A_565 = vector.broadcast %eq3A_564 : i32 to vector<16xi32>
        %eq3A_566 = arith.cmpi eq, %get3A_560, %eq3A_565 : vector<16xi32>
        %and3A_567 = arith.andi %ge3A_563, %eq3A_566 : vector<16xi1>
        %jit3A_568 = arith.constant 0xFF800000 : f32
        %broadcast_in_dim3A_569 = vector.broadcast %jit3A_568 : f32 to vector<16xf32>
        %select_n3A_570 = arith.select %and3A_567, %get3A_558, %broadcast_in_dim3A_569 : vector<16xi1>, vector<16xf32>
        %swap3A_571 = arith.index_cast %add3A_556 : i32 to index
        %swap3A_572 = tpu.vector_load %arg20[%swap3A_571] {strides = array<i32>} : memref<5120xf32, #tpu.memory_space<vmem>>, vector<16xf32>,
        tpu.vector_store %arg20[%swap3A_571], %select_n3A_570 {strides = array<i32>} : memref<5120xf32, #tpu.memory_space<vmem>>, vector<16xf32>,
        %eq3A_573 = arith.constant 11 : i32
        %eq3A_574 = vector.broadcast %eq3A_573 : i32 to vector<16xi32>
        %eq3A_575 = arith.cmpi eq, %iota3A, %eq3A_574 : vector<16xi32>
        %reduce_max3A_576 = arith.constant true
        %reduce_max3A_577 = vector.broadcast %reduce_max3A_576 : i1 to vector<16xi1>
        %reduce_max3A_578 = tpu.scan <max>, %select_n3A_570 masked %reduce_max3A_577 : vector<16xf32>, vector<16xi1> -> vector<16xf32>
        %reduce_max3A_579 = vector.extract %reduce_max3A_578[15] : f32 from vector<16xf32>
        %broadcast_in_dim3A_580 = vector.broadcast %reduce_max3A_579 : f32 to vector<16xf32>
        %select_n3A_581 = arith.select %eq3A_575, %broadcast_in_dim3A_580, %select_n3A_554 : vector<16xi1>, vector<16xf32>
        %add3A_582 = arith.constant 192 : i32
        %add3A_583 = arith.addi %mul3A_259, %add3A_582 : i32
        %get3A_584 = arith.index_cast %add3A_583 : i32 to index
        %get3A_585 = tpu.vector_load %arg18[%get3A_584] {strides = array<i32>} : memref<5120xf32, #tpu.memory_space<vmem>>, vector<16xf32>,
        %get3A_586 = arith.index_cast %add3A_583 : i32 to index
        %get3A_587 = tpu.vector_load %arg19[%get3A_586] {strides = array<i32>} : memref<5120xi32, #tpu.memory_space<vmem>>, vector<16xi32>,
        %ge3A_588 = arith.constant 2.000000e-01 : f32
        %ge3A_589 = vector.broadcast %ge3A_588 : f32 to vector<16xf32>
        %ge3A_590 = arith.cmpf oge, %get3A_585, %ge3A_589 : vector<16xf32>
        %eq3A_591 = arith.constant 1 : i32
        %eq3A_592 = vector.broadcast %eq3A_591 : i32 to vector<16xi32>
        %eq3A_593 = arith.cmpi eq, %get3A_587, %eq3A_592 : vector<16xi32>
        %and3A_594 = arith.andi %ge3A_590, %eq3A_593 : vector<16xi1>
        %jit3A_595 = arith.constant 0xFF800000 : f32
        %broadcast_in_dim3A_596 = vector.broadcast %jit3A_595 : f32 to vector<16xf32>
        %select_n3A_597 = arith.select %and3A_594, %get3A_585, %broadcast_in_dim3A_596 : vector<16xi1>, vector<16xf32>
        %swap3A_598 = arith.index_cast %add3A_583 : i32 to index
        %swap3A_599 = tpu.vector_load %arg20[%swap3A_598] {strides = array<i32>} : memref<5120xf32, #tpu.memory_space<vmem>>, vector<16xf32>,
        tpu.vector_store %arg20[%swap3A_598], %select_n3A_597 {strides = array<i32>} : memref<5120xf32, #tpu.memory_space<vmem>>, vector<16xf32>,
        %eq3A_600 = arith.constant 12 : i32
        %eq3A_601 = vector.broadcast %eq3A_600 : i32 to vector<16xi32>
        %eq3A_602 = arith.cmpi eq, %iota3A, %eq3A_601 : vector<16xi32>
        %reduce_max3A_603 = arith.constant true
        %reduce_max3A_604 = vector.broadcast %reduce_max3A_603 : i1 to vector<16xi1>
        %reduce_max3A_605 = tpu.scan <max>, %select_n3A_597 masked %reduce_max3A_604 : vector<16xf32>, vector<16xi1> -> vector<16xf32>
        %reduce_max3A_606 = vector.extract %reduce_max3A_605[15] : f32 from vector<16xf32>
        %broadcast_in_dim3A_607 = vector.broadcast %reduce_max3A_606 : f32 to vector<16xf32>
        %select_n3A_608 = arith.select %eq3A_602, %broadcast_in_dim3A_607, %select_n3A_581 : vector<16xi1>, vector<16xf32>
        %add3A_609 = arith.constant 208 : i32
        %add3A_610 = arith.addi %mul3A_259, %add3A_609 : i32
        %get3A_611 = arith.index_cast %add3A_610 : i32 to index
        %get3A_612 = tpu.vector_load %arg18[%get3A_611] {strides = array<i32>} : memref<5120xf32, #tpu.memory_space<vmem>>, vector<16xf32>,
        %get3A_613 = arith.index_cast %add3A_610 : i32 to index
        %get3A_614 = tpu.vector_load %arg19[%get3A_613] {strides = array<i32>} : memref<5120xi32, #tpu.memory_space<vmem>>, vector<16xi32>,
        %ge3A_615 = arith.constant 2.000000e-01 : f32
        %ge3A_616 = vector.broadcast %ge3A_615 : f32 to vector<16xf32>
        %ge3A_617 = arith.cmpf oge, %get3A_612, %ge3A_616 : vector<16xf32>
        %eq3A_618 = arith.constant 1 : i32
        %eq3A_619 = vector.broadcast %eq3A_618 : i32 to vector<16xi32>
        %eq3A_620 = arith.cmpi eq, %get3A_614, %eq3A_619 : vector<16xi32>
        %and3A_621 = arith.andi %ge3A_617, %eq3A_620 : vector<16xi1>
        %jit3A_622 = arith.constant 0xFF800000 : f32
        %broadcast_in_dim3A_623 = vector.broadcast %jit3A_622 : f32 to vector<16xf32>
        %select_n3A_624 = arith.select %and3A_621, %get3A_612, %broadcast_in_dim3A_623 : vector<16xi1>, vector<16xf32>
        %swap3A_625 = arith.index_cast %add3A_610 : i32 to index
        %swap3A_626 = tpu.vector_load %arg20[%swap3A_625] {strides = array<i32>} : memref<5120xf32, #tpu.memory_space<vmem>>, vector<16xf32>,
        tpu.vector_store %arg20[%swap3A_625], %select_n3A_624 {strides = array<i32>} : memref<5120xf32, #tpu.memory_space<vmem>>, vector<16xf32>,
        %eq3A_627 = arith.constant 13 : i32
        %eq3A_628 = vector.broadcast %eq3A_627 : i32 to vector<16xi32>
        %eq3A_629 = arith.cmpi eq, %iota3A, %eq3A_628 : vector<16xi32>
        %reduce_max3A_630 = arith.constant true
        %reduce_max3A_631 = vector.broadcast %reduce_max3A_630 : i1 to vector<16xi1>
        %reduce_max3A_632 = tpu.scan <max>, %select_n3A_624 masked %reduce_max3A_631 : vector<16xf32>, vector<16xi1> -> vector<16xf32>
        %reduce_max3A_633 = vector.extract %reduce_max3A_632[15] : f32 from vector<16xf32>
        %broadcast_in_dim3A_634 = vector.broadcast %reduce_max3A_633 : f32 to vector<16xf32>
        %select_n3A_635 = arith.select %eq3A_629, %broadcast_in_dim3A_634, %select_n3A_608 : vector<16xi1>, vector<16xf32>
        %add3A_636 = arith.constant 224 : i32
        %add3A_637 = arith.addi %mul3A_259, %add3A_636 : i32
        %get3A_638 = arith.index_cast %add3A_637 : i32 to index
        %get3A_639 = tpu.vector_load %arg18[%get3A_638] {strides = array<i32>} : memref<5120xf32, #tpu.memory_space<vmem>>, vector<16xf32>,
        %get3A_640 = arith.index_cast %add3A_637 : i32 to index
        %get3A_641 = tpu.vector_load %arg19[%get3A_640] {strides = array<i32>} : memref<5120xi32, #tpu.memory_space<vmem>>, vector<16xi32>,
        %ge3A_642 = arith.constant 2.000000e-01 : f32
        %ge3A_643 = vector.broadcast %ge3A_642 : f32 to vector<16xf32>
        %ge3A_644 = arith.cmpf oge, %get3A_639, %ge3A_643 : vector<16xf32>
        %eq3A_645 = arith.constant 1 : i32
        %eq3A_646 = vector.broadcast %eq3A_645 : i32 to vector<16xi32>
        %eq3A_647 = arith.cmpi eq, %get3A_641, %eq3A_646 : vector<16xi32>
        %and3A_648 = arith.andi %ge3A_644, %eq3A_647 : vector<16xi1>
        %jit3A_649 = arith.constant 0xFF800000 : f32
        %broadcast_in_dim3A_650 = vector.broadcast %jit3A_649 : f32 to vector<16xf32>
        %select_n3A_651 = arith.select %and3A_648, %get3A_639, %broadcast_in_dim3A_650 : vector<16xi1>, vector<16xf32>
        %swap3A_652 = arith.index_cast %add3A_637 : i32 to index
        %swap3A_653 = tpu.vector_load %arg20[%swap3A_652] {strides = array<i32>} : memref<5120xf32, #tpu.memory_space<vmem>>, vector<16xf32>,
        tpu.vector_store %arg20[%swap3A_652], %select_n3A_651 {strides = array<i32>} : memref<5120xf32, #tpu.memory_space<vmem>>, vector<16xf32>,
        %eq3A_654 = arith.constant 14 : i32
        %eq3A_655 = vector.broadcast %eq3A_654 : i32 to vector<16xi32>
        %eq3A_656 = arith.cmpi eq, %iota3A, %eq3A_655 : vector<16xi32>
        %reduce_max3A_657 = arith.constant true
        %reduce_max3A_658 = vector.broadcast %reduce_max3A_657 : i1 to vector<16xi1>
        %reduce_max3A_659 = tpu.scan <max>, %select_n3A_651 masked %reduce_max3A_658 : vector<16xf32>, vector<16xi1> -> vector<16xf32>
        %reduce_max3A_660 = vector.extract %reduce_max3A_659[15] : f32 from vector<16xf32>
        %broadcast_in_dim3A_661 = vector.broadcast %reduce_max3A_660 : f32 to vector<16xf32>
        %select_n3A_662 = arith.select %eq3A_656, %broadcast_in_dim3A_661, %select_n3A_635 : vector<16xi1>, vector<16xf32>
        %add3A_663 = arith.constant 240 : i32
        %add3A_664 = arith.addi %mul3A_259, %add3A_663 : i32
        %get3A_665 = arith.index_cast %add3A_664 : i32 to index
        %get3A_666 = tpu.vector_load %arg18[%get3A_665] {strides = array<i32>} : memref<5120xf32, #tpu.memory_space<vmem>>, vector<16xf32>,
        %get3A_667 = arith.index_cast %add3A_664 : i32 to index
        %get3A_668 = tpu.vector_load %arg19[%get3A_667] {strides = array<i32>} : memref<5120xi32, #tpu.memory_space<vmem>>, vector<16xi32>,
        %ge3A_669 = arith.constant 2.000000e-01 : f32
        %ge3A_670 = vector.broadcast %ge3A_669 : f32 to vector<16xf32>
        %ge3A_671 = arith.cmpf oge, %get3A_666, %ge3A_670 : vector<16xf32>
        %eq3A_672 = arith.constant 1 : i32
        %eq3A_673 = vector.broadcast %eq3A_672 : i32 to vector<16xi32>
        %eq3A_674 = arith.cmpi eq, %get3A_668, %eq3A_673 : vector<16xi32>
        %and3A_675 = arith.andi %ge3A_671, %eq3A_674 : vector<16xi1>
        %jit3A_676 = arith.constant 0xFF800000 : f32
        %broadcast_in_dim3A_677 = vector.broadcast %jit3A_676 : f32 to vector<16xf32>
        %select_n3A_678 = arith.select %and3A_675, %get3A_666, %broadcast_in_dim3A_677 : vector<16xi1>, vector<16xf32>
        %swap3A_679 = arith.index_cast %add3A_664 : i32 to index
        %swap3A_680 = tpu.vector_load %arg20[%swap3A_679] {strides = array<i32>} : memref<5120xf32, #tpu.memory_space<vmem>>, vector<16xf32>,
        tpu.vector_store %arg20[%swap3A_679], %select_n3A_678 {strides = array<i32>} : memref<5120xf32, #tpu.memory_space<vmem>>, vector<16xf32>,
        %eq3A_681 = arith.constant 15 : i32
        %eq3A_682 = vector.broadcast %eq3A_681 : i32 to vector<16xi32>
        %eq3A_683 = arith.cmpi eq, %iota3A, %eq3A_682 : vector<16xi32>
        %reduce_max3A_684 = arith.constant true
        %reduce_max3A_685 = vector.broadcast %reduce_max3A_684 : i1 to vector<16xi1>
        %reduce_max3A_686 = tpu.scan <max>, %select_n3A_678 masked %reduce_max3A_685 : vector<16xf32>, vector<16xi1> -> vector<16xf32>
        %reduce_max3A_687 = vector.extract %reduce_max3A_686[15] : f32 from vector<16xf32>
        %broadcast_in_dim3A_688 = vector.broadcast %reduce_max3A_687 : f32 to vector<16xf32>
        %select_n3A_689 = arith.select %eq3A_683, %broadcast_in_dim3A_688, %select_n3A_662 : vector<16xi1>, vector<16xf32>
        %mul3A_690 = arith.constant 16 : i32
        %mul3A_691 = arith.muli %scan3A_258, %mul3A_690 : i32
        %swap3A_692 = arith.index_cast %mul3A_691 : i32 to index
        %swap3A_693 = tpu.vector_load %arg21[%swap3A_692] {strides = array<i32>} : memref<320xf32, #tpu.memory_space<vmem>>, vector<16xf32>,
        tpu.vector_store %arg21[%swap3A_692], %select_n3A_689 {strides = array<i32>} : memref<320xf32, #tpu.memory_space<vmem>>, vector<16xf32>,
      }
      %scan3A_34 = arith.constant 20 : i32
      %broadcast_in_dim3A = arith.constant 0xFF800000 : f32
      %broadcast_in_dim3A_35 = vector.broadcast %broadcast_in_dim3A : f32 to vector<16xf32>
      %eq3A_36 = arith.constant 0 : i32
      %eq3A_37 = vector.broadcast %eq3A_36 : i32 to vector<16xi32>
      %eq3A_38 = arith.cmpi eq, %iota3A, %eq3A_37 : vector<16xi32>
      %get3A = arith.constant 0 : index
      %get3A_39 = tpu.vector_load %arg21[%get3A] {strides = array<i32>} : memref<320xf32, #tpu.memory_space<vmem>>, vector<16xf32>,
      %reduce_max3A = arith.constant true
      %reduce_max3A_40 = vector.broadcast %reduce_max3A : i1 to vector<16xi1>
      %reduce_max3A_41 = tpu.scan <max>, %get3A_39 masked %reduce_max3A_40 : vector<16xf32>, vector<16xi1> -> vector<16xf32>
      %reduce_max3A_42 = vector.extract %reduce_max3A_41[15] : f32 from vector<16xf32>
      %broadcast_in_dim3A_43 = vector.broadcast %reduce_max3A_42 : f32 to vector<16xf32>
      %select_n3A = arith.select %eq3A_38, %broadcast_in_dim3A_43, %broadcast_in_dim3A_35 : vector<16xi1>, vector<16xf32>
      %eq3A_44 = arith.constant 1 : i32
      %eq3A_45 = vector.broadcast %eq3A_44 : i32 to vector<16xi32>
      %eq3A_46 = arith.cmpi eq, %iota3A, %eq3A_45 : vector<16xi32>
      %get3A_47 = arith.constant 16 : index
      %get3A_48 = tpu.vector_load %arg21[%get3A_47] {strides = array<i32>} : memref<320xf32, #tpu.memory_space<vmem>>, vector<16xf32>,
      %reduce_max3A_49 = arith.constant true
      %reduce_max3A_50 = vector.broadcast %reduce_max3A_49 : i1 to vector<16xi1>
      %reduce_max3A_51 = tpu.scan <max>, %get3A_48 masked %reduce_max3A_50 : vector<16xf32>, vector<16xi1> -> vector<16xf32>
      %reduce_max3A_52 = vector.extract %reduce_max3A_51[15] : f32 from vector<16xf32>
      %broadcast_in_dim3A_53 = vector.broadcast %reduce_max3A_52 : f32 to vector<16xf32>
      %select_n3A_54 = arith.select %eq3A_46, %broadcast_in_dim3A_53, %select_n3A : vector<16xi1>, vector<16xf32>
      %eq3A_55 = arith.constant 2 : i32
      %eq3A_56 = vector.broadcast %eq3A_55 : i32 to vector<16xi32>
      %eq3A_57 = arith.cmpi eq, %iota3A, %eq3A_56 : vector<16xi32>
      %get3A_58 = arith.constant 32 : index
      %get3A_59 = tpu.vector_load %arg21[%get3A_58] {strides = array<i32>} : memref<320xf32, #tpu.memory_space<vmem>>, vector<16xf32>,
      %reduce_max3A_60 = arith.constant true
      %reduce_max3A_61 = vector.broadcast %reduce_max3A_60 : i1 to vector<16xi1>
      %reduce_max3A_62 = tpu.scan <max>, %get3A_59 masked %reduce_max3A_61 : vector<16xf32>, vector<16xi1> -> vector<16xf32>
      %reduce_max3A_63 = vector.extract %reduce_max3A_62[15] : f32 from vector<16xf32>
      %broadcast_in_dim3A_64 = vector.broadcast %reduce_max3A_63 : f32 to vector<16xf32>
      %select_n3A_65 = arith.select %eq3A_57, %broadcast_in_dim3A_64, %select_n3A_54 : vector<16xi1>, vector<16xf32>
      %eq3A_66 = arith.constant 3 : i32
      %eq3A_67 = vector.broadcast %eq3A_66 : i32 to vector<16xi32>
      %eq3A_68 = arith.cmpi eq, %iota3A, %eq3A_67 : vector<16xi32>
      %get3A_69 = arith.constant 48 : index
      %get3A_70 = tpu.vector_load %arg21[%get3A_69] {strides = array<i32>} : memref<320xf32, #tpu.memory_space<vmem>>, vector<16xf32>,
      %reduce_max3A_71 = arith.constant true
      %reduce_max3A_72 = vector.broadcast %reduce_max3A_71 : i1 to vector<16xi1>
      %reduce_max3A_73 = tpu.scan <max>, %get3A_70 masked %reduce_max3A_72 : vector<16xf32>, vector<16xi1> -> vector<16xf32>
      %reduce_max3A_74 = vector.extract %reduce_max3A_73[15] : f32 from vector<16xf32>
      %broadcast_in_dim3A_75 = vector.broadcast %reduce_max3A_74 : f32 to vector<16xf32>
      %select_n3A_76 = arith.select %eq3A_68, %broadcast_in_dim3A_75, %select_n3A_65 : vector<16xi1>, vector<16xf32>
      %eq3A_77 = arith.constant 4 : i32
      %eq3A_78 = vector.broadcast %eq3A_77 : i32 to vector<16xi32>
      %eq3A_79 = arith.cmpi eq, %iota3A, %eq3A_78 : vector<16xi32>
      %get3A_80 = arith.constant 64 : index
      %get3A_81 = tpu.vector_load %arg21[%get3A_80] {strides = array<i32>} : memref<320xf32, #tpu.memory_space<vmem>>, vector<16xf32>,
      %reduce_max3A_82 = arith.constant true
      %reduce_max3A_83 = vector.broadcast %reduce_max3A_82 : i1 to vector<16xi1>
      %reduce_max3A_84 = tpu.scan <max>, %get3A_81 masked %reduce_max3A_83 : vector<16xf32>, vector<16xi1> -> vector<16xf32>
      %reduce_max3A_85 = vector.extract %reduce_max3A_84[15] : f32 from vector<16xf32>
      %broadcast_in_dim3A_86 = vector.broadcast %reduce_max3A_85 : f32 to vector<16xf32>
      %select_n3A_87 = arith.select %eq3A_79, %broadcast_in_dim3A_86, %select_n3A_76 : vector<16xi1>, vector<16xf32>
      %eq3A_88 = arith.constant 5 : i32
      %eq3A_89 = vector.broadcast %eq3A_88 : i32 to vector<16xi32>
      %eq3A_90 = arith.cmpi eq, %iota3A, %eq3A_89 : vector<16xi32>
      %get3A_91 = arith.constant 80 : index
      %get3A_92 = tpu.vector_load %arg21[%get3A_91] {strides = array<i32>} : memref<320xf32, #tpu.memory_space<vmem>>, vector<16xf32>,
      %reduce_max3A_93 = arith.constant true
      %reduce_max3A_94 = vector.broadcast %reduce_max3A_93 : i1 to vector<16xi1>
      %reduce_max3A_95 = tpu.scan <max>, %get3A_92 masked %reduce_max3A_94 : vector<16xf32>, vector<16xi1> -> vector<16xf32>
      %reduce_max3A_96 = vector.extract %reduce_max3A_95[15] : f32 from vector<16xf32>
      %broadcast_in_dim3A_97 = vector.broadcast %reduce_max3A_96 : f32 to vector<16xf32>
      %select_n3A_98 = arith.select %eq3A_90, %broadcast_in_dim3A_97, %select_n3A_87 : vector<16xi1>, vector<16xf32>
      %eq3A_99 = arith.constant 6 : i32
      %eq3A_100 = vector.broadcast %eq3A_99 : i32 to vector<16xi32>
      %eq3A_101 = arith.cmpi eq, %iota3A, %eq3A_100 : vector<16xi32>
      %get3A_102 = arith.constant 96 : index
      %get3A_103 = tpu.vector_load %arg21[%get3A_102] {strides = array<i32>} : memref<320xf32, #tpu.memory_space<vmem>>, vector<16xf32>,
      %reduce_max3A_104 = arith.constant true
      %reduce_max3A_105 = vector.broadcast %reduce_max3A_104 : i1 to vector<16xi1>
      %reduce_max3A_106 = tpu.scan <max>, %get3A_103 masked %reduce_max3A_105 : vector<16xf32>, vector<16xi1> -> vector<16xf32>
      %reduce_max3A_107 = vector.extract %reduce_max3A_106[15] : f32 from vector<16xf32>
      %broadcast_in_dim3A_108 = vector.broadcast %reduce_max3A_107 : f32 to vector<16xf32>
      %select_n3A_109 = arith.select %eq3A_101, %broadcast_in_dim3A_108, %select_n3A_98 : vector<16xi1>, vector<16xf32>
      %eq3A_110 = arith.constant 7 : i32
      %eq3A_111 = vector.broadcast %eq3A_110 : i32 to vector<16xi32>
      %eq3A_112 = arith.cmpi eq, %iota3A, %eq3A_111 : vector<16xi32>
      %get3A_113 = arith.constant 112 : index
      %get3A_114 = tpu.vector_load %arg21[%get3A_113] {strides = array<i32>} : memref<320xf32, #tpu.memory_space<vmem>>, vector<16xf32>,
      %reduce_max3A_115 = arith.constant true
      %reduce_max3A_116 = vector.broadcast %reduce_max3A_115 : i1 to vector<16xi1>
      %reduce_max3A_117 = tpu.scan <max>, %get3A_114 masked %reduce_max3A_116 : vector<16xf32>, vector<16xi1> -> vector<16xf32>
      %reduce_max3A_118 = vector.extract %reduce_max3A_117[15] : f32 from vector<16xf32>
      %broadcast_in_dim3A_119 = vector.broadcast %reduce_max3A_118 : f32 to vector<16xf32>
      %select_n3A_120 = arith.select %eq3A_112, %broadcast_in_dim3A_119, %select_n3A_109 : vector<16xi1>, vector<16xf32>
      %eq3A_121 = arith.constant 8 : i32
      %eq3A_122 = vector.broadcast %eq3A_121 : i32 to vector<16xi32>
      %eq3A_123 = arith.cmpi eq, %iota3A, %eq3A_122 : vector<16xi32>
      %get3A_124 = arith.constant 128 : index
      %get3A_125 = tpu.vector_load %arg21[%get3A_124] {strides = array<i32>} : memref<320xf32, #tpu.memory_space<vmem>>, vector<16xf32>,
      %reduce_max3A_126 = arith.constant true
      %reduce_max3A_127 = vector.broadcast %reduce_max3A_126 : i1 to vector<16xi1>
      %reduce_max3A_128 = tpu.scan <max>, %get3A_125 masked %reduce_max3A_127 : vector<16xf32>, vector<16xi1> -> vector<16xf32>
      %reduce_max3A_129 = vector.extract %reduce_max3A_128[15] : f32 from vector<16xf32>
      %broadcast_in_dim3A_130 = vector.broadcast %reduce_max3A_129 : f32 to vector<16xf32>
      %select_n3A_131 = arith.select %eq3A_123, %broadcast_in_dim3A_130, %select_n3A_120 : vector<16xi1>, vector<16xf32>
      %eq3A_132 = arith.constant 9 : i32
      %eq3A_133 = vector.broadcast %eq3A_132 : i32 to vector<16xi32>
      %eq3A_134 = arith.cmpi eq, %iota3A, %eq3A_133 : vector<16xi32>
      %get3A_135 = arith.constant 144 : index
      %get3A_136 = tpu.vector_load %arg21[%get3A_135] {strides = array<i32>} : memref<320xf32, #tpu.memory_space<vmem>>, vector<16xf32>,
      %reduce_max3A_137 = arith.constant true
      %reduce_max3A_138 = vector.broadcast %reduce_max3A_137 : i1 to vector<16xi1>
      %reduce_max3A_139 = tpu.scan <max>, %get3A_136 masked %reduce_max3A_138 : vector<16xf32>, vector<16xi1> -> vector<16xf32>
      %reduce_max3A_140 = vector.extract %reduce_max3A_139[15] : f32 from vector<16xf32>
      %broadcast_in_dim3A_141 = vector.broadcast %reduce_max3A_140 : f32 to vector<16xf32>
      %select_n3A_142 = arith.select %eq3A_134, %broadcast_in_dim3A_141, %select_n3A_131 : vector<16xi1>, vector<16xf32>
      %eq3A_143 = arith.constant 10 : i32
      %eq3A_144 = vector.broadcast %eq3A_143 : i32 to vector<16xi32>
      %eq3A_145 = arith.cmpi eq, %iota3A, %eq3A_144 : vector<16xi32>
      %get3A_146 = arith.constant 160 : index
      %get3A_147 = tpu.vector_load %arg21[%get3A_146] {strides = array<i32>} : memref<320xf32, #tpu.memory_space<vmem>>, vector<16xf32>,
      %reduce_max3A_148 = arith.constant true
      %reduce_max3A_149 = vector.broadcast %reduce_max3A_148 : i1 to vector<16xi1>
      %reduce_max3A_150 = tpu.scan <max>, %get3A_147 masked %reduce_max3A_149 : vector<16xf32>, vector<16xi1> -> vector<16xf32>
      %reduce_max3A_151 = vector.extract %reduce_max3A_150[15] : f32 from vector<16xf32>
      %broadcast_in_dim3A_152 = vector.broadcast %reduce_max3A_151 : f32 to vector<16xf32>
      %select_n3A_153 = arith.select %eq3A_145, %broadcast_in_dim3A_152, %select_n3A_142 : vector<16xi1>, vector<16xf32>
      %eq3A_154 = arith.constant 11 : i32
      %eq3A_155 = vector.broadcast %eq3A_154 : i32 to vector<16xi32>
      %eq3A_156 = arith.cmpi eq, %iota3A, %eq3A_155 : vector<16xi32>
      %get3A_157 = arith.constant 176 : index
      %get3A_158 = tpu.vector_load %arg21[%get3A_157] {strides = array<i32>} : memref<320xf32, #tpu.memory_space<vmem>>, vector<16xf32>,
      %reduce_max3A_159 = arith.constant true
      %reduce_max3A_160 = vector.broadcast %reduce_max3A_159 : i1 to vector<16xi1>
      %reduce_max3A_161 = tpu.scan <max>, %get3A_158 masked %reduce_max3A_160 : vector<16xf32>, vector<16xi1> -> vector<16xf32>
      %reduce_max3A_162 = vector.extract %reduce_max3A_161[15] : f32 from vector<16xf32>
      %broadcast_in_dim3A_163 = vector.broadcast %reduce_max3A_162 : f32 to vector<16xf32>
      %select_n3A_164 = arith.select %eq3A_156, %broadcast_in_dim3A_163, %select_n3A_153 : vector<16xi1>, vector<16xf32>
      %eq3A_165 = arith.constant 12 : i32
      %eq3A_166 = vector.broadcast %eq3A_165 : i32 to vector<16xi32>
      %eq3A_167 = arith.cmpi eq, %iota3A, %eq3A_166 : vector<16xi32>
      %get3A_168 = arith.constant 192 : index
      %get3A_169 = tpu.vector_load %arg21[%get3A_168] {strides = array<i32>} : memref<320xf32, #tpu.memory_space<vmem>>, vector<16xf32>,
      %reduce_max3A_170 = arith.constant true
      %reduce_max3A_171 = vector.broadcast %reduce_max3A_170 : i1 to vector<16xi1>
      %reduce_max3A_172 = tpu.scan <max>, %get3A_169 masked %reduce_max3A_171 : vector<16xf32>, vector<16xi1> -> vector<16xf32>
      %reduce_max3A_173 = vector.extract %reduce_max3A_172[15] : f32 from vector<16xf32>
      %broadcast_in_dim3A_174 = vector.broadcast %reduce_max3A_173 : f32 to vector<16xf32>
      %select_n3A_175 = arith.select %eq3A_167, %broadcast_in_dim3A_174, %select_n3A_164 : vector<16xi1>, vector<16xf32>
      %eq3A_176 = arith.constant 13 : i32
      %eq3A_177 = vector.broadcast %eq3A_176 : i32 to vector<16xi32>
      %eq3A_178 = arith.cmpi eq, %iota3A, %eq3A_177 : vector<16xi32>
      %get3A_179 = arith.constant 208 : index
      %get3A_180 = tpu.vector_load %arg21[%get3A_179] {strides = array<i32>} : memref<320xf32, #tpu.memory_space<vmem>>, vector<16xf32>,
      %reduce_max3A_181 = arith.constant true
      %reduce_max3A_182 = vector.broadcast %reduce_max3A_181 : i1 to vector<16xi1>
      %reduce_max3A_183 = tpu.scan <max>, %get3A_180 masked %reduce_max3A_182 : vector<16xf32>, vector<16xi1> -> vector<16xf32>
      %reduce_max3A_184 = vector.extract %reduce_max3A_183[15] : f32 from vector<16xf32>
      %broadcast_in_dim3A_185 = vector.broadcast %reduce_max3A_184 : f32 to vector<16xf32>
      %select_n3A_186 = arith.select %eq3A_178, %broadcast_in_dim3A_185, %select_n3A_175 : vector<16xi1>, vector<16xf32>
      %eq3A_187 = arith.constant 14 : i32
      %eq3A_188 = vector.broadcast %eq3A_187 : i32 to vector<16xi32>
      %eq3A_189 = arith.cmpi eq, %iota3A, %eq3A_188 : vector<16xi32>
      %get3A_190 = arith.constant 224 : index
      %get3A_191 = tpu.vector_load %arg21[%get3A_190] {strides = array<i32>} : memref<320xf32, #tpu.memory_space<vmem>>, vector<16xf32>,
      %reduce_max3A_192 = arith.constant true
      %reduce_max3A_193 = vector.broadcast %reduce_max3A_192 : i1 to vector<16xi1>
      %reduce_max3A_194 = tpu.scan <max>, %get3A_191 masked %reduce_max3A_193 : vector<16xf32>, vector<16xi1> -> vector<16xf32>
      %reduce_max3A_195 = vector.extract %reduce_max3A_194[15] : f32 from vector<16xf32>
      %broadcast_in_dim3A_196 = vector.broadcast %reduce_max3A_195 : f32 to vector<16xf32>
      %select_n3A_197 = arith.select %eq3A_189, %broadcast_in_dim3A_196, %select_n3A_186 : vector<16xi1>, vector<16xf32>
      %eq3A_198 = arith.constant 15 : i32
      %eq3A_199 = vector.broadcast %eq3A_198 : i32 to vector<16xi32>
      %eq3A_200 = arith.cmpi eq, %iota3A, %eq3A_199 : vector<16xi32>
      %get3A_201 = arith.constant 240 : index
      %get3A_202 = tpu.vector_load %arg21[%get3A_201] {strides = array<i32>} : memref<320xf32, #tpu.memory_space<vmem>>, vector<16xf32>,
      %reduce_max3A_203 = arith.constant true
      %reduce_max3A_204 = vector.broadcast %reduce_max3A_203 : i1 to vector<16xi1>
      %reduce_max3A_205 = tpu.scan <max>, %get3A_202 masked %reduce_max3A_204 : vector<16xf32>, vector<16xi1> -> vector<16xf32>
      %reduce_max3A_206 = vector.extract %reduce_max3A_205[15] : f32 from vector<16xf32>
      %broadcast_in_dim3A_207 = vector.broadcast %reduce_max3A_206 : f32 to vector<16xf32>
      %select_n3A_208 = arith.select %eq3A_200, %broadcast_in_dim3A_207, %select_n3A_197 : vector<16xi1>, vector<16xf32>
      %swap3A = arith.constant 0 : index
      %swap3A_209 = tpu.vector_load %arg22[%swap3A] {strides = array<i32>} : memref<32xf32, #tpu.memory_space<vmem>>, vector<16xf32>,
      tpu.vector_store %arg22[%swap3A], %select_n3A_208 {strides = array<i32>} : memref<32xf32, #tpu.memory_space<vmem>>, vector<16xf32>,
      %broadcast_in_dim3A_210 = arith.constant 0xFF800000 : f32
      %broadcast_in_dim3A_211 = vector.broadcast %broadcast_in_dim3A_210 : f32 to vector<16xf32>
      %eq3A_212 = arith.constant 0 : i32
      %eq3A_213 = vector.broadcast %eq3A_212 : i32 to vector<16xi32>
      %eq3A_214 = arith.cmpi eq, %iota3A, %eq3A_213 : vector<16xi32>
      %get3A_215 = arith.constant 256 : index
      %get3A_216 = tpu.vector_load %arg21[%get3A_215] {strides = array<i32>} : memref<320xf32, #tpu.memory_space<vmem>>, vector<16xf32>,
      %reduce_max3A_217 = arith.constant true
      %reduce_max3A_218 = vector.broadcast %reduce_max3A_217 : i1 to vector<16xi1>
      %reduce_max3A_219 = tpu.scan <max>, %get3A_216 masked %reduce_max3A_218 : vector<16xf32>, vector<16xi1> -> vector<16xf32>
      %reduce_max3A_220 = vector.extract %reduce_max3A_219[15] : f32 from vector<16xf32>
      %broadcast_in_dim3A_221 = vector.broadcast %reduce_max3A_220 : f32 to vector<16xf32>
      %select_n3A_222 = arith.select %eq3A_214, %broadcast_in_dim3A_221, %broadcast_in_dim3A_211 : vector<16xi1>, vector<16xf32>
      %eq3A_223 = arith.constant 1 : i32
      %eq3A_224 = vector.broadcast %eq3A_223 : i32 to vector<16xi32>
      %eq3A_225 = arith.cmpi eq, %iota3A, %eq3A_224 : vector<16xi32>
      %get3A_226 = arith.constant 272 : index
      %get3A_227 = tpu.vector_load %arg21[%get3A_226] {strides = array<i32>} : memref<320xf32, #tpu.memory_space<vmem>>, vector<16xf32>,
      %reduce_max3A_228 = arith.constant true
      %reduce_max3A_229 = vector.broadcast %reduce_max3A_228 : i1 to vector<16xi1>
      %reduce_max3A_230 = tpu.scan <max>, %get3A_227 masked %reduce_max3A_229 : vector<16xf32>, vector<16xi1> -> vector<16xf32>
      %reduce_max3A_231 = vector.extract %reduce_max3A_230[15] : f32 from vector<16xf32>
      %broadcast_in_dim3A_232 = vector.broadcast %reduce_max3A_231 : f32 to vector<16xf32>
      %select_n3A_233 = arith.select %eq3A_225, %broadcast_in_dim3A_232, %select_n3A_222 : vector<16xi1>, vector<16xf32>
      %eq3A_234 = arith.constant 2 : i32
      %eq3A_235 = vector.broadcast %eq3A_234 : i32 to vector<16xi32>
      %eq3A_236 = arith.cmpi eq, %iota3A, %eq3A_235 : vector<16xi32>
      %get3A_237 = arith.constant 288 : index
      %get3A_238 = tpu.vector_load %arg21[%get3A_237] {strides = array<i32>} : memref<320xf32, #tpu.memory_space<vmem>>, vector<16xf32>,
      %reduce_max3A_239 = arith.constant true
      %reduce_max3A_240 = vector.broadcast %reduce_max3A_239 : i1 to vector<16xi1>
      %reduce_max3A_241 = tpu.scan <max>, %get3A_238 masked %reduce_max3A_240 : vector<16xf32>, vector<16xi1> -> vector<16xf32>
      %reduce_max3A_242 = vector.extract %reduce_max3A_241[15] : f32 from vector<16xf32>
      %broadcast_in_dim3A_243 = vector.broadcast %reduce_max3A_242 : f32 to vector<16xf32>
      %select_n3A_244 = arith.select %eq3A_236, %broadcast_in_dim3A_243, %select_n3A_233 : vector<16xi1>, vector<16xf32>
      %eq3A_245 = arith.constant 3 : i32
      %eq3A_246 = vector.broadcast %eq3A_245 : i32 to vector<16xi32>
      %eq3A_247 = arith.cmpi eq, %iota3A, %eq3A_246 : vector<16xi32>
      %get3A_248 = arith.constant 304 : index
      %get3A_249 = tpu.vector_load %arg21[%get3A_248] {strides = array<i32>} : memref<320xf32, #tpu.memory_space<vmem>>, vector<16xf32>,
      %reduce_max3A_250 = arith.constant true
      %reduce_max3A_251 = vector.broadcast %reduce_max3A_250 : i1 to vector<16xi1>
      %reduce_max3A_252 = tpu.scan <max>, %get3A_249 masked %reduce_max3A_251 : vector<16xf32>, vector<16xi1> -> vector<16xf32>
      %reduce_max3A_253 = vector.extract %reduce_max3A_252[15] : f32 from vector<16xf32>
      %broadcast_in_dim3A_254 = vector.broadcast %reduce_max3A_253 : f32 to vector<16xf32>
      %select_n3A_255 = arith.select %eq3A_247, %broadcast_in_dim3A_254, %select_n3A_244 : vector<16xi1>, vector<16xf32>
      %swap3A_256 = arith.constant 16 : index
      %swap3A_257 = tpu.vector_load %arg22[%swap3A_256] {strides = array<i32>} : memref<32xf32, #tpu.memory_space<vmem>>, vector<16xf32>,
      tpu.vector_store %arg22[%swap3A_256], %select_n3A_255 {strides = array<i32>} : memref<32xf32, #tpu.memory_space<vmem>>, vector<16xf32>,
      tpu.wait_dma2 semaphore(%arg40 : memref<!tpu.dma_semaphore, #tpu.memory_space<semaphore_mem>>) src(%arg2 : memref<5120xf32, #tpu.memory_space<hbm>>) dst(%arg14 : memref<5120xf32, #tpu.memory_space<vmem>>)
      tpu.wait_dma2 semaphore(%arg40 : memref<!tpu.dma_semaphore, #tpu.memory_space<semaphore_mem>>) src(%arg3 : memref<5120xf32, #tpu.memory_space<hbm>>) dst(%arg15 : memref<5120xf32, #tpu.memory_space<vmem>>)
      tpu.wait_dma2 semaphore(%arg40 : memref<!tpu.dma_semaphore, #tpu.memory_space<semaphore_mem>>) src(%arg4 : memref<5120xf32, #tpu.memory_space<hbm>>) dst(%arg16 : memref<5120xf32, #tpu.memory_space<vmem>>)
      tpu.wait_dma2 semaphore(%arg40 : memref<!tpu.dma_semaphore, #tpu.memory_space<semaphore_mem>>) src(%arg5 : memref<5120xf32, #tpu.memory_space<hbm>>) dst(%arg17 : memref<5120xf32, #tpu.memory_space<vmem>>)
    } else {
    }
    %barrier3A = arith.constant 0 : index
    tpu.barrier barrier_id(%barrier3A)
    %eq3A_14 = arith.constant 0 : i32
    %eq3A_15 = arith.cmpi eq, %arg1, %eq3A_14 : i32
    %convert_element_type3A_16 = arith.extui %eq3A_15 : i1 to i32
    %cond3A_17 = arith.constant 0 : i32
    %cond3A_18 = arith.cmpi ne, %convert_element_type3A_16, %cond3A_17 : i32
    scf.if %cond3A_18 {
      "tpu.region"() ({
        %run_scoped3A = tpu.sem_alloc : memref<!tpu.dma_semaphore, #tpu.memory_space<semaphore_mem>>
        tpu.enqueue_dma source(%arg36 : memref<32xf32, #tpu.memory_space<vmem_shared>>) target(%arg25 : memref<32xf32, #tpu.memory_space<vmem>>) target_semaphore(%run_scoped3A : memref<!tpu.dma_semaphore, #tpu.memory_space<semaphore_mem>>)
        tpu.wait_dma2 semaphore(%run_scoped3A : memref<!tpu.dma_semaphore, #tpu.memory_space<semaphore_mem>>) src(%arg36 : memref<32xf32, #tpu.memory_space<vmem_shared>>) dst(%arg25 : memref<32xf32, #tpu.memory_space<vmem>>)
        tpu.yield
      }) : () -> ()
      %get3A = arith.constant 0 : index
      %get3A_30 = tpu.vector_load %arg25[%get3A] {strides = array<i32>} : memref<32xf32, #tpu.memory_space<vmem>>, vector<16xf32>,
      %get3A_31 = arith.constant 16 : index
      %get3A_32 = tpu.vector_load %arg25[%get3A_31] {strides = array<i32>} : memref<32xf32, #tpu.memory_space<vmem>>, vector<16xf32>,
      %max3A = arith.maximumf %get3A_30, %get3A_32 : vector<16xf32>
      %reduce_max3A = arith.constant true
      %reduce_max3A_33 = vector.broadcast %reduce_max3A : i1 to vector<16xi1>
      %reduce_max3A_34 = tpu.scan <max>, %max3A masked %reduce_max3A_33 : vector<16xf32>, vector<16xi1> -> vector<16xf32>
      %reduce_max3A_35 = vector.extract %reduce_max3A_34[15] : f32 from vector<16xf32>
      %add3A = arith.constant 1.000000e+00 : f32
      %add3A_36 = arith.addf %reduce_max3A_35, %add3A : f32
      %broadcast_in_dim3A = arith.constant 0.000000e+00 : f32
      %broadcast_in_dim3A_37 = vector.broadcast %broadcast_in_dim3A : f32 to vector<16xf32>
      %broadcast_in_dim3A_38 = arith.constant 0xFF800000 : f32
      %broadcast_in_dim3A_39 = vector.broadcast %broadcast_in_dim3A_38 : f32 to vector<16xf32>
      %broadcast_in_dim3A_40 = arith.constant 0 : i32
      %broadcast_in_dim3A_41 = vector.broadcast %broadcast_in_dim3A_40 : i32 to vector<16xi32>
      %while3A = arith.constant 0 : i32
      %while3A_42 = arith.constant false
      %while3A_43:9 = scf.while (%while3A_47 = %while3A, %while3A_48 = %while3A_42, %while3A_49 = %broadcast_in_dim3A_37, %while3A_50 = %broadcast_in_dim3A_37, %while3A_51 = %broadcast_in_dim3A_37, %while3A_52 = %broadcast_in_dim3A_37, %while3A_53 = %broadcast_in_dim3A_37, %while3A_54 = %broadcast_in_dim3A_39, %while3A_55 = %broadcast_in_dim3A_41) : (i32, i1, vector<16xf32>, vector<16xf32>, vector<16xf32>, vector<16xf32>, vector<16xf32>, vector<16xf32>, vector<16xi32>) -> (i32, i1, vector<16xf32>, vector<16xf32>, vector<16xf32>, vector<16xf32>, vector<16xf32>, vector<16xf32>, vector<16xi32>) {
        %lt3A = arith.constant 15 : i32
        %lt3A_56 = arith.cmpi slt, %while3A_47, %lt3A : i32
        %not3A = arith.constant true
        %not3A_57 = arith.xori %while3A_48, %not3A : i1
        %and3A = arith.andi %lt3A_56, %not3A_57 : i1
        scf.condition(%and3A) %while3A_47, %while3A_48, %while3A_49, %while3A_50, %while3A_51, %while3A_52, %while3A_53, %while3A_54, %while3A_55 : i32, i1, vector<16xf32>, vector<16xf32>, vector<16xf32>, vector<16xf32>, vector<16xf32>, vector<16xf32>, vector<16xi32>
      } do {
      ^bb0(%while3A_47: i32, %while3A_48: i1, %while3A_49: vector<16xf32>, %while3A_50: vector<16xf32>, %while3A_51: vector<16xf32>, %while3A_52: vector<16xf32>, %while3A_53: vector<16xf32>, %while3A_54: vector<16xf32>, %while3A_55: vector<16xi32>):
        %broadcast_in_dim3A_56 = arith.constant 0xFF800000 : f32
        %broadcast_in_dim3A_57 = vector.broadcast %broadcast_in_dim3A_56 : f32 to vector<16xf32>
        %broadcast_in_dim3A_58 = arith.constant 0 : i32
        %broadcast_in_dim3A_59 = vector.broadcast %broadcast_in_dim3A_58 : i32 to vector<16xi32>
        %get3A_60 = arith.constant 0 : index
        %get3A_61 = tpu.vector_load %arg22[%get3A_60] {strides = array<i32>} : memref<32xf32, #tpu.memory_space<vmem>>, vector<16xf32>,
        %gt3A = arith.cmpf ogt, %get3A_61, %broadcast_in_dim3A_57 : vector<16xf32>
        %select_n3A = arith.select %gt3A, %get3A_61, %broadcast_in_dim3A_57 : vector<16xi1>, vector<16xf32>
        %add3A_62 = arith.constant 0 : i32
        %add3A_63 = vector.broadcast %add3A_62 : i32 to vector<16xi32>
        %add3A_64 = arith.addi %add3A_63, %iota3A : vector<16xi32>
        %select_n3A_65 = arith.select %gt3A, %add3A_64, %broadcast_in_dim3A_59 : vector<16xi1>, vector<16xi32>
        %get3A_66 = arith.constant 16 : index
        %get3A_67 = tpu.vector_load %arg22[%get3A_66] {strides = array<i32>} : memref<32xf32, #tpu.memory_space<vmem>>, vector<16xf32>,
        %gt3A_68 = arith.cmpf ogt, %get3A_67, %select_n3A : vector<16xf32>
        %select_n3A_69 = arith.select %gt3A_68, %get3A_67, %select_n3A : vector<16xi1>, vector<16xf32>
        %add3A_70 = arith.constant 16 : i32
        %add3A_71 = vector.broadcast %add3A_70 : i32 to vector<16xi32>
        %add3A_72 = arith.addi %add3A_71, %iota3A : vector<16xi32>
        %select_n3A_73 = arith.select %gt3A_68, %add3A_72, %select_n3A_65 : vector<16xi1>, vector<16xi32>
        %reduce_max3A_74 = arith.constant true
        %reduce_max3A_75 = vector.broadcast %reduce_max3A_74 : i1 to vector<16xi1>
        %reduce_max3A_76 = tpu.scan <max>, %select_n3A_69 masked %reduce_max3A_75 : vector<16xf32>, vector<16xi1> -> vector<16xf32>
        %reduce_max3A_77 = vector.extract %reduce_max3A_76[15] : f32 from vector<16xf32>
        %gt3A_78 = arith.constant -9.99999968E+37 : f32
        %gt3A_79 = arith.cmpf ogt, %reduce_max3A_77, %gt3A_78 : f32
        %eq3A_80 = vector.broadcast %reduce_max3A_77 : f32 to vector<16xf32>
        %eq3A_81 = arith.cmpf oeq, %select_n3A_69, %eq3A_80 : vector<16xf32>
        %jit3A = arith.constant 1073741824 : i32
        %broadcast_in_dim3A_82 = vector.broadcast %jit3A : i32 to vector<16xi32>
        %select_n3A_83 = arith.select %eq3A_81, %select_n3A_73, %broadcast_in_dim3A_82 : vector<16xi1>, vector<16xi32>
        %reduce_min3A = arith.constant true
        %reduce_min3A_84 = vector.broadcast %reduce_min3A : i1 to vector<16xi1>
        %reduce_min3A_85 = arith.constant -2147483648 : i32
        %reduce_min3A_86 = vector.broadcast %reduce_min3A_85 : i32 to vector<16xi32>
        %reduce_min3A_87 = arith.xori %select_n3A_83, %reduce_min3A_86 : vector<16xi32>
        %reduce_min3A_88 = tpu.scan <min>, %reduce_min3A_87 masked %reduce_min3A_84 : vector<16xi32>, vector<16xi1> -> vector<16xi32>
        %reduce_min3A_89 = arith.xori %reduce_min3A_88, %reduce_min3A_86 : vector<16xi32>
        %reduce_min3A_90 = vector.extract %reduce_min3A_89[15] : i32 from vector<16xi32>
        %mul3A = arith.constant 16 : i32
        %mul3A_91 = arith.muli %reduce_min3A_90, %mul3A : i32
        %get3A_92 = arith.index_cast %mul3A_91 : i32 to index
        %get3A_93 = tpu.vector_load %arg21[%get3A_92] {strides = array<i32>} : memref<320xf32, #tpu.memory_space<vmem>>, vector<16xf32>,
        %eq3A_94 = vector.broadcast %reduce_max3A_77 : f32 to vector<16xf32>
        %eq3A_95 = arith.cmpf oeq, %get3A_93, %eq3A_94 : vector<16xf32>
        %jit3A_96 = arith.constant 15 : i32
        %broadcast_in_dim3A_97 = vector.broadcast %jit3A_96 : i32 to vector<16xi32>
        %select_n3A_98 = arith.select %eq3A_95, %iota3A, %broadcast_in_dim3A_97 : vector<16xi1>, vector<16xi32>
        %reduce_min3A_99 = arith.constant true
        %reduce_min3A_100 = vector.broadcast %reduce_min3A_99 : i1 to vector<16xi1>
        %reduce_min3A_101 = arith.constant -2147483648 : i32
        %reduce_min3A_102 = vector.broadcast %reduce_min3A_101 : i32 to vector<16xi32>
        %reduce_min3A_103 = arith.xori %select_n3A_98, %reduce_min3A_102 : vector<16xi32>
        %reduce_min3A_104 = tpu.scan <min>, %reduce_min3A_103 masked %reduce_min3A_100 : vector<16xi32>, vector<16xi1> -> vector<16xi32>
        %reduce_min3A_105 = arith.xori %reduce_min3A_104, %reduce_min3A_102 : vector<16xi32>
        %reduce_min3A_106 = vector.extract %reduce_min3A_105[15] : i32 from vector<16xi32>
        %add3A_107 = arith.addi %mul3A_91, %reduce_min3A_106 : i32
        %mul3A_108 = arith.constant 16 : i32
        %mul3A_109 = arith.muli %add3A_107, %mul3A_108 : i32
        %get3A_110 = arith.index_cast %mul3A_109 : i32 to index
        %get3A_111 = tpu.vector_load %arg20[%get3A_110] {strides = array<i32>} : memref<5120xf32, #tpu.memory_space<vmem>>, vector<16xf32>,
        %eq3A_112 = vector.broadcast %reduce_max3A_77 : f32 to vector<16xf32>
        %eq3A_113 = arith.cmpf oeq, %get3A_111, %eq3A_112 : vector<16xf32>
        %jit3A_114 = arith.constant 15 : i32
        %broadcast_in_dim3A_115 = vector.broadcast %jit3A_114 : i32 to vector<16xi32>
        %select_n3A_116 = arith.select %eq3A_113, %iota3A, %broadcast_in_dim3A_115 : vector<16xi1>, vector<16xi32>
        %reduce_min3A_117 = arith.constant true
        %reduce_min3A_118 = vector.broadcast %reduce_min3A_117 : i1 to vector<16xi1>
        %reduce_min3A_119 = arith.constant -2147483648 : i32
        %reduce_min3A_120 = vector.broadcast %reduce_min3A_119 : i32 to vector<16xi32>
        %reduce_min3A_121 = arith.xori %select_n3A_116, %reduce_min3A_120 : vector<16xi32>
        %reduce_min3A_122 = tpu.scan <min>, %reduce_min3A_121 masked %reduce_min3A_118 : vector<16xi32>, vector<16xi1> -> vector<16xi32>
        %reduce_min3A_123 = arith.xori %reduce_min3A_122, %reduce_min3A_120 : vector<16xi32>
        %reduce_min3A_124 = vector.extract %reduce_min3A_123[15] : i32 from vector<16xi32>
        %add3A_125 = arith.addi %mul3A_109, %reduce_min3A_124 : i32
        %eq3A_126 = vector.broadcast %reduce_min3A_124 : i32 to vector<16xi32>
        %eq3A_127 = arith.cmpi eq, %iota3A, %eq3A_126 : vector<16xi32>
        %get3A_128 = arith.index_cast %mul3A_109 : i32 to index
        %get3A_129 = tpu.vector_load %arg19[%get3A_128] {strides = array<i32>} : memref<5120xi32, #tpu.memory_space<vmem>>, vector<16xi32>,
        %jit3A_130 = arith.constant 0 : i32
        %broadcast_in_dim3A_131 = vector.broadcast %jit3A_130 : i32 to vector<16xi32>
        %select_n3A_132 = arith.select %eq3A_127, %get3A_129, %broadcast_in_dim3A_131 : vector<16xi1>, vector<16xi32>
        %reduce_sum3A = arith.constant true
        %reduce_sum3A_133 = vector.broadcast %reduce_sum3A : i1 to vector<16xi1>
        %reduce_sum3A_134 = tpu.scan <sum>, %select_n3A_132 masked %reduce_sum3A_133 : vector<16xi32>, vector<16xi1> -> vector<16xi32>
        %reduce_sum3A_135 = vector.extract %reduce_sum3A_134[15] : i32 from vector<16xi32>
        %convert_element_type3A_136 = arith.sitofp %reduce_sum3A_135 : i32 to f32
        %mul3A_137 = arith.mulf %convert_element_type3A_136, %add3A_36 : f32
        %get3A_138 = arith.index_cast %mul3A_109 : i32 to index
        %get3A_139 = tpu.vector_load %arg14[%get3A_138] {strides = array<i32>} : memref<5120xf32, #tpu.memory_space<vmem>>, vector<16xf32>,
        %jit3A_140 = arith.constant 0.000000e+00 : f32
        %broadcast_in_dim3A_141 = vector.broadcast %jit3A_140 : f32 to vector<16xf32>
        %select_n3A_142 = arith.select %eq3A_127, %get3A_139, %broadcast_in_dim3A_141 : vector<16xi1>, vector<16xf32>
        %reduce_sum3A_143 = arith.constant true
        %reduce_sum3A_144 = vector.broadcast %reduce_sum3A_143 : i1 to vector<16xi1>
        %reduce_sum3A_145 = tpu.scan <sum>, %select_n3A_142 masked %reduce_sum3A_144 : vector<16xf32>, vector<16xi1> -> vector<16xf32>
        %reduce_sum3A_146 = vector.extract %reduce_sum3A_145[15] : f32 from vector<16xf32>
        %add3A_147 = arith.addf %reduce_sum3A_146, %mul3A_137 : f32
        %get3A_148 = arith.index_cast %mul3A_109 : i32 to index
        %get3A_149 = tpu.vector_load %arg15[%get3A_148] {strides = array<i32>} : memref<5120xf32, #tpu.memory_space<vmem>>, vector<16xf32>,
        %jit3A_150 = arith.constant 0.000000e+00 : f32
        %broadcast_in_dim3A_151 = vector.broadcast %jit3A_150 : f32 to vector<16xf32>
        %select_n3A_152 = arith.select %eq3A_127, %get3A_149, %broadcast_in_dim3A_151 : vector<16xi1>, vector<16xf32>
        %reduce_sum3A_153 = arith.constant true
        %reduce_sum3A_154 = vector.broadcast %reduce_sum3A_153 : i1 to vector<16xi1>
        %reduce_sum3A_155 = tpu.scan <sum>, %select_n3A_152 masked %reduce_sum3A_154 : vector<16xf32>, vector<16xi1> -> vector<16xf32>
        %reduce_sum3A_156 = vector.extract %reduce_sum3A_155[15] : f32 from vector<16xf32>
        %add3A_157 = arith.addf %reduce_sum3A_156, %mul3A_137 : f32
        %get3A_158 = arith.index_cast %mul3A_109 : i32 to index
        %get3A_159 = tpu.vector_load %arg16[%get3A_158] {strides = array<i32>} : memref<5120xf32, #tpu.memory_space<vmem>>, vector<16xf32>,
        %jit3A_160 = arith.constant 0.000000e+00 : f32
        %broadcast_in_dim3A_161 = vector.broadcast %jit3A_160 : f32 to vector<16xf32>
        %select_n3A_162 = arith.select %eq3A_127, %get3A_159, %broadcast_in_dim3A_161 : vector<16xi1>, vector<16xf32>
        %reduce_sum3A_163 = arith.constant true
        %reduce_sum3A_164 = vector.broadcast %reduce_sum3A_163 : i1 to vector<16xi1>
        %reduce_sum3A_165 = tpu.scan <sum>, %select_n3A_162 masked %reduce_sum3A_164 : vector<16xf32>, vector<16xi1> -> vector<16xf32>
        %reduce_sum3A_166 = vector.extract %reduce_sum3A_165[15] : f32 from vector<16xf32>
        %add3A_167 = arith.addf %reduce_sum3A_166, %mul3A_137 : f32
        %get3A_168 = arith.index_cast %mul3A_109 : i32 to index
        %get3A_169 = tpu.vector_load %arg17[%get3A_168] {strides = array<i32>} : memref<5120xf32, #tpu.memory_space<vmem>>, vector<16xf32>,
        %jit3A_170 = arith.constant 0.000000e+00 : f32
        %broadcast_in_dim3A_171 = vector.broadcast %jit3A_170 : f32 to vector<16xf32>
        %select_n3A_172 = arith.select %eq3A_127, %get3A_169, %broadcast_in_dim3A_171 : vector<16xi1>, vector<16xf32>
        %reduce_sum3A_173 = arith.constant true
        %reduce_sum3A_174 = vector.broadcast %reduce_sum3A_173 : i1 to vector<16xi1>
        %reduce_sum3A_175 = tpu.scan <sum>, %select_n3A_172 masked %reduce_sum3A_174 : vector<16xf32>, vector<16xi1> -> vector<16xf32>
        %reduce_sum3A_176 = vector.extract %reduce_sum3A_175[15] : f32 from vector<16xf32>
        %add3A_177 = arith.addf %reduce_sum3A_176, %mul3A_137 : f32
        %sub3A = arith.subf %add3A_167, %add3A_147 : f32
        %sub3A_178 = arith.subf %add3A_177, %add3A_157 : f32
        %mul3A_179 = arith.mulf %sub3A, %sub3A_178 : f32
        %max3A_180 = vector.broadcast %add3A_147 : f32 to vector<16xf32>
        %max3A_181 = arith.maximumf %while3A_49, %max3A_180 : vector<16xf32>
        %max3A_182 = vector.broadcast %add3A_157 : f32 to vector<16xf32>
        %max3A_183 = arith.maximumf %while3A_50, %max3A_182 : vector<16xf32>
        %min3A = vector.broadcast %add3A_167 : f32 to vector<16xf32>
        %min3A_184 = arith.minimumf %while3A_51, %min3A : vector<16xf32>
        %min3A_185 = vector.broadcast %add3A_177 : f32 to vector<16xf32>
        %min3A_186 = arith.minimumf %while3A_52, %min3A_185 : vector<16xf32>
        %sub3A_187 = arith.subf %min3A_184, %max3A_181 : vector<16xf32>
        %max3A_188 = arith.constant 0.000000e+00 : f32
        %max3A_189 = vector.broadcast %max3A_188 : f32 to vector<16xf32>
        %max3A_190 = arith.maximumf %sub3A_187, %max3A_189 : vector<16xf32>
        %sub3A_191 = arith.subf %min3A_186, %max3A_183 : vector<16xf32>
        %max3A_192 = arith.constant 0.000000e+00 : f32
        %max3A_193 = vector.broadcast %max3A_192 : f32 to vector<16xf32>
        %max3A_194 = arith.maximumf %sub3A_191, %max3A_193 : vector<16xf32>
        %mul3A_195 = arith.mulf %max3A_190, %max3A_194 : vector<16xf32>
        %add3A_196 = vector.broadcast %mul3A_179 : f32 to vector<16xf32>
        %add3A_197 = arith.addf %while3A_53, %add3A_196 : vector<16xf32>
        %sub3A_198 = arith.subf %add3A_197, %mul3A_195 : vector<16xf32>
        %max3A_199 = arith.constant 9.99999971E-10 : f32
        %max3A_200 = vector.broadcast %max3A_199 : f32 to vector<16xf32>
        %max3A_201 = arith.maximumf %sub3A_198, %max3A_200 : vector<16xf32>
        %div3A = arith.divf %mul3A_195, %max3A_201 : vector<16xf32>
        %gt3A_202 = arith.constant 5.000000e-01 : f32
        %gt3A_203 = vector.broadcast %gt3A_202 : f32 to vector<16xf32>
        %gt3A_204 = arith.cmpf ogt, %div3A, %gt3A_203 : vector<16xf32>
        %lt3A = vector.broadcast %while3A_47 : i32 to vector<16xi32>
        %lt3A_205 = arith.cmpi slt, %iota3A, %lt3A : vector<16xi32>
        %and3A = arith.andi %gt3A_204, %lt3A_205 : vector<16xi1>
        %reduce_or3A = arith.constant 1.000000e+00 : f32
        %reduce_or3A_206 = arith.constant 0.000000e+00 : f32
        %reduce_or3A_207 = vector.broadcast %reduce_or3A : f32 to vector<16xf32>
        %reduce_or3A_208 = vector.broadcast %reduce_or3A_206 : f32 to vector<16xf32>
        %reduce_or3A_209 = arith.select %and3A, %reduce_or3A_207, %reduce_or3A_208 : vector<16xi1>, vector<16xf32>
        %reduce_or3A_210 = arith.constant true
        %reduce_or3A_211 = vector.broadcast %reduce_or3A_210 : i1 to vector<16xi1>
        %reduce_or3A_212 = tpu.scan <max>, %reduce_or3A_209 masked %reduce_or3A_211 : vector<16xf32>, vector<16xi1> -> vector<16xf32>
        %reduce_or3A_213 = vector.extract %reduce_or3A_212[15] : f32 from vector<16xf32>
        %reduce_or3A_214 = arith.constant 0.000000e+00 : f32
        %reduce_or3A_215 = arith.cmpf ogt, %reduce_or3A_213, %reduce_or3A_214 : f32
        %not3A = arith.constant true
        %not3A_216 = arith.xori %reduce_or3A_215, %not3A : i1
        %and3A_217 = arith.andi %not3A_216, %gt3A_79 : i1
        %eq3A_218 = vector.broadcast %while3A_47 : i32 to vector<16xi32>
        %eq3A_219 = arith.cmpi eq, %iota3A, %eq3A_218 : vector<16xi32>
        %and3A_220 = vector.broadcast %and3A_217 : i1 to vector<16xi1>
        %and3A_221 = arith.andi %eq3A_219, %and3A_220 : vector<16xi1>
        %broadcast_in_dim3A_222 = vector.broadcast %add3A_147 : f32 to vector<16xf32>
        %select_n3A_223 = arith.select %and3A_221, %broadcast_in_dim3A_222, %while3A_49 : vector<16xi1>, vector<16xf32>
        %broadcast_in_dim3A_224 = vector.broadcast %add3A_157 : f32 to vector<16xf32>
        %select_n3A_225 = arith.select %and3A_221, %broadcast_in_dim3A_224, %while3A_50 : vector<16xi1>, vector<16xf32>
        %broadcast_in_dim3A_226 = vector.broadcast %add3A_167 : f32 to vector<16xf32>
        %select_n3A_227 = arith.select %and3A_221, %broadcast_in_dim3A_226, %while3A_51 : vector<16xi1>, vector<16xf32>
        %broadcast_in_dim3A_228 = vector.broadcast %add3A_177 : f32 to vector<16xf32>
        %select_n3A_229 = arith.select %and3A_221, %broadcast_in_dim3A_228, %while3A_52 : vector<16xi1>, vector<16xf32>
        %broadcast_in_dim3A_230 = vector.broadcast %mul3A_179 : f32 to vector<16xf32>
        %select_n3A_231 = arith.select %and3A_221, %broadcast_in_dim3A_230, %while3A_53 : vector<16xi1>, vector<16xf32>
        %broadcast_in_dim3A_232 = vector.broadcast %reduce_max3A_77 : f32 to vector<16xf32>
        %select_n3A_233 = arith.select %and3A_221, %broadcast_in_dim3A_232, %while3A_54 : vector<16xi1>, vector<16xf32>
        %broadcast_in_dim3A_234 = vector.broadcast %add3A_125 : i32 to vector<16xi32>
        %select_n3A_235 = arith.select %and3A_221, %broadcast_in_dim3A_234, %while3A_55 : vector<16xi1>, vector<16xi32>
        %convert_element_type3A_236 = arith.extui %and3A_217 : i1 to i32
        %add3A_237 = arith.addi %while3A_47, %convert_element_type3A_236 : i32
        %jit3A_238 = arith.constant 0xFF800000 : f32
        %broadcast_in_dim3A_239 = vector.broadcast %jit3A_238 : f32 to vector<16xf32>
        %select_n3A_240 = arith.select %eq3A_127, %broadcast_in_dim3A_239, %get3A_111 : vector<16xi1>, vector<16xf32>
        %swap3A_241 = arith.index_cast %mul3A_109 : i32 to index
        %swap3A_242 = tpu.vector_load %arg20[%swap3A_241] {strides = array<i32>} : memref<5120xf32, #tpu.memory_space<vmem>>, vector<16xf32>,
        tpu.vector_store %arg20[%swap3A_241], %select_n3A_240 {strides = array<i32>} : memref<5120xf32, #tpu.memory_space<vmem>>, vector<16xf32>,
        %reduce_max3A_243 = arith.constant true
        %reduce_max3A_244 = vector.broadcast %reduce_max3A_243 : i1 to vector<16xi1>
        %reduce_max3A_245 = tpu.scan <max>, %select_n3A_240 masked %reduce_max3A_244 : vector<16xf32>, vector<16xi1> -> vector<16xf32>
        %reduce_max3A_246 = vector.extract %reduce_max3A_245[15] : f32 from vector<16xf32>
        %sub3A_247 = arith.subi %add3A_107, %mul3A_91 : i32
        %eq3A_248 = vector.broadcast %sub3A_247 : i32 to vector<16xi32>
        %eq3A_249 = arith.cmpi eq, %iota3A, %eq3A_248 : vector<16xi32>
        %broadcast_in_dim3A_250 = vector.broadcast %reduce_max3A_246 : f32 to vector<16xf32>
        %select_n3A_251 = arith.select %eq3A_249, %broadcast_in_dim3A_250, %get3A_93 : vector<16xi1>, vector<16xf32>
        %swap3A_252 = arith.index_cast %mul3A_91 : i32 to index
        %swap3A_253 = tpu.vector_load %arg21[%swap3A_252] {strides = array<i32>} : memref<320xf32, #tpu.memory_space<vmem>>, vector<16xf32>,
        tpu.vector_store %arg21[%swap3A_252], %select_n3A_251 {strides = array<i32>} : memref<320xf32, #tpu.memory_space<vmem>>, vector<16xf32>,
        %reduce_max3A_254 = arith.constant true
        %reduce_max3A_255 = vector.broadcast %reduce_max3A_254 : i1 to vector<16xi1>
        %reduce_max3A_256 = tpu.scan <max>, %select_n3A_251 masked %reduce_max3A_255 : vector<16xf32>, vector<16xi1> -> vector<16xf32>
        %reduce_max3A_257 = vector.extract %reduce_max3A_256[15] : f32 from vector<16xf32>
        %jit3A_258 = arith.constant 16 : i32
        %div3A_259 = arith.divsi %reduce_min3A_90, %jit3A_258 : i32
        %sign3A = arith.constant 0 : i32
        %sign3A_260 = arith.cmpi sgt, %reduce_min3A_90, %sign3A : i32
        %sign3A_261 = arith.extui %sign3A_260 : i1 to i32
        %sign3A_262 = arith.constant 0 : i32
        %sign3A_263 = arith.cmpi slt, %reduce_min3A_90, %sign3A_262 : i32
        %sign3A_264 = arith.extui %sign3A_263 : i1 to i32
        %sign3A_265 = arith.subi %sign3A_261, %sign3A_264 : i32
        %sign3A_266 = arith.constant 0 : i32
        %sign3A_267 = arith.cmpi sgt, %jit3A_258, %sign3A_266 : i32
        %sign3A_268 = arith.extui %sign3A_267 : i1 to i32
        %sign3A_269 = arith.constant 0 : i32
        %sign3A_270 = arith.cmpi slt, %jit3A_258, %sign3A_269 : i32
        %sign3A_271 = arith.extui %sign3A_270 : i1 to i32
        %sign3A_272 = arith.subi %sign3A_268, %sign3A_271 : i32
        %ne3A = arith.cmpi ne, %sign3A_265, %sign3A_272 : i32
        %rem3A = arith.remsi %reduce_min3A_90, %jit3A_258 : i32
        %ne3A_273 = arith.constant 0 : i32
        %ne3A_274 = arith.cmpi ne, %rem3A, %ne3A_273 : i32
        %and3A_275 = arith.andi %ne3A, %ne3A_274 : i1
        %sub3A_276 = arith.constant 1 : i32
        %sub3A_277 = arith.subi %div3A_259, %sub3A_276 : i32
        %select_n3A_278 = arith.select %and3A_275, %sub3A_277, %div3A_259 : i32
        %mul3A_279 = arith.constant 16 : i32
        %mul3A_280 = arith.muli %select_n3A_278, %mul3A_279 : i32
        %get3A_281 = arith.index_cast %mul3A_280 : i32 to index
        %get3A_282 = tpu.vector_load %arg22[%get3A_281] {strides = array<i32>} : memref<32xf32, #tpu.memory_space<vmem>>, vector<16xf32>,
        %sub3A_283 = arith.subi %reduce_min3A_90, %mul3A_280 : i32
        %eq3A_284 = vector.broadcast %sub3A_283 : i32 to vector<16xi32>
        %eq3A_285 = arith.cmpi eq, %iota3A, %eq3A_284 : vector<16xi32>
        %broadcast_in_dim3A_286 = vector.broadcast %reduce_max3A_257 : f32 to vector<16xf32>
        %select_n3A_287 = arith.select %eq3A_285, %broadcast_in_dim3A_286, %get3A_282 : vector<16xi1>, vector<16xf32>
        %swap3A_288 = arith.index_cast %mul3A_280 : i32 to index
        %swap3A_289 = tpu.vector_load %arg22[%swap3A_288] {strides = array<i32>} : memref<32xf32, #tpu.memory_space<vmem>>, vector<16xf32>,
        tpu.vector_store %arg22[%swap3A_288], %select_n3A_287 {strides = array<i32>} : memref<32xf32, #tpu.memory_space<vmem>>, vector<16xf32>,
        %not3A_290 = arith.constant true
        %not3A_291 = arith.xori %gt3A_79, %not3A_290 : i1
        scf.yield %add3A_237, %not3A_291, %select_n3A_223, %select_n3A_225, %select_n3A_227, %select_n3A_229, %select_n3A_231, %select_n3A_233, %select_n3A_235 : i32, i1, vector<16xf32>, vector<16xf32>, vector<16xf32>, vector<16xf32>, vector<16xf32>, vector<16xf32>, vector<16xi32>
      }
      %swap3A = arith.constant 0 : index
      %swap3A_44 = tpu.vector_load %arg26[%swap3A] {strides = array<i32>} : memref<16xf32, #tpu.memory_space<vmem>>, vector<16xf32>,
      tpu.vector_store %arg26[%swap3A], %while3A_43#7 {strides = array<i32>} : memref<16xf32, #tpu.memory_space<vmem>>, vector<16xf32>,
      %swap3A_45 = arith.constant 0 : index
      %swap3A_46 = tpu.vector_load %arg27[%swap3A_45] {strides = array<i32>} : memref<16xi32, #tpu.memory_space<vmem>>, vector<16xi32>,
      tpu.vector_store %arg27[%swap3A_45], %while3A_43#8 {strides = array<i32>} : memref<16xi32, #tpu.memory_space<vmem>>, vector<16xi32>,
    } else {
    }
    %eq3A_19 = arith.constant 1 : i32
    %eq3A_20 = arith.cmpi eq, %arg1, %eq3A_19 : i32
    %convert_element_type3A_21 = arith.extui %eq3A_20 : i1 to i32
    %cond3A_22 = arith.constant 0 : i32
    %cond3A_23 = arith.cmpi ne, %convert_element_type3A_21, %cond3A_22 : i32
    scf.if %cond3A_23 {
      "tpu.region"() ({
        %run_scoped3A = tpu.sem_alloc : memref<!tpu.dma_semaphore, #tpu.memory_space<semaphore_mem>>
        tpu.enqueue_dma source(%arg36 : memref<32xf32, #tpu.memory_space<vmem_shared>>) target(%arg25 : memref<32xf32, #tpu.memory_space<vmem>>) target_semaphore(%run_scoped3A : memref<!tpu.dma_semaphore, #tpu.memory_space<semaphore_mem>>)
        tpu.wait_dma2 semaphore(%run_scoped3A : memref<!tpu.dma_semaphore, #tpu.memory_space<semaphore_mem>>) src(%arg36 : memref<32xf32, #tpu.memory_space<vmem_shared>>) dst(%arg25 : memref<32xf32, #tpu.memory_space<vmem>>)
        tpu.yield
      }) : () -> ()
      %get3A = arith.constant 0 : index
      %get3A_30 = tpu.vector_load %arg25[%get3A] {strides = array<i32>} : memref<32xf32, #tpu.memory_space<vmem>>, vector<16xf32>,
      %get3A_31 = arith.constant 16 : index
      %get3A_32 = tpu.vector_load %arg25[%get3A_31] {strides = array<i32>} : memref<32xf32, #tpu.memory_space<vmem>>, vector<16xf32>,
      %max3A = arith.maximumf %get3A_30, %get3A_32 : vector<16xf32>
      %reduce_max3A = arith.constant true
      %reduce_max3A_33 = vector.broadcast %reduce_max3A : i1 to vector<16xi1>
      %reduce_max3A_34 = tpu.scan <max>, %max3A masked %reduce_max3A_33 : vector<16xf32>, vector<16xi1> -> vector<16xf32>
      %reduce_max3A_35 = vector.extract %reduce_max3A_34[15] : f32 from vector<16xf32>
      %add3A = arith.constant 1.000000e+00 : f32
      %add3A_36 = arith.addf %reduce_max3A_35, %add3A : f32
      %broadcast_in_dim3A = arith.constant 0.000000e+00 : f32
      %broadcast_in_dim3A_37 = vector.broadcast %broadcast_in_dim3A : f32 to vector<16xf32>
      %broadcast_in_dim3A_38 = arith.constant 0xFF800000 : f32
      %broadcast_in_dim3A_39 = vector.broadcast %broadcast_in_dim3A_38 : f32 to vector<16xf32>
      %broadcast_in_dim3A_40 = arith.constant 0 : i32
      %broadcast_in_dim3A_41 = vector.broadcast %broadcast_in_dim3A_40 : i32 to vector<16xi32>
      %while3A = arith.constant 0 : i32
      %while3A_42 = arith.constant false
      %while3A_43:9 = scf.while (%while3A_47 = %while3A, %while3A_48 = %while3A_42, %while3A_49 = %broadcast_in_dim3A_37, %while3A_50 = %broadcast_in_dim3A_37, %while3A_51 = %broadcast_in_dim3A_37, %while3A_52 = %broadcast_in_dim3A_37, %while3A_53 = %broadcast_in_dim3A_37, %while3A_54 = %broadcast_in_dim3A_39, %while3A_55 = %broadcast_in_dim3A_41) : (i32, i1, vector<16xf32>, vector<16xf32>, vector<16xf32>, vector<16xf32>, vector<16xf32>, vector<16xf32>, vector<16xi32>) -> (i32, i1, vector<16xf32>, vector<16xf32>, vector<16xf32>, vector<16xf32>, vector<16xf32>, vector<16xf32>, vector<16xi32>) {
        %lt3A = arith.constant 15 : i32
        %lt3A_56 = arith.cmpi slt, %while3A_47, %lt3A : i32
        %not3A = arith.constant true
        %not3A_57 = arith.xori %while3A_48, %not3A : i1
        %and3A = arith.andi %lt3A_56, %not3A_57 : i1
        scf.condition(%and3A) %while3A_47, %while3A_48, %while3A_49, %while3A_50, %while3A_51, %while3A_52, %while3A_53, %while3A_54, %while3A_55 : i32, i1, vector<16xf32>, vector<16xf32>, vector<16xf32>, vector<16xf32>, vector<16xf32>, vector<16xf32>, vector<16xi32>
      } do {
      ^bb0(%while3A_47: i32, %while3A_48: i1, %while3A_49: vector<16xf32>, %while3A_50: vector<16xf32>, %while3A_51: vector<16xf32>, %while3A_52: vector<16xf32>, %while3A_53: vector<16xf32>, %while3A_54: vector<16xf32>, %while3A_55: vector<16xi32>):
        %broadcast_in_dim3A_56 = arith.constant 0xFF800000 : f32
        %broadcast_in_dim3A_57 = vector.broadcast %broadcast_in_dim3A_56 : f32 to vector<16xf32>
        %broadcast_in_dim3A_58 = arith.constant 0 : i32
        %broadcast_in_dim3A_59 = vector.broadcast %broadcast_in_dim3A_58 : i32 to vector<16xi32>
        %get3A_60 = arith.constant 0 : index
        %get3A_61 = tpu.vector_load %arg22[%get3A_60] {strides = array<i32>} : memref<32xf32, #tpu.memory_space<vmem>>, vector<16xf32>,
        %gt3A = arith.cmpf ogt, %get3A_61, %broadcast_in_dim3A_57 : vector<16xf32>
        %select_n3A = arith.select %gt3A, %get3A_61, %broadcast_in_dim3A_57 : vector<16xi1>, vector<16xf32>
        %add3A_62 = arith.constant 0 : i32
        %add3A_63 = vector.broadcast %add3A_62 : i32 to vector<16xi32>
        %add3A_64 = arith.addi %add3A_63, %iota3A : vector<16xi32>
        %select_n3A_65 = arith.select %gt3A, %add3A_64, %broadcast_in_dim3A_59 : vector<16xi1>, vector<16xi32>
        %get3A_66 = arith.constant 16 : index
        %get3A_67 = tpu.vector_load %arg22[%get3A_66] {strides = array<i32>} : memref<32xf32, #tpu.memory_space<vmem>>, vector<16xf32>,
        %gt3A_68 = arith.cmpf ogt, %get3A_67, %select_n3A : vector<16xf32>
        %select_n3A_69 = arith.select %gt3A_68, %get3A_67, %select_n3A : vector<16xi1>, vector<16xf32>
        %add3A_70 = arith.constant 16 : i32
        %add3A_71 = vector.broadcast %add3A_70 : i32 to vector<16xi32>
        %add3A_72 = arith.addi %add3A_71, %iota3A : vector<16xi32>
        %select_n3A_73 = arith.select %gt3A_68, %add3A_72, %select_n3A_65 : vector<16xi1>, vector<16xi32>
        %reduce_max3A_74 = arith.constant true
        %reduce_max3A_75 = vector.broadcast %reduce_max3A_74 : i1 to vector<16xi1>
        %reduce_max3A_76 = tpu.scan <max>, %select_n3A_69 masked %reduce_max3A_75 : vector<16xf32>, vector<16xi1> -> vector<16xf32>
        %reduce_max3A_77 = vector.extract %reduce_max3A_76[15] : f32 from vector<16xf32>
        %gt3A_78 = arith.constant -9.99999968E+37 : f32
        %gt3A_79 = arith.cmpf ogt, %reduce_max3A_77, %gt3A_78 : f32
        %eq3A_80 = vector.broadcast %reduce_max3A_77 : f32 to vector<16xf32>
        %eq3A_81 = arith.cmpf oeq, %select_n3A_69, %eq3A_80 : vector<16xf32>
        %jit3A = arith.constant 1073741824 : i32
        %broadcast_in_dim3A_82 = vector.broadcast %jit3A : i32 to vector<16xi32>
        %select_n3A_83 = arith.select %eq3A_81, %select_n3A_73, %broadcast_in_dim3A_82 : vector<16xi1>, vector<16xi32>
        %reduce_min3A = arith.constant true
        %reduce_min3A_84 = vector.broadcast %reduce_min3A : i1 to vector<16xi1>
        %reduce_min3A_85 = arith.constant -2147483648 : i32
        %reduce_min3A_86 = vector.broadcast %reduce_min3A_85 : i32 to vector<16xi32>
        %reduce_min3A_87 = arith.xori %select_n3A_83, %reduce_min3A_86 : vector<16xi32>
        %reduce_min3A_88 = tpu.scan <min>, %reduce_min3A_87 masked %reduce_min3A_84 : vector<16xi32>, vector<16xi1> -> vector<16xi32>
        %reduce_min3A_89 = arith.xori %reduce_min3A_88, %reduce_min3A_86 : vector<16xi32>
        %reduce_min3A_90 = vector.extract %reduce_min3A_89[15] : i32 from vector<16xi32>
        %mul3A = arith.constant 16 : i32
        %mul3A_91 = arith.muli %reduce_min3A_90, %mul3A : i32
        %get3A_92 = arith.index_cast %mul3A_91 : i32 to index
        %get3A_93 = tpu.vector_load %arg21[%get3A_92] {strides = array<i32>} : memref<320xf32, #tpu.memory_space<vmem>>, vector<16xf32>,
        %eq3A_94 = vector.broadcast %reduce_max3A_77 : f32 to vector<16xf32>
        %eq3A_95 = arith.cmpf oeq, %get3A_93, %eq3A_94 : vector<16xf32>
        %jit3A_96 = arith.constant 15 : i32
        %broadcast_in_dim3A_97 = vector.broadcast %jit3A_96 : i32 to vector<16xi32>
        %select_n3A_98 = arith.select %eq3A_95, %iota3A, %broadcast_in_dim3A_97 : vector<16xi1>, vector<16xi32>
        %reduce_min3A_99 = arith.constant true
        %reduce_min3A_100 = vector.broadcast %reduce_min3A_99 : i1 to vector<16xi1>
        %reduce_min3A_101 = arith.constant -2147483648 : i32
        %reduce_min3A_102 = vector.broadcast %reduce_min3A_101 : i32 to vector<16xi32>
        %reduce_min3A_103 = arith.xori %select_n3A_98, %reduce_min3A_102 : vector<16xi32>
        %reduce_min3A_104 = tpu.scan <min>, %reduce_min3A_103 masked %reduce_min3A_100 : vector<16xi32>, vector<16xi1> -> vector<16xi32>
        %reduce_min3A_105 = arith.xori %reduce_min3A_104, %reduce_min3A_102 : vector<16xi32>
        %reduce_min3A_106 = vector.extract %reduce_min3A_105[15] : i32 from vector<16xi32>
        %add3A_107 = arith.addi %mul3A_91, %reduce_min3A_106 : i32
        %mul3A_108 = arith.constant 16 : i32
        %mul3A_109 = arith.muli %add3A_107, %mul3A_108 : i32
        %get3A_110 = arith.index_cast %mul3A_109 : i32 to index
        %get3A_111 = tpu.vector_load %arg20[%get3A_110] {strides = array<i32>} : memref<5120xf32, #tpu.memory_space<vmem>>, vector<16xf32>,
        %eq3A_112 = vector.broadcast %reduce_max3A_77 : f32 to vector<16xf32>
        %eq3A_113 = arith.cmpf oeq, %get3A_111, %eq3A_112 : vector<16xf32>
        %jit3A_114 = arith.constant 15 : i32
        %broadcast_in_dim3A_115 = vector.broadcast %jit3A_114 : i32 to vector<16xi32>
        %select_n3A_116 = arith.select %eq3A_113, %iota3A, %broadcast_in_dim3A_115 : vector<16xi1>, vector<16xi32>
        %reduce_min3A_117 = arith.constant true
        %reduce_min3A_118 = vector.broadcast %reduce_min3A_117 : i1 to vector<16xi1>
        %reduce_min3A_119 = arith.constant -2147483648 : i32
        %reduce_min3A_120 = vector.broadcast %reduce_min3A_119 : i32 to vector<16xi32>
        %reduce_min3A_121 = arith.xori %select_n3A_116, %reduce_min3A_120 : vector<16xi32>
        %reduce_min3A_122 = tpu.scan <min>, %reduce_min3A_121 masked %reduce_min3A_118 : vector<16xi32>, vector<16xi1> -> vector<16xi32>
        %reduce_min3A_123 = arith.xori %reduce_min3A_122, %reduce_min3A_120 : vector<16xi32>
        %reduce_min3A_124 = vector.extract %reduce_min3A_123[15] : i32 from vector<16xi32>
        %add3A_125 = arith.addi %mul3A_109, %reduce_min3A_124 : i32
        %eq3A_126 = vector.broadcast %reduce_min3A_124 : i32 to vector<16xi32>
        %eq3A_127 = arith.cmpi eq, %iota3A, %eq3A_126 : vector<16xi32>
        %get3A_128 = arith.index_cast %mul3A_109 : i32 to index
        %get3A_129 = tpu.vector_load %arg19[%get3A_128] {strides = array<i32>} : memref<5120xi32, #tpu.memory_space<vmem>>, vector<16xi32>,
        %jit3A_130 = arith.constant 0 : i32
        %broadcast_in_dim3A_131 = vector.broadcast %jit3A_130 : i32 to vector<16xi32>
        %select_n3A_132 = arith.select %eq3A_127, %get3A_129, %broadcast_in_dim3A_131 : vector<16xi1>, vector<16xi32>
        %reduce_sum3A = arith.constant true
        %reduce_sum3A_133 = vector.broadcast %reduce_sum3A : i1 to vector<16xi1>
        %reduce_sum3A_134 = tpu.scan <sum>, %select_n3A_132 masked %reduce_sum3A_133 : vector<16xi32>, vector<16xi1> -> vector<16xi32>
        %reduce_sum3A_135 = vector.extract %reduce_sum3A_134[15] : i32 from vector<16xi32>
        %convert_element_type3A_136 = arith.sitofp %reduce_sum3A_135 : i32 to f32
        %mul3A_137 = arith.mulf %convert_element_type3A_136, %add3A_36 : f32
        %get3A_138 = arith.index_cast %mul3A_109 : i32 to index
        %get3A_139 = tpu.vector_load %arg14[%get3A_138] {strides = array<i32>} : memref<5120xf32, #tpu.memory_space<vmem>>, vector<16xf32>,
        %jit3A_140 = arith.constant 0.000000e+00 : f32
        %broadcast_in_dim3A_141 = vector.broadcast %jit3A_140 : f32 to vector<16xf32>
        %select_n3A_142 = arith.select %eq3A_127, %get3A_139, %broadcast_in_dim3A_141 : vector<16xi1>, vector<16xf32>
        %reduce_sum3A_143 = arith.constant true
        %reduce_sum3A_144 = vector.broadcast %reduce_sum3A_143 : i1 to vector<16xi1>
        %reduce_sum3A_145 = tpu.scan <sum>, %select_n3A_142 masked %reduce_sum3A_144 : vector<16xf32>, vector<16xi1> -> vector<16xf32>
        %reduce_sum3A_146 = vector.extract %reduce_sum3A_145[15] : f32 from vector<16xf32>
        %add3A_147 = arith.addf %reduce_sum3A_146, %mul3A_137 : f32
        %get3A_148 = arith.index_cast %mul3A_109 : i32 to index
        %get3A_149 = tpu.vector_load %arg15[%get3A_148] {strides = array<i32>} : memref<5120xf32, #tpu.memory_space<vmem>>, vector<16xf32>,
        %jit3A_150 = arith.constant 0.000000e+00 : f32
        %broadcast_in_dim3A_151 = vector.broadcast %jit3A_150 : f32 to vector<16xf32>
        %select_n3A_152 = arith.select %eq3A_127, %get3A_149, %broadcast_in_dim3A_151 : vector<16xi1>, vector<16xf32>
        %reduce_sum3A_153 = arith.constant true
        %reduce_sum3A_154 = vector.broadcast %reduce_sum3A_153 : i1 to vector<16xi1>
        %reduce_sum3A_155 = tpu.scan <sum>, %select_n3A_152 masked %reduce_sum3A_154 : vector<16xf32>, vector<16xi1> -> vector<16xf32>
        %reduce_sum3A_156 = vector.extract %reduce_sum3A_155[15] : f32 from vector<16xf32>
        %add3A_157 = arith.addf %reduce_sum3A_156, %mul3A_137 : f32
        %get3A_158 = arith.index_cast %mul3A_109 : i32 to index
        %get3A_159 = tpu.vector_load %arg16[%get3A_158] {strides = array<i32>} : memref<5120xf32, #tpu.memory_space<vmem>>, vector<16xf32>,
        %jit3A_160 = arith.constant 0.000000e+00 : f32
        %broadcast_in_dim3A_161 = vector.broadcast %jit3A_160 : f32 to vector<16xf32>
        %select_n3A_162 = arith.select %eq3A_127, %get3A_159, %broadcast_in_dim3A_161 : vector<16xi1>, vector<16xf32>
        %reduce_sum3A_163 = arith.constant true
        %reduce_sum3A_164 = vector.broadcast %reduce_sum3A_163 : i1 to vector<16xi1>
        %reduce_sum3A_165 = tpu.scan <sum>, %select_n3A_162 masked %reduce_sum3A_164 : vector<16xf32>, vector<16xi1> -> vector<16xf32>
        %reduce_sum3A_166 = vector.extract %reduce_sum3A_165[15] : f32 from vector<16xf32>
        %add3A_167 = arith.addf %reduce_sum3A_166, %mul3A_137 : f32
        %get3A_168 = arith.index_cast %mul3A_109 : i32 to index
        %get3A_169 = tpu.vector_load %arg17[%get3A_168] {strides = array<i32>} : memref<5120xf32, #tpu.memory_space<vmem>>, vector<16xf32>,
        %jit3A_170 = arith.constant 0.000000e+00 : f32
        %broadcast_in_dim3A_171 = vector.broadcast %jit3A_170 : f32 to vector<16xf32>
        %select_n3A_172 = arith.select %eq3A_127, %get3A_169, %broadcast_in_dim3A_171 : vector<16xi1>, vector<16xf32>
        %reduce_sum3A_173 = arith.constant true
        %reduce_sum3A_174 = vector.broadcast %reduce_sum3A_173 : i1 to vector<16xi1>
        %reduce_sum3A_175 = tpu.scan <sum>, %select_n3A_172 masked %reduce_sum3A_174 : vector<16xf32>, vector<16xi1> -> vector<16xf32>
        %reduce_sum3A_176 = vector.extract %reduce_sum3A_175[15] : f32 from vector<16xf32>
        %add3A_177 = arith.addf %reduce_sum3A_176, %mul3A_137 : f32
        %sub3A = arith.subf %add3A_167, %add3A_147 : f32
        %sub3A_178 = arith.subf %add3A_177, %add3A_157 : f32
        %mul3A_179 = arith.mulf %sub3A, %sub3A_178 : f32
        %max3A_180 = vector.broadcast %add3A_147 : f32 to vector<16xf32>
        %max3A_181 = arith.maximumf %while3A_49, %max3A_180 : vector<16xf32>
        %max3A_182 = vector.broadcast %add3A_157 : f32 to vector<16xf32>
        %max3A_183 = arith.maximumf %while3A_50, %max3A_182 : vector<16xf32>
        %min3A = vector.broadcast %add3A_167 : f32 to vector<16xf32>
        %min3A_184 = arith.minimumf %while3A_51, %min3A : vector<16xf32>
        %min3A_185 = vector.broadcast %add3A_177 : f32 to vector<16xf32>
        %min3A_186 = arith.minimumf %while3A_52, %min3A_185 : vector<16xf32>
        %sub3A_187 = arith.subf %min3A_184, %max3A_181 : vector<16xf32>
        %max3A_188 = arith.constant 0.000000e+00 : f32
        %max3A_189 = vector.broadcast %max3A_188 : f32 to vector<16xf32>
        %max3A_190 = arith.maximumf %sub3A_187, %max3A_189 : vector<16xf32>
        %sub3A_191 = arith.subf %min3A_186, %max3A_183 : vector<16xf32>
        %max3A_192 = arith.constant 0.000000e+00 : f32
        %max3A_193 = vector.broadcast %max3A_192 : f32 to vector<16xf32>
        %max3A_194 = arith.maximumf %sub3A_191, %max3A_193 : vector<16xf32>
        %mul3A_195 = arith.mulf %max3A_190, %max3A_194 : vector<16xf32>
        %add3A_196 = vector.broadcast %mul3A_179 : f32 to vector<16xf32>
        %add3A_197 = arith.addf %while3A_53, %add3A_196 : vector<16xf32>
        %sub3A_198 = arith.subf %add3A_197, %mul3A_195 : vector<16xf32>
        %max3A_199 = arith.constant 9.99999971E-10 : f32
        %max3A_200 = vector.broadcast %max3A_199 : f32 to vector<16xf32>
        %max3A_201 = arith.maximumf %sub3A_198, %max3A_200 : vector<16xf32>
        %div3A = arith.divf %mul3A_195, %max3A_201 : vector<16xf32>
        %gt3A_202 = arith.constant 5.000000e-01 : f32
        %gt3A_203 = vector.broadcast %gt3A_202 : f32 to vector<16xf32>
        %gt3A_204 = arith.cmpf ogt, %div3A, %gt3A_203 : vector<16xf32>
        %lt3A = vector.broadcast %while3A_47 : i32 to vector<16xi32>
        %lt3A_205 = arith.cmpi slt, %iota3A, %lt3A : vector<16xi32>
        %and3A = arith.andi %gt3A_204, %lt3A_205 : vector<16xi1>
        %reduce_or3A = arith.constant 1.000000e+00 : f32
        %reduce_or3A_206 = arith.constant 0.000000e+00 : f32
        %reduce_or3A_207 = vector.broadcast %reduce_or3A : f32 to vector<16xf32>
        %reduce_or3A_208 = vector.broadcast %reduce_or3A_206 : f32 to vector<16xf32>
        %reduce_or3A_209 = arith.select %and3A, %reduce_or3A_207, %reduce_or3A_208 : vector<16xi1>, vector<16xf32>
        %reduce_or3A_210 = arith.constant true
        %reduce_or3A_211 = vector.broadcast %reduce_or3A_210 : i1 to vector<16xi1>
        %reduce_or3A_212 = tpu.scan <max>, %reduce_or3A_209 masked %reduce_or3A_211 : vector<16xf32>, vector<16xi1> -> vector<16xf32>
        %reduce_or3A_213 = vector.extract %reduce_or3A_212[15] : f32 from vector<16xf32>
        %reduce_or3A_214 = arith.constant 0.000000e+00 : f32
        %reduce_or3A_215 = arith.cmpf ogt, %reduce_or3A_213, %reduce_or3A_214 : f32
        %not3A = arith.constant true
        %not3A_216 = arith.xori %reduce_or3A_215, %not3A : i1
        %and3A_217 = arith.andi %not3A_216, %gt3A_79 : i1
        %eq3A_218 = vector.broadcast %while3A_47 : i32 to vector<16xi32>
        %eq3A_219 = arith.cmpi eq, %iota3A, %eq3A_218 : vector<16xi32>
        %and3A_220 = vector.broadcast %and3A_217 : i1 to vector<16xi1>
        %and3A_221 = arith.andi %eq3A_219, %and3A_220 : vector<16xi1>
        %broadcast_in_dim3A_222 = vector.broadcast %add3A_147 : f32 to vector<16xf32>
        %select_n3A_223 = arith.select %and3A_221, %broadcast_in_dim3A_222, %while3A_49 : vector<16xi1>, vector<16xf32>
        %broadcast_in_dim3A_224 = vector.broadcast %add3A_157 : f32 to vector<16xf32>
        %select_n3A_225 = arith.select %and3A_221, %broadcast_in_dim3A_224, %while3A_50 : vector<16xi1>, vector<16xf32>
        %broadcast_in_dim3A_226 = vector.broadcast %add3A_167 : f32 to vector<16xf32>
        %select_n3A_227 = arith.select %and3A_221, %broadcast_in_dim3A_226, %while3A_51 : vector<16xi1>, vector<16xf32>
        %broadcast_in_dim3A_228 = vector.broadcast %add3A_177 : f32 to vector<16xf32>
        %select_n3A_229 = arith.select %and3A_221, %broadcast_in_dim3A_228, %while3A_52 : vector<16xi1>, vector<16xf32>
        %broadcast_in_dim3A_230 = vector.broadcast %mul3A_179 : f32 to vector<16xf32>
        %select_n3A_231 = arith.select %and3A_221, %broadcast_in_dim3A_230, %while3A_53 : vector<16xi1>, vector<16xf32>
        %broadcast_in_dim3A_232 = vector.broadcast %reduce_max3A_77 : f32 to vector<16xf32>
        %select_n3A_233 = arith.select %and3A_221, %broadcast_in_dim3A_232, %while3A_54 : vector<16xi1>, vector<16xf32>
        %broadcast_in_dim3A_234 = vector.broadcast %add3A_125 : i32 to vector<16xi32>
        %select_n3A_235 = arith.select %and3A_221, %broadcast_in_dim3A_234, %while3A_55 : vector<16xi1>, vector<16xi32>
        %convert_element_type3A_236 = arith.extui %and3A_217 : i1 to i32
        %add3A_237 = arith.addi %while3A_47, %convert_element_type3A_236 : i32
        %jit3A_238 = arith.constant 0xFF800000 : f32
        %broadcast_in_dim3A_239 = vector.broadcast %jit3A_238 : f32 to vector<16xf32>
        %select_n3A_240 = arith.select %eq3A_127, %broadcast_in_dim3A_239, %get3A_111 : vector<16xi1>, vector<16xf32>
        %swap3A_241 = arith.index_cast %mul3A_109 : i32 to index
        %swap3A_242 = tpu.vector_load %arg20[%swap3A_241] {strides = array<i32>} : memref<5120xf32, #tpu.memory_space<vmem>>, vector<16xf32>,
        tpu.vector_store %arg20[%swap3A_241], %select_n3A_240 {strides = array<i32>} : memref<5120xf32, #tpu.memory_space<vmem>>, vector<16xf32>,
        %reduce_max3A_243 = arith.constant true
        %reduce_max3A_244 = vector.broadcast %reduce_max3A_243 : i1 to vector<16xi1>
        %reduce_max3A_245 = tpu.scan <max>, %select_n3A_240 masked %reduce_max3A_244 : vector<16xf32>, vector<16xi1> -> vector<16xf32>
        %reduce_max3A_246 = vector.extract %reduce_max3A_245[15] : f32 from vector<16xf32>
        %sub3A_247 = arith.subi %add3A_107, %mul3A_91 : i32
        %eq3A_248 = vector.broadcast %sub3A_247 : i32 to vector<16xi32>
        %eq3A_249 = arith.cmpi eq, %iota3A, %eq3A_248 : vector<16xi32>
        %broadcast_in_dim3A_250 = vector.broadcast %reduce_max3A_246 : f32 to vector<16xf32>
        %select_n3A_251 = arith.select %eq3A_249, %broadcast_in_dim3A_250, %get3A_93 : vector<16xi1>, vector<16xf32>
        %swap3A_252 = arith.index_cast %mul3A_91 : i32 to index
        %swap3A_253 = tpu.vector_load %arg21[%swap3A_252] {strides = array<i32>} : memref<320xf32, #tpu.memory_space<vmem>>, vector<16xf32>,
        tpu.vector_store %arg21[%swap3A_252], %select_n3A_251 {strides = array<i32>} : memref<320xf32, #tpu.memory_space<vmem>>, vector<16xf32>,
        %reduce_max3A_254 = arith.constant true
        %reduce_max3A_255 = vector.broadcast %reduce_max3A_254 : i1 to vector<16xi1>
        %reduce_max3A_256 = tpu.scan <max>, %select_n3A_251 masked %reduce_max3A_255 : vector<16xf32>, vector<16xi1> -> vector<16xf32>
        %reduce_max3A_257 = vector.extract %reduce_max3A_256[15] : f32 from vector<16xf32>
        %jit3A_258 = arith.constant 16 : i32
        %div3A_259 = arith.divsi %reduce_min3A_90, %jit3A_258 : i32
        %sign3A = arith.constant 0 : i32
        %sign3A_260 = arith.cmpi sgt, %reduce_min3A_90, %sign3A : i32
        %sign3A_261 = arith.extui %sign3A_260 : i1 to i32
        %sign3A_262 = arith.constant 0 : i32
        %sign3A_263 = arith.cmpi slt, %reduce_min3A_90, %sign3A_262 : i32
        %sign3A_264 = arith.extui %sign3A_263 : i1 to i32
        %sign3A_265 = arith.subi %sign3A_261, %sign3A_264 : i32
        %sign3A_266 = arith.constant 0 : i32
        %sign3A_267 = arith.cmpi sgt, %jit3A_258, %sign3A_266 : i32
        %sign3A_268 = arith.extui %sign3A_267 : i1 to i32
        %sign3A_269 = arith.constant 0 : i32
        %sign3A_270 = arith.cmpi slt, %jit3A_258, %sign3A_269 : i32
        %sign3A_271 = arith.extui %sign3A_270 : i1 to i32
        %sign3A_272 = arith.subi %sign3A_268, %sign3A_271 : i32
        %ne3A = arith.cmpi ne, %sign3A_265, %sign3A_272 : i32
        %rem3A = arith.remsi %reduce_min3A_90, %jit3A_258 : i32
        %ne3A_273 = arith.constant 0 : i32
        %ne3A_274 = arith.cmpi ne, %rem3A, %ne3A_273 : i32
        %and3A_275 = arith.andi %ne3A, %ne3A_274 : i1
        %sub3A_276 = arith.constant 1 : i32
        %sub3A_277 = arith.subi %div3A_259, %sub3A_276 : i32
        %select_n3A_278 = arith.select %and3A_275, %sub3A_277, %div3A_259 : i32
        %mul3A_279 = arith.constant 16 : i32
        %mul3A_280 = arith.muli %select_n3A_278, %mul3A_279 : i32
        %get3A_281 = arith.index_cast %mul3A_280 : i32 to index
        %get3A_282 = tpu.vector_load %arg22[%get3A_281] {strides = array<i32>} : memref<32xf32, #tpu.memory_space<vmem>>, vector<16xf32>,
        %sub3A_283 = arith.subi %reduce_min3A_90, %mul3A_280 : i32
        %eq3A_284 = vector.broadcast %sub3A_283 : i32 to vector<16xi32>
        %eq3A_285 = arith.cmpi eq, %iota3A, %eq3A_284 : vector<16xi32>
        %broadcast_in_dim3A_286 = vector.broadcast %reduce_max3A_257 : f32 to vector<16xf32>
        %select_n3A_287 = arith.select %eq3A_285, %broadcast_in_dim3A_286, %get3A_282 : vector<16xi1>, vector<16xf32>
        %swap3A_288 = arith.index_cast %mul3A_280 : i32 to index
        %swap3A_289 = tpu.vector_load %arg22[%swap3A_288] {strides = array<i32>} : memref<32xf32, #tpu.memory_space<vmem>>, vector<16xf32>,
        tpu.vector_store %arg22[%swap3A_288], %select_n3A_287 {strides = array<i32>} : memref<32xf32, #tpu.memory_space<vmem>>, vector<16xf32>,
        %not3A_290 = arith.constant true
        %not3A_291 = arith.xori %gt3A_79, %not3A_290 : i1
        scf.yield %add3A_237, %not3A_291, %select_n3A_223, %select_n3A_225, %select_n3A_227, %select_n3A_229, %select_n3A_231, %select_n3A_233, %select_n3A_235 : i32, i1, vector<16xf32>, vector<16xf32>, vector<16xf32>, vector<16xf32>, vector<16xf32>, vector<16xf32>, vector<16xi32>
      }
      %swap3A = arith.constant 0 : index
      %swap3A_44 = tpu.vector_load %arg26[%swap3A] {strides = array<i32>} : memref<16xf32, #tpu.memory_space<vmem>>, vector<16xf32>,
      tpu.vector_store %arg26[%swap3A], %while3A_43#7 {strides = array<i32>} : memref<16xf32, #tpu.memory_space<vmem>>, vector<16xf32>,
      %swap3A_45 = arith.constant 0 : index
      %swap3A_46 = tpu.vector_load %arg27[%swap3A_45] {strides = array<i32>} : memref<16xi32, #tpu.memory_space<vmem>>, vector<16xi32>,
      tpu.vector_store %arg27[%swap3A_45], %while3A_43#8 {strides = array<i32>} : memref<16xi32, #tpu.memory_space<vmem>>, vector<16xi32>,
      "tpu.region"() ({
        %run_scoped3A = tpu.sem_alloc : memref<!tpu.dma_semaphore, #tpu.memory_space<semaphore_mem>>
        tpu.enqueue_dma source(%arg26 : memref<16xf32, #tpu.memory_space<vmem>>) target(%arg37 : memref<16xf32, #tpu.memory_space<vmem_shared>>) target_semaphore(%run_scoped3A : memref<!tpu.dma_semaphore, #tpu.memory_space<semaphore_mem>>)
        tpu.wait_dma2 semaphore(%run_scoped3A : memref<!tpu.dma_semaphore, #tpu.memory_space<semaphore_mem>>) src(%arg26 : memref<16xf32, #tpu.memory_space<vmem>>) dst(%arg37 : memref<16xf32, #tpu.memory_space<vmem_shared>>)
        tpu.yield
      }) : () -> ()
      "tpu.region"() ({
        %run_scoped3A = tpu.sem_alloc : memref<!tpu.dma_semaphore, #tpu.memory_space<semaphore_mem>>
        tpu.enqueue_dma source(%arg27 : memref<16xi32, #tpu.memory_space<vmem>>) target(%arg38 : memref<16xi32, #tpu.memory_space<vmem_shared>>) target_semaphore(%run_scoped3A : memref<!tpu.dma_semaphore, #tpu.memory_space<semaphore_mem>>)
        tpu.wait_dma2 semaphore(%run_scoped3A : memref<!tpu.dma_semaphore, #tpu.memory_space<semaphore_mem>>) src(%arg27 : memref<16xi32, #tpu.memory_space<vmem>>) dst(%arg38 : memref<16xi32, #tpu.memory_space<vmem_shared>>)
        tpu.yield
      }) : () -> ()
    } else {
    }
    %barrier3A_24 = arith.constant 0 : index
    tpu.barrier barrier_id(%barrier3A_24)
    %eq3A_25 = arith.constant 0 : i32
    %eq3A_26 = arith.cmpi eq, %arg1, %eq3A_25 : i32
    %convert_element_type3A_27 = arith.extui %eq3A_26 : i1 to i32
    %cond3A_28 = arith.constant 0 : i32
    %cond3A_29 = arith.cmpi ne, %convert_element_type3A_27, %cond3A_28 : i32
    scf.if %cond3A_29 {
      "tpu.region"() ({
        %run_scoped3A = tpu.sem_alloc : memref<!tpu.dma_semaphore, #tpu.memory_space<semaphore_mem>>
        tpu.enqueue_dma source(%arg37 : memref<16xf32, #tpu.memory_space<vmem_shared>>) target(%arg28 : memref<16xf32, #tpu.memory_space<vmem>>) target_semaphore(%run_scoped3A : memref<!tpu.dma_semaphore, #tpu.memory_space<semaphore_mem>>)
        tpu.wait_dma2 semaphore(%run_scoped3A : memref<!tpu.dma_semaphore, #tpu.memory_space<semaphore_mem>>) src(%arg37 : memref<16xf32, #tpu.memory_space<vmem_shared>>) dst(%arg28 : memref<16xf32, #tpu.memory_space<vmem>>)
        tpu.yield
      }) : () -> ()
      "tpu.region"() ({
        %run_scoped3A = tpu.sem_alloc : memref<!tpu.dma_semaphore, #tpu.memory_space<semaphore_mem>>
        tpu.enqueue_dma source(%arg38 : memref<16xi32, #tpu.memory_space<vmem_shared>>) target(%arg29 : memref<16xi32, #tpu.memory_space<vmem>>) target_semaphore(%run_scoped3A : memref<!tpu.dma_semaphore, #tpu.memory_space<semaphore_mem>>)
        tpu.wait_dma2 semaphore(%run_scoped3A : memref<!tpu.dma_semaphore, #tpu.memory_space<semaphore_mem>>) src(%arg38 : memref<16xi32, #tpu.memory_space<vmem_shared>>) dst(%arg29 : memref<16xi32, #tpu.memory_space<vmem>>)
        tpu.yield
      }) : () -> ()
      %get3A = arith.constant 0 : index
      %get3A_30 = tpu.vector_load %arg28[%get3A] {strides = array<i32>} : memref<16xf32, #tpu.memory_space<vmem>>, vector<16xf32>,
      %get3A_31 = arith.constant 0 : index
      %get3A_32 = tpu.vector_load %arg29[%get3A_31] {strides = array<i32>} : memref<16xi32, #tpu.memory_space<vmem>>, vector<16xi32>,
      %get3A_33 = arith.constant 0 : index
      %get3A_34 = tpu.vector_load %arg26[%get3A_33] {strides = array<i32>} : memref<16xf32, #tpu.memory_space<vmem>>, vector<16xf32>,
      %get3A_35 = arith.constant 0 : index
      %get3A_36 = tpu.vector_load %arg27[%get3A_35] {strides = array<i32>} : memref<16xi32, #tpu.memory_space<vmem>>, vector<16xi32>,
      %broadcast_in_dim3A = arith.constant 0.000000e+00 : f32
      %broadcast_in_dim3A_37 = vector.broadcast %broadcast_in_dim3A : f32 to vector<16xf32>
      %swap3A = arith.constant 0 : index
      %swap3A_38 = tpu.vector_load %arg30[%swap3A] {strides = array<i32>} : memref<32xf32, #tpu.memory_space<vmem>>, vector<16xf32>,
      tpu.vector_store %arg30[%swap3A], %broadcast_in_dim3A_37 {strides = array<i32>} : memref<32xf32, #tpu.memory_space<vmem>>, vector<16xf32>,
      %swap3A_39 = arith.constant 0 : index
      %swap3A_40 = tpu.vector_load %arg31[%swap3A_39] {strides = array<i32>} : memref<32xf32, #tpu.memory_space<vmem>>, vector<16xf32>,
      tpu.vector_store %arg31[%swap3A_39], %broadcast_in_dim3A_37 {strides = array<i32>} : memref<32xf32, #tpu.memory_space<vmem>>, vector<16xf32>,
      %swap3A_41 = arith.constant 0 : index
      %swap3A_42 = tpu.vector_load %arg32[%swap3A_41] {strides = array<i32>} : memref<32xf32, #tpu.memory_space<vmem>>, vector<16xf32>,
      tpu.vector_store %arg32[%swap3A_41], %broadcast_in_dim3A_37 {strides = array<i32>} : memref<32xf32, #tpu.memory_space<vmem>>, vector<16xf32>,
      %swap3A_43 = arith.constant 0 : index
      %swap3A_44 = tpu.vector_load %arg33[%swap3A_43] {strides = array<i32>} : memref<32xf32, #tpu.memory_space<vmem>>, vector<16xf32>,
      tpu.vector_store %arg33[%swap3A_43], %broadcast_in_dim3A_37 {strides = array<i32>} : memref<32xf32, #tpu.memory_space<vmem>>, vector<16xf32>,
      %swap3A_45 = arith.constant 0 : index
      %swap3A_46 = tpu.vector_load %arg34[%swap3A_45] {strides = array<i32>} : memref<32xf32, #tpu.memory_space<vmem>>, vector<16xf32>,
      tpu.vector_store %arg34[%swap3A_45], %broadcast_in_dim3A_37 {strides = array<i32>} : memref<32xf32, #tpu.memory_space<vmem>>, vector<16xf32>,
      %broadcast_in_dim3A_47 = arith.constant -1 : i32
      %broadcast_in_dim3A_48 = vector.broadcast %broadcast_in_dim3A_47 : i32 to vector<16xi32>
      %swap3A_49 = arith.constant 0 : index
      %swap3A_50 = tpu.vector_load %arg35[%swap3A_49] {strides = array<i32>} : memref<32xi32, #tpu.memory_space<vmem>>, vector<16xi32>,
      tpu.vector_store %arg35[%swap3A_49], %broadcast_in_dim3A_48 {strides = array<i32>} : memref<32xi32, #tpu.memory_space<vmem>>, vector<16xi32>,
      %swap3A_51 = arith.constant 16 : index
      %swap3A_52 = tpu.vector_load %arg30[%swap3A_51] {strides = array<i32>} : memref<32xf32, #tpu.memory_space<vmem>>, vector<16xf32>,
      tpu.vector_store %arg30[%swap3A_51], %broadcast_in_dim3A_37 {strides = array<i32>} : memref<32xf32, #tpu.memory_space<vmem>>, vector<16xf32>,
      %swap3A_53 = arith.constant 16 : index
      %swap3A_54 = tpu.vector_load %arg31[%swap3A_53] {strides = array<i32>} : memref<32xf32, #tpu.memory_space<vmem>>, vector<16xf32>,
      tpu.vector_store %arg31[%swap3A_53], %broadcast_in_dim3A_37 {strides = array<i32>} : memref<32xf32, #tpu.memory_space<vmem>>, vector<16xf32>,
      %swap3A_55 = arith.constant 16 : index
      %swap3A_56 = tpu.vector_load %arg32[%swap3A_55] {strides = array<i32>} : memref<32xf32, #tpu.memory_space<vmem>>, vector<16xf32>,
      tpu.vector_store %arg32[%swap3A_55], %broadcast_in_dim3A_37 {strides = array<i32>} : memref<32xf32, #tpu.memory_space<vmem>>, vector<16xf32>,
      %swap3A_57 = arith.constant 16 : index
      %swap3A_58 = tpu.vector_load %arg33[%swap3A_57] {strides = array<i32>} : memref<32xf32, #tpu.memory_space<vmem>>, vector<16xf32>,
      tpu.vector_store %arg33[%swap3A_57], %broadcast_in_dim3A_37 {strides = array<i32>} : memref<32xf32, #tpu.memory_space<vmem>>, vector<16xf32>,
      %swap3A_59 = arith.constant 16 : index
      %swap3A_60 = tpu.vector_load %arg34[%swap3A_59] {strides = array<i32>} : memref<32xf32, #tpu.memory_space<vmem>>, vector<16xf32>,
      tpu.vector_store %arg34[%swap3A_59], %broadcast_in_dim3A_37 {strides = array<i32>} : memref<32xf32, #tpu.memory_space<vmem>>, vector<16xf32>,
      %broadcast_in_dim3A_61 = arith.constant -1 : i32
      %broadcast_in_dim3A_62 = vector.broadcast %broadcast_in_dim3A_61 : i32 to vector<16xi32>
      %swap3A_63 = arith.constant 16 : index
      %swap3A_64 = tpu.vector_load %arg35[%swap3A_63] {strides = array<i32>} : memref<32xi32, #tpu.memory_space<vmem>>, vector<16xi32>,
      tpu.vector_store %arg35[%swap3A_63], %broadcast_in_dim3A_62 {strides = array<i32>} : memref<32xi32, #tpu.memory_space<vmem>>, vector<16xi32>,
      %scan3A = arith.constant 0 : i32
      %scan3A_65 = arith.constant 0 : i32
      %scan3A_66 = arith.constant 0 : i32
      %scan3A_67 = arith.constant 30 : i32
      %scan3A_68 = arith.addi %scan3A_66, %scan3A_67 : i32
      %scan3A_69 = arith.constant 1 : i32
      %scan3A_70:2 = scf.for %scan3A_72 = %scan3A_66 to %scan3A_68 step %scan3A_69 iter_args(%scan3A_73 = %scan3A, %scan3A_74 = %scan3A_65) -> (i32, i32)  : i32 {
        %eq3A_75 = vector.broadcast %scan3A_73 : i32 to vector<16xi32>
        %eq3A_76 = arith.cmpi eq, %iota3A, %eq3A_75 : vector<16xi32>
        %jit3A = arith.constant 0.000000e+00 : f32
        %broadcast_in_dim3A_77 = vector.broadcast %jit3A : f32 to vector<16xf32>
        %select_n3A = arith.select %eq3A_76, %get3A_30, %broadcast_in_dim3A_77 : vector<16xi1>, vector<16xf32>
        %reduce_sum3A = arith.constant true
        %reduce_sum3A_78 = vector.broadcast %reduce_sum3A : i1 to vector<16xi1>
        %reduce_sum3A_79 = tpu.scan <sum>, %select_n3A masked %reduce_sum3A_78 : vector<16xf32>, vector<16xi1> -> vector<16xf32>
        %reduce_sum3A_80 = vector.extract %reduce_sum3A_79[15] : f32 from vector<16xf32>
        %eq3A_81 = vector.broadcast %scan3A_73 : i32 to vector<16xi32>
        %eq3A_82 = arith.cmpi eq, %iota3A, %eq3A_81 : vector<16xi32>
        %jit3A_83 = arith.constant 0 : i32
        %broadcast_in_dim3A_84 = vector.broadcast %jit3A_83 : i32 to vector<16xi32>
        %select_n3A_85 = arith.select %eq3A_82, %get3A_32, %broadcast_in_dim3A_84 : vector<16xi1>, vector<16xi32>
        %reduce_sum3A_86 = arith.constant true
        %reduce_sum3A_87 = vector.broadcast %reduce_sum3A_86 : i1 to vector<16xi1>
        %reduce_sum3A_88 = tpu.scan <sum>, %select_n3A_85 masked %reduce_sum3A_87 : vector<16xi32>, vector<16xi1> -> vector<16xi32>
        %reduce_sum3A_89 = vector.extract %reduce_sum3A_88[15] : i32 from vector<16xi32>
        %eq3A_90 = vector.broadcast %scan3A_74 : i32 to vector<16xi32>
        %eq3A_91 = arith.cmpi eq, %iota3A, %eq3A_90 : vector<16xi32>
        %jit3A_92 = arith.constant 0.000000e+00 : f32
        %broadcast_in_dim3A_93 = vector.broadcast %jit3A_92 : f32 to vector<16xf32>
        %select_n3A_94 = arith.select %eq3A_91, %get3A_34, %broadcast_in_dim3A_93 : vector<16xi1>, vector<16xf32>
        %reduce_sum3A_95 = arith.constant true
        %reduce_sum3A_96 = vector.broadcast %reduce_sum3A_95 : i1 to vector<16xi1>
        %reduce_sum3A_97 = tpu.scan <sum>, %select_n3A_94 masked %reduce_sum3A_96 : vector<16xf32>, vector<16xi1> -> vector<16xf32>
        %reduce_sum3A_98 = vector.extract %reduce_sum3A_97[15] : f32 from vector<16xf32>
        %eq3A_99 = vector.broadcast %scan3A_74 : i32 to vector<16xi32>
        %eq3A_100 = arith.cmpi eq, %iota3A, %eq3A_99 : vector<16xi32>
        %jit3A_101 = arith.constant 0 : i32
        %broadcast_in_dim3A_102 = vector.broadcast %jit3A_101 : i32 to vector<16xi32>
        %select_n3A_103 = arith.select %eq3A_100, %get3A_36, %broadcast_in_dim3A_102 : vector<16xi1>, vector<16xi32>
        %reduce_sum3A_104 = arith.constant true
        %reduce_sum3A_105 = vector.broadcast %reduce_sum3A_104 : i1 to vector<16xi1>
        %reduce_sum3A_106 = tpu.scan <sum>, %select_n3A_103 masked %reduce_sum3A_105 : vector<16xi32>, vector<16xi1> -> vector<16xi32>
        %reduce_sum3A_107 = vector.extract %reduce_sum3A_106[15] : i32 from vector<16xi32>
        %gt3A = arith.cmpf ogt, %reduce_sum3A_80, %reduce_sum3A_98 : f32
        %eq3A_108 = arith.cmpf oeq, %reduce_sum3A_80, %reduce_sum3A_98 : f32
        %lt3A = arith.cmpi slt, %reduce_sum3A_89, %reduce_sum3A_107 : i32
        %and3A = arith.andi %eq3A_108, %lt3A : i1
        %or3A_109 = arith.ori %gt3A, %and3A : i1
        %max3A = arith.maximumf %reduce_sum3A_80, %reduce_sum3A_98 : f32
        %gt3A_110 = arith.constant -9.99999968E+37 : f32
        %gt3A_111 = arith.cmpf ogt, %max3A, %gt3A_110 : f32
        %select_n3A_112 = arith.select %or3A_109, %reduce_sum3A_89, %reduce_sum3A_107 : i32
        %select_n3A_113 = arith.select %or3A_109, %reduce_sum3A_80, %reduce_sum3A_98 : f32
        %jit3A_114 = arith.constant 16 : i32
        %div3A = arith.divsi %select_n3A_112, %jit3A_114 : i32
        %sign3A = arith.constant 0 : i32
        %sign3A_115 = arith.cmpi sgt, %select_n3A_112, %sign3A : i32
        %sign3A_116 = arith.extui %sign3A_115 : i1 to i32
        %sign3A_117 = arith.constant 0 : i32
        %sign3A_118 = arith.cmpi slt, %select_n3A_112, %sign3A_117 : i32
        %sign3A_119 = arith.extui %sign3A_118 : i1 to i32
        %sign3A_120 = arith.subi %sign3A_116, %sign3A_119 : i32
        %sign3A_121 = arith.constant 0 : i32
        %sign3A_122 = arith.cmpi sgt, %jit3A_114, %sign3A_121 : i32
        %sign3A_123 = arith.extui %sign3A_122 : i1 to i32
        %sign3A_124 = arith.constant 0 : i32
        %sign3A_125 = arith.cmpi slt, %jit3A_114, %sign3A_124 : i32
        %sign3A_126 = arith.extui %sign3A_125 : i1 to i32
        %sign3A_127 = arith.subi %sign3A_123, %sign3A_126 : i32
        %ne3A = arith.cmpi ne, %sign3A_120, %sign3A_127 : i32
        %rem3A = arith.remsi %select_n3A_112, %jit3A_114 : i32
        %ne3A_128 = arith.constant 0 : i32
        %ne3A_129 = arith.cmpi ne, %rem3A, %ne3A_128 : i32
        %and3A_130 = arith.andi %ne3A, %ne3A_129 : i1
        %sub3A = arith.constant 1 : i32
        %sub3A_131 = arith.subi %div3A, %sub3A : i32
        %select_n3A_132 = arith.select %and3A_130, %sub3A_131, %div3A : i32
        %mul3A = arith.constant 16 : i32
        %mul3A_133 = arith.muli %select_n3A_132, %mul3A : i32
        %sub3A_134 = arith.subi %select_n3A_112, %mul3A_133 : i32
        %eq3A_135 = vector.broadcast %sub3A_134 : i32 to vector<16xi32>
        %eq3A_136 = arith.cmpi eq, %iota3A, %eq3A_135 : vector<16xi32>
        %get3A_137 = arith.index_cast %mul3A_133 : i32 to index
        %get3A_138 = tpu.vector_load %arg14[%get3A_137] {strides = array<i32>} : memref<5120xf32, #tpu.memory_space<vmem>>, vector<16xf32>,
        %jit3A_139 = arith.constant 0.000000e+00 : f32
        %broadcast_in_dim3A_140 = vector.broadcast %jit3A_139 : f32 to vector<16xf32>
        %select_n3A_141 = arith.select %eq3A_136, %get3A_138, %broadcast_in_dim3A_140 : vector<16xi1>, vector<16xf32>
        %reduce_sum3A_142 = arith.constant true
        %reduce_sum3A_143 = vector.broadcast %reduce_sum3A_142 : i1 to vector<16xi1>
        %reduce_sum3A_144 = tpu.scan <sum>, %select_n3A_141 masked %reduce_sum3A_143 : vector<16xf32>, vector<16xi1> -> vector<16xf32>
        %reduce_sum3A_145 = vector.extract %reduce_sum3A_144[15] : f32 from vector<16xf32>
        %jit3A_146 = arith.constant 0.000000e+00 : f32
        %select_n3A_147 = arith.select %gt3A_111, %reduce_sum3A_145, %jit3A_146 : f32
        %get3A_148 = arith.index_cast %mul3A_133 : i32 to index
        %get3A_149 = tpu.vector_load %arg15[%get3A_148] {strides = array<i32>} : memref<5120xf32, #tpu.memory_space<vmem>>, vector<16xf32>,
        %jit3A_150 = arith.constant 0.000000e+00 : f32
        %broadcast_in_dim3A_151 = vector.broadcast %jit3A_150 : f32 to vector<16xf32>
        %select_n3A_152 = arith.select %eq3A_136, %get3A_149, %broadcast_in_dim3A_151 : vector<16xi1>, vector<16xf32>
        %reduce_sum3A_153 = arith.constant true
        %reduce_sum3A_154 = vector.broadcast %reduce_sum3A_153 : i1 to vector<16xi1>
        %reduce_sum3A_155 = tpu.scan <sum>, %select_n3A_152 masked %reduce_sum3A_154 : vector<16xf32>, vector<16xi1> -> vector<16xf32>
        %reduce_sum3A_156 = vector.extract %reduce_sum3A_155[15] : f32 from vector<16xf32>
        %jit3A_157 = arith.constant 0.000000e+00 : f32
        %select_n3A_158 = arith.select %gt3A_111, %reduce_sum3A_156, %jit3A_157 : f32
        %get3A_159 = arith.index_cast %mul3A_133 : i32 to index
        %get3A_160 = tpu.vector_load %arg16[%get3A_159] {strides = array<i32>} : memref<5120xf32, #tpu.memory_space<vmem>>, vector<16xf32>,
        %jit3A_161 = arith.constant 0.000000e+00 : f32
        %broadcast_in_dim3A_162 = vector.broadcast %jit3A_161 : f32 to vector<16xf32>
        %select_n3A_163 = arith.select %eq3A_136, %get3A_160, %broadcast_in_dim3A_162 : vector<16xi1>, vector<16xf32>
        %reduce_sum3A_164 = arith.constant true
        %reduce_sum3A_165 = vector.broadcast %reduce_sum3A_164 : i1 to vector<16xi1>
        %reduce_sum3A_166 = tpu.scan <sum>, %select_n3A_163 masked %reduce_sum3A_165 : vector<16xf32>, vector<16xi1> -> vector<16xf32>
        %reduce_sum3A_167 = vector.extract %reduce_sum3A_166[15] : f32 from vector<16xf32>
        %jit3A_168 = arith.constant 0.000000e+00 : f32
        %select_n3A_169 = arith.select %gt3A_111, %reduce_sum3A_167, %jit3A_168 : f32
        %get3A_170 = arith.index_cast %mul3A_133 : i32 to index
        %get3A_171 = tpu.vector_load %arg17[%get3A_170] {strides = array<i32>} : memref<5120xf32, #tpu.memory_space<vmem>>, vector<16xf32>,
        %jit3A_172 = arith.constant 0.000000e+00 : f32
        %broadcast_in_dim3A_173 = vector.broadcast %jit3A_172 : f32 to vector<16xf32>
        %select_n3A_174 = arith.select %eq3A_136, %get3A_171, %broadcast_in_dim3A_173 : vector<16xi1>, vector<16xf32>
        %reduce_sum3A_175 = arith.constant true
        %reduce_sum3A_176 = vector.broadcast %reduce_sum3A_175 : i1 to vector<16xi1>
        %reduce_sum3A_177 = tpu.scan <sum>, %select_n3A_174 masked %reduce_sum3A_176 : vector<16xf32>, vector<16xi1> -> vector<16xf32>
        %reduce_sum3A_178 = vector.extract %reduce_sum3A_177[15] : f32 from vector<16xf32>
        %jit3A_179 = arith.constant 0.000000e+00 : f32
        %select_n3A_180 = arith.select %gt3A_111, %reduce_sum3A_178, %jit3A_179 : f32
        %jit3A_181 = arith.constant 0.000000e+00 : f32
        %select_n3A_182 = arith.select %gt3A_111, %select_n3A_113, %jit3A_181 : f32
        %get3A_183 = arith.index_cast %mul3A_133 : i32 to index
        %get3A_184 = tpu.vector_load %arg19[%get3A_183] {strides = array<i32>} : memref<5120xi32, #tpu.memory_space<vmem>>, vector<16xi32>,
        %jit3A_185 = arith.constant 0 : i32
        %broadcast_in_dim3A_186 = vector.broadcast %jit3A_185 : i32 to vector<16xi32>
        %select_n3A_187 = arith.select %eq3A_136, %get3A_184, %broadcast_in_dim3A_186 : vector<16xi1>, vector<16xi32>
        %reduce_sum3A_188 = arith.constant true
        %reduce_sum3A_189 = vector.broadcast %reduce_sum3A_188 : i1 to vector<16xi1>
        %reduce_sum3A_190 = tpu.scan <sum>, %select_n3A_187 masked %reduce_sum3A_189 : vector<16xi32>, vector<16xi1> -> vector<16xi32>
        %reduce_sum3A_191 = vector.extract %reduce_sum3A_190[15] : i32 from vector<16xi32>
        %jit3A_192 = arith.constant -1 : i32
        %select_n3A_193 = arith.select %gt3A_111, %reduce_sum3A_191, %jit3A_192 : i32
        %jit3A_194 = arith.constant 16 : i32
        %div3A_195 = arith.divsi %scan3A_72, %jit3A_194 : i32
        %sign3A_196 = arith.constant 0 : i32
        %sign3A_197 = arith.cmpi sgt, %scan3A_72, %sign3A_196 : i32
        %sign3A_198 = arith.extui %sign3A_197 : i1 to i32
        %sign3A_199 = arith.constant 0 : i32
        %sign3A_200 = arith.cmpi slt, %scan3A_72, %sign3A_199 : i32
        %sign3A_201 = arith.extui %sign3A_200 : i1 to i32
        %sign3A_202 = arith.subi %sign3A_198, %sign3A_201 : i32
        %sign3A_203 = arith.constant 0 : i32
        %sign3A_204 = arith.cmpi sgt, %jit3A_194, %sign3A_203 : i32
        %sign3A_205 = arith.extui %sign3A_204 : i1 to i32
        %sign3A_206 = arith.constant 0 : i32
        %sign3A_207 = arith.cmpi slt, %jit3A_194, %sign3A_206 : i32
        %sign3A_208 = arith.extui %sign3A_207 : i1 to i32
        %sign3A_209 = arith.subi %sign3A_205, %sign3A_208 : i32
        %ne3A_210 = arith.cmpi ne, %sign3A_202, %sign3A_209 : i32
        %rem3A_211 = arith.remsi %scan3A_72, %jit3A_194 : i32
        %ne3A_212 = arith.constant 0 : i32
        %ne3A_213 = arith.cmpi ne, %rem3A_211, %ne3A_212 : i32
        %and3A_214 = arith.andi %ne3A_210, %ne3A_213 : i1
        %sub3A_215 = arith.constant 1 : i32
        %sub3A_216 = arith.subi %div3A_195, %sub3A_215 : i32
        %select_n3A_217 = arith.select %and3A_214, %sub3A_216, %div3A_195 : i32
        %mul3A_218 = arith.constant 16 : i32
        %mul3A_219 = arith.muli %select_n3A_217, %mul3A_218 : i32
        %sub3A_220 = arith.subi %scan3A_72, %mul3A_219 : i32
        %eq3A_221 = vector.broadcast %sub3A_220 : i32 to vector<16xi32>
        %eq3A_222 = arith.cmpi eq, %iota3A, %eq3A_221 : vector<16xi32>
        %get3A_223 = arith.index_cast %mul3A_219 : i32 to index
        %get3A_224 = tpu.vector_load %arg30[%get3A_223] {strides = array<i32>} : memref<32xf32, #tpu.memory_space<vmem>>, vector<16xf32>,
        %broadcast_in_dim3A_225 = vector.broadcast %select_n3A_147 : f32 to vector<16xf32>
        %select_n3A_226 = arith.select %eq3A_222, %broadcast_in_dim3A_225, %get3A_224 : vector<16xi1>, vector<16xf32>
        %swap3A_227 = arith.index_cast %mul3A_219 : i32 to index
        %swap3A_228 = tpu.vector_load %arg30[%swap3A_227] {strides = array<i32>} : memref<32xf32, #tpu.memory_space<vmem>>, vector<16xf32>,
        tpu.vector_store %arg30[%swap3A_227], %select_n3A_226 {strides = array<i32>} : memref<32xf32, #tpu.memory_space<vmem>>, vector<16xf32>,
        %get3A_229 = arith.index_cast %mul3A_219 : i32 to index
        %get3A_230 = tpu.vector_load %arg31[%get3A_229] {strides = array<i32>} : memref<32xf32, #tpu.memory_space<vmem>>, vector<16xf32>,
        %broadcast_in_dim3A_231 = vector.broadcast %select_n3A_158 : f32 to vector<16xf32>
        %select_n3A_232 = arith.select %eq3A_222, %broadcast_in_dim3A_231, %get3A_230 : vector<16xi1>, vector<16xf32>
        %swap3A_233 = arith.index_cast %mul3A_219 : i32 to index
        %swap3A_234 = tpu.vector_load %arg31[%swap3A_233] {strides = array<i32>} : memref<32xf32, #tpu.memory_space<vmem>>, vector<16xf32>,
        tpu.vector_store %arg31[%swap3A_233], %select_n3A_232 {strides = array<i32>} : memref<32xf32, #tpu.memory_space<vmem>>, vector<16xf32>,
        %get3A_235 = arith.index_cast %mul3A_219 : i32 to index
        %get3A_236 = tpu.vector_load %arg32[%get3A_235] {strides = array<i32>} : memref<32xf32, #tpu.memory_space<vmem>>, vector<16xf32>,
        %broadcast_in_dim3A_237 = vector.broadcast %select_n3A_169 : f32 to vector<16xf32>
        %select_n3A_238 = arith.select %eq3A_222, %broadcast_in_dim3A_237, %get3A_236 : vector<16xi1>, vector<16xf32>
        %swap3A_239 = arith.index_cast %mul3A_219 : i32 to index
        %swap3A_240 = tpu.vector_load %arg32[%swap3A_239] {strides = array<i32>} : memref<32xf32, #tpu.memory_space<vmem>>, vector<16xf32>,
        tpu.vector_store %arg32[%swap3A_239], %select_n3A_238 {strides = array<i32>} : memref<32xf32, #tpu.memory_space<vmem>>, vector<16xf32>,
        %get3A_241 = arith.index_cast %mul3A_219 : i32 to index
        %get3A_242 = tpu.vector_load %arg33[%get3A_241] {strides = array<i32>} : memref<32xf32, #tpu.memory_space<vmem>>, vector<16xf32>,
        %broadcast_in_dim3A_243 = vector.broadcast %select_n3A_180 : f32 to vector<16xf32>
        %select_n3A_244 = arith.select %eq3A_222, %broadcast_in_dim3A_243, %get3A_242 : vector<16xi1>, vector<16xf32>
        %swap3A_245 = arith.index_cast %mul3A_219 : i32 to index
        %swap3A_246 = tpu.vector_load %arg33[%swap3A_245] {strides = array<i32>} : memref<32xf32, #tpu.memory_space<vmem>>, vector<16xf32>,
        tpu.vector_store %arg33[%swap3A_245], %select_n3A_244 {strides = array<i32>} : memref<32xf32, #tpu.memory_space<vmem>>, vector<16xf32>,
        %get3A_247 = arith.index_cast %mul3A_219 : i32 to index
        %get3A_248 = tpu.vector_load %arg34[%get3A_247] {strides = array<i32>} : memref<32xf32, #tpu.memory_space<vmem>>, vector<16xf32>,
        %broadcast_in_dim3A_249 = vector.broadcast %select_n3A_182 : f32 to vector<16xf32>
        %select_n3A_250 = arith.select %eq3A_222, %broadcast_in_dim3A_249, %get3A_248 : vector<16xi1>, vector<16xf32>
        %swap3A_251 = arith.index_cast %mul3A_219 : i32 to index
        %swap3A_252 = tpu.vector_load %arg34[%swap3A_251] {strides = array<i32>} : memref<32xf32, #tpu.memory_space<vmem>>, vector<16xf32>,
        tpu.vector_store %arg34[%swap3A_251], %select_n3A_250 {strides = array<i32>} : memref<32xf32, #tpu.memory_space<vmem>>, vector<16xf32>,
        %get3A_253 = arith.index_cast %mul3A_219 : i32 to index
        %get3A_254 = tpu.vector_load %arg35[%get3A_253] {strides = array<i32>} : memref<32xi32, #tpu.memory_space<vmem>>, vector<16xi32>,
        %broadcast_in_dim3A_255 = vector.broadcast %select_n3A_193 : i32 to vector<16xi32>
        %select_n3A_256 = arith.select %eq3A_222, %broadcast_in_dim3A_255, %get3A_254 : vector<16xi1>, vector<16xi32>
        %swap3A_257 = arith.index_cast %mul3A_219 : i32 to index
        %swap3A_258 = tpu.vector_load %arg35[%swap3A_257] {strides = array<i32>} : memref<32xi32, #tpu.memory_space<vmem>>, vector<16xi32>,
        tpu.vector_store %arg35[%swap3A_257], %select_n3A_256 {strides = array<i32>} : memref<32xi32, #tpu.memory_space<vmem>>, vector<16xi32>,
        %convert_element_type3A_259 = arith.extui %gt3A_111 : i1 to i32
        %jit3A_260 = arith.constant 0 : i32
        %select_n3A_261 = arith.select %or3A_109, %convert_element_type3A_259, %jit3A_260 : i32
        %add3A = arith.addi %scan3A_73, %select_n3A_261 : i32
        %jit3A_262 = arith.constant 0 : i32
        %select_n3A_263 = arith.select %or3A_109, %jit3A_262, %convert_element_type3A_259 : i32
        %add3A_264 = arith.addi %scan3A_74, %select_n3A_263 : i32
        scf.yield %add3A, %add3A_264 : i32, i32
      }
      %scan3A_71 = arith.constant 30 : i32
      tpu.enqueue_dma source(%arg30 : memref<32xf32, #tpu.memory_space<vmem>>) target(%arg8 : memref<32xf32, #tpu.memory_space<hbm>>) target_semaphore(%arg39 : memref<!tpu.dma_semaphore, #tpu.memory_space<semaphore_mem>>)
      tpu.enqueue_dma source(%arg31 : memref<32xf32, #tpu.memory_space<vmem>>) target(%arg9 : memref<32xf32, #tpu.memory_space<hbm>>) target_semaphore(%arg39 : memref<!tpu.dma_semaphore, #tpu.memory_space<semaphore_mem>>)
      tpu.enqueue_dma source(%arg32 : memref<32xf32, #tpu.memory_space<vmem>>) target(%arg10 : memref<32xf32, #tpu.memory_space<hbm>>) target_semaphore(%arg39 : memref<!tpu.dma_semaphore, #tpu.memory_space<semaphore_mem>>)
      tpu.enqueue_dma source(%arg33 : memref<32xf32, #tpu.memory_space<vmem>>) target(%arg11 : memref<32xf32, #tpu.memory_space<hbm>>) target_semaphore(%arg39 : memref<!tpu.dma_semaphore, #tpu.memory_space<semaphore_mem>>)
      tpu.enqueue_dma source(%arg34 : memref<32xf32, #tpu.memory_space<vmem>>) target(%arg12 : memref<32xf32, #tpu.memory_space<hbm>>) target_semaphore(%arg39 : memref<!tpu.dma_semaphore, #tpu.memory_space<semaphore_mem>>)
      tpu.enqueue_dma source(%arg35 : memref<32xi32, #tpu.memory_space<vmem>>) target(%arg13 : memref<32xi32, #tpu.memory_space<hbm>>) target_semaphore(%arg39 : memref<!tpu.dma_semaphore, #tpu.memory_space<semaphore_mem>>)
      tpu.wait_dma2 semaphore(%arg39 : memref<!tpu.dma_semaphore, #tpu.memory_space<semaphore_mem>>) src(%arg30 : memref<32xf32, #tpu.memory_space<vmem>>) dst(%arg8 : memref<32xf32, #tpu.memory_space<hbm>>)
      tpu.wait_dma2 semaphore(%arg39 : memref<!tpu.dma_semaphore, #tpu.memory_space<semaphore_mem>>) src(%arg31 : memref<32xf32, #tpu.memory_space<vmem>>) dst(%arg9 : memref<32xf32, #tpu.memory_space<hbm>>)
      tpu.wait_dma2 semaphore(%arg39 : memref<!tpu.dma_semaphore, #tpu.memory_space<semaphore_mem>>) src(%arg32 : memref<32xf32, #tpu.memory_space<vmem>>) dst(%arg10 : memref<32xf32, #tpu.memory_space<hbm>>)
      tpu.wait_dma2 semaphore(%arg39 : memref<!tpu.dma_semaphore, #tpu.memory_space<semaphore_mem>>) src(%arg33 : memref<32xf32, #tpu.memory_space<vmem>>) dst(%arg11 : memref<32xf32, #tpu.memory_space<hbm>>)
      tpu.wait_dma2 semaphore(%arg39 : memref<!tpu.dma_semaphore, #tpu.memory_space<semaphore_mem>>) src(%arg34 : memref<32xf32, #tpu.memory_space<vmem>>) dst(%arg12 : memref<32xf32, #tpu.memory_space<hbm>>)
      tpu.wait_dma2 semaphore(%arg39 : memref<!tpu.dma_semaphore, #tpu.memory_space<semaphore_mem>>) src(%arg35 : memref<32xi32, #tpu.memory_space<vmem>>) dst(%arg13 : memref<32xi32, #tpu.memory_space<hbm>>)
    } else {
    }
    return
  }
}

</mosaic_0001>

<sc_bundles>
// kernel: kernel.3.cloned.1.call-start
scs
__scs_entry_jumppad:
0x0: {  	(pc) =	sbr.rel $0x88, $3  }
0x1: {  	(tag) =	ssettag $0x0;
	lr =	simm.s32 $0x1  }
0x2: {  	[smem:$0x3F9E] =	sst lr;
	_ =	strace $0xD0000000  }
0x3: {  	_ = 	snop  }
0x4: {  	_ = 	snop  }
0x5: {  	_ = 	snop  }
0x6: {  	_ = 	snop  }
0x7: {  	_ = 	snop  }
__scs_overlays_trampoline_lowered:
0x8: {  	[smem:$0x3FAD] =	sst s0  }
0x9: {  	[smem:$0x3FAE] =	sst s1  }
0xa: {  	[smem:$0x3FAF] =	sst s2  }
0xb: {  	[smem:$0x3FB0] =	sst s3  }
0xc: {  	[smem:$0x3FB1] =	sst s4  }
0xd: {  	[smem:$0x3FB2] =	sst s5  }
0xe: {  	[smem:$0x3FB3] =	sst s6  }
0xf: {  	[smem:$0x3FB4] =	sst s7  }
0x10: {  	[smem:$0x3FB5] =	sst s8  }
0x11: {  	[smem:$0x3FB6] =	sst s9;
	s0 =	simm.s32 @!p0 $0x0  }
0x12: {  	s1 =	sld [smem:$0x3F9C];
	s0 =	simm.s32 @p0 $0x1  }
0x13: {  	[smem:$0x3FB7] =	sst s0;
	s0 =	simm.s32 @!p1 $0x0  }
0x14: {  	s2 =	sld [smem:$0x3F9B];
	s0 =	simm.s32 @p1 $0x1  }
0x15: {  	[smem:$0x3FB8] =	sst s0;
	s0 =	simm.s32 @!p2 $0x0  }
0x16: {  	s3 =	sld [smem:$0x3FDB];
	s0 =	simm.s32 @p2 $0x1  }
0x17: {  	s4 =	simm.s32 $0x1BF5;
	[smem:$0x3FBA] =	sst s0  }
0x18: {  	s0 =	sld [smem:$0x3F9D];
	_ =	swait.ge [sflag:s4], $0x0  }
0x19: {  	s7 =	sld [smem:$0x3F9E]  }
0x1a: {  	s8 =	sadd.s32 $0xFFFFE003, lr  }
0x1b: {  	s9 =	sadd.s32 $0xFFFFFEF7, lr;
	s5 =	simm.s32 $0xFFFFFFFF;
	p2 =	slt.u32 s8, $0xFFFFF086  }
0x1c: {  	p1 =	slt.u32 s9, $0xF7A;
	s5 =	simm.s32 @!p2 $0x0  }
0x1d: {  	s5 =	simm.s32 @p1 $0x1;
	p0 =	seq.s32 s7, s2  }
0x1e: {  	s7 =	smul.u32 @!p0 $0xF7A, s2;
	p2 =	seq.s32 @!p0 s5, $0x0  }
0x1f: {  	s9 =	smul.u32 $0xF7A, s1;
	s8 =	simm.s32 @!p0 $0x1BF5;
	p2 =	por !p2, p0  }
0x20: {  	[sflag:s8] =	ssyncset.s32 @!p0 $0xFFFFF086;
	s6 =	sadd.s32 @!p0 s3, s7;
	s7 =	simm.s32 @!p0 $0x108  }
0x21: {  	s3 =	sadd.s32 s3, s9;
	s6 =	sadd.s32 @!p0 $0x88, s6;
	s7 =	simm.s32 @p2 $0x1082  }
0x22: {  	[simem:s7], [sflag:s8] =	dma.local @!p0 [hbm:s6], $0xF7A  }
0x23: {  	s9 =	sor.u32 $0xD0000000, s2;
	s6 =	simm.s32 $0x108;
	_ =	swait.ge @!p0 [sflag:s8], $0x0  }
0x24: {  	s3 =	sadd.s32 $0x88, s3;
	s6 =	simm.s32 @!p1 $0x1082;
	[sflag:s4] =	ssyncset.s32 $0xFFFFF086  }
0x25: {  	[simem:s6], [sflag:s4] =	dma.local [hbm:s3], $0xF7A  }
0x26: {  	[smem:$0x3F9E] =	sst s1;
	(tag) =	ssettag s2;
	_ =	strace s9  }
0x27: {  	s1 =	sld [smem:$0x3FAE]  }
0x28: {  	s2 =	sld [smem:$0x3FAF]  }
0x29: {  	s4 =	sld [smem:$0x3FB1]  }
0x2a: {  	p0 =	seq.s32 s5, $0x0;
	s5 =	sld [smem:$0x3FB2]  }
0x2b: {  	s6 =	sld [smem:$0x3FB3]  }
0x2c: {  	s7 =	sld [smem:$0x3FB4]  }
0x2d: {  	s3 =	simm.s32 $0x108;
	s8 =	sld [smem:$0x3FB5]  }
0x2e: {  	s3 =	simm.s32 @!p0 $0x1082;
	s9 =	sld [smem:$0x3FB6]  }
0x2f: {  	lr =	sadd.s32 s0, s3;
	s0 =	sld [smem:$0x3FAD]  }
0x30: {  	s3 =	sld [smem:$0x3FB0]  }
0x31: {  	[smem:$0x3FB9] =	sst s10  }
0x32: {  	s10 =	sld [smem:$0x3FB7];
	_ =	sdelay $0x3  }
0x33: {  	p0 =	seq.s32 s10, $0x1;
	s10 =	sld [smem:$0x3FB9];
	_ =	sdelay $0x3  }
0x34: {  	[smem:$0x3FB9] =	sst s10  }
0x35: {  	s10 =	sld [smem:$0x3FB8];
	_ =	sdelay $0x3  }
0x36: {  	p1 =	seq.s32 s10, $0x1;
	s10 =	sld [smem:$0x3FB9];
	_ =	sdelay $0x3  }
0x37: {  	[smem:$0x3FB9] =	sst s10  }
0x38: {  	s10 =	sld [smem:$0x3FBA]  }
0x39: {  	_ = 	snop;
	(pc) =	sbr.ind lr, $3  }
0x3a: {  	_ = 	snop  }
0x3b: {  	_ = 	snop  }
0x3c: {  	p2 =	seq.s32 s10, $0x1;
	s10 =	sld [smem:$0x3FB9]  }
0x3d: {  	_ =	shalt  }
0x3e: {  	_ =	shalt  }
0x3f: {  	_ =	shalt  }
0x40: {  	_ =	shalt  }
0x41: {  	_ =	shalt  }
0x42: {  	_ =	shalt  }
0x43: {  	_ =	shalt  }
0x44: {  	_ =	shalt  }
0x45: {  	_ =	shalt  }
0x46: {  	_ =	shalt  }
0x47: {  	_ =	shalt  }
0x48: {  	_ =	shalt  }
0x49: {  	_ =	shalt  }
0x4a: {  	_ =	shalt  }
0x4b: {  	_ =	shalt  }
0x4c: {  	_ =	shalt  }
0x4d: {  	_ =	shalt  }
0x4e: {  	_ =	shalt  }
0x4f: {  	_ =	shalt  }
0x50: {  	_ =	shalt  }
0x51: {  	_ =	shalt  }
0x52: {  	_ =	shalt  }
0x53: {  	_ =	shalt  }
0x54: {  	_ =	shalt  }
0x55: {  	_ =	shalt  }
0x56: {  	_ =	shalt  }
0x57: {  	_ =	shalt  }
0x58: {  	_ =	shalt  }
0x59: {  	_ =	shalt  }
0x5a: {  	_ =	shalt  }
0x5b: {  	_ =	shalt  }
0x5c: {  	_ =	shalt  }
0x5d: {  	_ =	shalt  }
0x5e: {  	_ =	shalt  }
0x5f: {  	_ =	shalt  }
0x60: {  	_ =	shalt  }
0x61: {  	_ =	shalt  }
0x62: {  	_ =	shalt  }
0x63: {  	_ =	shalt  }
0x64: {  	_ =	shalt  }
0x65: {  	_ =	shalt  }
0x66: {  	_ =	shalt  }
0x67: {  	_ =	shalt  }
0x68: {  	_ =	shalt  }
0x69: {  	_ =	shalt  }
0x6a: {  	_ =	shalt  }
0x6b: {  	_ =	shalt  }
0x6c: {  	_ =	shalt  }
0x6d: {  	_ =	shalt  }
0x6e: {  	_ =	shalt  }
0x6f: {  	_ =	shalt  }
0x70: {  	_ =	shalt  }
0x71: {  	_ =	shalt  }
0x72: {  	_ =	shalt  }
0x73: {  	_ =	shalt  }
0x74: {  	_ =	shalt  }
0x75: {  	_ =	shalt  }
0x76: {  	_ =	shalt  }
0x77: {  	_ =	shalt  }
0x78: {  	_ =	shalt  }
0x79: {  	_ =	shalt  }
0x7a: {  	_ =	shalt  }
0x7b: {  	_ =	shalt  }
0x7c: {  	_ =	shalt  }
0x7d: {  	_ =	shalt  }
0x7e: {  	_ =	shalt  }
0x7f: {  	_ =	shalt  }
0x80: {  	_ =	shalt  }
0x81: {  	_ =	shalt  }
0x82: {  	_ =	shalt  }
0x83: {  	_ =	shalt  }
0x84: {  	_ =	shalt  }
0x85: {  	_ =	shalt  }
0x86: {  	_ =	shalt  }
0x87: {  	_ =	shalt  }
.Lfunc_end0:
.L_simem_size_0:
called_computation_lowered:
.L_overlay_start_0:
0x88: {  	s0 =	sld [smem:$0x3FD9]  }
0x89: {  	s1 =	sld [smem:$0x3FFE];
	_ =	sdelay $0x3  }
0x8a: {  	s0 =	sadd.s32 s1, s0  }
0x8b: {  	[smem:$0x3FC5] =	sst s0  }
0x8c: {  	_ = 	snop  }
0x8d: {  	s0 =	sld [smem:$0x3FD0];
	_ =	sdelay $0x2  }
0x8e: {  	s13 =	simm.s32 $0xA;
	s2 =	simm.s32 $0x10  }
0x8f: {  	[smem:s2], [sflag:s13] =	dma.local [hbm:s0], $0x1  }
0x90: {  	_ =	swait.eq [sflag:s13], $0x1  }
0x91: {  	s14 =	sld [smem:$0x10];
	[sflag:s13] =	ssyncset.done $0x0  }
0x92: {  	s15 =	sld [smem:$0x11];
	[sflag:s13] =	ssyncadd.s32 $0xFFFFFFFF  }
0x93: {  	s16 =	sld [smem:$0x12];
	(tm) =	ssettm $0x1  }
0x94: {  	s3 =	sld [smem:$0x3FFB];
	_ =	sdelay $0x3  }
0x95: {  	_ =	strace s3  }
0x96: {  	s3 =	sld [smem:$0x3FFC];
	_ =	sdelay $0x3  }
0x97: {  	_ =	strace s3  }
0x98: {  	s3 =	sld [smem:$0x3FFD];
	_ =	sdelay $0x3  }
0x99: {  	_ =	strace s3  }
0x9a: {  	_ =	strace $0x8FFFFFFF  }
0x9b: {  	s17 =	sld [smem:$0x3FDB];
	_ =	sdelay $0x1  }
0x9c: {  	s4 =	simm.s32 $_scs_section_size  }
0x9d: {  	s5 =	simm.s32 $_size__tile_overlayer_lowered;
	s6 =	simm.s32 $_tile_overlayer_lowered  }
0x9e: {  	s20 =	simm.s32 $0x1BFF;
	s19 =	sshll.u32 s6, $0x1;
	s3 =	sadd.s32 s4, s17  }
0x9f: {  	s7 =	simm.s32 $0x0;
	s18 =	sshll.u32 s5, $0x1;
	s5 =	sadd.s32 s19, s3  }
0xa0: {  	[timem:s7], [sflag:s20] =	dma.local [hbm:s5], s18  }
0xa1: {  	_ =	swait.ge [sflag:s20], s18  }
0xa2: {  	s4 =	ssub.s32 $0x0, s18;
	[sflag:s20] =	ssyncset.done $0x0  }
0xa3: {  	[sflag:s20] =	ssyncadd.s32 s4;
	_ =	sdelay $0x1  }
0xa4: {  	s21 =	simm.s32 $0x1B8B  }
0xa5: {  	_ =	swait.ge [sflag:s21], $0x1  }
0xa6: {  	[sflag:s21] =	ssyncset.done $0x0  }
0xa7: {  	s23 =	simm.s32 $0x1B8E;
	s22 =	sld [smem:$0x3FFE];
	[sflag:s21] =	ssyncadd.s32 $0xFFFFFFFF  }
0xa8: {  	s24 =	simm.s32 $execute0_lowered;
	[smem:$0x3FD2] =	sst s23  }
0xa9: {  	s5 =	sshll.u32 s24, $0x1;
	_ =	strace $0x80000046;
	[dreg:$0x1] =	wrdreg $0xFFFFFFFF  }
0xaa: {  	s25 =	simm.s32 $_size_execute0_lowered;
	s3 =	sadd.s32 s3, s5;
	[dreg:$0x0] =	wrdreg $0x0  }
0xab: {  	s5 =	sshll.u32 s25, $0x1;
	[dreg:$0x2] =	wrdreg s3  }
0xac: {  	[dreg:$0x3] =	wrdreg s5  }
0xad: {  	[dreg:$0x4] =	wrdreg $0xC0  }
0xae: {  	_ =	task [dreg:s7], $0x5FFFF  }
0xaf: {  	[dreg:$0x1] =	wrdreg $0xFFFFFFFF  }
0xb0: {  	[dreg:$0x0] =	wrdreg $0x60  }
0xb1: {  	[dreg:$0x2] =	wrdreg s22  }
0xb2: {  	[dreg:$0x3] =	wrdreg s14  }
0xb3: {  	[dreg:$0x4] =	wrdreg s15  }
0xb4: {  	[dreg:$0x5] =	wrdreg s16  }
0xb5: {  	[dreg:$0x6] =	wrdreg $0xA8000  }
0xb6: {  	[dreg:$0x7] =	wrdreg $0xA8080  }
0xb7: {  	[dreg:$0x8] =	wrdreg $0xA8100  }
0xb8: {  	[dreg:$0x9] =	wrdreg $0x9  }
0xb9: {  	_ =	task.clear_ibuf [dreg:s7], $0xAFFFF;
	_ =	strace $0x90000046  }
0xba: {  	s26 =	simm.s32 $0x9;
	_ =	strace $0x80000048  }
0xbb: {  	_ =	swait.ge [sflag:s26], $0x1  }
0xbc: {  	[sflag:s26] =	ssyncadd.s32 $0xFFFFFFFF  }
0xbd: {  	_ =	strace $0x90000048  }
0xbe: {  	_ =	sfence  }
0xbf: {  	s28 =	sld [smem:$0x0];
	_ =	sdelay $0x1  }
0xc0: {  	s29 =	srdreg.scid  }
0xc1: {  	s30 =	sshll.u32 s29, $0xD;
	s31 =	sshrl.u32 s29, $0x2  }
0xc2: {  	s1 =	sand.u32 $0x1, s29;
	s2 =	sand.u32 $0x4000, s30;
	s0 =	sadd.s32 s31, s28  }
0xc3: {  	s1 =	sor.u32 s2, s1;
	s0 =	sshll.u32 s0, $0x11  }
0xc4: {  	s0 =	sor.u32 s0, s1  }
0xc5: {  	s0 =	sadd.s32 $0x8F2B, s0  }
0xc6: {  	[sflag:s0] =	ssyncadd.remote.s32 $0x1  }
0xc7: {  	_ =	sfence.sel $0xFFFF  }
0xc8: {  	[dreg:$0x0] =	wrdreg $0xFFFFFFFF;
	(pc) =	sbr.abs _section_cstart, $3  }
0xc9: {  	[dreg:$0x1] =	wrdreg $0xFFFFFFFF  }
0xca: {  	_ =	task.clear_ibuf [dreg:s7], $0x2FFFF;
	_ =	strace $0x9FFFFFFF  }
0xcb: {  	(tm) =	ssettm $0x7FFFFFFF  }
tec
execute0_lowered:
.L_overlay_start_1:
0x0: {  	(tag) =	ssettag $0x1  }
0x1: {  	s8 =	rddreg [dreg:$0x0]  }
0x2: {  	s6 =	rddreg [dreg:$0x1];
	s1 =	stileid.u32  }
0x3: {  	s5 =	rddreg [dreg:$0x2];
	s9 =	sand.u32 $0xE, s1  }
0x4: {  	s4 =	rddreg [dreg:$0x3];
	p0 =	sne.s32 s9, $0x2  }
.Ltmp0:
0x5: {  	s7 =	rddreg [dreg:$0x4];
	(pc) =	sbr.rel @p0 .LBB2_8-.Ltmp0, $4  }
0x6: {  	s3 =	rddreg [dreg:$0x5]  }
0x7: {  	s2 =	rddreg [dreg:$0x6]  }
0x8: {  	s0 =	rddreg [dreg:$0x7]  }
0x9: {  	_ =	strace $0x80000047;
	s10 =	sadd.s32 $0x1E00, s8;
	s9 =	sadd.s32 $0x2200, s8  }
0xa: {  	p0 =	seq.s32 s1, $0x2  }
.Ltmp1:
0xb: {  	_ = 	snop;
	(pc) =	sbr.rel @p0 .LBB2_4-.Ltmp1, $3  }
0xc: {  	_ =	sdelay $0x1  }
0xd: {  	s2 =	sshll.u32 s1, $0x4  }
0xe: {  	s2 =	sadd.s32 s2, s7  }
0xf: {  	p0 =	sne.s32 s1, $0x3  }
.Ltmp2:
0x10: {  	_ = 	snop;
	(pc) =	sbr.rel @p0 .LBB2_5-.Ltmp2, $1  }
0x11: {  	_ =	sdelay $0x3  }
0x12: {  	s10 =	smov.u32 s9  }
.LBB2_4:
0x13: {  	s3 =	simm.s32 $0x0;
	s4 =	simm.s32 $0x8E00;
	s31 =	simm.s32 $0x3  }
0x14: {  	[tilespmem:s4], [sflag:$0x3] =	stream.linear.gather [hbm4b:s10+s3], $0x1400, $0x38;
	[tilespmem:$0xA818] =	vst v63  }
0x15: {  	_ =	swait.ge [sflag:s31], $0x1400  }
0x16: {  	[sflag:s31] =	ssyncset.done $0x0  }
0x17: {  	[sflag:s31] =	ssyncadd.s32 $0xFFFFEC00  }
.LBB2_5:
0x18: {  	s5 =	simm.s32 $0x0  }
0x19: {  	v0 =	vld [tilespmem:s5+$0x8E00]  }
0x1a: {  	v1 =	vld [tilespmem:s5+$0x8E10]  }
0x1b: {  	v2 =	vld [tilespmem:s5+$0x8E20]  }
0x1c: {  	v3 =	vld [tilespmem:s5+$0x8E30]  }
0x1d: {  	v4 =	vimm.f32 $-Inf;
	v5 =	vld [tilespmem:s5+$0x8E40]  }
0x1e: {  	v0 =	vmax.f32 v4, v0;
	v4 =	vld [tilespmem:s5+$0x8E50]  }
0x1f: {  	v0 =	vmax.f32 v0, v1;
	v1 =	vld [tilespmem:s5+$0x8E60]  }
0x20: {  	v0 =	vmax.f32 v0, v2;
	v2 =	vld [tilespmem:s5+$0x8E70]  }
0x21: {  	v0 =	vmax.f32 v0, v3;
	v3 =	vld [tilespmem:s5+$0x8E80]  }
0x22: {  	v0 =	vmax.f32 v0, v5;
	v5 =	vld [tilespmem:s5+$0x8E90]  }
0x23: {  	v0 =	vmax.f32 v0, v4;
	v4 =	vld [tilespmem:s5+$0x8EA0]  }
0x24: {  	v1 =	vmax.f32 v0, v1;
	v0 =	vld [tilespmem:s5+$0x8EB0]  }
0x25: {  	v2 =	vmax.f32 v1, v2;
	v1 =	vld [tilespmem:s5+$0x8EC0]  }
0x26: {  	v3 =	vmax.f32 v2, v3;
	v2 =	vld [tilespmem:s5+$0x8ED0]  }
0x27: {  	v5 =	vmax.f32 v3, v5;
	v3 =	vld [tilespmem:s5+$0x8EE0]  }
0x28: {  	s2 =	sadd.s32 $0xFFFFFFE0, s2;
	s3 =	simm.s32 $0x100;
	s4 =	simm.s32 $0x800;
	v5 =	vmax.f32 v5, v4;
	v4 =	vld [tilespmem:s5+$0x8EF0]  }
.LBB2_6:
0x29: {  	p0 =	seq.s32 s4, $0x4C00;
	v6 =	vld [tilespmem:s3+$0x8E00];
	v0 =	vmax.f32 v5, v0  }
0x2a: {  	v5 =	vld [tilespmem:s3+$0x8E10];
	v0 =	vmax.f32 v0, v1  }
0x2b: {  	v1 =	vld [tilespmem:s3+$0x8E20];
	v0 =	vmax.f32 v0, v2  }
0x2c: {  	v2 =	vld [tilespmem:s3+$0x8E30];
	v0 =	vmax.f32 v0, v3  }
0x2d: {  	v3 =	vld [tilespmem:s3+$0x8E40];
	v0 =	vmax.f32 v0, v4  }
0x2e: {  	v0 =	vmax.f32 v0, v6;
	v4 =	vld [tilespmem:s3+$0x8E50]  }
0x2f: {  	v0 =	vmax.f32 v0, v5;
	v5 =	vld [tilespmem:s3+$0x8E60]  }
0x30: {  	v0 =	vmax.f32 v0, v1;
	v1 =	vld [tilespmem:s3+$0x8E70]  }
0x31: {  	v0 =	vmax.f32 v0, v2;
	v2 =	vld [tilespmem:s3+$0x8E80]  }
0x32: {  	v0 =	vmax.f32 v0, v3;
	v3 =	vld [tilespmem:s3+$0x8E90]  }
0x33: {  	v0 =	vmax.f32 v0, v4;
	v4 =	vld [tilespmem:s3+$0x8EA0]  }
.Ltmp3:
0x34: {  	v5 =	vmax.f32 v0, v5;
	v0 =	vld [tilespmem:s3+$0x8EB0];
	(pc) =	sbr.rel @!p0 .LBB2_6-.Ltmp3, $4  }
0x35: {  	v5 =	vmax.f32 v5, v1;
	v1 =	vld [tilespmem:s3+$0x8EC0]  }
0x36: {  	v5 =	vmax.f32 v5, v2;
	v2 =	vld [tilespmem:s3+$0x8ED0]  }
0x37: {  	v5 =	vmax.f32 v5, v3;
	v3 =	vld [tilespmem:s3+$0x8EE0]  }
0x38: {  	v5 =	vmax.f32 v5, v4;
	v4 =	vld [tilespmem:s3+$0x8EF0];
	s3 =	sshra.s32 s4, $0x2;
	s4 =	sadd.s32 $0x400, s4  }
0x39: {  	v6 =	vld [tilespmem:s3+$0x8E00];
	v0 =	vmax.f32 v5, v0  }
0x3a: {  	v49 =	vld [tilespmem:s3+$0x8E10];
	v0 =	vmax.f32 v0, v1  }
0x3b: {  	v50 =	vld [tilespmem:s3+$0x8E20];
	v0 =	vmax.f32 v0, v2  }
0x3c: {  	v51 =	vld [tilespmem:s3+$0x8E30];
	v0 =	vmax.f32 v0, v3  }
0x3d: {  	v52 =	vld [tilespmem:s3+$0x8E40];
	v0 =	vmax.f32 v0, v4  }
0x3e: {  	v53 =	vld [tilespmem:s3+$0x8E50];
	v0 =	vmax.f32 v0, v6  }
0x3f: {  	v54 =	vld [tilespmem:s3+$0x8E60];
	v0 =	vmax.f32 v0, v49  }
0x40: {  	v55 =	vld [tilespmem:s3+$0x8E70];
	v0 =	vmax.f32 v0, v50  }
0x41: {  	v56 =	vld [tilespmem:s3+$0x8E80];
	v0 =	vmax.f32 v0, v51  }
0x42: {  	v57 =	vld [tilespmem:s3+$0x8E90];
	v0 =	vmax.f32 v0, v52  }
0x43: {  	v58 =	vld [tilespmem:s3+$0x8EA0];
	v0 =	vmax.f32 v0, v53  }
0x44: {  	v59 =	vld [tilespmem:s3+$0x8EB0];
	v0 =	vmax.f32 v0, v54  }
0x45: {  	v60 =	vld [tilespmem:s3+$0x8EC0];
	v0 =	vmax.f32 v0, v55  }
0x46: {  	v61 =	vld [tilespmem:s3+$0x8ED0];
	v0 =	vmax.f32 v0, v56  }
0x47: {  	v62 =	vld [tilespmem:s3+$0x8EE0];
	v0 =	vmax.f32 v0, v57  }
0x48: {  	v63 =	vld [tilespmem:s3+$0x8EF0];
	v0 =	vmax.f32 v0, v58  }
0x49: {  	v0 =	vmax.f32 v0, v59  }
0x4a: {  	v0 =	vmax.f32 v0, v60  }
0x4b: {  	v0 =	vmax.f32 v0, v61  }
0x4c: {  	v0 =	vmax.f32 v0, v62  }
0x4d: {  	v0 =	vmax.f32 v0, v63  }
0x4e: {  	s30 =	simm.s32 $0xA200;
	s31 =	simm.s32 $0x3;
	[tilespmem:$0xA200] =	vst v0  }
0x4f: {  	[spmem:s2] =	stream.linear.scatter [tilespmem:s30], [sflag:$0x3], $0x10, $0x38;
	[tilespmem:$0xA818] =	vst v63  }
0x50: {  	_ =	swait.ge [sflag:s31], $0x10  }
.Ltmp4:
0x51: {  	[sflag:s31] =	ssyncset.done $0x0;
	(pc) =	sbr.rel .LBB2_22-.Ltmp4, $3  }
0x52: {  	[sflag:s31] =	ssyncadd.s32 $0xFFFFFFF0  }
0x53: {  	[bflag:$0x0] =	sbarrier.arrive $0xFFFF  }
0x54: {  	[bflag:$0x0] =	sbarrier.arrive $0xFFFF;
	_ =	sdelay $0x1  }
.LBB2_8:
0x55: {  	p0 =	seq.s32 s1, $0x1  }
.Ltmp5:
0x56: {  	_ = 	snop;
	(pc) =	sbr.rel @p0 .LBB2_17-.Ltmp5, $3  }
0x57: {  	_ =	sdelay $0x1  }
0x58: {  	s12 =	sadd.s32 $0x1600, s8  }
0x59: {  	s11 =	sadd.s32 $0x1A00, s8;
	s14 =	sadd.s32 $0x2600, s8;
	s13 =	sadd.s32 $0x2A00, s8  }
0x5a: {  	p0 =	sne.s32 s1, $0x0  }
.Ltmp6:
0x5b: {  	_ = 	snop;
	(pc) =	sbr.rel @p0 .LBB2_23-.Ltmp6, $1  }
0x5c: {  	_ =	sdelay $0x3  }
0x5d: {  	s15 =	simm.s32 $0x0;
	s16 =	simm.s32 $0x5000  }
0x5e: {  	[tilespmem:s16], [sflag:$0x1] =	stream.linear.gather [hbm4b:s14+s15], $0x1400, $0x38;
	[tilespmem:$0xA818] =	vst v63  }
0x5f: {  	s26 =	simm.s32 $0x6400  }
0x60: {  	[tilespmem:s26], [sflag:$0x1] =	stream.linear.gather [hbm4b:s13+s15], $0x1400, $0x38;
	[tilespmem:$0xA818] =	vst v63  }
0x61: {  	_ = 	snop  }
0x62: {  	[tilespmem:s15], [sflag:$0x2] =	stream.linear.gather [hbm4b:s12+s15], $0x1400, $0x38;
	[tilespmem:$0xA818] =	vst v63  }
0x63: {  	s28 =	simm.s32 $0x1400  }
0x64: {  	[tilespmem:s28], [sflag:$0x2] =	stream.linear.gather [hbm4b:s11+s15], $0x1400, $0x38;
	[tilespmem:$0xA818] =	vst v63  }
0x65: {  	s29 =	simm.s32 $0x2800  }
0x66: {  	[tilespmem:s29], [sflag:$0x2] =	stream.linear.gather [hbm4b:s10+s15], $0x1400, $0x38;
	[tilespmem:$0xA818] =	vst v63  }
0x67: {  	s30 =	simm.s32 $0x3C00;
	s31 =	simm.s32 $0x1  }
0x68: {  	[tilespmem:s30], [sflag:$0x2] =	stream.linear.gather [hbm4b:s9+s15], $0x1400, $0x38;
	[tilespmem:$0xA818] =	vst v63  }
0x69: {  	_ =	swait.ge [sflag:s31], $0x1400  }
0x6a: {  	[sflag:s31] =	ssyncset.done $0x0  }
0x6b: {  	[sflag:s31] =	ssyncadd.s32 $0xFFFFEC00  }
0x6c: {  	_ =	swait.ge [sflag:s31], $0x1400  }
0x6d: {  	[sflag:s31] =	ssyncset.done $0x0  }
0x6e: {  	s11 =	simm.s32 $0x0;
	[sflag:s31] =	ssyncadd.s32 $0xFFFFEC00  }
0x6f: {  	v6 =	vld [tilespmem:s11+$0x6430]  }
0x70: {  	v1 =	vld [tilespmem:s11+$0x5040]  }
0x71: {  	v3 =	vld [tilespmem:s11+$0x6450]  }
0x72: {  	v5 =	vld [tilespmem:s11+$0x5030]  }
0x73: {  	v4 =	vld [tilespmem:s11+$0x6460]  }
0x74: {  	vm1 =	vne.s32 v6, $0x1;
	v6 =	vld [tilespmem:s11+$0x5060]  }
0x75: {  	v2 =	vld [tilespmem:s11+$0x6440]  }
0x76: {  	vm6 =	vmmov $0x1;
	vm10 =	vmmov $0x7;
	v8 =	vld [tilespmem:s11+$0x5020]  }
0x77: {  	vm7 =	vmmov $0xff;
	vm9 =	vmmov $0x1ff;
	v16 =	vld [tilespmem:s11+$0x6470];
	vm0 =	vge.f32 v5, $2.000000030e-01  }
0x78: {  	vm14 =	vmmov $0x3fff;
	v12 =	vld [tilespmem:s11+$0x6400];
	vm3 =	vne.s32 v3, $0x1;
	vm0 =	vmand vm0, vm1  }
0x79: {  	v11 =	vld [tilespmem:s11+$0x5000];
	v13 =	vnsel vm0, $0xFF800000, v5;
	vm0 =	vne.s32 v4, $0x1;
	vm1 =	vge.f32 v6, $2.000000030e-01  }
0x7a: {  	v7 =	vld [tilespmem:s11+$0x6420];
	vm2 =	vge.f32 v1, $2.000000030e-01;
	vm0 =	vmand vm1, vm0;
	vm1 =	vne.s32 v2, $0x1  }
0x7b: {  	v2 =	vimm.s32 $0x0;
	v6 =	vnsel vm0, $0xFF800000, v6;
	vm0 =	vmmov $0x3  }
0x7c: {  	v3 =	vld [tilespmem:s11+$0x6480];
	vm8 =	vge.f32 v8, $2.000000030e-01;
	vm11 =	vne.s32 v16, $0x1;
	v2 =	vsel vm0, $0xFFFFFFFF, v2  }
0x7d: {  	v0 =	vld [tilespmem:s11+$0x5050];
	[tilespmem:s11+$0x7830] =	vst v13;
	vm0 =	vmand vm2, vm1;
	vm1 =	vne.s32 v12, $0x1;
	vm2 =	vmmov $0xf  }
0x7e: {  	[tilespmem:$0x1FFA0] =	vst v2;
	v1 =	vnsel vm0, $0xFF800000, v1;
	vm0 =	vge.f32 v11, $2.000000030e-01;
	v2 =	vimm.s32 $0x0  }
0x7f: {  	v9 =	vld [tilespmem:s11+$0x6410];
	[tilespmem:s11+$0x7860] =	vst v6;
	v2 =	vsel vm2, $0xFFFFFFFF, v2;
	vm0 =	vmand vm0, vm1;
	vm1 =	vne.s32 v7, $0x1  }
0x80: {  	v10 =	vld [tilespmem:s11+$0x5010];
	[tilespmem:$0x1FFB0] =	vst v2;
	v7 =	vnsel vm0, $0xFF800000, v11;
	vm0 =	vmmov $0x1f;
	v2 =	vimm.s32 $0x0  }
0x81: {  	v14 =	vld [tilespmem:s11+$0x64B0];
	v5 =	vimm.s32 $0x0;
	vm13 =	vne.s32 v3, $0x1;
	[tilespmem:s11+$0x7840] =	vst v1;
	v2 =	vsel vm0, $0xFFFFFFFF, v2  }
0x82: {  	v15 =	vld [tilespmem:s11+$0x64A0];
	vm2 =	vge.f32 v0, $2.000000030e-01;
	vm0 =	vmmov $0x3f;
	[tilespmem:$0x1FFC0] =	vst v2;
	v2 =	vimm.s32 $0x0  }
0x83: {  	v12 =	vld [tilespmem:s11+$0x5070];
	(xrf0) =	vmax.scan.msk.f32 $0xffff, v1;
	v2 =	vsel vm0, $0xFFFFFFFF, v2;
	vm0 =	vmand vm2, vm3;
	vm2 =	vmmov $0x7f  }
0x84: {  	v11 =	vld [tilespmem:s11+$0x5080];
	vm1 =	vmand vm8, vm1;
	vm8 =	vmmov $0x3ff;
	[tilespmem:$0x1FFD0] =	vst v2;
	v5 =	vsel vm2, $0xFFFFFFFF, v5  }
0x85: {  	v4 =	vld [tilespmem:s11+$0x6490];
	vm3 =	vge.f32 v10, $2.000000030e-01;
	v0 =	vnsel vm0, $0xFF800000, v0;
	vm0 =	vne.s32 v9, $0x1;
	[tilespmem:$0x1FFE0] =	vst v5  }
0x86: {  	v2 =	vld [tilespmem:s11+$0x5090];
	vm0 =	vmand vm3, vm0;
	[tilespmem:s11+$0x7850] =	vst v0;
	(xrf0) =	vmax.scan.msk.f32 $0xffff, v0;
	v0 =	vnsel vm1, $0xFF800000, v8  }
0x87: {  	v17 =	vld [tilespmem:s11+$0x50A0];
	v5 =	vimm.s32 $0x0;
	v1 =	vnsel vm0, $0xFF800000, v10;
	vm0 =	vmmov $0x7ff;
	(xrf0) =	vmax.scan.msk.f32 $0xffff, v0  }
0x88: {  	[tilespmem:s11+$0x7800] =	vst v7;
	vm12 =	vge.f32 v12, $2.000000030e-01;
	v5 =	vsel vm0, $0xFFFFFFFF, v5;
	(xrf0) =	vmax.scan.msk.f32 $0xffff, v1  }
0x89: {  	vm11 =	vmand vm12, vm11;
	vm12 =	vge.f32 v11, $2.000000030e-01;
	[tilespmem:$0x1FFF0] =	vst v5;
	v5 =	vld [tilespmem:s11+$0x50B0];
	(xrf0) =	vmax.scan.msk.f32 $0xffff, v7  }
0x8a: {  	v9 =	vnsel vm11, $0xFF800000, v12;
	vm1 =	vne.s32 v14, $0x1;
	vm12 =	vmand vm12, vm13;
	(xrf0) =	vmax.scan.msk.f32 $0xffff, v13  }
0x8b: {  	vm13 =	vne.s32 v15, $0x1;
	[tilespmem:s11+$0x7820] =	vst v0;
	vm0 =	vne.s32 v4, $0x1;
	v7 =	vld [tilespmem:s11+$0x64C0];
	v0, _, _ =	vpop (xrf0);
	vm11 =	vge.f32 v2, $2.000000030e-01  }
0x8c: {  	v10 =	vld [tilespmem:s11+$0x64D0];
	[tilespmem:s11+$0x7810] =	vst v1;
	v13 =	vnsel vm12, $0xFF800000, v11;
	vm15 =	vmand vm11, vm0;
	vm0 =	vge.f32 v17, $2.000000030e-01;
	v3, _, _ =	vpop (xrf0)  }
0x8d: {  	v1 =	vld [tilespmem:s11+$0x50C0];
	v4 =	vbroadcast v0, $0xF;
	vm11 =	vmmov $0xfff;
	(xrf0) =	vmax.scan.msk.f32 $0xffff, v6;
	vm0 =	vmand vm0, vm13;
	v8, _, _ =	vpop (xrf0)  }
0x8e: {  	v11 =	vld [tilespmem:s11+$0x64E0];
	[tilespmem:s11+$0x7880] =	vst v13;
	vm13 =	vmmov $0x7fff;
	v3 =	vbroadcast v3, $0xF;
	vm12 =	vge.f32 v5, $2.000000030e-01;
	v0, _, _ =	vpop (xrf0)  }
0x8f: {  	s14 =	simm.s32 $0x400;
	s13 =	simm.s32 $0x8C00;
	s12 =	simm.s32 $0x8C00;
	v6 =	vld [tilespmem:s11+$0x50D0];
	(xrf0) =	vmax.scan.msk.f32 $0xffff, v9;
	v8 =	vbroadcast v8, $0xF;
	vm1 =	vmand vm12, vm1;
	vm12 =	vmmov $0x1fff;
	v14, _, _ =	vpop (xrf0)  }
0x90: {  	s10 =	sadd.s32 $0x3000, s8;
	s9 =	sadd.s32 $0x3200, s8;
	s8 =	sadd.s32 $0x2E00, s8;
	v12 =	vbroadcast v0, $0xF;
	v0 =	vnsel vm0, $0xFF800000, v17;
	(xrf0) =	vmax.scan.msk.f32 $0xffff, v13;
	vm0 =	vne.s32 v7, $0x1;
	v7 =	vld [tilespmem:s11+$0x50E0];
	v13, _, _ =	vpop (xrf0)  }
.LBB2_11:
0x91: {  	v14 =	vbroadcast v14, $0xF;
	_ =	sdelay $0x1  }
0x92: {  	v5 =	vnsel vm1, $0xFF800000, v5;
	vm1 =	vne.s32 v10, $0x1;
	v10 =	vsel vm6, v14, v12;
	v14 =	vld [tilespmem:$0x1FFA0]  }
0x93: {  	[tilespmem:s11+$0x7870] =	vst v9;
	v2 =	vnsel vm15, $0xFF800000, v2  }
0x94: {  	[tilespmem:s11+$0x7890] =	vst v2;
	v9, _, _ =	vpop (xrf0);
	(xrf0) =	vmax.scan.msk.f32 $0xffff, v2;
	v2 =	vld [tilespmem:$0x1FFB0]  }
0x95: {  	[tilespmem:s11+$0x78B0] =	vst v5;
	v12, _, _ =	vpop (xrf0);
	(xrf0) =	vmax.scan.msk.f32 $0xffff, v5;
	v5 =	vld [tilespmem:$0x1FFC0];
	_ =	sdelay $0x1  }
0x96: {  	v13 =	vbroadcast v13, $0xF;
	vm3 =	vnez.u8 v14  }
0x97: {  	v8 =	vsel vm3, v10, v8  }
0x98: {  	vm2 =	vge.f32 v6, $2.000000030e-01;
	vm3 =	vnez.u8 v2;
	v8 =	vsel vm10, v8, v13  }
0x99: {  	vm1 =	vmand vm2, vm1;
	v2 =	vsel vm3, v8, v4;
	vm3 =	vnez.u8 v5  }
0x9a: {  	v2 =	vsel vm3, v2, v3;
	v3 =	vnsel vm1, $0xFF800000, v6;
	v6 =	vld [tilespmem:$0x1FFD0];
	_ =	sdelay $0x1  }
0x9b: {  	vm15 =	vge.f32 v1, $2.000000030e-01  }
0x9c: {  	vm0 =	vmand vm15, vm0;
	vm15 =	vne.s32 v11, $0x1;
	vm2 =	vge.f32 v7, $2.000000030e-01  }
0x9d: {  	v10 =	vbroadcast v12, $0xF;
	v12, _, _ =	vpop (xrf0);
	(xrf0) =	vmax.scan.msk.f32 $0xffff, v0;
	vm1 =	vmand vm2, vm15  }
0x9e: {  	[tilespmem:s11+$0x78D0] =	vst v3;
	vm2 =	vnez.u8 v6;
	v6 =	vnsel vm1, $0xFF800000, v7;
	v7, _, _ =	vpop (xrf0);
	(xrf0) =	vmax.scan.msk.f32 $0xffff, v3;
	v3 =	vld [tilespmem:$0x1FFE0];
	_ =	sdelay $0x1  }
0x9f: {  	v4 =	vld [tilespmem:s11+$0x64F0]  }
0xa0: {  	v9 =	vbroadcast v9, $0xF;
	v5 =	vld [tilespmem:s11+$0x50F0]  }
0xa1: {  	[tilespmem:s11+$0x78A0] =	vst v0;
	v1 =	vnsel vm0, $0xFF800000, v1;
	v0 =	vld [tilespmem:$0x1FFF0];
	v12 =	vbroadcast v12, $0xF  }
0xa2: {  	v2 =	vsel vm2, v2, v9;
	vm1 =	vnez.u8 v3;
	v3 =	vbroadcast v7, $0xF;
	v7, _, _ =	vpop (xrf0);
	(xrf0) =	vmax.scan.msk.f32 $0xffff, v6  }
0xa3: {  	v2 =	vsel vm1, v2, v10;
	v8, _, _ =	vpop (xrf0);
	(xrf0) =	vmax.scan.msk.f32 $0xffff, v1  }
0xa4: {  	[tilespmem:s11+$0x78C0] =	vst v1;
	vm0 =	vne.s32 v4, $0x1;
	v2 =	vsel vm7, v2, v12;
	v1 =	vbroadcast v8, $0xF  }
0xa5: {  	v7 =	vbroadcast v7, $0xF;
	vm1 =	vge.f32 v5, $2.000000030e-01;
	v3 =	vsel vm9, v2, v3  }
0xa6: {  	vm0 =	vmand vm1, vm0;
	vm1 =	vnez.u8 v0;
	v1 =	vsel vm8, v3, v1  }
0xa7: {  	v0 =	vsel vm1, v1, v7;
	v1 =	vnsel vm0, $0xFF800000, v5;
	v2, _, _ =	vpop (xrf0)  }
0xa8: {  	v3, _, _ =	vpop (xrf0);
	(xrf0) =	vmax.scan.msk.f32 $0xffff, v1  }
0xa9: {  	[tilespmem:s11+$0x78F0] =	vst v1;
	v1 =	vbroadcast v3, $0xF;
	v3, _, _ =	vpop (xrf0)  }
0xaa: {  	v3 =	vbroadcast v3, $0xF  }
0xab: {  	v2 =	vbroadcast v2, $0xF  }
0xac: {  	v0 =	vsel vm11, v0, v3  }
0xad: {  	v0 =	vsel vm12, v0, v2  }
0xae: {  	v0 =	vsel vm14, v0, v1;
	v1, _, _ =	vpop (xrf0)  }
0xaf: {  	s15 =	smov.u32 s14;
	[tilespmem:s11+$0x78E0] =	vst v6;
	v0 =	vsel vm13, v0, v1  }
0xb0: {  	s11 =	sshra.s32 s15, $0x2;
	[tilespmem:s12+$0x0] =	vst v0  }
0xb1: {  	v0 =	vld [tilespmem:s11+$0x5050]  }
0xb2: {  	v1 =	vld [tilespmem:s11+$0x5040]  }
0xb3: {  	v2 =	vld [tilespmem:s11+$0x6440]  }
0xb4: {  	v3 =	vld [tilespmem:s11+$0x6450]  }
0xb5: {  	v4 =	vld [tilespmem:s11+$0x6460]  }
0xb6: {  	v5 =	vld [tilespmem:s11+$0x5030]  }
0xb7: {  	v6 =	vld [tilespmem:s11+$0x6430]  }
0xb8: {  	v7 =	vld [tilespmem:s11+$0x6420]  }
0xb9: {  	v8 =	vld [tilespmem:s11+$0x5020]  }
0xba: {  	v10 =	vld [tilespmem:s11+$0x5010]  }
0xbb: {  	v9 =	vld [tilespmem:s11+$0x6410]  }
0xbc: {  	v12 =	vld [tilespmem:s11+$0x6490]  }
0xbd: {  	vm1 =	vge.f32 v5, $2.000000030e-01;
	vm2 =	vne.s32 v6, $0x1;
	vm15 =	vne.s32 v3, $0x1;
	v3 =	vld [tilespmem:s11+$0x5060]  }
0xbe: {  	v6 =	vld [tilespmem:s11+$0x5000];
	vm0 =	vne.s32 v7, $0x1;
	vm3 =	vge.f32 v1, $2.000000030e-01;
	vm4 =	vne.s32 v4, $0x1  }
0xbf: {  	v7 =	vld [tilespmem:s11+$0x6400];
	vm5 =	vge.f32 v10, $2.000000030e-01;
	vm1 =	vmand vm1, vm2;
	vm2 =	vge.f32 v8, $2.000000030e-01  }
0xc0: {  	v13 =	vld [tilespmem:s11+$0x6480];
	v11 =	vnsel vm1, $0xFF800000, v5;
	vm1 =	vne.s32 v2, $0x1;
	vm0 =	vmand vm2, vm0  }
0xc1: {  	v4 =	vld [tilespmem:s11+$0x64B0];
	vm1 =	vmand vm3, vm1;
	vm3 =	vge.f32 v0, $2.000000030e-01;
	v8 =	vnsel vm0, $0xFF800000, v8  }
0xc2: {  	v5 =	vld [tilespmem:s11+$0x64A0];
	v1 =	vnsel vm1, $0xFF800000, v1;
	vm1 =	vmand vm3, vm15;
	vm3 =	vge.f32 v3, $2.000000030e-01  }
0xc3: {  	v0 =	vnsel vm1, $0xFF800000, v0;
	(xrf0) =	vmax.scan.msk.f32 $0xffff, v1;
	vm1 =	vmand vm3, vm4;
	vm4 =	vne.s32 v9, $0x1;
	v9 =	vld [tilespmem:s11+$0x5070]  }
0xc4: {  	[tilespmem:s11+$0x7830] =	vst v11;
	vm15 =	vge.f32 v6, $2.000000030e-01;
	vm3 =	vne.s32 v7, $0x1;
	v7 =	vnsel vm1, $0xFF800000, v3;
	v3 =	vld [tilespmem:s11+$0x6470]  }
0xc5: {  	v14 =	vld [tilespmem:s11+$0x5080];
	[tilespmem:s11+$0x7820] =	vst v8;
	(xrf0) =	vmax.scan.msk.f32 $0xffff, v0;
	vm1 =	vmand vm15, vm3;
	vm3 =	vmand vm5, vm4  }
0xc6: {  	v2 =	vld [tilespmem:s11+$0x5090];
	[tilespmem:s11+$0x7840] =	vst v1;
	(xrf0) =	vmax.scan.msk.f32 $0xffff, v8;
	v10 =	vnsel vm3, $0xFF800000, v10  }
0xc7: {  	[tilespmem:s11+$0x7850] =	vst v0;
	v0 =	vld [tilespmem:s11+$0x50A0];
	v6 =	vnsel vm1, $0xFF800000, v6;
	(xrf0) =	vmax.scan.msk.f32 $0xffff, v10  }
0xc8: {  	vm0 =	vne.s32 v4, $0x1;
	vm15 =	vne.s32 v12, $0x1;
	vm1 =	vne.s32 v5, $0x1;
	v5 =	vld [tilespmem:s11+$0x50B0];
	(xrf0) =	vmax.scan.msk.f32 $0xffff, v6  }
0xc9: {  	[tilespmem:s11+$0x7860] =	vst v7;
	v1, _, _ =	vpop (xrf0);
	vm3 =	vge.f32 v9, $2.000000030e-01;
	(xrf0) =	vmax.scan.msk.f32 $0xffff, v11;
	vm2 =	vne.s32 v3, $0x1  }
0xca: {  	p0 =	seq.s32 s14, $0x4C00;
	vm4 =	vne.s32 v13, $0x1;
	v13 =	vld [tilespmem:s11+$0x64C0];
	[tilespmem:s11+$0x7800] =	vst v6;
	vm2 =	vmand vm3, vm2;
	vm3 =	vge.f32 v14, $2.000000030e-01  }
.Ltmp7:
0xcb: {  	[tilespmem:s11+$0x7810] =	vst v10;
	v10 =	vld [tilespmem:s11+$0x64D0];
	v4 =	vbroadcast v1, $0xF;
	v1, _, _ =	vpop (xrf0);
	v9 =	vnsel vm2, $0xFF800000, v9;
	vm2 =	vmand vm3, vm4;
	(pc) =	sbr.rel @!p0 .LBB2_11-.Ltmp7, $4  }
0xcc: {  	v6 =	vld [tilespmem:s11+$0x50D0];
	(xrf0) =	vmax.scan.msk.f32 $0xffff, v7;
	v3 =	vbroadcast v1, $0xF;
	v8, _, _ =	vpop (xrf0);
	vm3 =	vge.f32 v2, $2.000000030e-01;
	v7 =	vnsel vm2, $0xFF800000, v14  }
0xcd: {  	v11 =	vld [tilespmem:s11+$0x64E0];
	vm15 =	vmand vm3, vm15;
	vm2 =	vge.f32 v0, $2.000000030e-01;
	(xrf0) =	vmax.scan.msk.f32 $0xffff, v9;
	vm3 =	vge.f32 v5, $2.000000030e-01;
	v12, _, _ =	vpop (xrf0)  }
0xce: {  	s13 =	sadd.s32 $0x10, s13;
	v1 =	vld [tilespmem:s11+$0x50C0];
	v8 =	vbroadcast v8, $0xF;
	(xrf0) =	vmax.scan.msk.f32 $0xffff, v7;
	vm2 =	vmand vm2, vm1;
	vm1 =	vmand vm3, vm0;
	v14, _, _ =	vpop (xrf0)  }
0xcf: {  	s14 =	sadd.s32 $0x400, s14;
	s12 =	smov.u32 s13;
	v12 =	vbroadcast v12, $0xF;
	[tilespmem:s11+$0x7880] =	vst v7;
	vm0 =	vne.s32 v13, $0x1;
	v7 =	vld [tilespmem:s11+$0x50E0];
	v0 =	vnsel vm2, $0xFF800000, v0;
	v13, _, _ =	vpop (xrf0)  }
0xd0: {  	_ = 	snop  }
0xd1: {  	v61 =	vld [tilespmem:$0x1FFA0]  }
0xd2: {  	[tilespmem:s11+$0x7870] =	vst v9;
	v2 =	vnsel vm15, $0xFF800000, v2;
	v9 =	vbroadcast v14, $0xF;
	v5 =	vnsel vm1, $0xFF800000, v5  }
0xd3: {  	vm1 =	vne.s32 v10, $0x1;
	v62 =	vld [tilespmem:$0x1FFB0];
	(xrf0) =	vmax.scan.msk.f32 $0xffff, v2;
	vm3 =	vge.f32 v6, $2.000000030e-01;
	vm4 =	vne.s32 v11, $0x1  }
0xd4: {  	v63 =	vld [tilespmem:$0x1FFC0];
	[tilespmem:s11+$0x78B0] =	vst v5;
	vm1 =	vmand vm3, vm1;
	v11 =	vbroadcast v13, $0xF;
	vm3 =	vge.f32 v7, $2.000000030e-01  }
0xd5: {  	(xrf0) =	vmax.scan.msk.f32 $0xffff, v5;
	v9 =	vsel vm6, v9, v12;
	v5 =	vnsel vm1, $0xFF800000, v6;
	vm1 =	vmand vm3, vm4  }
0xd6: {  	vm2 =	vge.f32 v1, $2.000000030e-01;
	v7 =	vnsel vm1, $0xFF800000, v7;
	vm1 =	vnez.u8 v61  }
0xd7: {  	v10, _, _ =	vpop (xrf0);
	vm0 =	vmand vm2, vm0;
	v8 =	vsel vm1, v9, v8  }
0xd8: {  	[tilespmem:s11+$0x7890] =	vst v2;
	v2 =	vld [tilespmem:s11+$0x64F0];
	v60, _, _ =	vpop (xrf0);
	v1 =	vnsel vm0, $0xFF800000, v1;
	vm0 =	vnez.u8 v62;
	v8 =	vsel vm10, v8, v11  }
0xd9: {  	v6 =	vld [tilespmem:s11+$0x50F0];
	v9, _, _ =	vpop (xrf0);
	v4 =	vsel vm0, v8, v4;
	vm0 =	vnez.u8 v63  }
0xda: {  	v3 =	vsel vm0, v4, v3;
	v4 =	vbroadcast v9, $0xF;
	v9 =	vld [tilespmem:$0x1FFD0];
	_ =	sdelay $0x3  }
0xdb: {  	vm1 =	vge.f32 v6, $2.000000030e-01;
	vm0 =	vne.s32 v2, $0x1  }
0xdc: {  	(xrf0) =	vmax.scan.msk.f32 $0xffff, v0;
	vm0 =	vmand vm1, vm0;
	vm1 =	vnez.u8 v9;
	v9 =	vld [tilespmem:$0x1FFE0]  }
0xdd: {  	(xrf0) =	vmax.scan.msk.f32 $0xffff, v5  }
0xde: {  	(xrf0) =	vmax.scan.msk.f32 $0xffff, v7  }
0xdf: {  	v10 =	vbroadcast v10, $0xF;
	(xrf0) =	vmax.scan.msk.f32 $0xffff, v1  }
0xe0: {  	v12 =	vbroadcast v60, $0xF;
	[tilespmem:s11+$0x78D0] =	vst v5;
	v5 =	vld [tilespmem:$0x1FFF0];
	v11, _, _ =	vpop (xrf0)  }
0xe1: {  	v8, _, _ =	vpop (xrf0);
	v6 =	vnsel vm0, $0xFF800000, v6;
	vm0 =	vnez.u8 v9;
	v9 =	vbroadcast v11, $0xF  }
0xe2: {  	v2, _, _ =	vpop (xrf0);
	v3 =	vsel vm1, v3, v10  }
0xe3: {  	v10, _, _ =	vpop (xrf0);
	v3 =	vsel vm0, v3, v12  }
0xe4: {  	v2 =	vbroadcast v2, $0xF;
	(xrf0) =	vmax.scan.msk.f32 $0xffff, v6;
	v3 =	vsel vm7, v3, v4;
	v4, _, _ =	vpop (xrf0)  }
0xe5: {  	v8 =	vbroadcast v8, $0xF;
	vm0 =	vnez.u8 v5;
	v3 =	vsel vm9, v3, v9;
	v9, _, _ =	vpop (xrf0)  }
0xe6: {  	[tilespmem:s11+$0x78C0] =	vst v1;
	v1 =	vbroadcast v4, $0xF;
	v2 =	vsel vm8, v3, v2;
	v3 =	vbroadcast v9, $0xF  }
0xe7: {  	v5 =	vbroadcast v10, $0xF;
	v2 =	vsel vm0, v2, v8  }
0xe8: {  	v2 =	vsel vm11, v2, v3  }
0xe9: {  	[tilespmem:s11+$0x78A0] =	vst v0;
	v2 =	vsel vm12, v2, v5  }
0xea: {  	[tilespmem:s11+$0x78E0] =	vst v7;
	v0 =	vsel vm14, v2, v1;
	v1, _, _ =	vpop (xrf0)  }
0xeb: {  	[tilespmem:s11+$0x78F0] =	vst v6;
	v10 =	vld [tilespmem:$0x1FFA0];
	v0 =	vsel vm13, v0, v1  }
0xec: {  	[tilespmem:s12+$0x0] =	vst v0  }
0xed: {  	v0 =	vld [tilespmem:$0x8C00]  }
0xee: {  	v1 =	vld [tilespmem:$0x8C10]  }
0xef: {  	v2 =	vld [tilespmem:$0x8C20]  }
0xf0: {  	vm0 =	vnez.u8 v10;
	v10 =	vld [tilespmem:$0x1FFB0]  }
0xf1: {  	v3 =	vld [tilespmem:$0x8C30]  }
0xf2: {  	v4 =	vld [tilespmem:$0x8C40];
	(xrf0) =	vmax.scan.msk.f32 $0xffff, v0  }
0xf3: {  	v0 =	vld [tilespmem:$0x8C50];
	(xrf0) =	vmax.scan.msk.f32 $0xffff, v1  }
0xf4: {  	v1 =	vld [tilespmem:$0x8C60];
	(xrf0) =	vmax.scan.msk.f32 $0xffff, v2  }
0xf5: {  	v2 =	vld [tilespmem:$0x8C70]  }
0xf6: {  	(xrf0) =	vmax.scan.msk.f32 $0xffff, v3;
	v3 =	vld [tilespmem:$0x8C80]  }
0xf7: {  	(xrf0) =	vmax.scan.msk.f32 $0xffff, v4;
	v4 =	vld [tilespmem:$0x8C90]  }
0xf8: {  	(xrf0) =	vmax.scan.msk.f32 $0xffff, v0;
	v0 =	vld [tilespmem:$0x8CA0];
	v5, _, _ =	vpop (xrf0)  }
0xf9: {  	(xrf0) =	vmax.scan.msk.f32 $0xffff, v1;
	v1 =	vld [tilespmem:$0x8CB0];
	v6, _, _ =	vpop (xrf0)  }
0xfa: {  	(xrf0) =	vmax.scan.msk.f32 $0xffff, v2;
	v2 =	vld [tilespmem:$0x8CC0];
	v5 =	vbroadcast v5, $0xF;
	v7, _, _ =	vpop (xrf0);
	v6 =	vbroadcast v6, $0xF  }
0xfb: {  	(xrf0) =	vmax.scan.msk.f32 $0xffff, v3;
	v3 =	vld [tilespmem:$0x8CD0];
	v7 =	vbroadcast v7, $0xF  }
0xfc: {  	v8, _, _ =	vpop (xrf0);
	(xrf0) =	vmax.scan.msk.f32 $0xffff, v4;
	v4 =	vld [tilespmem:$0x8CE0];
	v5 =	vsel vm6, v5, v6  }
0xfd: {  	v9, _, _ =	vpop (xrf0);
	v6 =	vbroadcast v8, $0xF;
	v5 =	vsel vm0, v5, v7;
	vm0 =	vnez.u8 v10;
	v10 =	vld [tilespmem:$0x1FFC0]  }
0xfe: {  	(xrf0) =	vmax.scan.msk.f32 $0xffff, v0;
	v0 =	vld [tilespmem:$0x8CF0];
	v8, _, _ =	vpop (xrf0)  }
0xff: {  	(xrf0) =	vmax.scan.msk.f32 $0xffff, v1;
	v5 =	vsel vm10, v5, v6;
	v6 =	vbroadcast v8, $0xF  }
0x100: {  	v7 =	vbroadcast v9, $0xF;
	v9, _, _ =	vpop (xrf0);
	(xrf0) =	vmax.scan.msk.f32 $0xffff, v2  }
0x101: {  	v8, _, _ =	vpop (xrf0);
	(xrf0) =	vmax.scan.msk.f32 $0xffff, v3  }
0x102: {  	v5 =	vsel vm0, v5, v7;
	v7 =	vbroadcast v9, $0xF;
	v9, _, _ =	vpop (xrf0);
	(xrf0) =	vmax.scan.msk.f32 $0xffff, v4;
	vm0 =	vnez.u8 v10  }
0x103: {  	v5 =	vsel vm0, v5, v6;
	v6, _, _ =	vpop (xrf0);
	(xrf0) =	vmax.scan.msk.f32 $0xffff, v0;
	v0 =	vbroadcast v8, $0xF;
	v8 =	vld [tilespmem:$0x1FFD0];
	_ =	sdelay $0x3  }
0x104: {  	v1 =	vld [tilespmem:$0x8D00]  }
0x105: {  	vm0 =	vnez.u8 v8;
	v8 =	vld [tilespmem:$0x1FFE0]  }
0x106: {  	v2 =	vld [tilespmem:$0x8D10]  }
0x107: {  	v3 =	vld [tilespmem:$0x8D20];
	_ =	sdelay $0x2  }
0x108: {  	v5 =	vsel vm0, v5, v7;
	v7, _, _ =	vpop (xrf0);
	(xrf0) =	vmax.scan.msk.f32 $0xffff, v1;
	vm0 =	vnez.u8 v8  }
0x109: {  	v4 =	vld [tilespmem:$0x8D30];
	v0 =	vsel vm0, v5, v0;
	v5 =	vbroadcast v6, $0xF;
	v6, _, _ =	vpop (xrf0);
	(xrf0) =	vmax.scan.msk.f32 $0xffff, v2  }
0x10a: {  	v2, _, _ =	vpop (xrf0);
	(xrf0) =	vmax.scan.msk.f32 $0xffff, v3;
	v3 =	vbroadcast v6, $0xF;
	v6 =	vld [tilespmem:$0x1FFF0]  }
0x10b: {  	v1 =	vbroadcast v9, $0xF;
	_ =	sdelay $0x1  }
0x10c: {  	v0 =	vsel vm7, v0, v1;
	v1 =	vbroadcast v7, $0xF  }
0x10d: {  	v0 =	vsel vm9, v0, v5;
	v5, _, _ =	vpop (xrf0);
	(xrf0) =	vmax.scan.msk.f32 $0xffff, v4  }
0x10e: {  	v0 =	vsel vm8, v0, v1;
	v1 =	vbroadcast v2, $0xF;
	v4, _, _ =	vpop (xrf0);
	vm0 =	vnez.u8 v6  }
0x10f: {  	v2, _, _ =	vpop (xrf0);
	v0 =	vsel vm0, v0, v3;
	v3 =	vbroadcast v5, $0xF  }
0x110: {  	v5, _, _ =	vpop (xrf0);
	v0 =	vsel vm11, v0, v1;
	v1 =	vbroadcast v4, $0xF  }
0x111: {  	v4, _, _ =	vpop (xrf0);
	v0 =	vsel vm12, v0, v3;
	v3 =	vbroadcast v5, $0xF  }
0x112: {  	v5, _, _ =	vpop (xrf0);
	v0 =	vsel vm14, v0, v1;
	v1 =	vbroadcast v4, $0xF  }
0x113: {  	vm0 =	vcmask $0x310;
	v4 =	vbroadcast v5, $0xF;
	v5, _, _ =	vpop (xrf0);
	v3 =	vnsel vm6, $0xFF800000, v3  }
0x114: {  	v1 =	vsel vm0, v3, v1;
	vm0 =	vcmask $0x710;
	v3 =	vbroadcast v5, $0xF  }
0x115: {  	v0 =	vsel vm13, v0, v2;
	v1 =	vsel vm0, v1, v4;
	vm0 =	vcmask $0xB10  }
0x116: {  	[tilespmem:$0x8D80] =	vst v0;
	v0 =	vsel vm0, v1, v3  }
0x117: {  	s28 =	simm.s32 $0x2;
	[tilespmem:$0x8D90] =	vst v0  }
0x118: {  	_ =	swait.ge [sflag:s28], $0x1400  }
0x119: {  	[sflag:s28] =	ssyncset.done $0x0  }
0x11a: {  	[sflag:s28] =	ssyncadd.s32 $0xFFFFEC00  }
0x11b: {  	_ =	swait.ge [sflag:s28], $0x1400  }
0x11c: {  	[sflag:s28] =	ssyncset.done $0x0  }
0x11d: {  	[sflag:s28] =	ssyncadd.s32 $0xFFFFEC00  }
0x11e: {  	_ =	swait.ge [sflag:s28], $0x1400  }
0x11f: {  	[sflag:s28] =	ssyncset.done $0x0  }
0x120: {  	[sflag:s28] =	ssyncadd.s32 $0xFFFFEC00  }
0x121: {  	_ =	swait.ge [sflag:s28], $0x1400  }
0x122: {  	[sflag:s28] =	ssyncset.done $0x0  }
0x123: {  	[sflag:s28] =	ssyncadd.s32 $0xFFFFEC00  }
0x124: {  	s29 =	simm.s32 $0xA280;
	s30 =	simm.s32 $0x3;
	[bflag:$0x0] =	sbarrier.arrive $0xFFFF  }
0x125: {  	[tilespmem:s29], [sflag:$0x3] =	stream.linear.gather [spmem:s7], $0x80, $0x38;
	[tilespmem:$0xA818] =	vst v63  }
0x126: {  	_ =	swait.ge [sflag:s30], $0x80  }
0x127: {  	[sflag:s30] =	ssyncset.done $0x0  }
0x128: {  	[sflag:s30] =	ssyncadd.s32 $0xFFFFFF80  }
0x129: {  	v0 =	vld [tilespmem:$0xA280]  }
0x12a: {  	v1 =	vld [tilespmem:$0xA290];
	_ =	sdelay $0x4  }
0x12b: {  	v0 =	vmax.f32 v0, v1  }
0x12c: {  	(xrf0) =	vmax.scan.msk.f32 $0xffff, v0;
	_ =	sdelay $0x5  }
0x12d: {  	v0, _, _ =	vpop (xrf0)  }
0x12e: {  	(v2sf) =	vpush v0, $0xF;
	_ =	sdelay $0xc  }
0x12f: {  	v8 =	vimm.f32 $0.0e+00  }
0x130: {  	v7 =	vimm.f32 $0.0e+00;
	v6 =	vimm.f32 $0.0e+00;
	v2 =	vimm.f32 $0.0e+00  }
0x131: {  	v5 =	vimm.f32 $0.0e+00;
	v4 =	vimm.f32 $0.0e+00;
	v3 =	vlaneseq.u32;
	s31 =	spop (v2sf)  }
0x132: {  	s11 =	simm.s32 $0x0;
	vm0 =	vmxor vm0, vm0;
	v1 =	vimm.f32 $-Inf;
	v0 =	vimm.s32 $0x0;
	s7 =	sadd.f32 $1.000000000e+00, s31  }
.LBB2_13:
0x133: {  	v9 =	vld [tilespmem:$0x8D80];
	_ =	sdelay $0x2  }
0x134: {  	v10 =	vld [tilespmem:$0x8D90];
	_ =	sdelay $0x1  }
0x135: {  	vm1 =	vlt.f32 v9, $-Inf;
	vm2 =	vgt.f32 v9, $-Inf  }
0x136: {  	vm1 =	vmor vm2, vm1  }
0x137: {  	v9 =	vnsel vm1, $0xFF800000, v9  }
0x138: {  	vm2 =	vgt.f32 v10, v9  }
0x139: {  	v10 =	vsel vm2, v10, v9  }
0x13a: {  	(xrf0) =	vmax.scan.msk.f32 $0xffff, v10;
	_ =	sdelay $0x5  }
0x13b: {  	v11, _, _ =	vpop (xrf0)  }
0x13c: {  	v12 =	vor.u32 $0x80000000, v3;
	v9 =	vbroadcast v11, $0xF  }
0x13d: {  	v14 =	vor.u32 $0x80000010, v3;
	v13 =	vnsel vm1, $0x80000000, v12  }
0x13e: {  	vm1 =	veq.f32 v10, v9;
	v10 =	vsel vm2, v14, v13  }
0x13f: {  	v10 =	vnsel vm1, $0xC0000000, v10  }
0x140: {  	(xrf0) =	vmin.scan.msk.u32 $0xffff, v10;
	_ =	sdelay $0x5  }
0x141: {  	(v2sf) =	vpush v11, $0xF;
	v10, _, _ =	vpop (xrf0)  }
0x142: {  	(v2sf) =	vpush v10, $0xF;
	_ =	sdelay $0xd  }
0x143: {  	s12 =	spop (v2sf)  }
0x144: {  	s16 =	spop (v2sf)  }
0x145: {  	s14 =	sshll.u32 s16, $0x4  }
0x146: {  	v10 =	vld [tilespmem:s14+$0x8C00];
	_ =	sdelay $0x4  }
0x147: {  	vm1 =	veq.f32 v10, v9  }
0x148: {  	v11 =	vnsel vm1, $0x8000000F, v12  }
0x149: {  	(xrf0) =	vmin.scan.msk.u32 $0xffff, v11;
	_ =	sdelay $0x5  }
0x14a: {  	v11, _, _ =	vpop (xrf0)  }
0x14b: {  	(v2sf) =	vpush v11, $0xF;
	_ =	sdelay $0xe  }
0x14c: {  	s18 =	spop (v2sf)  }
0x14d: {  	s13 =	sadd.s32 s18, s14  }
0x14e: {  	s13 =	sshll.u32 s13, $0x4  }
0x14f: {  	v11 =	vld [tilespmem:s13+$0x7800];
	_ =	sdelay $0x4  }
0x150: {  	vm1 =	veq.f32 v11, v9  }
0x151: {  	v12 =	vnsel vm1, $0x8000000F, v12  }
0x152: {  	(xrf0) =	vmin.scan.msk.u32 $0xffff, v12;
	_ =	sdelay $0x5  }
0x153: {  	v12, _, _ =	vpop (xrf0)  }
0x154: {  	(v2sf) =	vpush v12, $0xF;
	_ =	sdelay $0xd  }
0x155: {  	v41 =	vld [tilespmem:s13+$0x6400]  }
0x156: {  	v42 =	vld [tilespmem:s13+$0x0];
	s15 =	spop (v2sf)  }
0x157: {  	v43 =	vld [tilespmem:s13+$0x1400];
	s15 =	sxor.u32 $0x80000000, s15  }
0x158: {  	v16 =	vld [tilespmem:s13+$0x2800];
	v15 =	vmov s15  }
0x159: {  	v44 =	vld [tilespmem:s13+$0x3C00];
	vm1 =	veq.s32 v15, v3  }
0x15a: {  	v12 =	vnsel vm1, $0x0, v41  }
0x15b: {  	v45 =	vnsel vm1, $0x0, v42;
	(xrf0) =	vadd.scan.msk.s32 $0xffff, v12  }
0x15c: {  	v46 =	vnsel vm1, $0x0, v43;
	(xrf2) =	vadd.scan.msk.f32 $0xffff, v45  }
0x15d: {  	v47 =	vnsel vm1, $0x0, v16;
	(xrf2) =	vadd.scan.msk.f32 $0xffff, v46  }
0x15e: {  	v48 =	vnsel vm1, $0x0, v44;
	(xrf2) =	vadd.scan.msk.f32 $0xffff, v47  }
0x15f: {  	(xrf2) =	vadd.scan.msk.f32 $0xffff, v48;
	_ =	sdelay $0x2  }
0x160: {  	v49, _, _ =	vpop (xrf0)  }
0x161: {  	(v2sf) =	vpush v49, $0xF;
	_ =	sdelay $0x2  }
0x162: {  	v50, _, _ =	vpop (xrf2)  }
0x163: {  	v51, _, _ =	vpop (xrf2);
	(v2sf) =	vpush v50, $0xF  }
0x164: {  	v52, _, _ =	vpop (xrf2);
	(v2sf) =	vpush v51, $0xF  }
0x165: {  	(v2sf) =	vpush v52, $0xF;
	v53, _, _ =	vpop (xrf2)  }
0x166: {  	(v2sf) =	vpush v53, $0xF;
	_ =	sdelay $0x7  }
0x167: {  	s17 =	spop (v2sf)  }
0x168: {  	s17 =	scvt.s32.f32 s17;
	_ =	sdelay $0x1  }
0x169: {  	s20 =	smul.f32 s17, s7  }
0x16a: {  	s23 =	spop (v2sf)  }
0x16b: {  	s21 =	spop (v2sf);
	s19 =	sadd.f32 s20, s23  }
0x16c: {  	s24 =	spop (v2sf);
	s21 =	sadd.f32 s20, s21  }
0x16d: {  	s17 =	sadd.f32 s20, s24;
	s22 =	spop (v2sf)  }
0x16e: {  	s20 =	sadd.f32 s20, s22  }
0x16f: {  	v54 =	vmax.f32 v8, s19;
	s25 =	ssub.f32 s17, s19  }
0x170: {  	v55 =	vmax.f32 v7, s21;
	v56 =	vmin.f32 v6, s17;
	s23 =	ssub.f32 s20, s21;
	v57 =	vmin.f32 v5, s20  }
0x171: {  	v12 =	vsub.f32 v56, v54;
	v13 =	vsub.f32 v57, v55  }
0x172: {  	s22 =	smul.f32 s23, s25  }
0x173: {  	v12 =	vmax.f32 v12, $0.0e+00;
	v13 =	vmax.f32 v13, $0.0e+00  }
0x174: {  	v12 =	vmul.f32 v13, v12;
	v58 =	vadd.f32 s22, v4;
	_ =	sdelay $0x1  }
0x175: {  	v13 =	vsub.f32 v58, v12;
	_ =	sdelay $0x1  }
0x176: {  	v13 =	vmax.f32 v13, $9.999999710e-10  }
0x177: {  	(erf) = vrcp.f32 v13;
	_ =	sdelay $0x8  }
0x178: {  	v13 =	vpop (erf)  }
0x179: {  	v12 =	vmul.f32 v13, v12  }
0x17a: {  	v59 =	vmov s11  }
0x17b: {  	vm3 =	vgt.u32 v59, v3;
	vm2 =	vgt.f32 v12, $5.000000000e-01  }
0x17c: {  	vm2 =	vmand vm3, vm2  }
0x17d: {  	v60 =	vsel vm2, $0x3F800000, v2  }
0x17e: {  	(xrf0) =	vmax.scan.msk.f32 $0xffff, v60;
	_ =	sdelay $0x5  }
0x17f: {  	v12, _, _ =	vpop (xrf0)  }
0x180: {  	(v2sf) =	vpush v12, $0xF;
	_ =	sdelay $0x9  }
0x181: {  	v11 =	vsel vm1, $0xFF800000, v11  }
0x182: {  	(xrf0) =	vmax.scan.msk.f32 $0xffff, v11;
	_ =	sdelay $0x1  }
0x183: {  	p0 =	sgt.f32 s12, $-9.999999680e+37;
	s26 =	sxor.u32 $0x80000000, s16  }
0x184: {  	p2 =	sgt.s32 s16, $0xFFFFFFFF;
	s16 =	sand.u32 $0xF, s16;
	p1 =	slt.s32 s26, $0x1  }
0x185: {  	s28 =	sshra.s32 s26, $0x1F;
	p4 =	sne.s32 s16, $0x0;
	s24 =	spop (v2sf)  }
0x186: {  	p1 =	por p2, p1;
	s29 =	sshrl.u32 s28, $0x1C;
	p5 =	sgt.f32 s24, $0.0e+00  }
0x187: {  	p1 =	por !p4, !p1;
	s16 =	sadd.s32 s29, s26;
	s18 =	sxor.u32 $0x80000000, s18;
	v61, _, _ =	vpop (xrf0)  }
0x188: {  	p1 =	por !p1, !p1;
	v62 =	vmov s18;
	s18 =	simm.s32 $0x1;
	v12 =	vbroadcast v61, $0xF;
	p6 =	por !p5, !p5  }
0x189: {  	s16 =	sshrl.u32 s16, $0x4;
	s18 =	simm.s32 @!p1 $0x0;
	vm1 =	veq.s32 v62, v3;
	p0 =	por !p0, !p6  }
0x18a: {  	s16 =	ssub.s32 s16, s18;
	s18 =	simm.s32 $0x1;
	v10 =	vsel vm1, v12, v10;
	p0 =	por !p0, !p0  }
0x18b: {  	(xrf0) =	vmax.scan.msk.f32 $0xffff, v10;
	s18 =	simm.s32 @!p0 $0x0  }
0x18c: {  	vm1 =	vmmov vm0;
	s11 =	sadd.s32 s18, s11  }
0x18d: {  	[tilespmem:s13+$0x7800] =	vst v11;
	vm1 =	vmneg @p0 vm1;
	p0 =	sgt.u32 s11, $0xE  }
0x18e: {  	s30 =	sshll.u32 s16, $0x4;
	[tilespmem:s14+$0x8C00] =	vst v10;
	p1 =	sgt.f32 @!p0 s12, $-9.999999680e+37  }
0x18f: {  	v10 =	vld [tilespmem:s30+$0x8D80]  }
0x190: {  	p0 =	por p0, !p1  }
.Ltmp8:
0x191: {  	s16 =	ssub.s32 s26, s30;
	vm2 =	veq.s32 v59, v3;
	v11, _, _ =	vpop (xrf0);
	(pc) =	sbr.rel @!p0 .LBB2_13-.Ltmp8, $4  }
0x192: {  	v63 =	vmov s16;
	v11 =	vbroadcast v11, $0xF;
	vm1 =	vmand vm2, vm1  }
0x193: {  	vm2 =	veq.s32 v63, v3;
	v8 =	vsel vm1, s19, v8;
	v7 =	vsel vm1, s21, v7  }
0x194: {  	s31 =	sadd.s32 s15, s13;
	v6 =	vsel vm1, s17, v6;
	v5 =	vsel vm1, s20, v5;
	v10 =	vsel vm2, v11, v10  }
0x195: {  	v4 =	vsel vm1, s22, v4;
	v1 =	vsel vm1, v9, v1;
	v0 =	vsel vm1, s31, v0;
	[tilespmem:s30+$0x8D80] =	vst v10  }
0x196: {  	[tilespmem:$0xA300] =	vst v1  }
0x197: {  	[tilespmem:$0xA380] =	vst v0  }
0x198: {  	s7 =	simm.s32 $0xA400;
	s25 =	simm.s32 $0x3;
	[bflag:$0x0] =	sbarrier.arrive $0xFFFF  }
0x199: {  	[tilespmem:s7], [sflag:$0x3] =	stream.linear.gather [spmem:s3], $0x80, $0x38;
	[tilespmem:$0xA818] =	vst v63  }
0x19a: {  	_ =	swait.ge [sflag:s25], $0x80  }
0x19b: {  	[sflag:s25] =	ssyncset.done $0x0  }
0x19c: {  	s26 =	simm.s32 $0xA480;
	[sflag:s25] =	ssyncadd.s32 $0xFFFFFF80  }
0x19d: {  	[tilespmem:s26], [sflag:$0x3] =	stream.linear.gather [spmem:s2], $0x80, $0x38;
	[tilespmem:$0xA818] =	vst v63  }
0x19e: {  	_ =	swait.ge [sflag:s25], $0x80  }
0x19f: {  	[sflag:s25] =	ssyncset.done $0x0  }
0x1a0: {  	[sflag:s25] =	ssyncadd.s32 $0xFFFFFF80  }
0x1a1: {  	v1 =	vld [tilespmem:$0xA400];
	_ =	sdelay $0x1  }
0x1a2: {  	s28 =	simm.s32 $0x0;
	v2 =	vld [tilespmem:$0xA300]  }
0x1a3: {  	v0 =	vlaneseq.u32;
	v4 =	vmov s28;
	v3 =	vld [tilespmem:$0xA480]  }
0x1a4: {  	vm0 =	veq.s32 v4, v0  }
0x1a5: {  	v4 =	vld [tilespmem:$0xA380];
	v5 =	vnsel vm0, $0x0, v1  }
0x1a6: {  	(xrf2) =	vadd.scan.msk.f32 $0xffff, v5  }
0x1a7: {  	v5 =	vnsel vm0, $0x0, v2  }
0x1a8: {  	v6 =	vnsel vm0, $0x0, v3;
	(xrf2) =	vadd.scan.msk.f32 $0xffff, v5  }
0x1a9: {  	(xrf0) =	vadd.scan.msk.s32 $0xffff, v6  }
0x1aa: {  	v5 =	vnsel vm0, $0x0, v4  }
0x1ab: {  	(xrf0) =	vadd.scan.msk.s32 $0xffff, v5;
	_ =	sdelay $0x3  }
0x1ac: {  	v5, _, _ =	vpop (xrf0)  }
0x1ad: {  	(v2sf) =	vpush v5, $0xF;
	v6, _, _ =	vpop (xrf2)  }
0x1ae: {  	v5, _, _ =	vpop (xrf0);
	(v2sf) =	vpush v6, $0xF  }
0x1af: {  	v6, _, _ =	vpop (xrf2);
	(v2sf) =	vpush v5, $0xF  }
0x1b0: {  	(v2sf) =	vpush v6, $0xF;
	_ =	sdelay $0xb  }
0x1b1: {  	s7 =	spop (v2sf)  }
0x1b2: {  	s3 =	spop (v2sf)  }
0x1b3: {  	s13 =	spop (v2sf)  }
0x1b4: {  	s17 =	spop (v2sf)  }
0x1b5: {  	p1 =	seq.f32 s3, s17  }
0x1b6: {  	p2 =	slt.s32 s7, s13;
	s11 =	smax.f32 s3, s17  }
0x1b7: {  	p3 =	sgt.f32 s3, s17;
	p0 =	sgt.f32 s11, $-9.999999680e+37;
	p1 =	por !p1, !p2  }
0x1b8: {  	s11 =	simm.s32 $0x1;
	p1 =	por !p1, !p1  }
0x1b9: {  	s11 =	simm.s32 @!p0 $0x0;
	p1 =	por p3, p1  }
0x1ba: {  	s12 =	smov.u32 s11;
	s11 =	simm.s32 @!p1 $0x0  }
0x1bb: {  	s11 =	sadd.s32 $0x0, s11  }
0x1bc: {  	s12 =	simm.s32 @p1 $0x0;
	v5 =	vmov s11  }
0x1bd: {  	s12 =	sadd.s32 $0x0, s12;
	vm0 =	veq.s32 v5, v0  }
0x1be: {  	v6 =	vmov s12;
	v5 =	vnsel vm0, $0x0, v1  }
0x1bf: {  	vm1 =	veq.s32 v6, v0;
	(xrf2) =	vadd.scan.msk.f32 $0xffff, v5  }
0x1c0: {  	v5 =	vnsel vm1, $0x0, v2  }
0x1c1: {  	v6 =	vnsel vm0, $0x0, v3;
	(xrf2) =	vadd.scan.msk.f32 $0xffff, v5  }
0x1c2: {  	(xrf0) =	vadd.scan.msk.s32 $0xffff, v6  }
0x1c3: {  	v5 =	vnsel vm1, $0x0, v4  }
0x1c4: {  	(xrf0) =	vadd.scan.msk.s32 $0xffff, v5;
	_ =	sdelay $0x2  }
0x1c5: {  	v5 =	vimm.f32 $0.0e+00  }
0x1c6: {  	[tilespmem:$0xA500] =	vst v5;
	v6, _, _ =	vpop (xrf0)  }
0x1c7: {  	[tilespmem:$0xA580] =	vst v5;
	(v2sf) =	vpush v6, $0xF;
	v7, _, _ =	vpop (xrf2)  }
0x1c8: {  	[tilespmem:$0xA600] =	vst v5;
	v6, _, _ =	vpop (xrf0);
	(v2sf) =	vpush v7, $0xF  }
0x1c9: {  	[tilespmem:$0xA680] =	vst v5;
	v7, _, _ =	vpop (xrf2);
	(v2sf) =	vpush v6, $0xF  }
0x1ca: {  	[tilespmem:$0xA700] =	vst v5;
	(v2sf) =	vpush v7, $0xF  }
0x1cb: {  	s13 =	smov.u32 @p1 s7;
	[tilespmem:$0xA510] =	vst v5  }
0x1cc: {  	s7 =	sand.u32 $0xF, s13;
	[tilespmem:$0xA590] =	vst v5  }
0x1cd: {  	p5 =	slt.s32 s13, $0x1;
	s29 =	sshra.s32 s13, $0x1F;
	p6 =	sne.s32 s7, $0x0;
	[tilespmem:$0xA610] =	vst v5  }
0x1ce: {  	s7 =	sshrl.u32 s29, $0x1C;
	p2 =	por !p5, !p6;
	[tilespmem:$0xA690] =	vst v5  }
0x1cf: {  	s14 =	simm.s32 $0x1;
	s7 =	sadd.s32 s7, s13;
	p2 =	por !p2, !p2;
	[tilespmem:$0xA710] =	vst v5;
	v6 =	vimm.s32 $0xFFFFFFFF  }
0x1d0: {  	s7 =	sshrl.u32 s7, $0x4;
	s14 =	simm.s32 @!p2 $0x0;
	[tilespmem:$0xA780] =	vst v6  }
0x1d1: {  	s14 =	ssub.s32 s7, s14;
	s7 =	sand.u32 $0x10, s28;
	[tilespmem:$0xA790] =	vst v6  }
0x1d2: {  	s19 =	sshll.u32 s14, $0x4;
	v6 =	vld [tilespmem:s7+$0xA700]  }
0x1d3: {  	v5 =	vld [tilespmem:s19+$0x1400]  }
0x1d4: {  	v7 =	vld [tilespmem:s19+$0x6400]  }
0x1d5: {  	s13 =	ssub.s32 s13, s19;
	v8 =	vld [tilespmem:s19+$0x3C00]  }
0x1d6: {  	v9 =	vmov s13;
	v10 =	vld [tilespmem:s19+$0x2800];
	s18 =	spop (v2sf)  }
0x1d7: {  	s30 =	sand.u32 $0xF, s28;
	s17 =	smov.u32 @p1 s3;
	vm1 =	veq.s32 v9, v0;
	s15 =	spop (v2sf)  }
0x1d8: {  	v63 =	vmov s30;
	s2 =	simm.s32 $0x1;
	s17 =	simm.s32 @!p0 $0x0;
	v5 =	vnsel vm1, $0x0, v5;
	s16 =	spop (v2sf)  }
0x1d9: {  	p0 =	por p0, p0;
	vm0 =	veq.s32 v63, v0;
	s14 =	simm.s32 $0x2;
	v7 =	vnsel vm1, $0x0, v7;
	(xrf2) =	vadd.scan.msk.f32 $0xffff, v5;
	v5 =	vld [tilespmem:s19+$0x0];
	s3 =	spop (v2sf)  }
0x1da: {  	s13 =	simm.s32 $0x1;
	v6 =	vsel vm0, s17, v6;
	v8 =	vnsel vm1, $0x0, v8;
	(xrf0) =	vadd.scan.msk.s32 $0xffff, v7;
	p4 =	seq.f32 s15, s3;
	s31 =	smax.f32 s15, s3  }
0x1db: {  	[tilespmem:s7+$0xA700] =	vst v6;
	v6 =	vnsel vm1, $0x0, v10;
	(xrf2) =	vadd.scan.msk.f32 $0xffff, v8;
	p5 =	slt.s32 s18, s16;
	p3 =	sgt.f32 s15, s3;
	p1 =	sgt.f32 s31, $-9.999999680e+37  }
.LBB2_15:
0x1dc: {  	p2 =	sne.s32 s14, $0x1D;
	p4 =	por !p4, !p5;
	s17 =	smov.u32 s14  }
0x1dd: {  	s14 =	sadd.s32 $0x1, s14;
	s19 =	simm.s32 $0x1;
	p4 =	por !p4, !p4  }
0x1de: {  	s19 =	simm.s32 @!p1 $0x0;
	v7 =	vnsel vm1, $0x0, v5;
	p3 =	por p3, p4  }
0x1df: {  	(xrf2) =	vadd.scan.msk.f32 $0xffff, v7;
	s16 =	smov.u32 @p3 s18;
	s18 =	smov.u32 s19  }
0x1e0: {  	v5, _, _ =	vpop (xrf0);
	s19 =	simm.s32 @!p3 $0x0;
	s18 =	simm.s32 @p3 $0x0  }
0x1e1: {  	s3 =	smov.u32 @p3 s15;
	s20 =	sand.u32 $0xF, s16;
	s12 =	sadd.s32 s12, s18;
	(v2sf) =	vpush v5, $0xF  }
0x1e2: {  	p4 =	slt.s32 s16, $0x1;
	s11 =	sadd.s32 s11, s19;
	p5 =	sne.s32 s20, $0x0;
	(xrf2) =	vadd.scan.msk.f32 $0xffff, v6  }
0x1e3: {  	s15 =	sshra.s32 s16, $0x1F;
	s3 =	simm.s32 @!p1 $0x0;
	p3 =	por !p4, !p5;
	v5, _, _ =	vpop (xrf2)  }
0x1e4: {  	s15 =	sshrl.u32 s15, $0x1C;
	s18 =	simm.s32 $0x1;
	v6 =	vmov s11;
	p3 =	por !p3, !p3;
	(v2sf) =	vpush v5, $0xF  }
0x1e5: {  	s15 =	sadd.s32 s15, s16;
	vm1 =	veq.s32 v6, v0;
	s18 =	simm.s32 @!p3 $0x0  }
0x1e6: {  	s15 =	sshrl.u32 s15, $0x4;
	v5 =	vnsel vm1, $0x0, v1;
	v6 =	vnsel vm1, $0x0, v3;
	v7, _, _ =	vpop (xrf2)  }
0x1e7: {  	s15 =	ssub.s32 s15, s18;
	(xrf0) =	vadd.scan.msk.s32 $0xffff, v6;
	(v2sf) =	vpush v7, $0xF  }
0x1e8: {  	s19 =	sshll.u32 s15, $0x4  }
0x1e9: {  	v6 =	vmov s12;
	s15 =	ssub.s32 s16, s19;
	v7, _, _ =	vpop (xrf2)  }
0x1ea: {  	vm1 =	veq.s32 v6, v0;
	(xrf2) =	vadd.scan.msk.f32 $0xffff, v5;
	(v2sf) =	vpush v7, $0xF  }
0x1eb: {  	v8 =	vnsel vm1, $0x0, v4;
	v5 =	vnsel vm1, $0x0, v2  }
0x1ec: {  	(xrf0) =	vadd.scan.msk.s32 $0xffff, v8;
	v6, _, _ =	vpop (xrf2)  }
0x1ed: {  	v7, _, _ =	vpop (xrf0);
	(xrf2) =	vadd.scan.msk.f32 $0xffff, v5;
	v5 =	vld [tilespmem:s7+$0xA780];
	(v2sf) =	vpush v6, $0xF;
	_ =	sdelay $0x2  }
0x1ee: {  	v6 =	vld [tilespmem:s7+$0xA580];
	s16 =	spop (v2sf)  }
0x1ef: {  	v8 =	vmov s15;
	s16 =	simm.s32 @!p0 $0xFFFFFFFF  }
0x1f0: {  	vm1 =	veq.s32 v8, v0;
	v9, _, _ =	vpop (xrf0);
	v10 =	vsel vm0, s16, v5  }
0x1f1: {  	v8 =	vld [tilespmem:s7+$0xA680];
	[tilespmem:s7+$0xA780] =	vst v10;
	s15 =	spop (v2sf)  }
0x1f2: {  	v5, _, _ =	vpop (xrf2);
	s15 =	simm.s32 @!p0 $0x0  }
0x1f3: {  	(v2sf) =	vpush v7, $0xF;
	v7 =	vsel vm0, s15, v6  }
0x1f4: {  	(v2sf) =	vpush v5, $0xF;
	v5 =	vld [tilespmem:s7+$0xA500];
	[tilespmem:s7+$0xA580] =	vst v7;
	s15 =	spop (v2sf)  }
0x1f5: {  	v6, _, _ =	vpop (xrf2);
	(v2sf) =	vpush v9, $0xF;
	s15 =	simm.s32 @!p0 $0x0  }
0x1f6: {  	(v2sf) =	vpush v6, $0xF;
	v6 =	vsel vm0, s15, v8  }
0x1f7: {  	v7 =	vld [tilespmem:s7+$0xA600];
	[tilespmem:s7+$0xA680] =	vst v6;
	s15 =	spop (v2sf)  }
0x1f8: {  	s15 =	simm.s32 @!p0 $0x0  }
0x1f9: {  	v5 =	vsel vm0, s15, v5  }
0x1fa: {  	[tilespmem:s7+$0xA500] =	vst v5;
	s15 =	spop (v2sf)  }
0x1fb: {  	s15 =	simm.s32 @!p0 $0x0;
	p0 =	por p1, p1  }
0x1fc: {  	s16 =	sand.u32 $0x10, s2;
	v5 =	vsel vm0, s15, v7  }
0x1fd: {  	v6 =	vld [tilespmem:s16+$0xA700];
	[tilespmem:s7+$0xA600] =	vst v5;
	s7 =	smov.u32 s16  }
0x1fe: {  	v5 =	vld [tilespmem:s19+$0x1400]  }
0x1ff: {  	v7 =	vld [tilespmem:s19+$0x6400]  }
0x200: {  	v8 =	vld [tilespmem:s19+$0x3C00]  }
0x201: {  	s15 =	sand.u32 $0xF, s2;
	s2 =	smov.u32 s17;
	v9 =	vld [tilespmem:s19+$0x2800]  }
0x202: {  	v10 =	vmov s15;
	s18 =	spop (v2sf)  }
.Ltmp9:
0x203: {  	vm0 =	veq.s32 v10, v0;
	s15 =	spop (v2sf);
	v11 =	vnsel vm1, $0x0, v5;
	(pc) =	sbr.rel @p2 .LBB2_15-.Ltmp9, $4  }
0x204: {  	v6 =	vsel vm0, s3, v6;
	s16 =	spop (v2sf);
	v5 =	vld [tilespmem:s19+$0x0];
	v7 =	vnsel vm1, $0x0, v7;
	(xrf2) =	vadd.scan.msk.f32 $0xffff, v11  }
0x205: {  	s3 =	spop (v2sf);
	v8 =	vnsel vm1, $0x0, v8;
	[tilespmem:s7+$0xA700] =	vst v6;
	(xrf0) =	vadd.scan.msk.s32 $0xffff, v7  }
0x206: {  	p5 =	slt.s32 s18, s16;
	p4 =	seq.f32 s15, s3;
	s17 =	smax.f32 s15, s3;
	v6 =	vnsel vm1, $0x0, v9  }
0x207: {  	p3 =	sgt.f32 s15, s3;
	p1 =	sgt.f32 s17, $-9.999999680e+37;
	(xrf2) =	vadd.scan.msk.f32 $0xffff, v8  }
0x208: {  	_ = 	snop  }
0x209: {  	v1 =	vnsel vm1, $0x0, v5  }
0x20a: {  	(xrf2) =	vadd.scan.msk.f32 $0xffff, v1  }
0x20b: {  	(xrf2) =	vadd.scan.msk.f32 $0xffff, v6;
	_ =	sdelay $0x4  }
0x20c: {  	v35, _, _ =	vpop (xrf0)  }
0x20d: {  	(v2sf) =	vpush v35, $0xF  }
0x20e: {  	v36, _, _ =	vpop (xrf2)  }
0x20f: {  	(v2sf) =	vpush v36, $0xF;
	v37, _, _ =	vpop (xrf2)  }
0x210: {  	(v2sf) =	vpush v37, $0xF;
	v38, _, _ =	vpop (xrf2)  }
0x211: {  	(v2sf) =	vpush v38, $0xF;
	v39, _, _ =	vpop (xrf2)  }
0x212: {  	(v2sf) =	vpush v39, $0xF;
	_ =	sdelay $0x5  }
0x213: {  	p2 =	por !p4, !p5  }
0x214: {  	v40 =	vld [tilespmem:s7+$0xA780];
	p2 =	por !p2, !p2  }
0x215: {  	p2 =	por p3, p2  }
0x216: {  	v2 =	vld [tilespmem:s7+$0xA580];
	s16 =	smov.u32 @p2 s18  }
0x217: {  	v3 =	vld [tilespmem:s7+$0xA680];
	s14 =	sand.u32 $0xF, s16;
	s11 =	spop (v2sf)  }
0x218: {  	v42 =	vld [tilespmem:s7+$0xA500];
	p5 =	slt.s32 s16, $0x1;
	p6 =	sne.s32 s14, $0x0;
	s11 =	simm.s32 @!p0 $0xFFFFFFFF  }
0x219: {  	v43 =	vld [tilespmem:s7+$0xA600];
	s17 =	sshra.s32 s16, $0x1F;
	p3 =	por !p5, !p6;
	v1 =	vsel vm0, s11, v40;
	s11 =	spop (v2sf)  }
0x21a: {  	p3 =	por !p3, !p3;
	s11 =	simm.s32 @!p0 $0x0;
	s12 =	spop (v2sf)  }
0x21b: {  	[tilespmem:s7+$0xA780] =	vst v1;
	v41 =	vsel vm0, s11, v2;
	s11 =	sshrl.u32 s17, $0x1C;
	s12 =	simm.s32 @!p0 $0x0;
	s14 =	spop (v2sf)  }
0x21c: {  	[tilespmem:s7+$0xA580] =	vst v41;
	s11 =	sadd.s32 s11, s16;
	v3 =	vsel vm0, s12, v3;
	s14 =	simm.s32 @!p0 $0x0;
	s12 =	spop (v2sf)  }
0x21d: {  	s13 =	simm.s32 @!p3 $0x0;
	s18 =	sshrl.u32 s11, $0x4;
	[tilespmem:s7+$0xA680] =	vst v3;
	v2 =	vsel vm0, s14, v42;
	s12 =	simm.s32 @!p0 $0x0  }
0x21e: {  	s19 =	sand.u32 $0x10, s2;
	s13 =	ssub.s32 s18, s13;
	[tilespmem:s7+$0xA500] =	vst v2;
	v1 =	vsel vm0, s12, v43  }
0x21f: {  	s20 =	sshll.u32 s13, $0x4;
	v2 =	vld [tilespmem:s19+$0xA700];
	[tilespmem:s7+$0xA600] =	vst v1  }
0x220: {  	v1 =	vld [tilespmem:s20+$0x1400]  }
0x221: {  	v3 =	vld [tilespmem:s20+$0x6400]  }
0x222: {  	s21 =	ssub.s32 s16, s20;
	v4 =	vld [tilespmem:s20+$0x3C00]  }
0x223: {  	v44 =	vmov s21;
	v45 =	vld [tilespmem:s20+$0x0]  }
0x224: {  	vm14 =	veq.s32 v44, v0;
	v46 =	vld [tilespmem:s20+$0x2800]  }
0x225: {  	v1 =	vnsel vm14, $0x0, v1  }
0x226: {  	v3 =	vnsel vm14, $0x0, v3;
	(xrf2) =	vadd.scan.msk.f32 $0xffff, v1  }
0x227: {  	v47 =	vnsel vm14, $0x0, v4;
	(xrf0) =	vadd.scan.msk.s32 $0xffff, v3  }
0x228: {  	v48 =	vnsel vm14, $0x0, v45;
	(xrf2) =	vadd.scan.msk.f32 $0xffff, v47  }
0x229: {  	v49 =	vnsel vm14, $0x0, v46;
	(xrf2) =	vadd.scan.msk.f32 $0xffff, v48  }
0x22a: {  	(xrf2) =	vadd.scan.msk.f32 $0xffff, v49;
	_ =	sdelay $0x5  }
0x22b: {  	v50, _, _ =	vpop (xrf0)  }
0x22c: {  	(v2sf) =	vpush v50, $0xF;
	v51, _, _ =	vpop (xrf2)  }
0x22d: {  	(v2sf) =	vpush v51, $0xF;
	v52, _, _ =	vpop (xrf2)  }
0x22e: {  	(v2sf) =	vpush v52, $0xF;
	v53, _, _ =	vpop (xrf2)  }
0x22f: {  	(v2sf) =	vpush v53, $0xF;
	v54, _, _ =	vpop (xrf2)  }
0x230: {  	(v2sf) =	vpush v54, $0xF;
	_ =	sdelay $0x7  }
0x231: {  	v55 =	vld [tilespmem:s19+$0xA780]  }
0x232: {  	s22 =	sand.u32 $0xF, s2;
	v56 =	vld [tilespmem:s19+$0xA580]  }
0x233: {  	v57 =	vmov s22;
	s3 =	smov.u32 @p2 s15;
	v58 =	vld [tilespmem:s19+$0xA680]  }
0x234: {  	vm15 =	veq.s32 v57, v0;
	s3 =	simm.s32 @!p1 $0x0;
	p0 =	por p1, p1;
	v59 =	vld [tilespmem:s19+$0xA500];
	s2 =	spop (v2sf)  }
0x235: {  	v60 =	vld [tilespmem:s19+$0xA600];
	v2 =	vsel vm15, s3, v2;
	s2 =	simm.s32 @!p0 $0xFFFFFFFF;
	s3 =	spop (v2sf)  }
0x236: {  	[tilespmem:s19+$0xA700] =	vst v2;
	v1 =	vsel vm15, s2, v55;
	s3 =	simm.s32 @!p0 $0x0;
	s2 =	spop (v2sf)  }
0x237: {  	[tilespmem:s19+$0xA780] =	vst v1;
	v61 =	vsel vm15, s3, v56;
	s2 =	simm.s32 @!p0 $0x0;
	s3 =	spop (v2sf)  }
0x238: {  	[tilespmem:s19+$0xA580] =	vst v61;
	v62 =	vsel vm15, s2, v58;
	s3 =	simm.s32 @!p0 $0x0;
	s2 =	spop (v2sf)  }
0x239: {  	[tilespmem:s19+$0xA680] =	vst v62;
	v0 =	vsel vm15, s3, v59;
	s2 =	simm.s32 @!p0 $0x0  }
0x23a: {  	[tilespmem:s19+$0xA500] =	vst v0;
	v63 =	vsel vm15, s2, v60  }
0x23b: {  	s23 =	simm.s32 $0x0;
	s24 =	simm.s32 $0xA500;
	[tilespmem:s19+$0xA600] =	vst v63  }
0x23c: {  	[hbm4b:s6+s23] =	stream.linear.scatter [tilespmem:s24], [sflag:$0x1], $0x80, $0x38;
	[tilespmem:$0xA818] =	vst v63  }
0x23d: {  	s25 =	simm.s32 $0xA580  }
0x23e: {  	[hbm4b:s10+s23] =	stream.linear.scatter [tilespmem:s25], [sflag:$0x1], $0x80, $0x38;
	[tilespmem:$0xA818] =	vst v63  }
0x23f: {  	s26 =	simm.s32 $0xA600  }
0x240: {  	[hbm4b:s9+s23] =	stream.linear.scatter [tilespmem:s26], [sflag:$0x1], $0x80, $0x38;
	[tilespmem:$0xA818] =	vst v63  }
0x241: {  	s28 =	simm.s32 $0xA680  }
0x242: {  	[hbm4b:s8+s23] =	stream.linear.scatter [tilespmem:s28], [sflag:$0x1], $0x80, $0x38;
	[tilespmem:$0xA818] =	vst v63  }
0x243: {  	s29 =	simm.s32 $0xA700  }
0x244: {  	[hbm4b:s5+s23] =	stream.linear.scatter [tilespmem:s29], [sflag:$0x1], $0x80, $0x38;
	[tilespmem:$0xA818] =	vst v63  }
0x245: {  	s30 =	simm.s32 $0xA780;
	s31 =	simm.s32 $0x1  }
0x246: {  	[hbm4b:s4+s23] =	stream.linear.scatter [tilespmem:s30], [sflag:$0x1], $0x80, $0x38;
	[tilespmem:$0xA818] =	vst v63  }
0x247: {  	_ =	swait.ge [sflag:s31], $0x80  }
0x248: {  	[sflag:s31] =	ssyncset.done $0x0  }
0x249: {  	[sflag:s31] =	ssyncadd.s32 $0xFFFFFF80  }
0x24a: {  	_ =	swait.ge [sflag:s31], $0x80  }
0x24b: {  	[sflag:s31] =	ssyncset.done $0x0  }
0x24c: {  	[sflag:s31] =	ssyncadd.s32 $0xFFFFFF80  }
0x24d: {  	_ =	swait.ge [sflag:s31], $0x80  }
0x24e: {  	[sflag:s31] =	ssyncset.done $0x0  }
0x24f: {  	[sflag:s31] =	ssyncadd.s32 $0xFFFFFF80  }
0x250: {  	_ =	swait.ge [sflag:s31], $0x80  }
0x251: {  	[sflag:s31] =	ssyncset.done $0x0  }
0x252: {  	[sflag:s31] =	ssyncadd.s32 $0xFFFFFF80  }
0x253: {  	_ =	swait.ge [sflag:s31], $0x80  }
.Ltmp10:
0x254: {  	[sflag:s31] =	ssyncset.done $0x0;
	(pc) =	sbr.rel .LBB2_22-.Ltmp10, $4  }
0x255: {  	[sflag:s31] =	ssyncadd.s32 $0xFFFFFF80  }
0x256: {  	_ =	swait.ge [sflag:s31], $0x80  }
0x257: {  	[sflag:s31] =	ssyncset.done $0x0  }
0x258: {  	[sflag:s31] =	ssyncadd.s32 $0xFFFFFF80  }
.LBB2_17:
0x259: {  	s4 =	simm.s32 $0x0;
	s5 =	simm.s32 $0x5000  }
0x25a: {  	[tilespmem:s5], [sflag:$0x1] =	stream.linear.gather [hbm4b:s14+s4], $0x1400, $0x38;
	[tilespmem:$0xA818] =	vst v63  }
0x25b: {  	s26 =	simm.s32 $0x6400  }
0x25c: {  	[tilespmem:s26], [sflag:$0x1] =	stream.linear.gather [hbm4b:s13+s4], $0x1400, $0x38;
	[tilespmem:$0xA818] =	vst v63  }
0x25d: {  	_ = 	snop  }
0x25e: {  	[tilespmem:s4], [sflag:$0x2] =	stream.linear.gather [hbm4b:s12+s4], $0x1400, $0x38;
	[tilespmem:$0xA818] =	vst v63  }
0x25f: {  	s28 =	simm.s32 $0x1400  }
0x260: {  	[tilespmem:s28], [sflag:$0x2] =	stream.linear.gather [hbm4b:s11+s4], $0x1400, $0x38;
	[tilespmem:$0xA818] =	vst v63  }
0x261: {  	s29 =	simm.s32 $0x2800  }
0x262: {  	[tilespmem:s29], [sflag:$0x2] =	stream.linear.gather [hbm4b:s10+s4], $0x1400, $0x38;
	[tilespmem:$0xA818] =	vst v63  }
0x263: {  	s30 =	simm.s32 $0x3C00;
	s31 =	simm.s32 $0x1  }
0x264: {  	[tilespmem:s30], [sflag:$0x2] =	stream.linear.gather [hbm4b:s9+s4], $0x1400, $0x38;
	[tilespmem:$0xA818] =	vst v63  }
0x265: {  	_ =	swait.ge [sflag:s31], $0x1400  }
0x266: {  	[sflag:s31] =	ssyncset.done $0x0  }
0x267: {  	[sflag:s31] =	ssyncadd.s32 $0xFFFFEC00  }
0x268: {  	_ =	swait.ge [sflag:s31], $0x1400  }
0x269: {  	[sflag:s31] =	ssyncset.done $0x0  }
0x26a: {  	s4 =	simm.s32 $0x0;
	[sflag:s31] =	ssyncadd.s32 $0xFFFFEC00  }
0x26b: {  	v6 =	vld [tilespmem:s4+$0x6430]  }
0x26c: {  	v1 =	vld [tilespmem:s4+$0x5040]  }
0x26d: {  	v3 =	vld [tilespmem:s4+$0x6450]  }
0x26e: {  	v5 =	vld [tilespmem:s4+$0x5030]  }
0x26f: {  	v4 =	vld [tilespmem:s4+$0x6460]  }
0x270: {  	vm1 =	veq.s32 v6, $0x1;
	v6 =	vld [tilespmem:s4+$0x5060]  }
0x271: {  	v2 =	vld [tilespmem:s4+$0x6440]  }
0x272: {  	vm6 =	vmmov $0x1;
	vm10 =	vmmov $0x7;
	v8 =	vld [tilespmem:s4+$0x5020]  }
0x273: {  	vm7 =	vmmov $0xff;
	vm9 =	vmmov $0x1ff;
	v16 =	vld [tilespmem:s4+$0x6470];
	vm0 =	vge.f32 v5, $2.000000030e-01  }
0x274: {  	vm14 =	vmmov $0x3fff;
	v12 =	vld [tilespmem:s4+$0x6400];
	vm3 =	veq.s32 v3, $0x1;
	vm0 =	vmand vm0, vm1  }
0x275: {  	v11 =	vld [tilespmem:s4+$0x5000];
	v13 =	vnsel vm0, $0xFF800000, v5;
	vm0 =	veq.s32 v4, $0x1;
	vm1 =	vge.f32 v6, $2.000000030e-01  }
0x276: {  	v7 =	vld [tilespmem:s4+$0x6420];
	vm2 =	vge.f32 v1, $2.000000030e-01;
	vm0 =	vmand vm1, vm0;
	vm1 =	veq.s32 v2, $0x1  }
0x277: {  	v2 =	vimm.s32 $0x0;
	v6 =	vnsel vm0, $0xFF800000, v6;
	vm0 =	vmmov $0x3  }
0x278: {  	v3 =	vld [tilespmem:s4+$0x6480];
	vm8 =	vge.f32 v8, $2.000000030e-01;
	vm11 =	veq.s32 v16, $0x1;
	v2 =	vsel vm0, $0xFFFFFFFF, v2  }
0x279: {  	v0 =	vld [tilespmem:s4+$0x5050];
	[tilespmem:s4+$0x7830] =	vst v13;
	vm0 =	vmand vm2, vm1;
	vm1 =	veq.s32 v12, $0x1;
	vm2 =	vmmov $0xf  }
0x27a: {  	[tilespmem:$0x1FF40] =	vst v2;
	v1 =	vnsel vm0, $0xFF800000, v1;
	vm0 =	vge.f32 v11, $2.000000030e-01;
	v2 =	vimm.s32 $0x0  }
0x27b: {  	v9 =	vld [tilespmem:s4+$0x6410];
	[tilespmem:s4+$0x7860] =	vst v6;
	v2 =	vsel vm2, $0xFFFFFFFF, v2;
	vm0 =	vmand vm0, vm1;
	vm1 =	veq.s32 v7, $0x1  }
0x27c: {  	v10 =	vld [tilespmem:s4+$0x5010];
	[tilespmem:$0x1FF50] =	vst v2;
	v7 =	vnsel vm0, $0xFF800000, v11;
	vm0 =	vmmov $0x1f;
	v2 =	vimm.s32 $0x0  }
0x27d: {  	v14 =	vld [tilespmem:s4+$0x64B0];
	v5 =	vimm.s32 $0x0;
	vm13 =	veq.s32 v3, $0x1;
	[tilespmem:s4+$0x7840] =	vst v1;
	v2 =	vsel vm0, $0xFFFFFFFF, v2  }
0x27e: {  	v15 =	vld [tilespmem:s4+$0x64A0];
	vm2 =	vge.f32 v0, $2.000000030e-01;
	vm0 =	vmmov $0x3f;
	[tilespmem:$0x1FF60] =	vst v2;
	v2 =	vimm.s32 $0x0  }
0x27f: {  	v12 =	vld [tilespmem:s4+$0x5070];
	(xrf0) =	vmax.scan.msk.f32 $0xffff, v1;
	v2 =	vsel vm0, $0xFFFFFFFF, v2;
	vm0 =	vmand vm2, vm3;
	vm2 =	vmmov $0x7f  }
0x280: {  	v11 =	vld [tilespmem:s4+$0x5080];
	vm1 =	vmand vm8, vm1;
	vm8 =	vmmov $0x3ff;
	[tilespmem:$0x1FF70] =	vst v2;
	v5 =	vsel vm2, $0xFFFFFFFF, v5  }
0x281: {  	v4 =	vld [tilespmem:s4+$0x6490];
	vm3 =	vge.f32 v10, $2.000000030e-01;
	v0 =	vnsel vm0, $0xFF800000, v0;
	vm0 =	veq.s32 v9, $0x1;
	[tilespmem:$0x1FF80] =	vst v5  }
0x282: {  	v2 =	vld [tilespmem:s4+$0x5090];
	vm0 =	vmand vm3, vm0;
	[tilespmem:s4+$0x7850] =	vst v0;
	(xrf0) =	vmax.scan.msk.f32 $0xffff, v0;
	v0 =	vnsel vm1, $0xFF800000, v8  }
0x283: {  	v17 =	vld [tilespmem:s4+$0x50A0];
	v5 =	vimm.s32 $0x0;
	v1 =	vnsel vm0, $0xFF800000, v10;
	vm0 =	vmmov $0x7ff;
	(xrf0) =	vmax.scan.msk.f32 $0xffff, v0  }
0x284: {  	[tilespmem:s4+$0x7800] =	vst v7;
	vm12 =	vge.f32 v12, $2.000000030e-01;
	v5 =	vsel vm0, $0xFFFFFFFF, v5;
	(xrf0) =	vmax.scan.msk.f32 $0xffff, v1  }
0x285: {  	vm11 =	vmand vm12, vm11;
	vm12 =	vge.f32 v11, $2.000000030e-01;
	[tilespmem:$0x1FF90] =	vst v5;
	v5 =	vld [tilespmem:s4+$0x50B0];
	(xrf0) =	vmax.scan.msk.f32 $0xffff, v7  }
0x286: {  	v9 =	vnsel vm11, $0xFF800000, v12;
	vm1 =	veq.s32 v14, $0x1;
	vm12 =	vmand vm12, vm13;
	(xrf0) =	vmax.scan.msk.f32 $0xffff, v13  }
0x287: {  	vm13 =	veq.s32 v15, $0x1;
	[tilespmem:s4+$0x7820] =	vst v0;
	vm0 =	veq.s32 v4, $0x1;
	v7 =	vld [tilespmem:s4+$0x64C0];
	v0, _, _ =	vpop (xrf0);
	vm11 =	vge.f32 v2, $2.000000030e-01  }
0x288: {  	v10 =	vld [tilespmem:s4+$0x64D0];
	[tilespmem:s4+$0x7810] =	vst v1;
	v13 =	vnsel vm12, $0xFF800000, v11;
	vm15 =	vmand vm11, vm0;
	vm0 =	vge.f32 v17, $2.000000030e-01;
	v3, _, _ =	vpop (xrf0)  }
0x289: {  	v1 =	vld [tilespmem:s4+$0x50C0];
	v4 =	vbroadcast v0, $0xF;
	vm11 =	vmmov $0xfff;
	(xrf0) =	vmax.scan.msk.f32 $0xffff, v6;
	vm0 =	vmand vm0, vm13;
	v8, _, _ =	vpop (xrf0)  }
0x28a: {  	v11 =	vld [tilespmem:s4+$0x64E0];
	[tilespmem:s4+$0x7880] =	vst v13;
	vm13 =	vmmov $0x7fff;
	v3 =	vbroadcast v3, $0xF;
	vm12 =	vge.f32 v5, $2.000000030e-01;
	v0, _, _ =	vpop (xrf0)  }
0x28b: {  	v6 =	vld [tilespmem:s4+$0x50D0];
	(xrf0) =	vmax.scan.msk.f32 $0xffff, v9;
	v8 =	vbroadcast v8, $0xF;
	vm1 =	vmand vm12, vm1;
	vm12 =	vmmov $0x1fff;
	v14, _, _ =	vpop (xrf0)  }
0x28c: {  	s6 =	simm.s32 $0x8C00;
	s8 =	simm.s32 $0x400;
	s5 =	simm.s32 $0x8C00;
	(xrf0) =	vmax.scan.msk.f32 $0xffff, v13;
	v12 =	vbroadcast v0, $0xF;
	v0 =	vnsel vm0, $0xFF800000, v17;
	vm0 =	veq.s32 v7, $0x1;
	v7 =	vld [tilespmem:s4+$0x50E0];
	v13, _, _ =	vpop (xrf0)  }
.LBB2_18:
0x28d: {  	v14 =	vbroadcast v14, $0xF;
	_ =	sdelay $0x1  }
0x28e: {  	v5 =	vnsel vm1, $0xFF800000, v5;
	vm1 =	veq.s32 v10, $0x1;
	v10 =	vsel vm6, v14, v12;
	v14 =	vld [tilespmem:$0x1FF40]  }
0x28f: {  	[tilespmem:s4+$0x7870] =	vst v9;
	v2 =	vnsel vm15, $0xFF800000, v2  }
0x290: {  	[tilespmem:s4+$0x7890] =	vst v2;
	v9, _, _ =	vpop (xrf0);
	(xrf0) =	vmax.scan.msk.f32 $0xffff, v2;
	v2 =	vld [tilespmem:$0x1FF50]  }
0x291: {  	[tilespmem:s4+$0x78B0] =	vst v5;
	v12, _, _ =	vpop (xrf0);
	(xrf0) =	vmax.scan.msk.f32 $0xffff, v5;
	v5 =	vld [tilespmem:$0x1FF60];
	_ =	sdelay $0x1  }
0x292: {  	v13 =	vbroadcast v13, $0xF;
	vm3 =	vnez.u8 v14  }
0x293: {  	v8 =	vsel vm3, v10, v8  }
0x294: {  	vm2 =	vge.f32 v6, $2.000000030e-01;
	vm3 =	vnez.u8 v2;
	v8 =	vsel vm10, v8, v13  }
0x295: {  	vm1 =	vmand vm2, vm1;
	v2 =	vsel vm3, v8, v4;
	vm3 =	vnez.u8 v5  }
0x296: {  	v2 =	vsel vm3, v2, v3;
	v3 =	vnsel vm1, $0xFF800000, v6;
	v6 =	vld [tilespmem:$0x1FF70];
	_ =	sdelay $0x1  }
0x297: {  	vm15 =	vge.f32 v1, $2.000000030e-01  }
0x298: {  	vm0 =	vmand vm15, vm0;
	vm15 =	veq.s32 v11, $0x1;
	vm2 =	vge.f32 v7, $2.000000030e-01  }
0x299: {  	v10 =	vbroadcast v12, $0xF;
	v12, _, _ =	vpop (xrf0);
	(xrf0) =	vmax.scan.msk.f32 $0xffff, v0;
	vm1 =	vmand vm2, vm15  }
0x29a: {  	[tilespmem:s4+$0x78D0] =	vst v3;
	vm2 =	vnez.u8 v6;
	v6 =	vnsel vm1, $0xFF800000, v7;
	v7, _, _ =	vpop (xrf0);
	(xrf0) =	vmax.scan.msk.f32 $0xffff, v3;
	v3 =	vld [tilespmem:$0x1FF80];
	_ =	sdelay $0x1  }
0x29b: {  	v4 =	vld [tilespmem:s4+$0x64F0]  }
0x29c: {  	v9 =	vbroadcast v9, $0xF;
	v5 =	vld [tilespmem:s4+$0x50F0]  }
0x29d: {  	[tilespmem:s4+$0x78A0] =	vst v0;
	v1 =	vnsel vm0, $0xFF800000, v1;
	v0 =	vld [tilespmem:$0x1FF90];
	v12 =	vbroadcast v12, $0xF  }
0x29e: {  	v2 =	vsel vm2, v2, v9;
	vm1 =	vnez.u8 v3;
	v3 =	vbroadcast v7, $0xF;
	v7, _, _ =	vpop (xrf0);
	(xrf0) =	vmax.scan.msk.f32 $0xffff, v6  }
0x29f: {  	v2 =	vsel vm1, v2, v10;
	v8, _, _ =	vpop (xrf0);
	(xrf0) =	vmax.scan.msk.f32 $0xffff, v1  }
0x2a0: {  	[tilespmem:s4+$0x78C0] =	vst v1;
	vm0 =	veq.s32 v4, $0x1;
	v2 =	vsel vm7, v2, v12;
	v1 =	vbroadcast v8, $0xF  }
0x2a1: {  	v7 =	vbroadcast v7, $0xF;
	vm1 =	vge.f32 v5, $2.000000030e-01;
	v3 =	vsel vm9, v2, v3  }
0x2a2: {  	vm0 =	vmand vm1, vm0;
	vm1 =	vnez.u8 v0;
	v1 =	vsel vm8, v3, v1  }
0x2a3: {  	v0 =	vsel vm1, v1, v7;
	v1 =	vnsel vm0, $0xFF800000, v5;
	v2, _, _ =	vpop (xrf0)  }
0x2a4: {  	v3, _, _ =	vpop (xrf0);
	(xrf0) =	vmax.scan.msk.f32 $0xffff, v1  }
0x2a5: {  	[tilespmem:s4+$0x78F0] =	vst v1;
	v1 =	vbroadcast v3, $0xF;
	v3, _, _ =	vpop (xrf0)  }
0x2a6: {  	v3 =	vbroadcast v3, $0xF  }
0x2a7: {  	v2 =	vbroadcast v2, $0xF  }
0x2a8: {  	v0 =	vsel vm11, v0, v3  }
0x2a9: {  	v0 =	vsel vm12, v0, v2  }
0x2aa: {  	v0 =	vsel vm14, v0, v1;
	v1, _, _ =	vpop (xrf0)  }
0x2ab: {  	s9 =	smov.u32 s8;
	[tilespmem:s4+$0x78E0] =	vst v6;
	v0 =	vsel vm13, v0, v1  }
0x2ac: {  	s4 =	sshra.s32 s9, $0x2;
	[tilespmem:s5+$0x0] =	vst v0  }
0x2ad: {  	v0 =	vld [tilespmem:s4+$0x5050]  }
0x2ae: {  	v1 =	vld [tilespmem:s4+$0x5040]  }
0x2af: {  	v2 =	vld [tilespmem:s4+$0x6440]  }
0x2b0: {  	v3 =	vld [tilespmem:s4+$0x6450]  }
0x2b1: {  	v4 =	vld [tilespmem:s4+$0x6460]  }
0x2b2: {  	v5 =	vld [tilespmem:s4+$0x5030]  }
0x2b3: {  	v6 =	vld [tilespmem:s4+$0x6430]  }
0x2b4: {  	v7 =	vld [tilespmem:s4+$0x6420]  }
0x2b5: {  	v8 =	vld [tilespmem:s4+$0x5020]  }
0x2b6: {  	v10 =	vld [tilespmem:s4+$0x5010]  }
0x2b7: {  	v9 =	vld [tilespmem:s4+$0x6410]  }
0x2b8: {  	v12 =	vld [tilespmem:s4+$0x6490]  }
0x2b9: {  	vm1 =	vge.f32 v5, $2.000000030e-01;
	vm2 =	veq.s32 v6, $0x1;
	vm15 =	veq.s32 v3, $0x1;
	v3 =	vld [tilespmem:s4+$0x5060]  }
0x2ba: {  	v6 =	vld [tilespmem:s4+$0x5000];
	vm0 =	veq.s32 v7, $0x1;
	vm3 =	vge.f32 v1, $2.000000030e-01;
	vm4 =	veq.s32 v4, $0x1  }
0x2bb: {  	v7 =	vld [tilespmem:s4+$0x6400];
	vm5 =	vge.f32 v10, $2.000000030e-01;
	vm1 =	vmand vm1, vm2;
	vm2 =	vge.f32 v8, $2.000000030e-01  }
0x2bc: {  	v13 =	vld [tilespmem:s4+$0x6480];
	v11 =	vnsel vm1, $0xFF800000, v5;
	vm1 =	veq.s32 v2, $0x1;
	vm0 =	vmand vm2, vm0  }
0x2bd: {  	v4 =	vld [tilespmem:s4+$0x64B0];
	vm1 =	vmand vm3, vm1;
	vm3 =	vge.f32 v0, $2.000000030e-01;
	v8 =	vnsel vm0, $0xFF800000, v8  }
0x2be: {  	v5 =	vld [tilespmem:s4+$0x64A0];
	v1 =	vnsel vm1, $0xFF800000, v1;
	vm1 =	vmand vm3, vm15;
	vm3 =	vge.f32 v3, $2.000000030e-01  }
0x2bf: {  	v0 =	vnsel vm1, $0xFF800000, v0;
	(xrf0) =	vmax.scan.msk.f32 $0xffff, v1;
	vm1 =	vmand vm3, vm4;
	vm4 =	veq.s32 v9, $0x1;
	v9 =	vld [tilespmem:s4+$0x5070]  }
0x2c0: {  	[tilespmem:s4+$0x7830] =	vst v11;
	vm15 =	vge.f32 v6, $2.000000030e-01;
	vm3 =	veq.s32 v7, $0x1;
	v7 =	vnsel vm1, $0xFF800000, v3;
	v3 =	vld [tilespmem:s4+$0x6470]  }
0x2c1: {  	v14 =	vld [tilespmem:s4+$0x5080];
	[tilespmem:s4+$0x7820] =	vst v8;
	(xrf0) =	vmax.scan.msk.f32 $0xffff, v0;
	vm1 =	vmand vm15, vm3;
	vm3 =	vmand vm5, vm4  }
0x2c2: {  	v2 =	vld [tilespmem:s4+$0x5090];
	[tilespmem:s4+$0x7840] =	vst v1;
	(xrf0) =	vmax.scan.msk.f32 $0xffff, v8;
	v10 =	vnsel vm3, $0xFF800000, v10  }
0x2c3: {  	[tilespmem:s4+$0x7850] =	vst v0;
	v0 =	vld [tilespmem:s4+$0x50A0];
	v6 =	vnsel vm1, $0xFF800000, v6;
	(xrf0) =	vmax.scan.msk.f32 $0xffff, v10  }
0x2c4: {  	vm0 =	veq.s32 v4, $0x1;
	vm15 =	veq.s32 v12, $0x1;
	vm1 =	veq.s32 v5, $0x1;
	v5 =	vld [tilespmem:s4+$0x50B0];
	(xrf0) =	vmax.scan.msk.f32 $0xffff, v6  }
0x2c5: {  	[tilespmem:s4+$0x7860] =	vst v7;
	v1, _, _ =	vpop (xrf0);
	vm3 =	vge.f32 v9, $2.000000030e-01;
	(xrf0) =	vmax.scan.msk.f32 $0xffff, v11;
	vm2 =	veq.s32 v3, $0x1  }
0x2c6: {  	p0 =	seq.s32 s8, $0x4C00;
	vm4 =	veq.s32 v13, $0x1;
	v13 =	vld [tilespmem:s4+$0x64C0];
	[tilespmem:s4+$0x7800] =	vst v6;
	vm2 =	vmand vm3, vm2;
	vm3 =	vge.f32 v14, $2.000000030e-01  }
.Ltmp11:
0x2c7: {  	[tilespmem:s4+$0x7810] =	vst v10;
	v10 =	vld [tilespmem:s4+$0x64D0];
	v4 =	vbroadcast v1, $0xF;
	v1, _, _ =	vpop (xrf0);
	v9 =	vnsel vm2, $0xFF800000, v9;
	vm2 =	vmand vm3, vm4;
	(pc) =	sbr.rel @!p0 .LBB2_18-.Ltmp11, $4  }
0x2c8: {  	v6 =	vld [tilespmem:s4+$0x50D0];
	(xrf0) =	vmax.scan.msk.f32 $0xffff, v7;
	v3 =	vbroadcast v1, $0xF;
	v8, _, _ =	vpop (xrf0);
	vm3 =	vge.f32 v2, $2.000000030e-01;
	v7 =	vnsel vm2, $0xFF800000, v14  }
0x2c9: {  	v11 =	vld [tilespmem:s4+$0x64E0];
	vm15 =	vmand vm3, vm15;
	vm2 =	vge.f32 v0, $2.000000030e-01;
	(xrf0) =	vmax.scan.msk.f32 $0xffff, v9;
	vm3 =	vge.f32 v5, $2.000000030e-01;
	v12, _, _ =	vpop (xrf0)  }
0x2ca: {  	s6 =	sadd.s32 $0x10, s6;
	v1 =	vld [tilespmem:s4+$0x50C0];
	v8 =	vbroadcast v8, $0xF;
	(xrf0) =	vmax.scan.msk.f32 $0xffff, v7;
	vm2 =	vmand vm2, vm1;
	vm1 =	vmand vm3, vm0;
	v14, _, _ =	vpop (xrf0)  }
0x2cb: {  	s8 =	sadd.s32 $0x400, s8;
	s5 =	smov.u32 s6;
	v12 =	vbroadcast v12, $0xF;
	[tilespmem:s4+$0x7880] =	vst v7;
	vm0 =	veq.s32 v13, $0x1;
	v7 =	vld [tilespmem:s4+$0x50E0];
	v0 =	vnsel vm2, $0xFF800000, v0;
	v13, _, _ =	vpop (xrf0)  }
0x2cc: {  	_ = 	snop  }
0x2cd: {  	v61 =	vld [tilespmem:$0x1FF40]  }
0x2ce: {  	[tilespmem:s4+$0x7870] =	vst v9;
	v2 =	vnsel vm15, $0xFF800000, v2;
	v9 =	vbroadcast v14, $0xF;
	v5 =	vnsel vm1, $0xFF800000, v5  }
0x2cf: {  	vm1 =	veq.s32 v10, $0x1;
	v62 =	vld [tilespmem:$0x1FF50];
	(xrf0) =	vmax.scan.msk.f32 $0xffff, v2;
	vm3 =	vge.f32 v6, $2.000000030e-01;
	vm4 =	veq.s32 v11, $0x1  }
0x2d0: {  	v63 =	vld [tilespmem:$0x1FF60];
	[tilespmem:s4+$0x78B0] =	vst v5;
	vm1 =	vmand vm3, vm1;
	v11 =	vbroadcast v13, $0xF;
	vm3 =	vge.f32 v7, $2.000000030e-01  }
0x2d1: {  	(xrf0) =	vmax.scan.msk.f32 $0xffff, v5;
	v9 =	vsel vm6, v9, v12;
	v5 =	vnsel vm1, $0xFF800000, v6;
	vm1 =	vmand vm3, vm4  }
0x2d2: {  	vm2 =	vge.f32 v1, $2.000000030e-01;
	v7 =	vnsel vm1, $0xFF800000, v7;
	vm1 =	vnez.u8 v61  }
0x2d3: {  	v10, _, _ =	vpop (xrf0);
	vm0 =	vmand vm2, vm0;
	v8 =	vsel vm1, v9, v8  }
0x2d4: {  	[tilespmem:s4+$0x7890] =	vst v2;
	v2 =	vld [tilespmem:s4+$0x64F0];
	v60, _, _ =	vpop (xrf0);
	v1 =	vnsel vm0, $0xFF800000, v1;
	vm0 =	vnez.u8 v62;
	v8 =	vsel vm10, v8, v11  }
0x2d5: {  	v6 =	vld [tilespmem:s4+$0x50F0];
	v9, _, _ =	vpop (xrf0);
	v4 =	vsel vm0, v8, v4;
	vm0 =	vnez.u8 v63  }
0x2d6: {  	v3 =	vsel vm0, v4, v3;
	v4 =	vbroadcast v9, $0xF;
	v9 =	vld [tilespmem:$0x1FF70];
	_ =	sdelay $0x3  }
0x2d7: {  	vm1 =	vge.f32 v6, $2.000000030e-01;
	vm0 =	veq.s32 v2, $0x1  }
0x2d8: {  	(xrf0) =	vmax.scan.msk.f32 $0xffff, v0;
	vm0 =	vmand vm1, vm0;
	vm1 =	vnez.u8 v9;
	v9 =	vld [tilespmem:$0x1FF80]  }
0x2d9: {  	(xrf0) =	vmax.scan.msk.f32 $0xffff, v5  }
0x2da: {  	(xrf0) =	vmax.scan.msk.f32 $0xffff, v7  }
0x2db: {  	v10 =	vbroadcast v10, $0xF;
	(xrf0) =	vmax.scan.msk.f32 $0xffff, v1  }
0x2dc: {  	v12 =	vbroadcast v60, $0xF;
	[tilespmem:s4+$0x78D0] =	vst v5;
	v5 =	vld [tilespmem:$0x1FF90];
	v11, _, _ =	vpop (xrf0)  }
0x2dd: {  	v8, _, _ =	vpop (xrf0);
	v6 =	vnsel vm0, $0xFF800000, v6;
	vm0 =	vnez.u8 v9;
	v9 =	vbroadcast v11, $0xF  }
0x2de: {  	v2, _, _ =	vpop (xrf0);
	v3 =	vsel vm1, v3, v10  }
0x2df: {  	v10, _, _ =	vpop (xrf0);
	v3 =	vsel vm0, v3, v12  }
0x2e0: {  	v2 =	vbroadcast v2, $0xF;
	(xrf0) =	vmax.scan.msk.f32 $0xffff, v6;
	v3 =	vsel vm7, v3, v4;
	v4, _, _ =	vpop (xrf0)  }
0x2e1: {  	v8 =	vbroadcast v8, $0xF;
	vm0 =	vnez.u8 v5;
	v3 =	vsel vm9, v3, v9;
	v9, _, _ =	vpop (xrf0)  }
0x2e2: {  	[tilespmem:s4+$0x78C0] =	vst v1;
	v1 =	vbroadcast v4, $0xF;
	v2 =	vsel vm8, v3, v2;
	v3 =	vbroadcast v9, $0xF  }
0x2e3: {  	v5 =	vbroadcast v10, $0xF;
	v2 =	vsel vm0, v2, v8  }
0x2e4: {  	v2 =	vsel vm11, v2, v3  }
0x2e5: {  	[tilespmem:s4+$0x78A0] =	vst v0;
	v2 =	vsel vm12, v2, v5  }
0x2e6: {  	[tilespmem:s4+$0x78E0] =	vst v7;
	v0 =	vsel vm14, v2, v1;
	v1, _, _ =	vpop (xrf0)  }
0x2e7: {  	[tilespmem:s4+$0x78F0] =	vst v6;
	v10 =	vld [tilespmem:$0x1FF40];
	v0 =	vsel vm13, v0, v1  }
0x2e8: {  	[tilespmem:s5+$0x0] =	vst v0  }
0x2e9: {  	v0 =	vld [tilespmem:$0x8C00]  }
0x2ea: {  	v1 =	vld [tilespmem:$0x8C10]  }
0x2eb: {  	v2 =	vld [tilespmem:$0x8C20]  }
0x2ec: {  	vm0 =	vnez.u8 v10;
	v10 =	vld [tilespmem:$0x1FF50]  }
0x2ed: {  	v3 =	vld [tilespmem:$0x8C30]  }
0x2ee: {  	v4 =	vld [tilespmem:$0x8C40];
	(xrf0) =	vmax.scan.msk.f32 $0xffff, v0  }
0x2ef: {  	v0 =	vld [tilespmem:$0x8C50];
	(xrf0) =	vmax.scan.msk.f32 $0xffff, v1  }
0x2f0: {  	v1 =	vld [tilespmem:$0x8C60];
	(xrf0) =	vmax.scan.msk.f32 $0xffff, v2  }
0x2f1: {  	v2 =	vld [tilespmem:$0x8C70]  }
0x2f2: {  	(xrf0) =	vmax.scan.msk.f32 $0xffff, v3;
	v3 =	vld [tilespmem:$0x8C80]  }
0x2f3: {  	(xrf0) =	vmax.scan.msk.f32 $0xffff, v4;
	v4 =	vld [tilespmem:$0x8C90]  }
0x2f4: {  	(xrf0) =	vmax.scan.msk.f32 $0xffff, v0;
	v0 =	vld [tilespmem:$0x8CA0];
	v5, _, _ =	vpop (xrf0)  }
0x2f5: {  	(xrf0) =	vmax.scan.msk.f32 $0xffff, v1;
	v1 =	vld [tilespmem:$0x8CB0];
	v6, _, _ =	vpop (xrf0)  }
0x2f6: {  	(xrf0) =	vmax.scan.msk.f32 $0xffff, v2;
	v2 =	vld [tilespmem:$0x8CC0];
	v5 =	vbroadcast v5, $0xF;
	v7, _, _ =	vpop (xrf0);
	v6 =	vbroadcast v6, $0xF  }
0x2f7: {  	(xrf0) =	vmax.scan.msk.f32 $0xffff, v3;
	v3 =	vld [tilespmem:$0x8CD0];
	v7 =	vbroadcast v7, $0xF  }
0x2f8: {  	v8, _, _ =	vpop (xrf0);
	(xrf0) =	vmax.scan.msk.f32 $0xffff, v4;
	v4 =	vld [tilespmem:$0x8CE0];
	v5 =	vsel vm6, v5, v6  }
0x2f9: {  	v9, _, _ =	vpop (xrf0);
	v6 =	vbroadcast v8, $0xF;
	v5 =	vsel vm0, v5, v7;
	vm0 =	vnez.u8 v10;
	v10 =	vld [tilespmem:$0x1FF60]  }
0x2fa: {  	(xrf0) =	vmax.scan.msk.f32 $0xffff, v0;
	v0 =	vld [tilespmem:$0x8CF0];
	v8, _, _ =	vpop (xrf0)  }
0x2fb: {  	(xrf0) =	vmax.scan.msk.f32 $0xffff, v1;
	v5 =	vsel vm10, v5, v6;
	v6 =	vbroadcast v8, $0xF  }
0x2fc: {  	v7 =	vbroadcast v9, $0xF;
	v9, _, _ =	vpop (xrf0);
	(xrf0) =	vmax.scan.msk.f32 $0xffff, v2  }
0x2fd: {  	v8, _, _ =	vpop (xrf0);
	(xrf0) =	vmax.scan.msk.f32 $0xffff, v3  }
0x2fe: {  	v5 =	vsel vm0, v5, v7;
	v7 =	vbroadcast v9, $0xF;
	v9, _, _ =	vpop (xrf0);
	(xrf0) =	vmax.scan.msk.f32 $0xffff, v4;
	vm0 =	vnez.u8 v10  }
0x2ff: {  	v5 =	vsel vm0, v5, v6;
	v6, _, _ =	vpop (xrf0);
	(xrf0) =	vmax.scan.msk.f32 $0xffff, v0;
	v0 =	vbroadcast v8, $0xF;
	v8 =	vld [tilespmem:$0x1FF70];
	_ =	sdelay $0x3  }
0x300: {  	v1 =	vld [tilespmem:$0x8D00]  }
0x301: {  	vm0 =	vnez.u8 v8;
	v8 =	vld [tilespmem:$0x1FF80]  }
0x302: {  	v2 =	vld [tilespmem:$0x8D10]  }
0x303: {  	v3 =	vld [tilespmem:$0x8D20];
	_ =	sdelay $0x2  }
0x304: {  	v5 =	vsel vm0, v5, v7;
	v7, _, _ =	vpop (xrf0);
	(xrf0) =	vmax.scan.msk.f32 $0xffff, v1;
	vm0 =	vnez.u8 v8  }
0x305: {  	v4 =	vld [tilespmem:$0x8D30];
	v0 =	vsel vm0, v5, v0;
	v5 =	vbroadcast v6, $0xF;
	v6, _, _ =	vpop (xrf0);
	(xrf0) =	vmax.scan.msk.f32 $0xffff, v2  }
0x306: {  	v2, _, _ =	vpop (xrf0);
	(xrf0) =	vmax.scan.msk.f32 $0xffff, v3;
	v3 =	vbroadcast v6, $0xF;
	v6 =	vld [tilespmem:$0x1FF90]  }
0x307: {  	v1 =	vbroadcast v9, $0xF;
	_ =	sdelay $0x1  }
0x308: {  	v0 =	vsel vm7, v0, v1;
	v1 =	vbroadcast v7, $0xF  }
0x309: {  	v0 =	vsel vm9, v0, v5;
	v5, _, _ =	vpop (xrf0);
	(xrf0) =	vmax.scan.msk.f32 $0xffff, v4  }
0x30a: {  	v0 =	vsel vm8, v0, v1;
	v1 =	vbroadcast v2, $0xF;
	v4, _, _ =	vpop (xrf0);
	vm0 =	vnez.u8 v6  }
0x30b: {  	v2, _, _ =	vpop (xrf0);
	v0 =	vsel vm0, v0, v3;
	v3 =	vbroadcast v5, $0xF  }
0x30c: {  	v5, _, _ =	vpop (xrf0);
	v0 =	vsel vm11, v0, v1;
	v1 =	vbroadcast v4, $0xF  }
0x30d: {  	v4, _, _ =	vpop (xrf0);
	v0 =	vsel vm12, v0, v3;
	v3 =	vbroadcast v5, $0xF  }
0x30e: {  	v5, _, _ =	vpop (xrf0);
	v0 =	vsel vm14, v0, v1;
	v1 =	vbroadcast v4, $0xF  }
0x30f: {  	vm0 =	vcmask $0x310;
	v4 =	vbroadcast v5, $0xF;
	v5, _, _ =	vpop (xrf0);
	v3 =	vnsel vm6, $0xFF800000, v3  }
0x310: {  	v1 =	vsel vm0, v3, v1;
	vm0 =	vcmask $0x710;
	v3 =	vbroadcast v5, $0xF  }
0x311: {  	v0 =	vsel vm13, v0, v2;
	v1 =	vsel vm0, v1, v4;
	vm0 =	vcmask $0xB10  }
0x312: {  	[tilespmem:$0x8D80] =	vst v0;
	v0 =	vsel vm0, v1, v3  }
0x313: {  	s28 =	simm.s32 $0x2;
	[tilespmem:$0x8D90] =	vst v0  }
0x314: {  	_ =	swait.ge [sflag:s28], $0x1400  }
0x315: {  	[sflag:s28] =	ssyncset.done $0x0  }
0x316: {  	[sflag:s28] =	ssyncadd.s32 $0xFFFFEC00  }
0x317: {  	_ =	swait.ge [sflag:s28], $0x1400  }
0x318: {  	[sflag:s28] =	ssyncset.done $0x0  }
0x319: {  	[sflag:s28] =	ssyncadd.s32 $0xFFFFEC00  }
0x31a: {  	_ =	swait.ge [sflag:s28], $0x1400  }
0x31b: {  	[sflag:s28] =	ssyncset.done $0x0  }
0x31c: {  	[sflag:s28] =	ssyncadd.s32 $0xFFFFEC00  }
0x31d: {  	_ =	swait.ge [sflag:s28], $0x1400  }
0x31e: {  	[sflag:s28] =	ssyncset.done $0x0  }
0x31f: {  	[sflag:s28] =	ssyncadd.s32 $0xFFFFEC00  }
0x320: {  	s29 =	simm.s32 $0xA280;
	s30 =	simm.s32 $0x3;
	[bflag:$0x0] =	sbarrier.arrive $0xFFFF  }
0x321: {  	[tilespmem:s29], [sflag:$0x3] =	stream.linear.gather [spmem:s7], $0x80, $0x38;
	[tilespmem:$0xA818] =	vst v63  }
0x322: {  	_ =	swait.ge [sflag:s30], $0x80  }
0x323: {  	[sflag:s30] =	ssyncset.done $0x0  }
0x324: {  	[sflag:s30] =	ssyncadd.s32 $0xFFFFFF80  }
0x325: {  	v0 =	vld [tilespmem:$0xA280]  }
0x326: {  	v1 =	vld [tilespmem:$0xA290];
	_ =	sdelay $0x4  }
0x327: {  	v0 =	vmax.f32 v0, v1  }
0x328: {  	(xrf0) =	vmax.scan.msk.f32 $0xffff, v0;
	_ =	sdelay $0x5  }
0x329: {  	v0, _, _ =	vpop (xrf0)  }
0x32a: {  	(v2sf) =	vpush v0, $0xF;
	_ =	sdelay $0xc  }
0x32b: {  	v8 =	vimm.f32 $0.0e+00  }
0x32c: {  	v7 =	vimm.f32 $0.0e+00;
	v6 =	vimm.f32 $0.0e+00;
	v2 =	vimm.f32 $0.0e+00  }
0x32d: {  	v5 =	vimm.f32 $0.0e+00;
	v4 =	vimm.f32 $0.0e+00;
	v3 =	vlaneseq.u32;
	s31 =	spop (v2sf)  }
0x32e: {  	s5 =	simm.s32 $0x0;
	vm0 =	vmxor vm0, vm0;
	v1 =	vimm.f32 $-Inf;
	v0 =	vimm.s32 $0x0;
	s4 =	sadd.f32 $1.000000000e+00, s31  }
.LBB2_20:
0x32f: {  	v9 =	vld [tilespmem:$0x8D80];
	_ =	sdelay $0x2  }
0x330: {  	v10 =	vld [tilespmem:$0x8D90];
	_ =	sdelay $0x1  }
0x331: {  	vm1 =	vlt.f32 v9, $-Inf;
	vm2 =	vgt.f32 v9, $-Inf  }
0x332: {  	vm1 =	vmor vm2, vm1  }
0x333: {  	v9 =	vnsel vm1, $0xFF800000, v9  }
0x334: {  	vm2 =	vgt.f32 v10, v9  }
0x335: {  	v10 =	vsel vm2, v10, v9  }
0x336: {  	(xrf0) =	vmax.scan.msk.f32 $0xffff, v10;
	_ =	sdelay $0x5  }
0x337: {  	v11, _, _ =	vpop (xrf0)  }
0x338: {  	v12 =	vor.u32 $0x80000000, v3;
	v9 =	vbroadcast v11, $0xF  }
0x339: {  	v14 =	vor.u32 $0x80000010, v3;
	v13 =	vnsel vm1, $0x80000000, v12  }
0x33a: {  	vm1 =	veq.f32 v10, v9;
	v10 =	vsel vm2, v14, v13  }
0x33b: {  	v10 =	vnsel vm1, $0xC0000000, v10  }
0x33c: {  	(xrf0) =	vmin.scan.msk.u32 $0xffff, v10;
	_ =	sdelay $0x5  }
0x33d: {  	(v2sf) =	vpush v11, $0xF;
	v10, _, _ =	vpop (xrf0)  }
0x33e: {  	(v2sf) =	vpush v10, $0xF;
	_ =	sdelay $0xd  }
0x33f: {  	s6 =	spop (v2sf)  }
0x340: {  	s10 =	spop (v2sf)  }
0x341: {  	s8 =	sshll.u32 s10, $0x4  }
0x342: {  	v10 =	vld [tilespmem:s8+$0x8C00];
	_ =	sdelay $0x4  }
0x343: {  	vm1 =	veq.f32 v10, v9  }
0x344: {  	v11 =	vnsel vm1, $0x8000000F, v12  }
0x345: {  	(xrf0) =	vmin.scan.msk.u32 $0xffff, v11;
	_ =	sdelay $0x5  }
0x346: {  	v11, _, _ =	vpop (xrf0)  }
0x347: {  	(v2sf) =	vpush v11, $0xF;
	_ =	sdelay $0xe  }
0x348: {  	s12 =	spop (v2sf)  }
0x349: {  	s7 =	sadd.s32 s12, s8  }
0x34a: {  	s7 =	sshll.u32 s7, $0x4  }
0x34b: {  	v11 =	vld [tilespmem:s7+$0x7800];
	_ =	sdelay $0x4  }
0x34c: {  	vm1 =	veq.f32 v11, v9  }
0x34d: {  	v12 =	vnsel vm1, $0x8000000F, v12  }
0x34e: {  	(xrf0) =	vmin.scan.msk.u32 $0xffff, v12;
	_ =	sdelay $0x5  }
0x34f: {  	v12, _, _ =	vpop (xrf0)  }
0x350: {  	(v2sf) =	vpush v12, $0xF;
	_ =	sdelay $0xd  }
0x351: {  	v41 =	vld [tilespmem:s7+$0x6400]  }
0x352: {  	v42 =	vld [tilespmem:s7+$0x0];
	s9 =	spop (v2sf)  }
0x353: {  	v43 =	vld [tilespmem:s7+$0x1400];
	s9 =	sxor.u32 $0x80000000, s9  }
0x354: {  	v16 =	vld [tilespmem:s7+$0x2800];
	v15 =	vmov s9  }
0x355: {  	v44 =	vld [tilespmem:s7+$0x3C00];
	vm1 =	veq.s32 v15, v3  }
0x356: {  	v12 =	vnsel vm1, $0x0, v41  }
0x357: {  	v45 =	vnsel vm1, $0x0, v42;
	(xrf0) =	vadd.scan.msk.s32 $0xffff, v12  }
0x358: {  	v46 =	vnsel vm1, $0x0, v43;
	(xrf2) =	vadd.scan.msk.f32 $0xffff, v45  }
0x359: {  	v47 =	vnsel vm1, $0x0, v16;
	(xrf2) =	vadd.scan.msk.f32 $0xffff, v46  }
0x35a: {  	v48 =	vnsel vm1, $0x0, v44;
	(xrf2) =	vadd.scan.msk.f32 $0xffff, v47  }
0x35b: {  	(xrf2) =	vadd.scan.msk.f32 $0xffff, v48;
	_ =	sdelay $0x2  }
0x35c: {  	v49, _, _ =	vpop (xrf0)  }
0x35d: {  	(v2sf) =	vpush v49, $0xF;
	_ =	sdelay $0x2  }
0x35e: {  	v50, _, _ =	vpop (xrf2)  }
0x35f: {  	v51, _, _ =	vpop (xrf2);
	(v2sf) =	vpush v50, $0xF  }
0x360: {  	v52, _, _ =	vpop (xrf2);
	(v2sf) =	vpush v51, $0xF  }
0x361: {  	(v2sf) =	vpush v52, $0xF;
	v53, _, _ =	vpop (xrf2)  }
0x362: {  	(v2sf) =	vpush v53, $0xF;
	_ =	sdelay $0x7  }
0x363: {  	s11 =	spop (v2sf)  }
0x364: {  	s11 =	scvt.s32.f32 s11;
	_ =	sdelay $0x1  }
0x365: {  	s14 =	smul.f32 s11, s4  }
0x366: {  	s23 =	spop (v2sf)  }
0x367: {  	s15 =	spop (v2sf);
	s13 =	sadd.f32 s14, s23  }
0x368: {  	s24 =	spop (v2sf);
	s15 =	sadd.f32 s14, s15  }
0x369: {  	s11 =	sadd.f32 s14, s24;
	s16 =	spop (v2sf)  }
0x36a: {  	s14 =	sadd.f32 s14, s16  }
0x36b: {  	v54 =	vmax.f32 v8, s13;
	s25 =	ssub.f32 s11, s13  }
0x36c: {  	v55 =	vmax.f32 v7, s15;
	v56 =	vmin.f32 v6, s11;
	s17 =	ssub.f32 s14, s15;
	v57 =	vmin.f32 v5, s14  }
0x36d: {  	v12 =	vsub.f32 v56, v54;
	v13 =	vsub.f32 v57, v55  }
0x36e: {  	s16 =	smul.f32 s17, s25  }
0x36f: {  	v12 =	vmax.f32 v12, $0.0e+00;
	v13 =	vmax.f32 v13, $0.0e+00  }
0x370: {  	v12 =	vmul.f32 v13, v12;
	v58 =	vadd.f32 s16, v4;
	_ =	sdelay $0x1  }
0x371: {  	v13 =	vsub.f32 v58, v12;
	_ =	sdelay $0x1  }
0x372: {  	v13 =	vmax.f32 v13, $9.999999710e-10  }
0x373: {  	(erf) = vrcp.f32 v13;
	_ =	sdelay $0x8  }
0x374: {  	v13 =	vpop (erf)  }
0x375: {  	v12 =	vmul.f32 v13, v12  }
0x376: {  	v59 =	vmov s5  }
0x377: {  	vm3 =	vgt.u32 v59, v3;
	vm2 =	vgt.f32 v12, $5.000000000e-01  }
0x378: {  	vm2 =	vmand vm3, vm2  }
0x379: {  	v60 =	vsel vm2, $0x3F800000, v2  }
0x37a: {  	(xrf0) =	vmax.scan.msk.f32 $0xffff, v60;
	_ =	sdelay $0x5  }
0x37b: {  	v12, _, _ =	vpop (xrf0)  }
0x37c: {  	(v2sf) =	vpush v12, $0xF;
	_ =	sdelay $0x9  }
0x37d: {  	v11 =	vsel vm1, $0xFF800000, v11  }
0x37e: {  	(xrf0) =	vmax.scan.msk.f32 $0xffff, v11;
	_ =	sdelay $0x1  }
0x37f: {  	p0 =	sgt.f32 s6, $-9.999999680e+37;
	s26 =	sxor.u32 $0x80000000, s10  }
0x380: {  	p2 =	sgt.s32 s10, $0xFFFFFFFF;
	s10 =	sand.u32 $0xF, s10;
	p1 =	slt.s32 s26, $0x1  }
0x381: {  	s28 =	sshra.s32 s26, $0x1F;
	p4 =	sne.s32 s10, $0x0;
	s18 =	spop (v2sf)  }
0x382: {  	p1 =	por p2, p1;
	s29 =	sshrl.u32 s28, $0x1C;
	p5 =	sgt.f32 s18, $0.0e+00  }
0x383: {  	p1 =	por !p4, !p1;
	s10 =	sadd.s32 s29, s26;
	s12 =	sxor.u32 $0x80000000, s12;
	v61, _, _ =	vpop (xrf0)  }
0x384: {  	p1 =	por !p1, !p1;
	v62 =	vmov s12;
	s12 =	simm.s32 $0x1;
	v12 =	vbroadcast v61, $0xF;
	p6 =	por !p5, !p5  }
0x385: {  	s10 =	sshrl.u32 s10, $0x4;
	s12 =	simm.s32 @!p1 $0x0;
	vm1 =	veq.s32 v62, v3;
	p0 =	por !p0, !p6  }
0x386: {  	s10 =	ssub.s32 s10, s12;
	s12 =	simm.s32 $0x1;
	v10 =	vsel vm1, v12, v10;
	p0 =	por !p0, !p0  }
0x387: {  	(xrf0) =	vmax.scan.msk.f32 $0xffff, v10;
	s12 =	simm.s32 @!p0 $0x0  }
0x388: {  	vm1 =	vmmov vm0;
	s5 =	sadd.s32 s12, s5  }
0x389: {  	[tilespmem:s7+$0x7800] =	vst v11;
	vm1 =	vmneg @p0 vm1;
	p0 =	sgt.u32 s5, $0xE  }
0x38a: {  	s30 =	sshll.u32 s10, $0x4;
	[tilespmem:s8+$0x8C00] =	vst v10;
	p1 =	sgt.f32 @!p0 s6, $-9.999999680e+37  }
0x38b: {  	v10 =	vld [tilespmem:s30+$0x8D80]  }
0x38c: {  	p0 =	por p0, !p1  }
.Ltmp12:
0x38d: {  	s10 =	ssub.s32 s26, s30;
	vm2 =	veq.s32 v59, v3;
	v11, _, _ =	vpop (xrf0);
	(pc) =	sbr.rel @!p0 .LBB2_20-.Ltmp12, $4  }
0x38e: {  	v63 =	vmov s10;
	v11 =	vbroadcast v11, $0xF;
	vm1 =	vmand vm2, vm1  }
0x38f: {  	vm2 =	veq.s32 v63, v3;
	v8 =	vsel vm1, s13, v8;
	v7 =	vsel vm1, s15, v7  }
0x390: {  	s31 =	sadd.s32 s9, s7;
	v6 =	vsel vm1, s11, v6;
	v5 =	vsel vm1, s14, v5;
	v10 =	vsel vm2, v11, v10  }
0x391: {  	v4 =	vsel vm1, s16, v4;
	v1 =	vsel vm1, v9, v1;
	v0 =	vsel vm1, s31, v0;
	[tilespmem:s30+$0x8D80] =	vst v10  }
0x392: {  	[tilespmem:$0xA300] =	vst v1  }
0x393: {  	[tilespmem:$0xA380] =	vst v0;
	s4 =	simm.s32 $0xA300;
	s30 =	simm.s32 $0x3  }
0x394: {  	[spmem:s3] =	stream.linear.scatter [tilespmem:s4], [sflag:$0x3], $0x80, $0x38;
	[tilespmem:$0xA818] =	vst v63  }
0x395: {  	_ =	swait.ge [sflag:s30], $0x80  }
0x396: {  	[sflag:s30] =	ssyncset.done $0x0  }
0x397: {  	s31 =	simm.s32 $0xA380;
	[sflag:s30] =	ssyncadd.s32 $0xFFFFFF80  }
0x398: {  	[spmem:s2] =	stream.linear.scatter [tilespmem:s31], [sflag:$0x3], $0x80, $0x38;
	[tilespmem:$0xA818] =	vst v63  }
.Ltmp13:
0x399: {  	_ =	swait.ge [sflag:s30], $0x80;
	(pc) =	sbr.rel .LBB2_22-.Ltmp13, $3  }
0x39a: {  	[sflag:s30] =	ssyncset.done $0x0  }
0x39b: {  	[sflag:s30] =	ssyncadd.s32 $0xFFFFFF80  }
0x39c: {  	[bflag:$0x0] =	sbarrier.arrive $0xFFFF;
	_ =	sdelay $0x1  }
.LBB2_23:
0x39d: {  	[bflag:$0x0] =	sbarrier.arrive $0xFFFF  }
0x39e: {  	[bflag:$0x0] =	sbarrier.arrive $0xFFFF  }
.LBB2_22:
0x39f: {  	_ =	sfence.sel $0x180000  }
0x3a0: {  	[bflag:$0x0] =	sbarrier.arrive $0xFFFF  }
0x3a1: {  	p0 =	sne.s32 s1, $0x0;
	_ =	strace $0x90000047  }
0x3a2: {  	s0 =	sadd.s32 @!p0 $0x100000, s0;
	[bflag:$0x2] =	sbarrier.arrive $0xFFFF  }
0x3a3: {  	[sflag:s0] =	ssyncadd.tile.s32 @!p0 $0x1;
	_ =	shalt  }
.Lfunc_end2:
_tile_overlayer_lowered:
.L_overlay_start_2:
0x3a4: {  	(tag) =	ssettag $0x2  }
0x3a5: {  	s0 =	rddreg [dreg:$0x0];
	s2 =	stileid.u32  }
0x3a6: {  	s1 =	rddreg [dreg:$0x1];
	p0 =	sne.s32 s2, $0x0  }
0x3a7: {  	s3 =	rddreg [dreg:$0x2];
	[bflag:$0x3] =	sbarrier.arrive $0xFFFF;
	s2 =	simm.s32 @!p0 $0x1C03  }
0x3a8: {  	[timem:s3], [sflag:s2] =	dma.local @!p0 [hbm:s0], s1  }
0x3a9: {  	s0 =	simm.s32 @!p0 $0x3  }
0x3aa: {  	_ =	swait.ge @!p0 [sflag:s0], s1  }
0x3ab: {  	s1 =	ssub.s32 @!p0 $0x0, s1;
	[sflag:s0] =	ssyncset.done @!p0 $0x0  }
0x3ac: {  	[sflag:s0] =	ssyncadd.s32 @!p0 s1  }
0x3ad: {  	[bflag:$0x3] =	sbarrier.arrive $0xFFFF  }
0x3ae: {  	_ =	shalt  }

</sc_bundles>
